<compile_context>
chip_gen: v7x
topology: tpu7x:2x2x1
jax: 0.10.2.dev20260603
libtpu: 0.0.44.dev20260713+nightly
codegen_flags: <defaults>
</compile_context>

<pallas_src>
import functools

import jax
import jax.numpy as jnp
from jax import lax
from jax.experimental import pallas as pl
from jax.experimental.pallas import tpu as pltpu
from jax.experimental.pallas import tpu_sc as plsc

_EPS = 0.001
_F32 = jnp.float32


def _pick_tile(n, cap=8000):
    for r in (8000, 6400, 5000, 4096, 4000, 3200, 2560, 2048, 2000,
              1600, 1280, 1024, 1000, 800, 640, 512, 400, 320, 256, 200, 160,
              128, 80, 64, 40, 32, 16, 8):
        if r <= cap and n % r == 0:
            return r
    return n


def _gram(x):
    n, d = x.shape
    r = _pick_tile(n)

    def kern(x_ref, gram_ref, s_ref):
        i = pl.program_id(0)
        xb = x_ref[...]
        g = lax.dot_general(xb, xb, (((0,), (0,)), ((), ())),
                            preferred_element_type=_F32)
        ssum = jnp.sum(xb, axis=0, keepdims=True)

        @pl.when(i == 0)
        def _():
            gram_ref[...] = g
            s_ref[...] = ssum

        @pl.when(i > 0)
        def _():
            gram_ref[...] += g
            s_ref[...] += ssum

    return pl.pallas_call(
        kern,
        grid=(n // r,),
        in_specs=[pl.BlockSpec((r, d), lambda i: (i, 0))],
        out_specs=[pl.BlockSpec((d, d), lambda i: (0, 0)),
                   pl.BlockSpec((1, d), lambda i: (0, 0))],
        out_shape=[jax.ShapeDtypeStruct((d, d), _F32),
                   jax.ShapeDtypeStruct((1, d), _F32)],
    )(x)


def _fold(gram, s, n_rows, W1, W1T, W2, g1, be1, b2r):
    d = W1.shape[0]
    inv_n = float(1.0 / n_rows)

    def kern(gram_ref, s_ref, W1_ref, W1T_ref, W2_ref, g1_ref, be1_ref,
             b2_ref, A1T_ref, A2T_ref, c1_ref, c2_ref):
        xbar = s_ref[...] * inv_n
        W1b = W1_ref[...]
        W1Tb = W1T_ref[...]
        mz = lax.dot_general(xbar, W1b, (((1,), (1,)), ((), ())),
                             preferred_element_type=_F32)
        U = lax.dot_general(gram_ref[...], W1b, (((1,), (1,)), ((), ())),
                            preferred_element_type=_F32)
        e2 = jnp.sum(W1Tb * U, axis=0, keepdims=True) * inv_n
        var = e2 - mz * mz
        a = g1_ref[...] / jnp.sqrt(var + _EPS)
        c1 = be1_ref[...] - a * mz
        A1T = W1Tb * a
        A2T = lax.dot_general(A1T, W2_ref[...], (((1,), (1,)), ((), ())),
                              preferred_element_type=_F32)
        c2 = lax.dot_general(c1, W2_ref[...], (((1,), (1,)), ((), ())),
                             preferred_element_type=_F32) + b2_ref[...]
        A1T_ref[...] = A1T
        A2T_ref[...] = A2T
        c1_ref[...] = c1
        c2_ref[...] = c2

    return pl.pallas_call(
        kern,
        out_shape=[jax.ShapeDtypeStruct((d, d), _F32),
                   jax.ShapeDtypeStruct((d, d), _F32),
                   jax.ShapeDtypeStruct((1, d), _F32),
                   jax.ShapeDtypeStruct((1, d), _F32)],
    )(gram, s, W1, W1T, W2, g1, be1, b2r)


def _sincos(q):
    k = jnp.round(q * 0.6366197723675814)
    x = q - k * 1.5703125
    x = x - k * 4.8375129699707031e-04
    x = x - k * 7.5497899548918821e-08
    ki = k.astype(jnp.int32)
    x2 = x * x
    s = x * (1.0 + x2 * (-1.6666654611e-01 + x2 *
                         (8.3321608736e-03 + x2 * -1.9515295891e-04)))
    c = 1.0 + x2 * (-5.0000000000e-01 + x2 *
                    (4.1666645683e-02 + x2 *
                     (-1.3887316255e-03 + x2 * 2.4433157118e-05)))
    swap = (ki & 1) == 1
    sin_r = jnp.where(swap, c, s)
    cos_r = jnp.where(swap, s, c)
    sin_out = jnp.where((ki & 2) == 2, -sin_r, sin_r)
    cos_out = jnp.where(((ki + 1) & 2) == 2, -cos_r, cos_r)
    return sin_out, cos_out


def _mix(x, A1T, A2T, c1, c2, row0=0, nrows=None, n_out=None):
    n, d = x.shape
    if nrows is None:
        nrows = n
    if n_out is None:
        n_out = nrows
    r = _pick_tile(nrows, cap=4000)
    assert row0 % r == 0
    b0 = row0 // r

    def kern(x_ref, A1T_ref, A2T_ref, c1_ref, c2_ref, ws_ref, wc_ref):
        xb = x_ref[...]
        p = lax.dot_general(xb, A1T_ref[...], (((1,), (0,)), ((), ())),
                            preferred_element_type=_F32) + c1_ref[...]
        q = lax.dot_general(xb, A2T_ref[...], (((1,), (0,)), ((), ())),
                            preferred_element_type=_F32) + c2_ref[...]
        sq, cq = _sincos(q)
        ws_ref[...] = p * sq
        wc_ref[...] = p * cq

    full = pl.BlockSpec((d, d), lambda i: (0, 0))
    row = pl.BlockSpec((1, d), lambda i: (0, 0))
    return pl.pallas_call(
        kern,
        grid=(nrows // r,),
        in_specs=[pl.BlockSpec((r, d), lambda i: (b0 + i, 0)), full, full,
                  row, row],
        out_specs=[pl.BlockSpec((r, d), lambda i: (i, 0)),
                   pl.BlockSpec((r, d), lambda i: (i, 0))],
        out_shape=[jax.ShapeDtypeStruct((n_out, d), _F32),
                   jax.ShapeDtypeStruct((n_out, d), _F32)],
    )(x, A1T, A2T, c1, c2)


def _segsum_sc(ws, wc, ids3d, m_pad):
    n_pad, d = ws.shape
    nsub = 16
    chunks_per_sub = ids3d.shape[1]
    chunk = ids3d.shape[2]
    assert n_pad == nsub * chunks_per_sub * chunk
    m_per_sub = m_pad // nsub
    m_chunks = m_per_sub // chunk
    nseg = 1 if chunks_per_sub <= 64 else 2
    half = chunks_per_sub // nseg
    assert half % 2 == 0 and (nseg == 1 or half % 8 == 0)

    mesh = plsc.VectorSubcoreMesh(core_axis_name="c", subcore_axis_name="s")

    @functools.partial(
        pl.kernel,
        out_type=(jax.ShapeDtypeStruct((m_pad, d), _F32),
                  jax.ShapeDtypeStruct((m_pad, d), _F32)),
        mesh=mesh,
        scratch_types=[
            pltpu.VMEM((half, chunk), jnp.int32),
            pltpu.VMEM((2, chunk, d), _F32),
            pltpu.VMEM_SHARED((m_pad, d), _F32),
            pltpu.SemaphoreType.DMA,
            pltpu.SemaphoreType.DMA,
        ],
    )
    def body(ws_hbm, wc_hbm, ids_hbm, z_hbm, sin_hbm, cos_hbm, idx_v,
             bufs, acc_sh, sem0, sem1):
        c = lax.axis_index("c")
        s = lax.axis_index("s")

        pltpu.sync_copy(z_hbm, acc_sh.at[pl.ds(s * m_per_sub, m_per_sub)])
        plsc.subcore_barrier()

        def run(src_hbm, out_hbm):
            sems = (sem0, sem1)
            for h in range(nseg):
                pltpu.sync_copy(ids_hbm.at[s, pl.ds(h * half, half)],
                                idx_v)

                def start(g, p):
                    row0 = (s * chunks_per_sub + h * half + g) * chunk
                    pltpu.async_copy(src_hbm.at[pl.ds(row0, chunk)],
                                     bufs.at[p], sems[p])

                start(0, 0)
                start(1, 1)

                def group_body(t, carry):
                    for p in range(2):
                        g = 2 * t + p
                        pltpu.make_async_copy(
                            src_hbm.at[pl.ds(0, chunk)], bufs.at[p],
                            sems[p]).wait()
                        pltpu.sync_copy(bufs.at[p],
                                        acc_sh.at[idx_v.at[g]], add=True)

                        @pl.when(g + 2 < half)
                        def _():
                            start(g + 2, p)

                    return carry

                lax.fori_loop(0, half // 2, group_body, 0)
            plsc.subcore_barrier()
            for t in range(m_chunks):
                off = s * m_per_sub + t * chunk
                pltpu.sync_copy(acc_sh.at[pl.ds(off, chunk)], bufs.at[0])
                pltpu.sync_copy(bufs.at[0], out_hbm.at[pl.ds(off, chunk)])

        @pl.when(c == 0)
        def _():
            run(ws_hbm, sin_hbm)

        @pl.when(c == 1)
        def _():
            run(wc_hbm, cos_hbm)

    return body(ws, wc, ids3d, jnp.zeros((m_per_sub, d), _F32))


def _combine(seg_parts, cw_sin, cw_cos):
    m, d = cw_sin.shape
    r = _pick_tile(m, cap=4000)
    nparts = len(seg_parts)

    def kern(*refs):
        i = pl.program_id(0)
        seg_refs = refs[:2 * nparts]
        cs_ref, cc_ref, fv_ref, s1_ref, s2_ref = refs[2 * nparts:]
        cs = cs_ref[...]
        cc = cc_ref[...]
        ss = seg_refs[0][...]
        sc = seg_refs[1][...]
        for t in range(1, nparts):
            ss = ss + seg_refs[2 * t][...]
            sc = sc + seg_refs[2 * t + 1][...]
        fv = (ss + cs) * cs + (sc + cc) * cc
        fv_ref[...] = fv
        s1 = jnp.sum(fv, axis=0, keepdims=True)
        s2 = jnp.sum(fv * fv, axis=0, keepdims=True)

        @pl.when(i == 0)
        def _():
            s1_ref[...] = s1
            s2_ref[...] = s2

        @pl.when(i > 0)
        def _():
            s1_ref[...] += s1
            s2_ref[...] += s2

    tile = pl.BlockSpec((r, d), lambda i: (i, 0))
    row = pl.BlockSpec((1, d), lambda i: (0, 0))
    flat = [a for pair in seg_parts for a in pair]
    return pl.pallas_call(
        kern,
        grid=(m // r,),
        in_specs=[tile] * (2 * nparts + 2),
        out_specs=[tile, row, row],
        out_shape=[jax.ShapeDtypeStruct((m, d), _F32),
                   jax.ShapeDtypeStruct((1, d), _F32),
                   jax.ShapeDtypeStruct((1, d), _F32)],
    )(*flat, cw_sin, cw_cos)


def _final_bn(fv, s1, s2, n_rows, gf, bf):
    m, d = fv.shape
    r = _pick_tile(m)
    inv_n = float(1.0 / n_rows)

    def kern(fv_ref, s1_ref, s2_ref, gf_ref, bf_ref, o_ref):
        mu = s1_ref[...] * inv_n
        var = s2_ref[...] * inv_n - mu * mu
        scale = gf_ref[...] / jnp.sqrt(var + _EPS)
        o_ref[...] = jnp.maximum(
            scale * (fv_ref[...] - mu) + bf_ref[...], 0.0)

    tile = pl.BlockSpec((r, d), lambda i: (i, 0))
    row = pl.BlockSpec((1, d), lambda i: (0, 0))
    return pl.pallas_call(
        kern,
        grid=(m // r,),
        in_specs=[tile, row, row, row, row],
        out_specs=tile,
        out_shape=jax.ShapeDtypeStruct((m, d), _F32),
    )(fv, s1, s2, gf, bf)


def kernel(feat, points_xyz, unq_inv, W1, b1, gamma1, beta1, W2, b2,
           gamma_f, beta_f):
    n, d = points_xyz.shape
    m = feat.shape[0]
    del b1

    W1T = W1.T
    g1 = gamma1.reshape(1, d)
    be1 = beta1.reshape(1, d)
    b2r = b2.reshape(1, d)
    gf = gamma_f.reshape(1, d)
    bf = beta_f.reshape(1, d)

    gram_x, s_x = _gram(points_xyz)
    gram_f, s_f = _gram(feat)
    A1T, A2T, c1, c2 = _fold(gram_x, s_x, n, W1, W1T, W2, g1, be1, b2r)
    A1Tf, A2Tf, c1f, c2f = _fold(gram_f, s_f, m, W1, W1T, W2, g1, be1, b2r)

    nsub, chunk = 16, 128
    grain = nsub * chunk
    m_pad = ((m + grain - 1) // grain) * grain
    ids = unq_inv.astype(jnp.int32)

    nphase = 2 if n % 16000 == 0 else 1
    n_per = n // nphase

    cw_sin, cw_cos = _mix(feat, A1Tf, A2Tf, c1f, c2f)
    seg_parts = []
    for ph in range(nphase):
        row0 = ph * n_per
        cps = -(-n_per // grain)
        if cps > 64:
            cps = ((cps + 15) // 16) * 16
        elif cps % 2:
            cps += 1
        n_pad = cps * grain
        ws, wc = _mix(points_xyz, A1T, A2T, c1, c2, row0=row0,
                      nrows=n_per, n_out=n_pad)
        ids3d = jnp.pad(ids[row0:row0 + n_per], (0, n_pad - n_per),
                        constant_values=m_pad - 1).reshape(nsub, -1, chunk)
        seg_parts.append(_segsum_sc(ws, wc, ids3d, m_pad))

    fv, s1, s2 = _combine(seg_parts, cw_sin, cw_cos)
    return _final_bn(fv, s1, s2, m, gf, bf)

# --- scband reference (transcript-rebuilt; emitter-appended) ---
"""Pipeline reference for scband-link-conv-44092134261313 (READ-ONLY COPY).

The authoritative reference and input builder live on the scoring server;
editing this copy changes nothing except your own understanding.
"""

import jax, jax.numpy as jnp
import numpy as np

EPS = 0.001

def _bn(x, gamma, beta):
    mu = jnp.mean(x, axis=0)
    var = jnp.var(x, axis=0)
    return gamma * (x - mu) / jnp.sqrt(var + EPS) + beta

def setup_inputs(seed: int = 0):
    key = jax.random.key(seed)
    ks = jax.random.split(key, 8)
    M, N, D = 10000, 320000, 128
    feat = jax.random.normal(ks[0], (M, D), dtype=jnp.float32)
    points_xyz = jax.random.normal(ks[1], (N, D), dtype=jnp.float32)
    unq_inv = jnp.sort(jax.random.randint(ks[2], (N,), 0, M, dtype=jnp.int32))
    W1 = jax.random.normal(ks[3], (D, D), dtype=jnp.float32) * 0.05
    b1 = jnp.zeros((D,), dtype=jnp.float32)
    gamma1 = jnp.ones((D,), dtype=jnp.float32)
    beta1 = jnp.zeros((D,), dtype=jnp.float32)
    W2 = jax.random.normal(ks[4], (D, D), dtype=jnp.float32) * 0.05
    b2 = jnp.zeros((D,), dtype=jnp.float32)
    gamma_f = jnp.ones((D,), dtype=jnp.float32)
    beta_f = jnp.zeros((D,), dtype=jnp.float32)
    return {"feat": feat, "points_xyz": points_xyz, "unq_inv": unq_inv,
            "W1": W1, "b1": b1, "gamma1": gamma1, "beta1": beta1,
            "W2": W2, "b2": b2, "gamma_f": gamma_f, "beta_f": beta_f}

def reference(feat, points_xyz, unq_inv, W1, b1, gamma1, beta1, W2, b2, gamma_f, beta_f):
    M = feat.shape[0]
    # pre_mix on points
    p = _bn(points_xyz @ W1.T + b1, gamma1, beta1)
    pos_weight = p @ W2.T + b2
    feat_weight_sin = p * jnp.sin(pos_weight)
    feat_weight_cos = p * jnp.cos(pos_weight)
    feat_add_sin = jax.ops.segment_sum(feat_weight_sin, unq_inv, num_segments=M)
    feat_add_cos = jax.ops.segment_sum(feat_weight_cos, unq_inv, num_segments=M)
    # pre_mix on voxel centers (shared weights, fresh batch stats)
    f = _bn(feat @ W1.T + b1, gamma1, beta1)
    mean_weight = f @ W2.T + b2
    center_weight_sin = f * jnp.sin(mean_weight)
    center_weight_cos = f * jnp.cos(mean_weight)
    feat_add_sin = feat_add_sin + center_weight_sin
    feat_add_cos = feat_add_cos + center_weight_cos
    final_voxel_feat = feat_add_sin * center_weight_sin + feat_add_cos * center_weight_cos
    out = jax.nn.relu(_bn(final_voxel_feat, gamma_f, beta_f))
    return out

if __name__ == "__main__":
    import jax
    _d = setup_inputs()
    print(jax.jit(kernel)(*tuple(_d.values())))

</pallas_src>

<mosaic_0001>
#map = affine_map<(d0, d1) -> (0, 0)>
#map1 = affine_map<(d0, d1) -> (0, 0, 0)>
module attributes {stable_mosaic.version = 14 : i64} {
  func.func @body(%arg0: i32, %arg1: i32, %arg2: memref<163840x128xf32, #tpu.memory_space<hbm>>, %arg3: memref<163840x128xf32, #tpu.memory_space<hbm>>, %arg4: memref<16x80x128xi32, #tpu.memory_space<hbm>>, %arg5: memref<640x128xf32, #tpu.memory_space<hbm>>, %arg6: memref<10240x128xf32, #tpu.memory_space<hbm>>, %arg7: memref<10240x128xf32, #tpu.memory_space<hbm>>, %arg8: memref<40x128xi32, #tpu.memory_space<vmem>>, %arg9: memref<2x128x128xf32, #tpu.memory_space<vmem>>, %arg10: memref<10240x128xf32, #tpu.memory_space<vmem_shared>>, %arg11: memref<!tpu.dma_semaphore, #tpu.memory_space<semaphore_mem>>, %arg12: memref<!tpu.dma_semaphore, #tpu.memory_space<semaphore_mem>>) attributes {dimension_semantics = [#tpu.dimension_semantics<core_parallel>, #tpu.dimension_semantics<subcore_parallel>], iteration_bounds = array<i64: 2, 16>, scalar_prefetch = 0 : i64, scratch_operands = 5 : i64, tpu.core_type = #tpu.core_type<sc_vector_subcore>, window_params = [{transform_indices = #map}, {transform_indices = #map}, {transform_indices = #map1}, {transform_indices = #map}, {transform_indices = #map}, {transform_indices = #map}]} {
    %mul3A = arith.constant 640 : i32
    %mul3A_0 = arith.muli %arg1, %mul3A : i32
    "tpu.region"() ({
      %run_scoped3A = tpu.sem_alloc : memref<!tpu.dma_semaphore, #tpu.memory_space<semaphore_mem>>
      %dma_start3A = arith.constant 0 : i32
      %dma_start3A_8 = tpu.memref_slice %arg10[%mul3A_0, %dma_start3A] : memref<10240x128xf32, #tpu.memory_space<vmem_shared>> -> memref<640x128xf32, #tpu.memory_space<vmem_shared>>
      tpu.enqueue_dma source(%arg5 : memref<640x128xf32, #tpu.memory_space<hbm>>) target(%dma_start3A_8 : memref<640x128xf32, #tpu.memory_space<vmem_shared>>) target_semaphore(%run_scoped3A : memref<!tpu.dma_semaphore, #tpu.memory_space<semaphore_mem>>)
      %dma_wait3A = arith.constant 0 : i32
      %dma_wait3A_9 = tpu.memref_slice %arg10[%mul3A_0, %dma_wait3A] : memref<10240x128xf32, #tpu.memory_space<vmem_shared>> -> memref<640x128xf32, #tpu.memory_space<vmem_shared>>
      tpu.wait_dma2 semaphore(%run_scoped3A : memref<!tpu.dma_semaphore, #tpu.memory_space<semaphore_mem>>) src(%arg5 : memref<640x128xf32, #tpu.memory_space<hbm>>) dst(%dma_wait3A_9 : memref<640x128xf32, #tpu.memory_space<vmem_shared>>)
      tpu.yield
    }) : () -> ()
    %barrier3A = arith.constant 0 : index
    tpu.barrier barrier_id(%barrier3A)
    %eq3A = arith.constant 0 : i32
    %eq3A_1 = arith.cmpi eq, %arg0, %eq3A : i32
    %convert_element_type3A = arith.extui %eq3A_1 : i1 to i32
    %cond3A = arith.constant 0 : i32
    %cond3A_2 = arith.cmpi ne, %convert_element_type3A, %cond3A : i32
    scf.if %cond3A_2 {
      "tpu.region"() ({
        %run_scoped3A_131 = tpu.sem_alloc : memref<!tpu.dma_semaphore, #tpu.memory_space<semaphore_mem>>
        %dma_start3A_132 = arith.constant 0 : i32
        %dma_start3A_133 = arith.constant 0 : i32
        %dma_start3A_134 = tpu.memref_slice %arg4[%arg1, %dma_start3A_132, %dma_start3A_133] : memref<16x80x128xi32, #tpu.memory_space<hbm>> -> memref<1x40x128xi32, #tpu.memory_space<hbm>>
        %dma_start3A_135 = tpu.memref_squeeze %dma_start3A_134 : memref<1x40x128xi32, #tpu.memory_space<hbm>> -> memref<40x128xi32, #tpu.memory_space<hbm>>
        %dma_start3A_136 = arith.constant 0 : i32
        %dma_start3A_137 = arith.constant 0 : i32
        %dma_start3A_138 = tpu.memref_slice %arg4[%arg1, %dma_start3A_136, %dma_start3A_137] : memref<16x80x128xi32, #tpu.memory_space<hbm>> -> memref<1x40x128xi32, #tpu.memory_space<hbm>>
        %dma_start3A_139 = tpu.memref_squeeze %dma_start3A_138 : memref<1x40x128xi32, #tpu.memory_space<hbm>> -> memref<40x128xi32, #tpu.memory_space<hbm>>
        tpu.enqueue_dma source(%dma_start3A_139 : memref<40x128xi32, #tpu.memory_space<hbm>>) target(%arg8 : memref<40x128xi32, #tpu.memory_space<vmem>>) target_semaphore(%run_scoped3A_131 : memref<!tpu.dma_semaphore, #tpu.memory_space<semaphore_mem>>)
        %dma_wait3A = arith.constant 0 : i32
        %dma_wait3A_140 = arith.constant 0 : i32
        %dma_wait3A_141 = tpu.memref_slice %arg4[%arg1, %dma_wait3A, %dma_wait3A_140] : memref<16x80x128xi32, #tpu.memory_space<hbm>> -> memref<1x40x128xi32, #tpu.memory_space<hbm>>
        %dma_wait3A_142 = tpu.memref_squeeze %dma_wait3A_141 : memref<1x40x128xi32, #tpu.memory_space<hbm>> -> memref<40x128xi32, #tpu.memory_space<hbm>>
        %dma_wait3A_143 = arith.constant 0 : i32
        %dma_wait3A_144 = arith.constant 0 : i32
        %dma_wait3A_145 = tpu.memref_slice %arg4[%arg1, %dma_wait3A_143, %dma_wait3A_144] : memref<16x80x128xi32, #tpu.memory_space<hbm>> -> memref<1x40x128xi32, #tpu.memory_space<hbm>>
        %dma_wait3A_146 = tpu.memref_squeeze %dma_wait3A_145 : memref<1x40x128xi32, #tpu.memory_space<hbm>> -> memref<40x128xi32, #tpu.memory_space<hbm>>
        tpu.wait_dma2 semaphore(%run_scoped3A_131 : memref<!tpu.dma_semaphore, #tpu.memory_space<semaphore_mem>>) src(%dma_wait3A_146 : memref<40x128xi32, #tpu.memory_space<hbm>>) dst(%arg8 : memref<40x128xi32, #tpu.memory_space<vmem>>)
        tpu.yield
      }) : () -> ()
      %mul3A_8 = arith.constant 80 : i32
      %mul3A_9 = arith.muli %arg1, %mul3A_8 : i32
      %add3A = arith.constant 0 : i32
      %add3A_10 = arith.addi %mul3A_9, %add3A : i32
      %add3A_11 = arith.constant 0 : i32
      %add3A_12 = arith.addi %add3A_10, %add3A_11 : i32
      %mul3A_13 = arith.constant 128 : i32
      %mul3A_14 = arith.muli %add3A_12, %mul3A_13 : i32
      %dma_start3A = arith.constant 0 : i32
      %dma_start3A_15 = arith.constant 0 : i32
      %dma_start3A_16 = arith.constant 0 : i32
      %dma_start3A_17 = tpu.memref_slice %arg9[%dma_start3A, %dma_start3A_15, %dma_start3A_16] : memref<2x128x128xf32, #tpu.memory_space<vmem>> -> memref<1x128x128xf32, #tpu.memory_space<vmem>>
      %dma_start3A_18 = tpu.memref_squeeze %dma_start3A_17 : memref<1x128x128xf32, #tpu.memory_space<vmem>> -> memref<128x128xf32, #tpu.memory_space<vmem>>
      %dma_start3A_19 = arith.constant 0 : i32
      %dma_start3A_20 = tpu.memref_slice %arg2[%mul3A_14, %dma_start3A_19] : memref<163840x128xf32, #tpu.memory_space<hbm>> -> memref<128x128xf32, #tpu.memory_space<hbm>>
      %dma_start3A_21 = arith.constant 0 : i32
      %dma_start3A_22 = arith.constant 0 : i32
      %dma_start3A_23 = tpu.memref_slice %arg9[%dma_start3A, %dma_start3A_21, %dma_start3A_22] : memref<2x128x128xf32, #tpu.memory_space<vmem>> -> memref<1x128x128xf32, #tpu.memory_space<vmem>>
      %dma_start3A_24 = tpu.memref_squeeze %dma_start3A_23 : memref<1x128x128xf32, #tpu.memory_space<vmem>> -> memref<128x128xf32, #tpu.memory_space<vmem>>
      %dma_start3A_25 = arith.constant 0 : i32
      %dma_start3A_26 = tpu.memref_slice %arg2[%mul3A_14, %dma_start3A_25] : memref<163840x128xf32, #tpu.memory_space<hbm>> -> memref<128x128xf32, #tpu.memory_space<hbm>>
      tpu.enqueue_dma source(%dma_start3A_26 : memref<128x128xf32, #tpu.memory_space<hbm>>) target(%dma_start3A_24 : memref<128x128xf32, #tpu.memory_space<vmem>>) target_semaphore(%arg11 : memref<!tpu.dma_semaphore, #tpu.memory_space<semaphore_mem>>)
      %mul3A_27 = arith.constant 80 : i32
      %mul3A_28 = arith.muli %arg1, %mul3A_27 : i32
      %add3A_29 = arith.constant 0 : i32
      %add3A_30 = arith.addi %mul3A_28, %add3A_29 : i32
      %add3A_31 = arith.constant 1 : i32
      %add3A_32 = arith.addi %add3A_30, %add3A_31 : i32
      %mul3A_33 = arith.constant 128 : i32
      %mul3A_34 = arith.muli %add3A_32, %mul3A_33 : i32
      %dma_start3A_35 = arith.constant 1 : i32
      %dma_start3A_36 = arith.constant 0 : i32
      %dma_start3A_37 = arith.constant 0 : i32
      %dma_start3A_38 = tpu.memref_slice %arg9[%dma_start3A_35, %dma_start3A_36, %dma_start3A_37] : memref<2x128x128xf32, #tpu.memory_space<vmem>> -> memref<1x128x128xf32, #tpu.memory_space<vmem>>
      %dma_start3A_39 = tpu.memref_squeeze %dma_start3A_38 : memref<1x128x128xf32, #tpu.memory_space<vmem>> -> memref<128x128xf32, #tpu.memory_space<vmem>>
      %dma_start3A_40 = arith.constant 0 : i32
      %dma_start3A_41 = tpu.memref_slice %arg2[%mul3A_34, %dma_start3A_40] : memref<163840x128xf32, #tpu.memory_space<hbm>> -> memref<128x128xf32, #tpu.memory_space<hbm>>
      %dma_start3A_42 = arith.constant 0 : i32
      %dma_start3A_43 = arith.constant 0 : i32
      %dma_start3A_44 = tpu.memref_slice %arg9[%dma_start3A_35, %dma_start3A_42, %dma_start3A_43] : memref<2x128x128xf32, #tpu.memory_space<vmem>> -> memref<1x128x128xf32, #tpu.memory_space<vmem>>
      %dma_start3A_45 = tpu.memref_squeeze %dma_start3A_44 : memref<1x128x128xf32, #tpu.memory_space<vmem>> -> memref<128x128xf32, #tpu.memory_space<vmem>>
      %dma_start3A_46 = arith.constant 0 : i32
      %dma_start3A_47 = tpu.memref_slice %arg2[%mul3A_34, %dma_start3A_46] : memref<163840x128xf32, #tpu.memory_space<hbm>> -> memref<128x128xf32, #tpu.memory_space<hbm>>
      tpu.enqueue_dma source(%dma_start3A_47 : memref<128x128xf32, #tpu.memory_space<hbm>>) target(%dma_start3A_45 : memref<128x128xf32, #tpu.memory_space<vmem>>) target_semaphore(%arg12 : memref<!tpu.dma_semaphore, #tpu.memory_space<semaphore_mem>>)
      %scan3A = arith.constant 0 : i32
      %scan3A_48 = arith.constant 0 : i32
      %scan3A_49 = arith.constant 20 : i32
      %scan3A_50 = arith.addi %scan3A_48, %scan3A_49 : i32
      %scan3A_51 = arith.constant 1 : i32
      scf.for %scan3A_131 = %scan3A_48 to %scan3A_50 step %scan3A_51  : i32 {
        %mul3A_132 = arith.constant 2 : i32
        %mul3A_133 = arith.muli %mul3A_132, %scan3A_131 : i32
        %add3A_134 = arith.constant 0 : i32
        %add3A_135 = arith.addi %mul3A_133, %add3A_134 : i32
        %dma_wait3A = arith.constant 0 : i32
        %dma_wait3A_136 = arith.constant 0 : i32
        %dma_wait3A_137 = arith.constant 0 : i32
        %dma_wait3A_138 = tpu.memref_slice %arg9[%dma_wait3A, %dma_wait3A_136, %dma_wait3A_137] : memref<2x128x128xf32, #tpu.memory_space<vmem>> -> memref<1x128x128xf32, #tpu.memory_space<vmem>>
        %dma_wait3A_139 = tpu.memref_squeeze %dma_wait3A_138 : memref<1x128x128xf32, #tpu.memory_space<vmem>> -> memref<128x128xf32, #tpu.memory_space<vmem>>
        %dma_wait3A_140 = arith.constant 0 : i32
        %dma_wait3A_141 = arith.constant 0 : i32
        %dma_wait3A_142 = tpu.memref_slice %arg2[%dma_wait3A_140, %dma_wait3A_141] : memref<163840x128xf32, #tpu.memory_space<hbm>> -> memref<128x128xf32, #tpu.memory_space<hbm>>
        %dma_wait3A_143 = arith.constant 0 : i32
        %dma_wait3A_144 = arith.constant 0 : i32
        %dma_wait3A_145 = tpu.memref_slice %arg9[%dma_wait3A, %dma_wait3A_143, %dma_wait3A_144] : memref<2x128x128xf32, #tpu.memory_space<vmem>> -> memref<1x128x128xf32, #tpu.memory_space<vmem>>
        %dma_wait3A_146 = tpu.memref_squeeze %dma_wait3A_145 : memref<1x128x128xf32, #tpu.memory_space<vmem>> -> memref<128x128xf32, #tpu.memory_space<vmem>>
        %dma_wait3A_147 = arith.constant 0 : i32
        %dma_wait3A_148 = arith.constant 0 : i32
        %dma_wait3A_149 = tpu.memref_slice %arg2[%dma_wait3A_147, %dma_wait3A_148] : memref<163840x128xf32, #tpu.memory_space<hbm>> -> memref<128x128xf32, #tpu.memory_space<hbm>>
        tpu.wait_dma2 semaphore(%arg11 : memref<!tpu.dma_semaphore, #tpu.memory_space<semaphore_mem>>) src(%dma_wait3A_149 : memref<128x128xf32, #tpu.memory_space<hbm>>) dst(%dma_wait3A_146 : memref<128x128xf32, #tpu.memory_space<vmem>>)
        %run_scoped3A_150 = arith.constant 0 : i32
        "tpu.region"() ({
          %run_scoped3A_184 = tpu.sem_alloc : memref<!tpu.dma_semaphore, #tpu.memory_space<semaphore_mem>>
          %dma_start3A_185 = arith.constant 0 : i32
          %dma_start3A_186 = arith.constant 0 : i32
          %dma_start3A_187 = tpu.memref_slice %arg9[%run_scoped3A_150, %dma_start3A_185, %dma_start3A_186] : memref<2x128x128xf32, #tpu.memory_space<vmem>> -> memref<1x128x128xf32, #tpu.memory_space<vmem>>
          %dma_start3A_188 = tpu.memref_squeeze %dma_start3A_187 : memref<1x128x128xf32, #tpu.memory_space<vmem>> -> memref<128x128xf32, #tpu.memory_space<vmem>>
          %dma_start3A_189 = arith.constant 0 : i32
          %dma_start3A_190 = tpu.memref_slice %arg8[%add3A_135, %dma_start3A_189] : memref<40x128xi32, #tpu.memory_space<vmem>> -> memref<1x128xi32, #tpu.memory_space<vmem>>
          %dma_start3A_191 = tpu.memref_squeeze %dma_start3A_190 : memref<1x128xi32, #tpu.memory_space<vmem>> -> memref<128xi32, #tpu.memory_space<vmem>>
          %dma_start3A_192 = arith.constant 0 : i32
          %dma_start3A_193 = arith.constant 0 : i32
          %dma_start3A_194 = tpu.memref_slice %arg10[%dma_start3A_192, %dma_start3A_193] : memref<10240x128xf32, #tpu.memory_space<vmem_shared>> -> memref<10240x128xf32, #tpu.memory_space<vmem_shared>>
          tpu.enqueue_indirect_dma source(%dma_start3A_188 : memref<128x128xf32, #tpu.memory_space<vmem>>) target(%dma_start3A_194 : memref<10240x128xf32, #tpu.memory_space<vmem_shared>>) offsets(%dma_start3A_191 : memref<128xi32, #tpu.memory_space<vmem>>) semaphore(%run_scoped3A_184 : memref<!tpu.dma_semaphore, #tpu.memory_space<semaphore_mem>>) {add = true}
          %dma_wait3A_195 = arith.constant 0 : i32
          %dma_wait3A_196 = arith.constant 0 : i32
          %dma_wait3A_197 = tpu.memref_slice %arg9[%run_scoped3A_150, %dma_wait3A_195, %dma_wait3A_196] : memref<2x128x128xf32, #tpu.memory_space<vmem>> -> memref<1x128x128xf32, #tpu.memory_space<vmem>>
          %dma_wait3A_198 = tpu.memref_squeeze %dma_wait3A_197 : memref<1x128x128xf32, #tpu.memory_space<vmem>> -> memref<128x128xf32, #tpu.memory_space<vmem>>
          %dma_wait3A_199 = arith.constant 0 : i32
          %dma_wait3A_200 = tpu.memref_slice %arg8[%add3A_135, %dma_wait3A_199] : memref<40x128xi32, #tpu.memory_space<vmem>> -> memref<1x128xi32, #tpu.memory_space<vmem>>
          %dma_wait3A_201 = tpu.memref_squeeze %dma_wait3A_200 : memref<1x128xi32, #tpu.memory_space<vmem>> -> memref<128xi32, #tpu.memory_space<vmem>>
          %dma_wait3A_202 = arith.constant 0 : i32
          %dma_wait3A_203 = arith.constant 0 : i32
          %dma_wait3A_204 = tpu.memref_slice %arg10[%dma_wait3A_202, %dma_wait3A_203] : memref<10240x128xf32, #tpu.memory_space<vmem_shared>> -> memref<10240x128xf32, #tpu.memory_space<vmem_shared>>
          tpu.wait_indirect_dma semaphore(%run_scoped3A_184 : memref<!tpu.dma_semaphore, #tpu.memory_space<semaphore_mem>>) src(%dma_wait3A_198 : memref<128x128xf32, #tpu.memory_space<vmem>>) dst(%dma_wait3A_204 : memref<10240x128xf32, #tpu.memory_space<vmem_shared>>)
          tpu.yield
        }) : () -> ()
        %add3A_151 = arith.constant 2 : i32
        %add3A_152 = arith.addi %add3A_135, %add3A_151 : i32
        %lt3A = arith.constant 40 : i32
        %lt3A_153 = arith.cmpi slt, %add3A_152, %lt3A : i32
        %convert_element_type3A_154 = arith.extui %lt3A_153 : i1 to i32
        %cond3A_155 = arith.constant 0 : i32
        %cond3A_156 = arith.cmpi ne, %convert_element_type3A_154, %cond3A_155 : i32
        scf.if %cond3A_156 {
          %add3A_184 = arith.constant 2 : i32
          %add3A_185 = arith.addi %add3A_135, %add3A_184 : i32
          %mul3A_186 = arith.constant 80 : i32
          %mul3A_187 = arith.muli %arg1, %mul3A_186 : i32
          %add3A_188 = arith.constant 0 : i32
          %add3A_189 = arith.addi %mul3A_187, %add3A_188 : i32
          %add3A_190 = arith.addi %add3A_189, %add3A_185 : i32
          %mul3A_191 = arith.constant 128 : i32
          %mul3A_192 = arith.muli %add3A_190, %mul3A_191 : i32
          %dma_start3A_193 = arith.constant 0 : i32
          %dma_start3A_194 = arith.constant 0 : i32
          %dma_start3A_195 = arith.constant 0 : i32
          %dma_start3A_196 = tpu.memref_slice %arg9[%dma_start3A_193, %dma_start3A_194, %dma_start3A_195] : memref<2x128x128xf32, #tpu.memory_space<vmem>> -> memref<1x128x128xf32, #tpu.memory_space<vmem>>
          %dma_start3A_197 = tpu.memref_squeeze %dma_start3A_196 : memref<1x128x128xf32, #tpu.memory_space<vmem>> -> memref<128x128xf32, #tpu.memory_space<vmem>>
          %dma_start3A_198 = arith.constant 0 : i32
          %dma_start3A_199 = tpu.memref_slice %arg2[%mul3A_192, %dma_start3A_198] : memref<163840x128xf32, #tpu.memory_space<hbm>> -> memref<128x128xf32, #tpu.memory_space<hbm>>
          %dma_start3A_200 = arith.constant 0 : i32
          %dma_start3A_201 = arith.constant 0 : i32
          %dma_start3A_202 = tpu.memref_slice %arg9[%dma_start3A_193, %dma_start3A_200, %dma_start3A_201] : memref<2x128x128xf32, #tpu.memory_space<vmem>> -> memref<1x128x128xf32, #tpu.memory_space<vmem>>
          %dma_start3A_203 = tpu.memref_squeeze %dma_start3A_202 : memref<1x128x128xf32, #tpu.memory_space<vmem>> -> memref<128x128xf32, #tpu.memory_space<vmem>>
          %dma_start3A_204 = arith.constant 0 : i32
          %dma_start3A_205 = tpu.memref_slice %arg2[%mul3A_192, %dma_start3A_204] : memref<163840x128xf32, #tpu.memory_space<hbm>> -> memref<128x128xf32, #tpu.memory_space<hbm>>
          tpu.enqueue_dma source(%dma_start3A_205 : memref<128x128xf32, #tpu.memory_space<hbm>>) target(%dma_start3A_203 : memref<128x128xf32, #tpu.memory_space<vmem>>) target_semaphore(%arg11 : memref<!tpu.dma_semaphore, #tpu.memory_space<semaphore_mem>>)
        } else {
        }
        %mul3A_157 = arith.constant 2 : i32
        %mul3A_158 = arith.muli %mul3A_157, %scan3A_131 : i32
        %add3A_159 = arith.constant 1 : i32
        %add3A_160 = arith.addi %mul3A_158, %add3A_159 : i32
        %dma_wait3A_161 = arith.constant 1 : i32
        %dma_wait3A_162 = arith.constant 0 : i32
        %dma_wait3A_163 = arith.constant 0 : i32
        %dma_wait3A_164 = tpu.memref_slice %arg9[%dma_wait3A_161, %dma_wait3A_162, %dma_wait3A_163] : memref<2x128x128xf32, #tpu.memory_space<vmem>> -> memref<1x128x128xf32, #tpu.memory_space<vmem>>
        %dma_wait3A_165 = tpu.memref_squeeze %dma_wait3A_164 : memref<1x128x128xf32, #tpu.memory_space<vmem>> -> memref<128x128xf32, #tpu.memory_space<vmem>>
        %dma_wait3A_166 = arith.constant 0 : i32
        %dma_wait3A_167 = arith.constant 0 : i32
        %dma_wait3A_168 = tpu.memref_slice %arg2[%dma_wait3A_166, %dma_wait3A_167] : memref<163840x128xf32, #tpu.memory_space<hbm>> -> memref<128x128xf32, #tpu.memory_space<hbm>>
        %dma_wait3A_169 = arith.constant 0 : i32
        %dma_wait3A_170 = arith.constant 0 : i32
        %dma_wait3A_171 = tpu.memref_slice %arg9[%dma_wait3A_161, %dma_wait3A_169, %dma_wait3A_170] : memref<2x128x128xf32, #tpu.memory_space<vmem>> -> memref<1x128x128xf32, #tpu.memory_space<vmem>>
        %dma_wait3A_172 = tpu.memref_squeeze %dma_wait3A_171 : memref<1x128x128xf32, #tpu.memory_space<vmem>> -> memref<128x128xf32, #tpu.memory_space<vmem>>
        %dma_wait3A_173 = arith.constant 0 : i32
        %dma_wait3A_174 = arith.constant 0 : i32
        %dma_wait3A_175 = tpu.memref_slice %arg2[%dma_wait3A_173, %dma_wait3A_174] : memref<163840x128xf32, #tpu.memory_space<hbm>> -> memref<128x128xf32, #tpu.memory_space<hbm>>
        tpu.wait_dma2 semaphore(%arg12 : memref<!tpu.dma_semaphore, #tpu.memory_space<semaphore_mem>>) src(%dma_wait3A_175 : memref<128x128xf32, #tpu.memory_space<hbm>>) dst(%dma_wait3A_172 : memref<128x128xf32, #tpu.memory_space<vmem>>)
        %run_scoped3A_176 = arith.constant 1 : i32
        "tpu.region"() ({
          %run_scoped3A_184 = tpu.sem_alloc : memref<!tpu.dma_semaphore, #tpu.memory_space<semaphore_mem>>
          %dma_start3A_185 = arith.constant 0 : i32
          %dma_start3A_186 = arith.constant 0 : i32
          %dma_start3A_187 = tpu.memref_slice %arg9[%run_scoped3A_176, %dma_start3A_185, %dma_start3A_186] : memref<2x128x128xf32, #tpu.memory_space<vmem>> -> memref<1x128x128xf32, #tpu.memory_space<vmem>>
          %dma_start3A_188 = tpu.memref_squeeze %dma_start3A_187 : memref<1x128x128xf32, #tpu.memory_space<vmem>> -> memref<128x128xf32, #tpu.memory_space<vmem>>
          %dma_start3A_189 = arith.constant 0 : i32
          %dma_start3A_190 = tpu.memref_slice %arg8[%add3A_160, %dma_start3A_189] : memref<40x128xi32, #tpu.memory_space<vmem>> -> memref<1x128xi32, #tpu.memory_space<vmem>>
          %dma_start3A_191 = tpu.memref_squeeze %dma_start3A_190 : memref<1x128xi32, #tpu.memory_space<vmem>> -> memref<128xi32, #tpu.memory_space<vmem>>
          %dma_start3A_192 = arith.constant 0 : i32
          %dma_start3A_193 = arith.constant 0 : i32
          %dma_start3A_194 = tpu.memref_slice %arg10[%dma_start3A_192, %dma_start3A_193] : memref<10240x128xf32, #tpu.memory_space<vmem_shared>> -> memref<10240x128xf32, #tpu.memory_space<vmem_shared>>
          tpu.enqueue_indirect_dma source(%dma_start3A_188 : memref<128x128xf32, #tpu.memory_space<vmem>>) target(%dma_start3A_194 : memref<10240x128xf32, #tpu.memory_space<vmem_shared>>) offsets(%dma_start3A_191 : memref<128xi32, #tpu.memory_space<vmem>>) semaphore(%run_scoped3A_184 : memref<!tpu.dma_semaphore, #tpu.memory_space<semaphore_mem>>) {add = true}
          %dma_wait3A_195 = arith.constant 0 : i32
          %dma_wait3A_196 = arith.constant 0 : i32
          %dma_wait3A_197 = tpu.memref_slice %arg9[%run_scoped3A_176, %dma_wait3A_195, %dma_wait3A_196] : memref<2x128x128xf32, #tpu.memory_space<vmem>> -> memref<1x128x128xf32, #tpu.memory_space<vmem>>
          %dma_wait3A_198 = tpu.memref_squeeze %dma_wait3A_197 : memref<1x128x128xf32, #tpu.memory_space<vmem>> -> memref<128x128xf32, #tpu.memory_space<vmem>>
          %dma_wait3A_199 = arith.constant 0 : i32
          %dma_wait3A_200 = tpu.memref_slice %arg8[%add3A_160, %dma_wait3A_199] : memref<40x128xi32, #tpu.memory_space<vmem>> -> memref<1x128xi32, #tpu.memory_space<vmem>>
          %dma_wait3A_201 = tpu.memref_squeeze %dma_wait3A_200 : memref<1x128xi32, #tpu.memory_space<vmem>> -> memref<128xi32, #tpu.memory_space<vmem>>
          %dma_wait3A_202 = arith.constant 0 : i32
          %dma_wait3A_203 = arith.constant 0 : i32
          %dma_wait3A_204 = tpu.memref_slice %arg10[%dma_wait3A_202, %dma_wait3A_203] : memref<10240x128xf32, #tpu.memory_space<vmem_shared>> -> memref<10240x128xf32, #tpu.memory_space<vmem_shared>>
          tpu.wait_indirect_dma semaphore(%run_scoped3A_184 : memref<!tpu.dma_semaphore, #tpu.memory_space<semaphore_mem>>) src(%dma_wait3A_198 : memref<128x128xf32, #tpu.memory_space<vmem>>) dst(%dma_wait3A_204 : memref<10240x128xf32, #tpu.memory_space<vmem_shared>>)
          tpu.yield
        }) : () -> ()
        %add3A_177 = arith.constant 2 : i32
        %add3A_178 = arith.addi %add3A_160, %add3A_177 : i32
        %lt3A_179 = arith.constant 40 : i32
        %lt3A_180 = arith.cmpi slt, %add3A_178, %lt3A_179 : i32
        %convert_element_type3A_181 = arith.extui %lt3A_180 : i1 to i32
        %cond3A_182 = arith.constant 0 : i32
        %cond3A_183 = arith.cmpi ne, %convert_element_type3A_181, %cond3A_182 : i32
        scf.if %cond3A_183 {
          %add3A_184 = arith.constant 2 : i32
          %add3A_185 = arith.addi %add3A_160, %add3A_184 : i32
          %mul3A_186 = arith.constant 80 : i32
          %mul3A_187 = arith.muli %arg1, %mul3A_186 : i32
          %add3A_188 = arith.constant 0 : i32
          %add3A_189 = arith.addi %mul3A_187, %add3A_188 : i32
          %add3A_190 = arith.addi %add3A_189, %add3A_185 : i32
          %mul3A_191 = arith.constant 128 : i32
          %mul3A_192 = arith.muli %add3A_190, %mul3A_191 : i32
          %dma_start3A_193 = arith.constant 1 : i32
          %dma_start3A_194 = arith.constant 0 : i32
          %dma_start3A_195 = arith.constant 0 : i32
          %dma_start3A_196 = tpu.memref_slice %arg9[%dma_start3A_193, %dma_start3A_194, %dma_start3A_195] : memref<2x128x128xf32, #tpu.memory_space<vmem>> -> memref<1x128x128xf32, #tpu.memory_space<vmem>>
          %dma_start3A_197 = tpu.memref_squeeze %dma_start3A_196 : memref<1x128x128xf32, #tpu.memory_space<vmem>> -> memref<128x128xf32, #tpu.memory_space<vmem>>
          %dma_start3A_198 = arith.constant 0 : i32
          %dma_start3A_199 = tpu.memref_slice %arg2[%mul3A_192, %dma_start3A_198] : memref<163840x128xf32, #tpu.memory_space<hbm>> -> memref<128x128xf32, #tpu.memory_space<hbm>>
          %dma_start3A_200 = arith.constant 0 : i32
          %dma_start3A_201 = arith.constant 0 : i32
          %dma_start3A_202 = tpu.memref_slice %arg9[%dma_start3A_193, %dma_start3A_200, %dma_start3A_201] : memref<2x128x128xf32, #tpu.memory_space<vmem>> -> memref<1x128x128xf32, #tpu.memory_space<vmem>>
          %dma_start3A_203 = tpu.memref_squeeze %dma_start3A_202 : memref<1x128x128xf32, #tpu.memory_space<vmem>> -> memref<128x128xf32, #tpu.memory_space<vmem>>
          %dma_start3A_204 = arith.constant 0 : i32
          %dma_start3A_205 = tpu.memref_slice %arg2[%mul3A_192, %dma_start3A_204] : memref<163840x128xf32, #tpu.memory_space<hbm>> -> memref<128x128xf32, #tpu.memory_space<hbm>>
          tpu.enqueue_dma source(%dma_start3A_205 : memref<128x128xf32, #tpu.memory_space<hbm>>) target(%dma_start3A_203 : memref<128x128xf32, #tpu.memory_space<vmem>>) target_semaphore(%arg12 : memref<!tpu.dma_semaphore, #tpu.memory_space<semaphore_mem>>)
        } else {
        }
      }
      %scan3A_52 = arith.constant 20 : i32
      "tpu.region"() ({
        %run_scoped3A_131 = tpu.sem_alloc : memref<!tpu.dma_semaphore, #tpu.memory_space<semaphore_mem>>
        %dma_start3A_132 = arith.constant 40 : i32
        %dma_start3A_133 = arith.constant 0 : i32
        %dma_start3A_134 = tpu.memref_slice %arg4[%arg1, %dma_start3A_132, %dma_start3A_133] : memref<16x80x128xi32, #tpu.memory_space<hbm>> -> memref<1x40x128xi32, #tpu.memory_space<hbm>>
        %dma_start3A_135 = tpu.memref_squeeze %dma_start3A_134 : memref<1x40x128xi32, #tpu.memory_space<hbm>> -> memref<40x128xi32, #tpu.memory_space<hbm>>
        %dma_start3A_136 = arith.constant 40 : i32
        %dma_start3A_137 = arith.constant 0 : i32
        %dma_start3A_138 = tpu.memref_slice %arg4[%arg1, %dma_start3A_136, %dma_start3A_137] : memref<16x80x128xi32, #tpu.memory_space<hbm>> -> memref<1x40x128xi32, #tpu.memory_space<hbm>>
        %dma_start3A_139 = tpu.memref_squeeze %dma_start3A_138 : memref<1x40x128xi32, #tpu.memory_space<hbm>> -> memref<40x128xi32, #tpu.memory_space<hbm>>
        tpu.enqueue_dma source(%dma_start3A_139 : memref<40x128xi32, #tpu.memory_space<hbm>>) target(%arg8 : memref<40x128xi32, #tpu.memory_space<vmem>>) target_semaphore(%run_scoped3A_131 : memref<!tpu.dma_semaphore, #tpu.memory_space<semaphore_mem>>)
        %dma_wait3A = arith.constant 40 : i32
        %dma_wait3A_140 = arith.constant 0 : i32
        %dma_wait3A_141 = tpu.memref_slice %arg4[%arg1, %dma_wait3A, %dma_wait3A_140] : memref<16x80x128xi32, #tpu.memory_space<hbm>> -> memref<1x40x128xi32, #tpu.memory_space<hbm>>
        %dma_wait3A_142 = tpu.memref_squeeze %dma_wait3A_141 : memref<1x40x128xi32, #tpu.memory_space<hbm>> -> memref<40x128xi32, #tpu.memory_space<hbm>>
        %dma_wait3A_143 = arith.constant 40 : i32
        %dma_wait3A_144 = arith.constant 0 : i32
        %dma_wait3A_145 = tpu.memref_slice %arg4[%arg1, %dma_wait3A_143, %dma_wait3A_144] : memref<16x80x128xi32, #tpu.memory_space<hbm>> -> memref<1x40x128xi32, #tpu.memory_space<hbm>>
        %dma_wait3A_146 = tpu.memref_squeeze %dma_wait3A_145 : memref<1x40x128xi32, #tpu.memory_space<hbm>> -> memref<40x128xi32, #tpu.memory_space<hbm>>
        tpu.wait_dma2 semaphore(%run_scoped3A_131 : memref<!tpu.dma_semaphore, #tpu.memory_space<semaphore_mem>>) src(%dma_wait3A_146 : memref<40x128xi32, #tpu.memory_space<hbm>>) dst(%arg8 : memref<40x128xi32, #tpu.memory_space<vmem>>)
        tpu.yield
      }) : () -> ()
      %mul3A_53 = arith.constant 80 : i32
      %mul3A_54 = arith.muli %arg1, %mul3A_53 : i32
      %add3A_55 = arith.constant 40 : i32
      %add3A_56 = arith.addi %mul3A_54, %add3A_55 : i32
      %add3A_57 = arith.constant 0 : i32
      %add3A_58 = arith.addi %add3A_56, %add3A_57 : i32
      %mul3A_59 = arith.constant 128 : i32
      %mul3A_60 = arith.muli %add3A_58, %mul3A_59 : i32
      %dma_start3A_61 = arith.constant 0 : i32
      %dma_start3A_62 = arith.constant 0 : i32
      %dma_start3A_63 = arith.constant 0 : i32
      %dma_start3A_64 = tpu.memref_slice %arg9[%dma_start3A_61, %dma_start3A_62, %dma_start3A_63] : memref<2x128x128xf32, #tpu.memory_space<vmem>> -> memref<1x128x128xf32, #tpu.memory_space<vmem>>
      %dma_start3A_65 = tpu.memref_squeeze %dma_start3A_64 : memref<1x128x128xf32, #tpu.memory_space<vmem>> -> memref<128x128xf32, #tpu.memory_space<vmem>>
      %dma_start3A_66 = arith.constant 0 : i32
      %dma_start3A_67 = tpu.memref_slice %arg2[%mul3A_60, %dma_start3A_66] : memref<163840x128xf32, #tpu.memory_space<hbm>> -> memref<128x128xf32, #tpu.memory_space<hbm>>
      %dma_start3A_68 = arith.constant 0 : i32
      %dma_start3A_69 = arith.constant 0 : i32
      %dma_start3A_70 = tpu.memref_slice %arg9[%dma_start3A_61, %dma_start3A_68, %dma_start3A_69] : memref<2x128x128xf32, #tpu.memory_space<vmem>> -> memref<1x128x128xf32, #tpu.memory_space<vmem>>
      %dma_start3A_71 = tpu.memref_squeeze %dma_start3A_70 : memref<1x128x128xf32, #tpu.memory_space<vmem>> -> memref<128x128xf32, #tpu.memory_space<vmem>>
      %dma_start3A_72 = arith.constant 0 : i32
      %dma_start3A_73 = tpu.memref_slice %arg2[%mul3A_60, %dma_start3A_72] : memref<163840x128xf32, #tpu.memory_space<hbm>> -> memref<128x128xf32, #tpu.memory_space<hbm>>
      tpu.enqueue_dma source(%dma_start3A_73 : memref<128x128xf32, #tpu.memory_space<hbm>>) target(%dma_start3A_71 : memref<128x128xf32, #tpu.memory_space<vmem>>) target_semaphore(%arg11 : memref<!tpu.dma_semaphore, #tpu.memory_space<semaphore_mem>>)
      %mul3A_74 = arith.constant 80 : i32
      %mul3A_75 = arith.muli %arg1, %mul3A_74 : i32
      %add3A_76 = arith.constant 40 : i32
      %add3A_77 = arith.addi %mul3A_75, %add3A_76 : i32
      %add3A_78 = arith.constant 1 : i32
      %add3A_79 = arith.addi %add3A_77, %add3A_78 : i32
      %mul3A_80 = arith.constant 128 : i32
      %mul3A_81 = arith.muli %add3A_79, %mul3A_80 : i32
      %dma_start3A_82 = arith.constant 1 : i32
      %dma_start3A_83 = arith.constant 0 : i32
      %dma_start3A_84 = arith.constant 0 : i32
      %dma_start3A_85 = tpu.memref_slice %arg9[%dma_start3A_82, %dma_start3A_83, %dma_start3A_84] : memref<2x128x128xf32, #tpu.memory_space<vmem>> -> memref<1x128x128xf32, #tpu.memory_space<vmem>>
      %dma_start3A_86 = tpu.memref_squeeze %dma_start3A_85 : memref<1x128x128xf32, #tpu.memory_space<vmem>> -> memref<128x128xf32, #tpu.memory_space<vmem>>
      %dma_start3A_87 = arith.constant 0 : i32
      %dma_start3A_88 = tpu.memref_slice %arg2[%mul3A_81, %dma_start3A_87] : memref<163840x128xf32, #tpu.memory_space<hbm>> -> memref<128x128xf32, #tpu.memory_space<hbm>>
      %dma_start3A_89 = arith.constant 0 : i32
      %dma_start3A_90 = arith.constant 0 : i32
      %dma_start3A_91 = tpu.memref_slice %arg9[%dma_start3A_82, %dma_start3A_89, %dma_start3A_90] : memref<2x128x128xf32, #tpu.memory_space<vmem>> -> memref<1x128x128xf32, #tpu.memory_space<vmem>>
      %dma_start3A_92 = tpu.memref_squeeze %dma_start3A_91 : memref<1x128x128xf32, #tpu.memory_space<vmem>> -> memref<128x128xf32, #tpu.memory_space<vmem>>
      %dma_start3A_93 = arith.constant 0 : i32
      %dma_start3A_94 = tpu.memref_slice %arg2[%mul3A_81, %dma_start3A_93] : memref<163840x128xf32, #tpu.memory_space<hbm>> -> memref<128x128xf32, #tpu.memory_space<hbm>>
      tpu.enqueue_dma source(%dma_start3A_94 : memref<128x128xf32, #tpu.memory_space<hbm>>) target(%dma_start3A_92 : memref<128x128xf32, #tpu.memory_space<vmem>>) target_semaphore(%arg12 : memref<!tpu.dma_semaphore, #tpu.memory_space<semaphore_mem>>)
      %scan3A_95 = arith.constant 0 : i32
      %scan3A_96 = arith.constant 0 : i32
      %scan3A_97 = arith.constant 20 : i32
      %scan3A_98 = arith.addi %scan3A_96, %scan3A_97 : i32
      %scan3A_99 = arith.constant 1 : i32
      scf.for %scan3A_131 = %scan3A_96 to %scan3A_98 step %scan3A_99  : i32 {
        %mul3A_132 = arith.constant 2 : i32
        %mul3A_133 = arith.muli %mul3A_132, %scan3A_131 : i32
        %add3A_134 = arith.constant 0 : i32
        %add3A_135 = arith.addi %mul3A_133, %add3A_134 : i32
        %dma_wait3A = arith.constant 0 : i32
        %dma_wait3A_136 = arith.constant 0 : i32
        %dma_wait3A_137 = arith.constant 0 : i32
        %dma_wait3A_138 = tpu.memref_slice %arg9[%dma_wait3A, %dma_wait3A_136, %dma_wait3A_137] : memref<2x128x128xf32, #tpu.memory_space<vmem>> -> memref<1x128x128xf32, #tpu.memory_space<vmem>>
        %dma_wait3A_139 = tpu.memref_squeeze %dma_wait3A_138 : memref<1x128x128xf32, #tpu.memory_space<vmem>> -> memref<128x128xf32, #tpu.memory_space<vmem>>
        %dma_wait3A_140 = arith.constant 0 : i32
        %dma_wait3A_141 = arith.constant 0 : i32
        %dma_wait3A_142 = tpu.memref_slice %arg2[%dma_wait3A_140, %dma_wait3A_141] : memref<163840x128xf32, #tpu.memory_space<hbm>> -> memref<128x128xf32, #tpu.memory_space<hbm>>
        %dma_wait3A_143 = arith.constant 0 : i32
        %dma_wait3A_144 = arith.constant 0 : i32
        %dma_wait3A_145 = tpu.memref_slice %arg9[%dma_wait3A, %dma_wait3A_143, %dma_wait3A_144] : memref<2x128x128xf32, #tpu.memory_space<vmem>> -> memref<1x128x128xf32, #tpu.memory_space<vmem>>
        %dma_wait3A_146 = tpu.memref_squeeze %dma_wait3A_145 : memref<1x128x128xf32, #tpu.memory_space<vmem>> -> memref<128x128xf32, #tpu.memory_space<vmem>>
        %dma_wait3A_147 = arith.constant 0 : i32
        %dma_wait3A_148 = arith.constant 0 : i32
        %dma_wait3A_149 = tpu.memref_slice %arg2[%dma_wait3A_147, %dma_wait3A_148] : memref<163840x128xf32, #tpu.memory_space<hbm>> -> memref<128x128xf32, #tpu.memory_space<hbm>>
        tpu.wait_dma2 semaphore(%arg11 : memref<!tpu.dma_semaphore, #tpu.memory_space<semaphore_mem>>) src(%dma_wait3A_149 : memref<128x128xf32, #tpu.memory_space<hbm>>) dst(%dma_wait3A_146 : memref<128x128xf32, #tpu.memory_space<vmem>>)
        %run_scoped3A_150 = arith.constant 0 : i32
        "tpu.region"() ({
          %run_scoped3A_184 = tpu.sem_alloc : memref<!tpu.dma_semaphore, #tpu.memory_space<semaphore_mem>>
          %dma_start3A_185 = arith.constant 0 : i32
          %dma_start3A_186 = arith.constant 0 : i32
          %dma_start3A_187 = tpu.memref_slice %arg9[%run_scoped3A_150, %dma_start3A_185, %dma_start3A_186] : memref<2x128x128xf32, #tpu.memory_space<vmem>> -> memref<1x128x128xf32, #tpu.memory_space<vmem>>
          %dma_start3A_188 = tpu.memref_squeeze %dma_start3A_187 : memref<1x128x128xf32, #tpu.memory_space<vmem>> -> memref<128x128xf32, #tpu.memory_space<vmem>>
          %dma_start3A_189 = arith.constant 0 : i32
          %dma_start3A_190 = tpu.memref_slice %arg8[%add3A_135, %dma_start3A_189] : memref<40x128xi32, #tpu.memory_space<vmem>> -> memref<1x128xi32, #tpu.memory_space<vmem>>
          %dma_start3A_191 = tpu.memref_squeeze %dma_start3A_190 : memref<1x128xi32, #tpu.memory_space<vmem>> -> memref<128xi32, #tpu.memory_space<vmem>>
          %dma_start3A_192 = arith.constant 0 : i32
          %dma_start3A_193 = arith.constant 0 : i32
          %dma_start3A_194 = tpu.memref_slice %arg10[%dma_start3A_192, %dma_start3A_193] : memref<10240x128xf32, #tpu.memory_space<vmem_shared>> -> memref<10240x128xf32, #tpu.memory_space<vmem_shared>>
          tpu.enqueue_indirect_dma source(%dma_start3A_188 : memref<128x128xf32, #tpu.memory_space<vmem>>) target(%dma_start3A_194 : memref<10240x128xf32, #tpu.memory_space<vmem_shared>>) offsets(%dma_start3A_191 : memref<128xi32, #tpu.memory_space<vmem>>) semaphore(%run_scoped3A_184 : memref<!tpu.dma_semaphore, #tpu.memory_space<semaphore_mem>>) {add = true}
          %dma_wait3A_195 = arith.constant 0 : i32
          %dma_wait3A_196 = arith.constant 0 : i32
          %dma_wait3A_197 = tpu.memref_slice %arg9[%run_scoped3A_150, %dma_wait3A_195, %dma_wait3A_196] : memref<2x128x128xf32, #tpu.memory_space<vmem>> -> memref<1x128x128xf32, #tpu.memory_space<vmem>>
          %dma_wait3A_198 = tpu.memref_squeeze %dma_wait3A_197 : memref<1x128x128xf32, #tpu.memory_space<vmem>> -> memref<128x128xf32, #tpu.memory_space<vmem>>
          %dma_wait3A_199 = arith.constant 0 : i32
          %dma_wait3A_200 = tpu.memref_slice %arg8[%add3A_135, %dma_wait3A_199] : memref<40x128xi32, #tpu.memory_space<vmem>> -> memref<1x128xi32, #tpu.memory_space<vmem>>
          %dma_wait3A_201 = tpu.memref_squeeze %dma_wait3A_200 : memref<1x128xi32, #tpu.memory_space<vmem>> -> memref<128xi32, #tpu.memory_space<vmem>>
          %dma_wait3A_202 = arith.constant 0 : i32
          %dma_wait3A_203 = arith.constant 0 : i32
          %dma_wait3A_204 = tpu.memref_slice %arg10[%dma_wait3A_202, %dma_wait3A_203] : memref<10240x128xf32, #tpu.memory_space<vmem_shared>> -> memref<10240x128xf32, #tpu.memory_space<vmem_shared>>
          tpu.wait_indirect_dma semaphore(%run_scoped3A_184 : memref<!tpu.dma_semaphore, #tpu.memory_space<semaphore_mem>>) src(%dma_wait3A_198 : memref<128x128xf32, #tpu.memory_space<vmem>>) dst(%dma_wait3A_204 : memref<10240x128xf32, #tpu.memory_space<vmem_shared>>)
          tpu.yield
        }) : () -> ()
        %add3A_151 = arith.constant 2 : i32
        %add3A_152 = arith.addi %add3A_135, %add3A_151 : i32
        %lt3A = arith.constant 40 : i32
        %lt3A_153 = arith.cmpi slt, %add3A_152, %lt3A : i32
        %convert_element_type3A_154 = arith.extui %lt3A_153 : i1 to i32
        %cond3A_155 = arith.constant 0 : i32
        %cond3A_156 = arith.cmpi ne, %convert_element_type3A_154, %cond3A_155 : i32
        scf.if %cond3A_156 {
          %add3A_184 = arith.constant 2 : i32
          %add3A_185 = arith.addi %add3A_135, %add3A_184 : i32
          %mul3A_186 = arith.constant 80 : i32
          %mul3A_187 = arith.muli %arg1, %mul3A_186 : i32
          %add3A_188 = arith.constant 40 : i32
          %add3A_189 = arith.addi %mul3A_187, %add3A_188 : i32
          %add3A_190 = arith.addi %add3A_189, %add3A_185 : i32
          %mul3A_191 = arith.constant 128 : i32
          %mul3A_192 = arith.muli %add3A_190, %mul3A_191 : i32
          %dma_start3A_193 = arith.constant 0 : i32
          %dma_start3A_194 = arith.constant 0 : i32
          %dma_start3A_195 = arith.constant 0 : i32
          %dma_start3A_196 = tpu.memref_slice %arg9[%dma_start3A_193, %dma_start3A_194, %dma_start3A_195] : memref<2x128x128xf32, #tpu.memory_space<vmem>> -> memref<1x128x128xf32, #tpu.memory_space<vmem>>
          %dma_start3A_197 = tpu.memref_squeeze %dma_start3A_196 : memref<1x128x128xf32, #tpu.memory_space<vmem>> -> memref<128x128xf32, #tpu.memory_space<vmem>>
          %dma_start3A_198 = arith.constant 0 : i32
          %dma_start3A_199 = tpu.memref_slice %arg2[%mul3A_192, %dma_start3A_198] : memref<163840x128xf32, #tpu.memory_space<hbm>> -> memref<128x128xf32, #tpu.memory_space<hbm>>
          %dma_start3A_200 = arith.constant 0 : i32
          %dma_start3A_201 = arith.constant 0 : i32
          %dma_start3A_202 = tpu.memref_slice %arg9[%dma_start3A_193, %dma_start3A_200, %dma_start3A_201] : memref<2x128x128xf32, #tpu.memory_space<vmem>> -> memref<1x128x128xf32, #tpu.memory_space<vmem>>
          %dma_start3A_203 = tpu.memref_squeeze %dma_start3A_202 : memref<1x128x128xf32, #tpu.memory_space<vmem>> -> memref<128x128xf32, #tpu.memory_space<vmem>>
          %dma_start3A_204 = arith.constant 0 : i32
          %dma_start3A_205 = tpu.memref_slice %arg2[%mul3A_192, %dma_start3A_204] : memref<163840x128xf32, #tpu.memory_space<hbm>> -> memref<128x128xf32, #tpu.memory_space<hbm>>
          tpu.enqueue_dma source(%dma_start3A_205 : memref<128x128xf32, #tpu.memory_space<hbm>>) target(%dma_start3A_203 : memref<128x128xf32, #tpu.memory_space<vmem>>) target_semaphore(%arg11 : memref<!tpu.dma_semaphore, #tpu.memory_space<semaphore_mem>>)
        } else {
        }
        %mul3A_157 = arith.constant 2 : i32
        %mul3A_158 = arith.muli %mul3A_157, %scan3A_131 : i32
        %add3A_159 = arith.constant 1 : i32
        %add3A_160 = arith.addi %mul3A_158, %add3A_159 : i32
        %dma_wait3A_161 = arith.constant 1 : i32
        %dma_wait3A_162 = arith.constant 0 : i32
        %dma_wait3A_163 = arith.constant 0 : i32
        %dma_wait3A_164 = tpu.memref_slice %arg9[%dma_wait3A_161, %dma_wait3A_162, %dma_wait3A_163] : memref<2x128x128xf32, #tpu.memory_space<vmem>> -> memref<1x128x128xf32, #tpu.memory_space<vmem>>
        %dma_wait3A_165 = tpu.memref_squeeze %dma_wait3A_164 : memref<1x128x128xf32, #tpu.memory_space<vmem>> -> memref<128x128xf32, #tpu.memory_space<vmem>>
        %dma_wait3A_166 = arith.constant 0 : i32
        %dma_wait3A_167 = arith.constant 0 : i32
        %dma_wait3A_168 = tpu.memref_slice %arg2[%dma_wait3A_166, %dma_wait3A_167] : memref<163840x128xf32, #tpu.memory_space<hbm>> -> memref<128x128xf32, #tpu.memory_space<hbm>>
        %dma_wait3A_169 = arith.constant 0 : i32
        %dma_wait3A_170 = arith.constant 0 : i32
        %dma_wait3A_171 = tpu.memref_slice %arg9[%dma_wait3A_161, %dma_wait3A_169, %dma_wait3A_170] : memref<2x128x128xf32, #tpu.memory_space<vmem>> -> memref<1x128x128xf32, #tpu.memory_space<vmem>>
        %dma_wait3A_172 = tpu.memref_squeeze %dma_wait3A_171 : memref<1x128x128xf32, #tpu.memory_space<vmem>> -> memref<128x128xf32, #tpu.memory_space<vmem>>
        %dma_wait3A_173 = arith.constant 0 : i32
        %dma_wait3A_174 = arith.constant 0 : i32
        %dma_wait3A_175 = tpu.memref_slice %arg2[%dma_wait3A_173, %dma_wait3A_174] : memref<163840x128xf32, #tpu.memory_space<hbm>> -> memref<128x128xf32, #tpu.memory_space<hbm>>
        tpu.wait_dma2 semaphore(%arg12 : memref<!tpu.dma_semaphore, #tpu.memory_space<semaphore_mem>>) src(%dma_wait3A_175 : memref<128x128xf32, #tpu.memory_space<hbm>>) dst(%dma_wait3A_172 : memref<128x128xf32, #tpu.memory_space<vmem>>)
        %run_scoped3A_176 = arith.constant 1 : i32
        "tpu.region"() ({
          %run_scoped3A_184 = tpu.sem_alloc : memref<!tpu.dma_semaphore, #tpu.memory_space<semaphore_mem>>
          %dma_start3A_185 = arith.constant 0 : i32
          %dma_start3A_186 = arith.constant 0 : i32
          %dma_start3A_187 = tpu.memref_slice %arg9[%run_scoped3A_176, %dma_start3A_185, %dma_start3A_186] : memref<2x128x128xf32, #tpu.memory_space<vmem>> -> memref<1x128x128xf32, #tpu.memory_space<vmem>>
          %dma_start3A_188 = tpu.memref_squeeze %dma_start3A_187 : memref<1x128x128xf32, #tpu.memory_space<vmem>> -> memref<128x128xf32, #tpu.memory_space<vmem>>
          %dma_start3A_189 = arith.constant 0 : i32
          %dma_start3A_190 = tpu.memref_slice %arg8[%add3A_160, %dma_start3A_189] : memref<40x128xi32, #tpu.memory_space<vmem>> -> memref<1x128xi32, #tpu.memory_space<vmem>>
          %dma_start3A_191 = tpu.memref_squeeze %dma_start3A_190 : memref<1x128xi32, #tpu.memory_space<vmem>> -> memref<128xi32, #tpu.memory_space<vmem>>
          %dma_start3A_192 = arith.constant 0 : i32
          %dma_start3A_193 = arith.constant 0 : i32
          %dma_start3A_194 = tpu.memref_slice %arg10[%dma_start3A_192, %dma_start3A_193] : memref<10240x128xf32, #tpu.memory_space<vmem_shared>> -> memref<10240x128xf32, #tpu.memory_space<vmem_shared>>
          tpu.enqueue_indirect_dma source(%dma_start3A_188 : memref<128x128xf32, #tpu.memory_space<vmem>>) target(%dma_start3A_194 : memref<10240x128xf32, #tpu.memory_space<vmem_shared>>) offsets(%dma_start3A_191 : memref<128xi32, #tpu.memory_space<vmem>>) semaphore(%run_scoped3A_184 : memref<!tpu.dma_semaphore, #tpu.memory_space<semaphore_mem>>) {add = true}
          %dma_wait3A_195 = arith.constant 0 : i32
          %dma_wait3A_196 = arith.constant 0 : i32
          %dma_wait3A_197 = tpu.memref_slice %arg9[%run_scoped3A_176, %dma_wait3A_195, %dma_wait3A_196] : memref<2x128x128xf32, #tpu.memory_space<vmem>> -> memref<1x128x128xf32, #tpu.memory_space<vmem>>
          %dma_wait3A_198 = tpu.memref_squeeze %dma_wait3A_197 : memref<1x128x128xf32, #tpu.memory_space<vmem>> -> memref<128x128xf32, #tpu.memory_space<vmem>>
          %dma_wait3A_199 = arith.constant 0 : i32
          %dma_wait3A_200 = tpu.memref_slice %arg8[%add3A_160, %dma_wait3A_199] : memref<40x128xi32, #tpu.memory_space<vmem>> -> memref<1x128xi32, #tpu.memory_space<vmem>>
          %dma_wait3A_201 = tpu.memref_squeeze %dma_wait3A_200 : memref<1x128xi32, #tpu.memory_space<vmem>> -> memref<128xi32, #tpu.memory_space<vmem>>
          %dma_wait3A_202 = arith.constant 0 : i32
          %dma_wait3A_203 = arith.constant 0 : i32
          %dma_wait3A_204 = tpu.memref_slice %arg10[%dma_wait3A_202, %dma_wait3A_203] : memref<10240x128xf32, #tpu.memory_space<vmem_shared>> -> memref<10240x128xf32, #tpu.memory_space<vmem_shared>>
          tpu.wait_indirect_dma semaphore(%run_scoped3A_184 : memref<!tpu.dma_semaphore, #tpu.memory_space<semaphore_mem>>) src(%dma_wait3A_198 : memref<128x128xf32, #tpu.memory_space<vmem>>) dst(%dma_wait3A_204 : memref<10240x128xf32, #tpu.memory_space<vmem_shared>>)
          tpu.yield
        }) : () -> ()
        %add3A_177 = arith.constant 2 : i32
        %add3A_178 = arith.addi %add3A_160, %add3A_177 : i32
        %lt3A_179 = arith.constant 40 : i32
        %lt3A_180 = arith.cmpi slt, %add3A_178, %lt3A_179 : i32
        %convert_element_type3A_181 = arith.extui %lt3A_180 : i1 to i32
        %cond3A_182 = arith.constant 0 : i32
        %cond3A_183 = arith.cmpi ne, %convert_element_type3A_181, %cond3A_182 : i32
        scf.if %cond3A_183 {
          %add3A_184 = arith.constant 2 : i32
          %add3A_185 = arith.addi %add3A_160, %add3A_184 : i32
          %mul3A_186 = arith.constant 80 : i32
          %mul3A_187 = arith.muli %arg1, %mul3A_186 : i32
          %add3A_188 = arith.constant 40 : i32
          %add3A_189 = arith.addi %mul3A_187, %add3A_188 : i32
          %add3A_190 = arith.addi %add3A_189, %add3A_185 : i32
          %mul3A_191 = arith.constant 128 : i32
          %mul3A_192 = arith.muli %add3A_190, %mul3A_191 : i32
          %dma_start3A_193 = arith.constant 1 : i32
          %dma_start3A_194 = arith.constant 0 : i32
          %dma_start3A_195 = arith.constant 0 : i32
          %dma_start3A_196 = tpu.memref_slice %arg9[%dma_start3A_193, %dma_start3A_194, %dma_start3A_195] : memref<2x128x128xf32, #tpu.memory_space<vmem>> -> memref<1x128x128xf32, #tpu.memory_space<vmem>>
          %dma_start3A_197 = tpu.memref_squeeze %dma_start3A_196 : memref<1x128x128xf32, #tpu.memory_space<vmem>> -> memref<128x128xf32, #tpu.memory_space<vmem>>
          %dma_start3A_198 = arith.constant 0 : i32
          %dma_start3A_199 = tpu.memref_slice %arg2[%mul3A_192, %dma_start3A_198] : memref<163840x128xf32, #tpu.memory_space<hbm>> -> memref<128x128xf32, #tpu.memory_space<hbm>>
          %dma_start3A_200 = arith.constant 0 : i32
          %dma_start3A_201 = arith.constant 0 : i32
          %dma_start3A_202 = tpu.memref_slice %arg9[%dma_start3A_193, %dma_start3A_200, %dma_start3A_201] : memref<2x128x128xf32, #tpu.memory_space<vmem>> -> memref<1x128x128xf32, #tpu.memory_space<vmem>>
          %dma_start3A_203 = tpu.memref_squeeze %dma_start3A_202 : memref<1x128x128xf32, #tpu.memory_space<vmem>> -> memref<128x128xf32, #tpu.memory_space<vmem>>
          %dma_start3A_204 = arith.constant 0 : i32
          %dma_start3A_205 = tpu.memref_slice %arg2[%mul3A_192, %dma_start3A_204] : memref<163840x128xf32, #tpu.memory_space<hbm>> -> memref<128x128xf32, #tpu.memory_space<hbm>>
          tpu.enqueue_dma source(%dma_start3A_205 : memref<128x128xf32, #tpu.memory_space<hbm>>) target(%dma_start3A_203 : memref<128x128xf32, #tpu.memory_space<vmem>>) target_semaphore(%arg12 : memref<!tpu.dma_semaphore, #tpu.memory_space<semaphore_mem>>)
        } else {
        }
      }
      %scan3A_100 = arith.constant 20 : i32
      %barrier3A_101 = arith.constant 0 : index
      tpu.barrier barrier_id(%barrier3A_101)
      %mul3A_102 = arith.constant 640 : i32
      %mul3A_103 = arith.muli %arg1, %mul3A_102 : i32
      %add3A_104 = arith.constant 0 : i32
      %add3A_105 = arith.addi %mul3A_103, %add3A_104 : i32
      %run_scoped3A = arith.constant 0 : i32
      "tpu.region"() ({
        %run_scoped3A_131 = tpu.sem_alloc : memref<!tpu.dma_semaphore, #tpu.memory_space<semaphore_mem>>
        %dma_start3A_132 = arith.constant 0 : i32
        %dma_start3A_133 = arith.constant 0 : i32
        %dma_start3A_134 = tpu.memref_slice %arg9[%run_scoped3A, %dma_start3A_132, %dma_start3A_133] : memref<2x128x128xf32, #tpu.memory_space<vmem>> -> memref<1x128x128xf32, #tpu.memory_space<vmem>>
        %dma_start3A_135 = tpu.memref_squeeze %dma_start3A_134 : memref<1x128x128xf32, #tpu.memory_space<vmem>> -> memref<128x128xf32, #tpu.memory_space<vmem>>
        %dma_start3A_136 = arith.constant 0 : i32
        %dma_start3A_137 = tpu.memref_slice %arg10[%add3A_105, %dma_start3A_136] : memref<10240x128xf32, #tpu.memory_space<vmem_shared>> -> memref<128x128xf32, #tpu.memory_space<vmem_shared>>
        %dma_start3A_138 = arith.constant 0 : i32
        %dma_start3A_139 = arith.constant 0 : i32
        %dma_start3A_140 = tpu.memref_slice %arg9[%run_scoped3A, %dma_start3A_138, %dma_start3A_139] : memref<2x128x128xf32, #tpu.memory_space<vmem>> -> memref<1x128x128xf32, #tpu.memory_space<vmem>>
        %dma_start3A_141 = tpu.memref_squeeze %dma_start3A_140 : memref<1x128x128xf32, #tpu.memory_space<vmem>> -> memref<128x128xf32, #tpu.memory_space<vmem>>
        %dma_start3A_142 = arith.constant 0 : i32
        %dma_start3A_143 = tpu.memref_slice %arg10[%add3A_105, %dma_start3A_142] : memref<10240x128xf32, #tpu.memory_space<vmem_shared>> -> memref<128x128xf32, #tpu.memory_space<vmem_shared>>
        tpu.enqueue_dma source(%dma_start3A_143 : memref<128x128xf32, #tpu.memory_space<vmem_shared>>) target(%dma_start3A_141 : memref<128x128xf32, #tpu.memory_space<vmem>>) target_semaphore(%run_scoped3A_131 : memref<!tpu.dma_semaphore, #tpu.memory_space<semaphore_mem>>)
        %dma_wait3A = arith.constant 0 : i32
        %dma_wait3A_144 = arith.constant 0 : i32
        %dma_wait3A_145 = tpu.memref_slice %arg9[%run_scoped3A, %dma_wait3A, %dma_wait3A_144] : memref<2x128x128xf32, #tpu.memory_space<vmem>> -> memref<1x128x128xf32, #tpu.memory_space<vmem>>
        %dma_wait3A_146 = tpu.memref_squeeze %dma_wait3A_145 : memref<1x128x128xf32, #tpu.memory_space<vmem>> -> memref<128x128xf32, #tpu.memory_space<vmem>>
        %dma_wait3A_147 = arith.constant 0 : i32
        %dma_wait3A_148 = tpu.memref_slice %arg10[%add3A_105, %dma_wait3A_147] : memref<10240x128xf32, #tpu.memory_space<vmem_shared>> -> memref<128x128xf32, #tpu.memory_space<vmem_shared>>
        %dma_wait3A_149 = arith.constant 0 : i32
        %dma_wait3A_150 = arith.constant 0 : i32
        %dma_wait3A_151 = tpu.memref_slice %arg9[%run_scoped3A, %dma_wait3A_149, %dma_wait3A_150] : memref<2x128x128xf32, #tpu.memory_space<vmem>> -> memref<1x128x128xf32, #tpu.memory_space<vmem>>
        %dma_wait3A_152 = tpu.memref_squeeze %dma_wait3A_151 : memref<1x128x128xf32, #tpu.memory_space<vmem>> -> memref<128x128xf32, #tpu.memory_space<vmem>>
        %dma_wait3A_153 = arith.constant 0 : i32
        %dma_wait3A_154 = tpu.memref_slice %arg10[%add3A_105, %dma_wait3A_153] : memref<10240x128xf32, #tpu.memory_space<vmem_shared>> -> memref<128x128xf32, #tpu.memory_space<vmem_shared>>
        tpu.wait_dma2 semaphore(%run_scoped3A_131 : memref<!tpu.dma_semaphore, #tpu.memory_space<semaphore_mem>>) src(%dma_wait3A_154 : memref<128x128xf32, #tpu.memory_space<vmem_shared>>) dst(%dma_wait3A_152 : memref<128x128xf32, #tpu.memory_space<vmem>>)
        tpu.yield
      }) : () -> ()
      %run_scoped3A_106 = arith.constant 0 : i32
      "tpu.region"() ({
        %run_scoped3A_131 = tpu.sem_alloc : memref<!tpu.dma_semaphore, #tpu.memory_space<semaphore_mem>>
        %dma_start3A_132 = arith.constant 0 : i32
        %dma_start3A_133 = arith.constant 0 : i32
        %dma_start3A_134 = tpu.memref_slice %arg9[%run_scoped3A_106, %dma_start3A_132, %dma_start3A_133] : memref<2x128x128xf32, #tpu.memory_space<vmem>> -> memref<1x128x128xf32, #tpu.memory_space<vmem>>
        %dma_start3A_135 = tpu.memref_squeeze %dma_start3A_134 : memref<1x128x128xf32, #tpu.memory_space<vmem>> -> memref<128x128xf32, #tpu.memory_space<vmem>>
        %dma_start3A_136 = arith.constant 0 : i32
        %dma_start3A_137 = tpu.memref_slice %arg6[%add3A_105, %dma_start3A_136] : memref<10240x128xf32, #tpu.memory_space<hbm>> -> memref<128x128xf32, #tpu.memory_space<hbm>>
        %dma_start3A_138 = arith.constant 0 : i32
        %dma_start3A_139 = tpu.memref_slice %arg6[%add3A_105, %dma_start3A_138] : memref<10240x128xf32, #tpu.memory_space<hbm>> -> memref<128x128xf32, #tpu.memory_space<hbm>>
        %dma_start3A_140 = arith.constant 0 : i32
        %dma_start3A_141 = arith.constant 0 : i32
        %dma_start3A_142 = tpu.memref_slice %arg9[%run_scoped3A_106, %dma_start3A_140, %dma_start3A_141] : memref<2x128x128xf32, #tpu.memory_space<vmem>> -> memref<1x128x128xf32, #tpu.memory_space<vmem>>
        %dma_start3A_143 = tpu.memref_squeeze %dma_start3A_142 : memref<1x128x128xf32, #tpu.memory_space<vmem>> -> memref<128x128xf32, #tpu.memory_space<vmem>>
        tpu.enqueue_dma source(%dma_start3A_143 : memref<128x128xf32, #tpu.memory_space<vmem>>) target(%dma_start3A_139 : memref<128x128xf32, #tpu.memory_space<hbm>>) target_semaphore(%run_scoped3A_131 : memref<!tpu.dma_semaphore, #tpu.memory_space<semaphore_mem>>)
        %dma_wait3A = arith.constant 0 : i32
        %dma_wait3A_144 = arith.constant 0 : i32
        %dma_wait3A_145 = tpu.memref_slice %arg9[%run_scoped3A_106, %dma_wait3A, %dma_wait3A_144] : memref<2x128x128xf32, #tpu.memory_space<vmem>> -> memref<1x128x128xf32, #tpu.memory_space<vmem>>
        %dma_wait3A_146 = tpu.memref_squeeze %dma_wait3A_145 : memref<1x128x128xf32, #tpu.memory_space<vmem>> -> memref<128x128xf32, #tpu.memory_space<vmem>>
        %dma_wait3A_147 = arith.constant 0 : i32
        %dma_wait3A_148 = tpu.memref_slice %arg6[%add3A_105, %dma_wait3A_147] : memref<10240x128xf32, #tpu.memory_space<hbm>> -> memref<128x128xf32, #tpu.memory_space<hbm>>
        %dma_wait3A_149 = arith.constant 0 : i32
        %dma_wait3A_150 = tpu.memref_slice %arg6[%add3A_105, %dma_wait3A_149] : memref<10240x128xf32, #tpu.memory_space<hbm>> -> memref<128x128xf32, #tpu.memory_space<hbm>>
        %dma_wait3A_151 = arith.constant 0 : i32
        %dma_wait3A_152 = arith.constant 0 : i32
        %dma_wait3A_153 = tpu.memref_slice %arg9[%run_scoped3A_106, %dma_wait3A_151, %dma_wait3A_152] : memref<2x128x128xf32, #tpu.memory_space<vmem>> -> memref<1x128x128xf32, #tpu.memory_space<vmem>>
        %dma_wait3A_154 = tpu.memref_squeeze %dma_wait3A_153 : memref<1x128x128xf32, #tpu.memory_space<vmem>> -> memref<128x128xf32, #tpu.memory_space<vmem>>
        tpu.wait_dma2 semaphore(%run_scoped3A_131 : memref<!tpu.dma_semaphore, #tpu.memory_space<semaphore_mem>>) src(%dma_wait3A_154 : memref<128x128xf32, #tpu.memory_space<vmem>>) dst(%dma_wait3A_150 : memref<128x128xf32, #tpu.memory_space<hbm>>)
        tpu.yield
      }) : () -> ()
      %mul3A_107 = arith.constant 640 : i32
      %mul3A_108 = arith.muli %arg1, %mul3A_107 : i32
      %add3A_109 = arith.constant 128 : i32
      %add3A_110 = arith.addi %mul3A_108, %add3A_109 : i32
      %run_scoped3A_111 = arith.constant 0 : i32
      "tpu.region"() ({
        %run_scoped3A_131 = tpu.sem_alloc : memref<!tpu.dma_semaphore, #tpu.memory_space<semaphore_mem>>
        %dma_start3A_132 = arith.constant 0 : i32
        %dma_start3A_133 = arith.constant 0 : i32
        %dma_start3A_134 = tpu.memref_slice %arg9[%run_scoped3A_111, %dma_start3A_132, %dma_start3A_133] : memref<2x128x128xf32, #tpu.memory_space<vmem>> -> memref<1x128x128xf32, #tpu.memory_space<vmem>>
        %dma_start3A_135 = tpu.memref_squeeze %dma_start3A_134 : memref<1x128x128xf32, #tpu.memory_space<vmem>> -> memref<128x128xf32, #tpu.memory_space<vmem>>
        %dma_start3A_136 = arith.constant 0 : i32
        %dma_start3A_137 = tpu.memref_slice %arg10[%add3A_110, %dma_start3A_136] : memref<10240x128xf32, #tpu.memory_space<vmem_shared>> -> memref<128x128xf32, #tpu.memory_space<vmem_shared>>
        %dma_start3A_138 = arith.constant 0 : i32
        %dma_start3A_139 = arith.constant 0 : i32
        %dma_start3A_140 = tpu.memref_slice %arg9[%run_scoped3A_111, %dma_start3A_138, %dma_start3A_139] : memref<2x128x128xf32, #tpu.memory_space<vmem>> -> memref<1x128x128xf32, #tpu.memory_space<vmem>>
        %dma_start3A_141 = tpu.memref_squeeze %dma_start3A_140 : memref<1x128x128xf32, #tpu.memory_space<vmem>> -> memref<128x128xf32, #tpu.memory_space<vmem>>
        %dma_start3A_142 = arith.constant 0 : i32
        %dma_start3A_143 = tpu.memref_slice %arg10[%add3A_110, %dma_start3A_142] : memref<10240x128xf32, #tpu.memory_space<vmem_shared>> -> memref<128x128xf32, #tpu.memory_space<vmem_shared>>
        tpu.enqueue_dma source(%dma_start3A_143 : memref<128x128xf32, #tpu.memory_space<vmem_shared>>) target(%dma_start3A_141 : memref<128x128xf32, #tpu.memory_space<vmem>>) target_semaphore(%run_scoped3A_131 : memref<!tpu.dma_semaphore, #tpu.memory_space<semaphore_mem>>)
        %dma_wait3A = arith.constant 0 : i32
        %dma_wait3A_144 = arith.constant 0 : i32
        %dma_wait3A_145 = tpu.memref_slice %arg9[%run_scoped3A_111, %dma_wait3A, %dma_wait3A_144] : memref<2x128x128xf32, #tpu.memory_space<vmem>> -> memref<1x128x128xf32, #tpu.memory_space<vmem>>
        %dma_wait3A_146 = tpu.memref_squeeze %dma_wait3A_145 : memref<1x128x128xf32, #tpu.memory_space<vmem>> -> memref<128x128xf32, #tpu.memory_space<vmem>>
        %dma_wait3A_147 = arith.constant 0 : i32
        %dma_wait3A_148 = tpu.memref_slice %arg10[%add3A_110, %dma_wait3A_147] : memref<10240x128xf32, #tpu.memory_space<vmem_shared>> -> memref<128x128xf32, #tpu.memory_space<vmem_shared>>
        %dma_wait3A_149 = arith.constant 0 : i32
        %dma_wait3A_150 = arith.constant 0 : i32
        %dma_wait3A_151 = tpu.memref_slice %arg9[%run_scoped3A_111, %dma_wait3A_149, %dma_wait3A_150] : memref<2x128x128xf32, #tpu.memory_space<vmem>> -> memref<1x128x128xf32, #tpu.memory_space<vmem>>
        %dma_wait3A_152 = tpu.memref_squeeze %dma_wait3A_151 : memref<1x128x128xf32, #tpu.memory_space<vmem>> -> memref<128x128xf32, #tpu.memory_space<vmem>>
        %dma_wait3A_153 = arith.constant 0 : i32
        %dma_wait3A_154 = tpu.memref_slice %arg10[%add3A_110, %dma_wait3A_153] : memref<10240x128xf32, #tpu.memory_space<vmem_shared>> -> memref<128x128xf32, #tpu.memory_space<vmem_shared>>
        tpu.wait_dma2 semaphore(%run_scoped3A_131 : memref<!tpu.dma_semaphore, #tpu.memory_space<semaphore_mem>>) src(%dma_wait3A_154 : memref<128x128xf32, #tpu.memory_space<vmem_shared>>) dst(%dma_wait3A_152 : memref<128x128xf32, #tpu.memory_space<vmem>>)
        tpu.yield
      }) : () -> ()
      %run_scoped3A_112 = arith.constant 0 : i32
      "tpu.region"() ({
        %run_scoped3A_131 = tpu.sem_alloc : memref<!tpu.dma_semaphore, #tpu.memory_space<semaphore_mem>>
        %dma_start3A_132 = arith.constant 0 : i32
        %dma_start3A_133 = arith.constant 0 : i32
        %dma_start3A_134 = tpu.memref_slice %arg9[%run_scoped3A_112, %dma_start3A_132, %dma_start3A_133] : memref<2x128x128xf32, #tpu.memory_space<vmem>> -> memref<1x128x128xf32, #tpu.memory_space<vmem>>
        %dma_start3A_135 = tpu.memref_squeeze %dma_start3A_134 : memref<1x128x128xf32, #tpu.memory_space<vmem>> -> memref<128x128xf32, #tpu.memory_space<vmem>>
        %dma_start3A_136 = arith.constant 0 : i32
        %dma_start3A_137 = tpu.memref_slice %arg6[%add3A_110, %dma_start3A_136] : memref<10240x128xf32, #tpu.memory_space<hbm>> -> memref<128x128xf32, #tpu.memory_space<hbm>>
        %dma_start3A_138 = arith.constant 0 : i32
        %dma_start3A_139 = tpu.memref_slice %arg6[%add3A_110, %dma_start3A_138] : memref<10240x128xf32, #tpu.memory_space<hbm>> -> memref<128x128xf32, #tpu.memory_space<hbm>>
        %dma_start3A_140 = arith.constant 0 : i32
        %dma_start3A_141 = arith.constant 0 : i32
        %dma_start3A_142 = tpu.memref_slice %arg9[%run_scoped3A_112, %dma_start3A_140, %dma_start3A_141] : memref<2x128x128xf32, #tpu.memory_space<vmem>> -> memref<1x128x128xf32, #tpu.memory_space<vmem>>
        %dma_start3A_143 = tpu.memref_squeeze %dma_start3A_142 : memref<1x128x128xf32, #tpu.memory_space<vmem>> -> memref<128x128xf32, #tpu.memory_space<vmem>>
        tpu.enqueue_dma source(%dma_start3A_143 : memref<128x128xf32, #tpu.memory_space<vmem>>) target(%dma_start3A_139 : memref<128x128xf32, #tpu.memory_space<hbm>>) target_semaphore(%run_scoped3A_131 : memref<!tpu.dma_semaphore, #tpu.memory_space<semaphore_mem>>)
        %dma_wait3A = arith.constant 0 : i32
        %dma_wait3A_144 = arith.constant 0 : i32
        %dma_wait3A_145 = tpu.memref_slice %arg9[%run_scoped3A_112, %dma_wait3A, %dma_wait3A_144] : memref<2x128x128xf32, #tpu.memory_space<vmem>> -> memref<1x128x128xf32, #tpu.memory_space<vmem>>
        %dma_wait3A_146 = tpu.memref_squeeze %dma_wait3A_145 : memref<1x128x128xf32, #tpu.memory_space<vmem>> -> memref<128x128xf32, #tpu.memory_space<vmem>>
        %dma_wait3A_147 = arith.constant 0 : i32
        %dma_wait3A_148 = tpu.memref_slice %arg6[%add3A_110, %dma_wait3A_147] : memref<10240x128xf32, #tpu.memory_space<hbm>> -> memref<128x128xf32, #tpu.memory_space<hbm>>
        %dma_wait3A_149 = arith.constant 0 : i32
        %dma_wait3A_150 = tpu.memref_slice %arg6[%add3A_110, %dma_wait3A_149] : memref<10240x128xf32, #tpu.memory_space<hbm>> -> memref<128x128xf32, #tpu.memory_space<hbm>>
        %dma_wait3A_151 = arith.constant 0 : i32
        %dma_wait3A_152 = arith.constant 0 : i32
        %dma_wait3A_153 = tpu.memref_slice %arg9[%run_scoped3A_112, %dma_wait3A_151, %dma_wait3A_152] : memref<2x128x128xf32, #tpu.memory_space<vmem>> -> memref<1x128x128xf32, #tpu.memory_space<vmem>>
        %dma_wait3A_154 = tpu.memref_squeeze %dma_wait3A_153 : memref<1x128x128xf32, #tpu.memory_space<vmem>> -> memref<128x128xf32, #tpu.memory_space<vmem>>
        tpu.wait_dma2 semaphore(%run_scoped3A_131 : memref<!tpu.dma_semaphore, #tpu.memory_space<semaphore_mem>>) src(%dma_wait3A_154 : memref<128x128xf32, #tpu.memory_space<vmem>>) dst(%dma_wait3A_150 : memref<128x128xf32, #tpu.memory_space<hbm>>)
        tpu.yield
      }) : () -> ()
      %mul3A_113 = arith.constant 640 : i32
      %mul3A_114 = arith.muli %arg1, %mul3A_113 : i32
      %add3A_115 = arith.constant 256 : i32
      %add3A_116 = arith.addi %mul3A_114, %add3A_115 : i32
      %run_scoped3A_117 = arith.constant 0 : i32
      "tpu.region"() ({
        %run_scoped3A_131 = tpu.sem_alloc : memref<!tpu.dma_semaphore, #tpu.memory_space<semaphore_mem>>
        %dma_start3A_132 = arith.constant 0 : i32
        %dma_start3A_133 = arith.constant 0 : i32
        %dma_start3A_134 = tpu.memref_slice %arg9[%run_scoped3A_117, %dma_start3A_132, %dma_start3A_133] : memref<2x128x128xf32, #tpu.memory_space<vmem>> -> memref<1x128x128xf32, #tpu.memory_space<vmem>>
        %dma_start3A_135 = tpu.memref_squeeze %dma_start3A_134 : memref<1x128x128xf32, #tpu.memory_space<vmem>> -> memref<128x128xf32, #tpu.memory_space<vmem>>
        %dma_start3A_136 = arith.constant 0 : i32
        %dma_start3A_137 = tpu.memref_slice %arg10[%add3A_116, %dma_start3A_136] : memref<10240x128xf32, #tpu.memory_space<vmem_shared>> -> memref<128x128xf32, #tpu.memory_space<vmem_shared>>
        %dma_start3A_138 = arith.constant 0 : i32
        %dma_start3A_139 = arith.constant 0 : i32
        %dma_start3A_140 = tpu.memref_slice %arg9[%run_scoped3A_117, %dma_start3A_138, %dma_start3A_139] : memref<2x128x128xf32, #tpu.memory_space<vmem>> -> memref<1x128x128xf32, #tpu.memory_space<vmem>>
        %dma_start3A_141 = tpu.memref_squeeze %dma_start3A_140 : memref<1x128x128xf32, #tpu.memory_space<vmem>> -> memref<128x128xf32, #tpu.memory_space<vmem>>
        %dma_start3A_142 = arith.constant 0 : i32
        %dma_start3A_143 = tpu.memref_slice %arg10[%add3A_116, %dma_start3A_142] : memref<10240x128xf32, #tpu.memory_space<vmem_shared>> -> memref<128x128xf32, #tpu.memory_space<vmem_shared>>
        tpu.enqueue_dma source(%dma_start3A_143 : memref<128x128xf32, #tpu.memory_space<vmem_shared>>) target(%dma_start3A_141 : memref<128x128xf32, #tpu.memory_space<vmem>>) target_semaphore(%run_scoped3A_131 : memref<!tpu.dma_semaphore, #tpu.memory_space<semaphore_mem>>)
        %dma_wait3A = arith.constant 0 : i32
        %dma_wait3A_144 = arith.constant 0 : i32
        %dma_wait3A_145 = tpu.memref_slice %arg9[%run_scoped3A_117, %dma_wait3A, %dma_wait3A_144] : memref<2x128x128xf32, #tpu.memory_space<vmem>> -> memref<1x128x128xf32, #tpu.memory_space<vmem>>
        %dma_wait3A_146 = tpu.memref_squeeze %dma_wait3A_145 : memref<1x128x128xf32, #tpu.memory_space<vmem>> -> memref<128x128xf32, #tpu.memory_space<vmem>>
        %dma_wait3A_147 = arith.constant 0 : i32
        %dma_wait3A_148 = tpu.memref_slice %arg10[%add3A_116, %dma_wait3A_147] : memref<10240x128xf32, #tpu.memory_space<vmem_shared>> -> memref<128x128xf32, #tpu.memory_space<vmem_shared>>
        %dma_wait3A_149 = arith.constant 0 : i32
        %dma_wait3A_150 = arith.constant 0 : i32
        %dma_wait3A_151 = tpu.memref_slice %arg9[%run_scoped3A_117, %dma_wait3A_149, %dma_wait3A_150] : memref<2x128x128xf32, #tpu.memory_space<vmem>> -> memref<1x128x128xf32, #tpu.memory_space<vmem>>
        %dma_wait3A_152 = tpu.memref_squeeze %dma_wait3A_151 : memref<1x128x128xf32, #tpu.memory_space<vmem>> -> memref<128x128xf32, #tpu.memory_space<vmem>>
        %dma_wait3A_153 = arith.constant 0 : i32
        %dma_wait3A_154 = tpu.memref_slice %arg10[%add3A_116, %dma_wait3A_153] : memref<10240x128xf32, #tpu.memory_space<vmem_shared>> -> memref<128x128xf32, #tpu.memory_space<vmem_shared>>
        tpu.wait_dma2 semaphore(%run_scoped3A_131 : memref<!tpu.dma_semaphore, #tpu.memory_space<semaphore_mem>>) src(%dma_wait3A_154 : memref<128x128xf32, #tpu.memory_space<vmem_shared>>) dst(%dma_wait3A_152 : memref<128x128xf32, #tpu.memory_space<vmem>>)
        tpu.yield
      }) : () -> ()
      %run_scoped3A_118 = arith.constant 0 : i32
      "tpu.region"() ({
        %run_scoped3A_131 = tpu.sem_alloc : memref<!tpu.dma_semaphore, #tpu.memory_space<semaphore_mem>>
        %dma_start3A_132 = arith.constant 0 : i32
        %dma_start3A_133 = arith.constant 0 : i32
        %dma_start3A_134 = tpu.memref_slice %arg9[%run_scoped3A_118, %dma_start3A_132, %dma_start3A_133] : memref<2x128x128xf32, #tpu.memory_space<vmem>> -> memref<1x128x128xf32, #tpu.memory_space<vmem>>
        %dma_start3A_135 = tpu.memref_squeeze %dma_start3A_134 : memref<1x128x128xf32, #tpu.memory_space<vmem>> -> memref<128x128xf32, #tpu.memory_space<vmem>>
        %dma_start3A_136 = arith.constant 0 : i32
        %dma_start3A_137 = tpu.memref_slice %arg6[%add3A_116, %dma_start3A_136] : memref<10240x128xf32, #tpu.memory_space<hbm>> -> memref<128x128xf32, #tpu.memory_space<hbm>>
        %dma_start3A_138 = arith.constant 0 : i32
        %dma_start3A_139 = tpu.memref_slice %arg6[%add3A_116, %dma_start3A_138] : memref<10240x128xf32, #tpu.memory_space<hbm>> -> memref<128x128xf32, #tpu.memory_space<hbm>>
        %dma_start3A_140 = arith.constant 0 : i32
        %dma_start3A_141 = arith.constant 0 : i32
        %dma_start3A_142 = tpu.memref_slice %arg9[%run_scoped3A_118, %dma_start3A_140, %dma_start3A_141] : memref<2x128x128xf32, #tpu.memory_space<vmem>> -> memref<1x128x128xf32, #tpu.memory_space<vmem>>
        %dma_start3A_143 = tpu.memref_squeeze %dma_start3A_142 : memref<1x128x128xf32, #tpu.memory_space<vmem>> -> memref<128x128xf32, #tpu.memory_space<vmem>>
        tpu.enqueue_dma source(%dma_start3A_143 : memref<128x128xf32, #tpu.memory_space<vmem>>) target(%dma_start3A_139 : memref<128x128xf32, #tpu.memory_space<hbm>>) target_semaphore(%run_scoped3A_131 : memref<!tpu.dma_semaphore, #tpu.memory_space<semaphore_mem>>)
        %dma_wait3A = arith.constant 0 : i32
        %dma_wait3A_144 = arith.constant 0 : i32
        %dma_wait3A_145 = tpu.memref_slice %arg9[%run_scoped3A_118, %dma_wait3A, %dma_wait3A_144] : memref<2x128x128xf32, #tpu.memory_space<vmem>> -> memref<1x128x128xf32, #tpu.memory_space<vmem>>
        %dma_wait3A_146 = tpu.memref_squeeze %dma_wait3A_145 : memref<1x128x128xf32, #tpu.memory_space<vmem>> -> memref<128x128xf32, #tpu.memory_space<vmem>>
        %dma_wait3A_147 = arith.constant 0 : i32
        %dma_wait3A_148 = tpu.memref_slice %arg6[%add3A_116, %dma_wait3A_147] : memref<10240x128xf32, #tpu.memory_space<hbm>> -> memref<128x128xf32, #tpu.memory_space<hbm>>
        %dma_wait3A_149 = arith.constant 0 : i32
        %dma_wait3A_150 = tpu.memref_slice %arg6[%add3A_116, %dma_wait3A_149] : memref<10240x128xf32, #tpu.memory_space<hbm>> -> memref<128x128xf32, #tpu.memory_space<hbm>>
        %dma_wait3A_151 = arith.constant 0 : i32
        %dma_wait3A_152 = arith.constant 0 : i32
        %dma_wait3A_153 = tpu.memref_slice %arg9[%run_scoped3A_118, %dma_wait3A_151, %dma_wait3A_152] : memref<2x128x128xf32, #tpu.memory_space<vmem>> -> memref<1x128x128xf32, #tpu.memory_space<vmem>>
        %dma_wait3A_154 = tpu.memref_squeeze %dma_wait3A_153 : memref<1x128x128xf32, #tpu.memory_space<vmem>> -> memref<128x128xf32, #tpu.memory_space<vmem>>
        tpu.wait_dma2 semaphore(%run_scoped3A_131 : memref<!tpu.dma_semaphore, #tpu.memory_space<semaphore_mem>>) src(%dma_wait3A_154 : memref<128x128xf32, #tpu.memory_space<vmem>>) dst(%dma_wait3A_150 : memref<128x128xf32, #tpu.memory_space<hbm>>)
        tpu.yield
      }) : () -> ()
      %mul3A_119 = arith.constant 640 : i32
      %mul3A_120 = arith.muli %arg1, %mul3A_119 : i32
      %add3A_121 = arith.constant 384 : i32
      %add3A_122 = arith.addi %mul3A_120, %add3A_121 : i32
      %run_scoped3A_123 = arith.constant 0 : i32
      "tpu.region"() ({
        %run_scoped3A_131 = tpu.sem_alloc : memref<!tpu.dma_semaphore, #tpu.memory_space<semaphore_mem>>
        %dma_start3A_132 = arith.constant 0 : i32
        %dma_start3A_133 = arith.constant 0 : i32
        %dma_start3A_134 = tpu.memref_slice %arg9[%run_scoped3A_123, %dma_start3A_132, %dma_start3A_133] : memref<2x128x128xf32, #tpu.memory_space<vmem>> -> memref<1x128x128xf32, #tpu.memory_space<vmem>>
        %dma_start3A_135 = tpu.memref_squeeze %dma_start3A_134 : memref<1x128x128xf32, #tpu.memory_space<vmem>> -> memref<128x128xf32, #tpu.memory_space<vmem>>
        %dma_start3A_136 = arith.constant 0 : i32
        %dma_start3A_137 = tpu.memref_slice %arg10[%add3A_122, %dma_start3A_136] : memref<10240x128xf32, #tpu.memory_space<vmem_shared>> -> memref<128x128xf32, #tpu.memory_space<vmem_shared>>
        %dma_start3A_138 = arith.constant 0 : i32
        %dma_start3A_139 = arith.constant 0 : i32
        %dma_start3A_140 = tpu.memref_slice %arg9[%run_scoped3A_123, %dma_start3A_138, %dma_start3A_139] : memref<2x128x128xf32, #tpu.memory_space<vmem>> -> memref<1x128x128xf32, #tpu.memory_space<vmem>>
        %dma_start3A_141 = tpu.memref_squeeze %dma_start3A_140 : memref<1x128x128xf32, #tpu.memory_space<vmem>> -> memref<128x128xf32, #tpu.memory_space<vmem>>
        %dma_start3A_142 = arith.constant 0 : i32
        %dma_start3A_143 = tpu.memref_slice %arg10[%add3A_122, %dma_start3A_142] : memref<10240x128xf32, #tpu.memory_space<vmem_shared>> -> memref<128x128xf32, #tpu.memory_space<vmem_shared>>
        tpu.enqueue_dma source(%dma_start3A_143 : memref<128x128xf32, #tpu.memory_space<vmem_shared>>) target(%dma_start3A_141 : memref<128x128xf32, #tpu.memory_space<vmem>>) target_semaphore(%run_scoped3A_131 : memref<!tpu.dma_semaphore, #tpu.memory_space<semaphore_mem>>)
        %dma_wait3A = arith.constant 0 : i32
        %dma_wait3A_144 = arith.constant 0 : i32
        %dma_wait3A_145 = tpu.memref_slice %arg9[%run_scoped3A_123, %dma_wait3A, %dma_wait3A_144] : memref<2x128x128xf32, #tpu.memory_space<vmem>> -> memref<1x128x128xf32, #tpu.memory_space<vmem>>
        %dma_wait3A_146 = tpu.memref_squeeze %dma_wait3A_145 : memref<1x128x128xf32, #tpu.memory_space<vmem>> -> memref<128x128xf32, #tpu.memory_space<vmem>>
        %dma_wait3A_147 = arith.constant 0 : i32
        %dma_wait3A_148 = tpu.memref_slice %arg10[%add3A_122, %dma_wait3A_147] : memref<10240x128xf32, #tpu.memory_space<vmem_shared>> -> memref<128x128xf32, #tpu.memory_space<vmem_shared>>
        %dma_wait3A_149 = arith.constant 0 : i32
        %dma_wait3A_150 = arith.constant 0 : i32
        %dma_wait3A_151 = tpu.memref_slice %arg9[%run_scoped3A_123, %dma_wait3A_149, %dma_wait3A_150] : memref<2x128x128xf32, #tpu.memory_space<vmem>> -> memref<1x128x128xf32, #tpu.memory_space<vmem>>
        %dma_wait3A_152 = tpu.memref_squeeze %dma_wait3A_151 : memref<1x128x128xf32, #tpu.memory_space<vmem>> -> memref<128x128xf32, #tpu.memory_space<vmem>>
        %dma_wait3A_153 = arith.constant 0 : i32
        %dma_wait3A_154 = tpu.memref_slice %arg10[%add3A_122, %dma_wait3A_153] : memref<10240x128xf32, #tpu.memory_space<vmem_shared>> -> memref<128x128xf32, #tpu.memory_space<vmem_shared>>
        tpu.wait_dma2 semaphore(%run_scoped3A_131 : memref<!tpu.dma_semaphore, #tpu.memory_space<semaphore_mem>>) src(%dma_wait3A_154 : memref<128x128xf32, #tpu.memory_space<vmem_shared>>) dst(%dma_wait3A_152 : memref<128x128xf32, #tpu.memory_space<vmem>>)
        tpu.yield
      }) : () -> ()
      %run_scoped3A_124 = arith.constant 0 : i32
      "tpu.region"() ({
        %run_scoped3A_131 = tpu.sem_alloc : memref<!tpu.dma_semaphore, #tpu.memory_space<semaphore_mem>>
        %dma_start3A_132 = arith.constant 0 : i32
        %dma_start3A_133 = arith.constant 0 : i32
        %dma_start3A_134 = tpu.memref_slice %arg9[%run_scoped3A_124, %dma_start3A_132, %dma_start3A_133] : memref<2x128x128xf32, #tpu.memory_space<vmem>> -> memref<1x128x128xf32, #tpu.memory_space<vmem>>
        %dma_start3A_135 = tpu.memref_squeeze %dma_start3A_134 : memref<1x128x128xf32, #tpu.memory_space<vmem>> -> memref<128x128xf32, #tpu.memory_space<vmem>>
        %dma_start3A_136 = arith.constant 0 : i32
        %dma_start3A_137 = tpu.memref_slice %arg6[%add3A_122, %dma_start3A_136] : memref<10240x128xf32, #tpu.memory_space<hbm>> -> memref<128x128xf32, #tpu.memory_space<hbm>>
        %dma_start3A_138 = arith.constant 0 : i32
        %dma_start3A_139 = tpu.memref_slice %arg6[%add3A_122, %dma_start3A_138] : memref<10240x128xf32, #tpu.memory_space<hbm>> -> memref<128x128xf32, #tpu.memory_space<hbm>>
        %dma_start3A_140 = arith.constant 0 : i32
        %dma_start3A_141 = arith.constant 0 : i32
        %dma_start3A_142 = tpu.memref_slice %arg9[%run_scoped3A_124, %dma_start3A_140, %dma_start3A_141] : memref<2x128x128xf32, #tpu.memory_space<vmem>> -> memref<1x128x128xf32, #tpu.memory_space<vmem>>
        %dma_start3A_143 = tpu.memref_squeeze %dma_start3A_142 : memref<1x128x128xf32, #tpu.memory_space<vmem>> -> memref<128x128xf32, #tpu.memory_space<vmem>>
        tpu.enqueue_dma source(%dma_start3A_143 : memref<128x128xf32, #tpu.memory_space<vmem>>) target(%dma_start3A_139 : memref<128x128xf32, #tpu.memory_space<hbm>>) target_semaphore(%run_scoped3A_131 : memref<!tpu.dma_semaphore, #tpu.memory_space<semaphore_mem>>)
        %dma_wait3A = arith.constant 0 : i32
        %dma_wait3A_144 = arith.constant 0 : i32
        %dma_wait3A_145 = tpu.memref_slice %arg9[%run_scoped3A_124, %dma_wait3A, %dma_wait3A_144] : memref<2x128x128xf32, #tpu.memory_space<vmem>> -> memref<1x128x128xf32, #tpu.memory_space<vmem>>
        %dma_wait3A_146 = tpu.memref_squeeze %dma_wait3A_145 : memref<1x128x128xf32, #tpu.memory_space<vmem>> -> memref<128x128xf32, #tpu.memory_space<vmem>>
        %dma_wait3A_147 = arith.constant 0 : i32
        %dma_wait3A_148 = tpu.memref_slice %arg6[%add3A_122, %dma_wait3A_147] : memref<10240x128xf32, #tpu.memory_space<hbm>> -> memref<128x128xf32, #tpu.memory_space<hbm>>
        %dma_wait3A_149 = arith.constant 0 : i32
        %dma_wait3A_150 = tpu.memref_slice %arg6[%add3A_122, %dma_wait3A_149] : memref<10240x128xf32, #tpu.memory_space<hbm>> -> memref<128x128xf32, #tpu.memory_space<hbm>>
        %dma_wait3A_151 = arith.constant 0 : i32
        %dma_wait3A_152 = arith.constant 0 : i32
        %dma_wait3A_153 = tpu.memref_slice %arg9[%run_scoped3A_124, %dma_wait3A_151, %dma_wait3A_152] : memref<2x128x128xf32, #tpu.memory_space<vmem>> -> memref<1x128x128xf32, #tpu.memory_space<vmem>>
        %dma_wait3A_154 = tpu.memref_squeeze %dma_wait3A_153 : memref<1x128x128xf32, #tpu.memory_space<vmem>> -> memref<128x128xf32, #tpu.memory_space<vmem>>
        tpu.wait_dma2 semaphore(%run_scoped3A_131 : memref<!tpu.dma_semaphore, #tpu.memory_space<semaphore_mem>>) src(%dma_wait3A_154 : memref<128x128xf32, #tpu.memory_space<vmem>>) dst(%dma_wait3A_150 : memref<128x128xf32, #tpu.memory_space<hbm>>)
        tpu.yield
      }) : () -> ()
      %mul3A_125 = arith.constant 640 : i32
      %mul3A_126 = arith.muli %arg1, %mul3A_125 : i32
      %add3A_127 = arith.constant 512 : i32
      %add3A_128 = arith.addi %mul3A_126, %add3A_127 : i32
      %run_scoped3A_129 = arith.constant 0 : i32
      "tpu.region"() ({
        %run_scoped3A_131 = tpu.sem_alloc : memref<!tpu.dma_semaphore, #tpu.memory_space<semaphore_mem>>
        %dma_start3A_132 = arith.constant 0 : i32
        %dma_start3A_133 = arith.constant 0 : i32
        %dma_start3A_134 = tpu.memref_slice %arg9[%run_scoped3A_129, %dma_start3A_132, %dma_start3A_133] : memref<2x128x128xf32, #tpu.memory_space<vmem>> -> memref<1x128x128xf32, #tpu.memory_space<vmem>>
        %dma_start3A_135 = tpu.memref_squeeze %dma_start3A_134 : memref<1x128x128xf32, #tpu.memory_space<vmem>> -> memref<128x128xf32, #tpu.memory_space<vmem>>
        %dma_start3A_136 = arith.constant 0 : i32
        %dma_start3A_137 = tpu.memref_slice %arg10[%add3A_128, %dma_start3A_136] : memref<10240x128xf32, #tpu.memory_space<vmem_shared>> -> memref<128x128xf32, #tpu.memory_space<vmem_shared>>
        %dma_start3A_138 = arith.constant 0 : i32
        %dma_start3A_139 = arith.constant 0 : i32
        %dma_start3A_140 = tpu.memref_slice %arg9[%run_scoped3A_129, %dma_start3A_138, %dma_start3A_139] : memref<2x128x128xf32, #tpu.memory_space<vmem>> -> memref<1x128x128xf32, #tpu.memory_space<vmem>>
        %dma_start3A_141 = tpu.memref_squeeze %dma_start3A_140 : memref<1x128x128xf32, #tpu.memory_space<vmem>> -> memref<128x128xf32, #tpu.memory_space<vmem>>
        %dma_start3A_142 = arith.constant 0 : i32
        %dma_start3A_143 = tpu.memref_slice %arg10[%add3A_128, %dma_start3A_142] : memref<10240x128xf32, #tpu.memory_space<vmem_shared>> -> memref<128x128xf32, #tpu.memory_space<vmem_shared>>
        tpu.enqueue_dma source(%dma_start3A_143 : memref<128x128xf32, #tpu.memory_space<vmem_shared>>) target(%dma_start3A_141 : memref<128x128xf32, #tpu.memory_space<vmem>>) target_semaphore(%run_scoped3A_131 : memref<!tpu.dma_semaphore, #tpu.memory_space<semaphore_mem>>)
        %dma_wait3A = arith.constant 0 : i32
        %dma_wait3A_144 = arith.constant 0 : i32
        %dma_wait3A_145 = tpu.memref_slice %arg9[%run_scoped3A_129, %dma_wait3A, %dma_wait3A_144] : memref<2x128x128xf32, #tpu.memory_space<vmem>> -> memref<1x128x128xf32, #tpu.memory_space<vmem>>
        %dma_wait3A_146 = tpu.memref_squeeze %dma_wait3A_145 : memref<1x128x128xf32, #tpu.memory_space<vmem>> -> memref<128x128xf32, #tpu.memory_space<vmem>>
        %dma_wait3A_147 = arith.constant 0 : i32
        %dma_wait3A_148 = tpu.memref_slice %arg10[%add3A_128, %dma_wait3A_147] : memref<10240x128xf32, #tpu.memory_space<vmem_shared>> -> memref<128x128xf32, #tpu.memory_space<vmem_shared>>
        %dma_wait3A_149 = arith.constant 0 : i32
        %dma_wait3A_150 = arith.constant 0 : i32
        %dma_wait3A_151 = tpu.memref_slice %arg9[%run_scoped3A_129, %dma_wait3A_149, %dma_wait3A_150] : memref<2x128x128xf32, #tpu.memory_space<vmem>> -> memref<1x128x128xf32, #tpu.memory_space<vmem>>
        %dma_wait3A_152 = tpu.memref_squeeze %dma_wait3A_151 : memref<1x128x128xf32, #tpu.memory_space<vmem>> -> memref<128x128xf32, #tpu.memory_space<vmem>>
        %dma_wait3A_153 = arith.constant 0 : i32
        %dma_wait3A_154 = tpu.memref_slice %arg10[%add3A_128, %dma_wait3A_153] : memref<10240x128xf32, #tpu.memory_space<vmem_shared>> -> memref<128x128xf32, #tpu.memory_space<vmem_shared>>
        tpu.wait_dma2 semaphore(%run_scoped3A_131 : memref<!tpu.dma_semaphore, #tpu.memory_space<semaphore_mem>>) src(%dma_wait3A_154 : memref<128x128xf32, #tpu.memory_space<vmem_shared>>) dst(%dma_wait3A_152 : memref<128x128xf32, #tpu.memory_space<vmem>>)
        tpu.yield
      }) : () -> ()
      %run_scoped3A_130 = arith.constant 0 : i32
      "tpu.region"() ({
        %run_scoped3A_131 = tpu.sem_alloc : memref<!tpu.dma_semaphore, #tpu.memory_space<semaphore_mem>>
        %dma_start3A_132 = arith.constant 0 : i32
        %dma_start3A_133 = arith.constant 0 : i32
        %dma_start3A_134 = tpu.memref_slice %arg9[%run_scoped3A_130, %dma_start3A_132, %dma_start3A_133] : memref<2x128x128xf32, #tpu.memory_space<vmem>> -> memref<1x128x128xf32, #tpu.memory_space<vmem>>
        %dma_start3A_135 = tpu.memref_squeeze %dma_start3A_134 : memref<1x128x128xf32, #tpu.memory_space<vmem>> -> memref<128x128xf32, #tpu.memory_space<vmem>>
        %dma_start3A_136 = arith.constant 0 : i32
        %dma_start3A_137 = tpu.memref_slice %arg6[%add3A_128, %dma_start3A_136] : memref<10240x128xf32, #tpu.memory_space<hbm>> -> memref<128x128xf32, #tpu.memory_space<hbm>>
        %dma_start3A_138 = arith.constant 0 : i32
        %dma_start3A_139 = tpu.memref_slice %arg6[%add3A_128, %dma_start3A_138] : memref<10240x128xf32, #tpu.memory_space<hbm>> -> memref<128x128xf32, #tpu.memory_space<hbm>>
        %dma_start3A_140 = arith.constant 0 : i32
        %dma_start3A_141 = arith.constant 0 : i32
        %dma_start3A_142 = tpu.memref_slice %arg9[%run_scoped3A_130, %dma_start3A_140, %dma_start3A_141] : memref<2x128x128xf32, #tpu.memory_space<vmem>> -> memref<1x128x128xf32, #tpu.memory_space<vmem>>
        %dma_start3A_143 = tpu.memref_squeeze %dma_start3A_142 : memref<1x128x128xf32, #tpu.memory_space<vmem>> -> memref<128x128xf32, #tpu.memory_space<vmem>>
        tpu.enqueue_dma source(%dma_start3A_143 : memref<128x128xf32, #tpu.memory_space<vmem>>) target(%dma_start3A_139 : memref<128x128xf32, #tpu.memory_space<hbm>>) target_semaphore(%run_scoped3A_131 : memref<!tpu.dma_semaphore, #tpu.memory_space<semaphore_mem>>)
        %dma_wait3A = arith.constant 0 : i32
        %dma_wait3A_144 = arith.constant 0 : i32
        %dma_wait3A_145 = tpu.memref_slice %arg9[%run_scoped3A_130, %dma_wait3A, %dma_wait3A_144] : memref<2x128x128xf32, #tpu.memory_space<vmem>> -> memref<1x128x128xf32, #tpu.memory_space<vmem>>
        %dma_wait3A_146 = tpu.memref_squeeze %dma_wait3A_145 : memref<1x128x128xf32, #tpu.memory_space<vmem>> -> memref<128x128xf32, #tpu.memory_space<vmem>>
        %dma_wait3A_147 = arith.constant 0 : i32
        %dma_wait3A_148 = tpu.memref_slice %arg6[%add3A_128, %dma_wait3A_147] : memref<10240x128xf32, #tpu.memory_space<hbm>> -> memref<128x128xf32, #tpu.memory_space<hbm>>
        %dma_wait3A_149 = arith.constant 0 : i32
        %dma_wait3A_150 = tpu.memref_slice %arg6[%add3A_128, %dma_wait3A_149] : memref<10240x128xf32, #tpu.memory_space<hbm>> -> memref<128x128xf32, #tpu.memory_space<hbm>>
        %dma_wait3A_151 = arith.constant 0 : i32
        %dma_wait3A_152 = arith.constant 0 : i32
        %dma_wait3A_153 = tpu.memref_slice %arg9[%run_scoped3A_130, %dma_wait3A_151, %dma_wait3A_152] : memref<2x128x128xf32, #tpu.memory_space<vmem>> -> memref<1x128x128xf32, #tpu.memory_space<vmem>>
        %dma_wait3A_154 = tpu.memref_squeeze %dma_wait3A_153 : memref<1x128x128xf32, #tpu.memory_space<vmem>> -> memref<128x128xf32, #tpu.memory_space<vmem>>
        tpu.wait_dma2 semaphore(%run_scoped3A_131 : memref<!tpu.dma_semaphore, #tpu.memory_space<semaphore_mem>>) src(%dma_wait3A_154 : memref<128x128xf32, #tpu.memory_space<vmem>>) dst(%dma_wait3A_150 : memref<128x128xf32, #tpu.memory_space<hbm>>)
        tpu.yield
      }) : () -> ()
    } else {
    }
    %eq3A_3 = arith.constant 1 : i32
    %eq3A_4 = arith.cmpi eq, %arg0, %eq3A_3 : i32
    %convert_element_type3A_5 = arith.extui %eq3A_4 : i1 to i32
    %cond3A_6 = arith.constant 0 : i32
    %cond3A_7 = arith.cmpi ne, %convert_element_type3A_5, %cond3A_6 : i32
    scf.if %cond3A_7 {
      "tpu.region"() ({
        %run_scoped3A_131 = tpu.sem_alloc : memref<!tpu.dma_semaphore, #tpu.memory_space<semaphore_mem>>
        %dma_start3A_132 = arith.constant 0 : i32
        %dma_start3A_133 = arith.constant 0 : i32
        %dma_start3A_134 = tpu.memref_slice %arg4[%arg1, %dma_start3A_132, %dma_start3A_133] : memref<16x80x128xi32, #tpu.memory_space<hbm>> -> memref<1x40x128xi32, #tpu.memory_space<hbm>>
        %dma_start3A_135 = tpu.memref_squeeze %dma_start3A_134 : memref<1x40x128xi32, #tpu.memory_space<hbm>> -> memref<40x128xi32, #tpu.memory_space<hbm>>
        %dma_start3A_136 = arith.constant 0 : i32
        %dma_start3A_137 = arith.constant 0 : i32
        %dma_start3A_138 = tpu.memref_slice %arg4[%arg1, %dma_start3A_136, %dma_start3A_137] : memref<16x80x128xi32, #tpu.memory_space<hbm>> -> memref<1x40x128xi32, #tpu.memory_space<hbm>>
        %dma_start3A_139 = tpu.memref_squeeze %dma_start3A_138 : memref<1x40x128xi32, #tpu.memory_space<hbm>> -> memref<40x128xi32, #tpu.memory_space<hbm>>
        tpu.enqueue_dma source(%dma_start3A_139 : memref<40x128xi32, #tpu.memory_space<hbm>>) target(%arg8 : memref<40x128xi32, #tpu.memory_space<vmem>>) target_semaphore(%run_scoped3A_131 : memref<!tpu.dma_semaphore, #tpu.memory_space<semaphore_mem>>)
        %dma_wait3A = arith.constant 0 : i32
        %dma_wait3A_140 = arith.constant 0 : i32
        %dma_wait3A_141 = tpu.memref_slice %arg4[%arg1, %dma_wait3A, %dma_wait3A_140] : memref<16x80x128xi32, #tpu.memory_space<hbm>> -> memref<1x40x128xi32, #tpu.memory_space<hbm>>
        %dma_wait3A_142 = tpu.memref_squeeze %dma_wait3A_141 : memref<1x40x128xi32, #tpu.memory_space<hbm>> -> memref<40x128xi32, #tpu.memory_space<hbm>>
        %dma_wait3A_143 = arith.constant 0 : i32
        %dma_wait3A_144 = arith.constant 0 : i32
        %dma_wait3A_145 = tpu.memref_slice %arg4[%arg1, %dma_wait3A_143, %dma_wait3A_144] : memref<16x80x128xi32, #tpu.memory_space<hbm>> -> memref<1x40x128xi32, #tpu.memory_space<hbm>>
        %dma_wait3A_146 = tpu.memref_squeeze %dma_wait3A_145 : memref<1x40x128xi32, #tpu.memory_space<hbm>> -> memref<40x128xi32, #tpu.memory_space<hbm>>
        tpu.wait_dma2 semaphore(%run_scoped3A_131 : memref<!tpu.dma_semaphore, #tpu.memory_space<semaphore_mem>>) src(%dma_wait3A_146 : memref<40x128xi32, #tpu.memory_space<hbm>>) dst(%arg8 : memref<40x128xi32, #tpu.memory_space<vmem>>)
        tpu.yield
      }) : () -> ()
      %mul3A_8 = arith.constant 80 : i32
      %mul3A_9 = arith.muli %arg1, %mul3A_8 : i32
      %add3A = arith.constant 0 : i32
      %add3A_10 = arith.addi %mul3A_9, %add3A : i32
      %add3A_11 = arith.constant 0 : i32
      %add3A_12 = arith.addi %add3A_10, %add3A_11 : i32
      %mul3A_13 = arith.constant 128 : i32
      %mul3A_14 = arith.muli %add3A_12, %mul3A_13 : i32
      %dma_start3A = arith.constant 0 : i32
      %dma_start3A_15 = arith.constant 0 : i32
      %dma_start3A_16 = arith.constant 0 : i32
      %dma_start3A_17 = tpu.memref_slice %arg9[%dma_start3A, %dma_start3A_15, %dma_start3A_16] : memref<2x128x128xf32, #tpu.memory_space<vmem>> -> memref<1x128x128xf32, #tpu.memory_space<vmem>>
      %dma_start3A_18 = tpu.memref_squeeze %dma_start3A_17 : memref<1x128x128xf32, #tpu.memory_space<vmem>> -> memref<128x128xf32, #tpu.memory_space<vmem>>
      %dma_start3A_19 = arith.constant 0 : i32
      %dma_start3A_20 = tpu.memref_slice %arg3[%mul3A_14, %dma_start3A_19] : memref<163840x128xf32, #tpu.memory_space<hbm>> -> memref<128x128xf32, #tpu.memory_space<hbm>>
      %dma_start3A_21 = arith.constant 0 : i32
      %dma_start3A_22 = arith.constant 0 : i32
      %dma_start3A_23 = tpu.memref_slice %arg9[%dma_start3A, %dma_start3A_21, %dma_start3A_22] : memref<2x128x128xf32, #tpu.memory_space<vmem>> -> memref<1x128x128xf32, #tpu.memory_space<vmem>>
      %dma_start3A_24 = tpu.memref_squeeze %dma_start3A_23 : memref<1x128x128xf32, #tpu.memory_space<vmem>> -> memref<128x128xf32, #tpu.memory_space<vmem>>
      %dma_start3A_25 = arith.constant 0 : i32
      %dma_start3A_26 = tpu.memref_slice %arg3[%mul3A_14, %dma_start3A_25] : memref<163840x128xf32, #tpu.memory_space<hbm>> -> memref<128x128xf32, #tpu.memory_space<hbm>>
      tpu.enqueue_dma source(%dma_start3A_26 : memref<128x128xf32, #tpu.memory_space<hbm>>) target(%dma_start3A_24 : memref<128x128xf32, #tpu.memory_space<vmem>>) target_semaphore(%arg11 : memref<!tpu.dma_semaphore, #tpu.memory_space<semaphore_mem>>)
      %mul3A_27 = arith.constant 80 : i32
      %mul3A_28 = arith.muli %arg1, %mul3A_27 : i32
      %add3A_29 = arith.constant 0 : i32
      %add3A_30 = arith.addi %mul3A_28, %add3A_29 : i32
      %add3A_31 = arith.constant 1 : i32
      %add3A_32 = arith.addi %add3A_30, %add3A_31 : i32
      %mul3A_33 = arith.constant 128 : i32
      %mul3A_34 = arith.muli %add3A_32, %mul3A_33 : i32
      %dma_start3A_35 = arith.constant 1 : i32
      %dma_start3A_36 = arith.constant 0 : i32
      %dma_start3A_37 = arith.constant 0 : i32
      %dma_start3A_38 = tpu.memref_slice %arg9[%dma_start3A_35, %dma_start3A_36, %dma_start3A_37] : memref<2x128x128xf32, #tpu.memory_space<vmem>> -> memref<1x128x128xf32, #tpu.memory_space<vmem>>
      %dma_start3A_39 = tpu.memref_squeeze %dma_start3A_38 : memref<1x128x128xf32, #tpu.memory_space<vmem>> -> memref<128x128xf32, #tpu.memory_space<vmem>>
      %dma_start3A_40 = arith.constant 0 : i32
      %dma_start3A_41 = tpu.memref_slice %arg3[%mul3A_34, %dma_start3A_40] : memref<163840x128xf32, #tpu.memory_space<hbm>> -> memref<128x128xf32, #tpu.memory_space<hbm>>
      %dma_start3A_42 = arith.constant 0 : i32
      %dma_start3A_43 = arith.constant 0 : i32
      %dma_start3A_44 = tpu.memref_slice %arg9[%dma_start3A_35, %dma_start3A_42, %dma_start3A_43] : memref<2x128x128xf32, #tpu.memory_space<vmem>> -> memref<1x128x128xf32, #tpu.memory_space<vmem>>
      %dma_start3A_45 = tpu.memref_squeeze %dma_start3A_44 : memref<1x128x128xf32, #tpu.memory_space<vmem>> -> memref<128x128xf32, #tpu.memory_space<vmem>>
      %dma_start3A_46 = arith.constant 0 : i32
      %dma_start3A_47 = tpu.memref_slice %arg3[%mul3A_34, %dma_start3A_46] : memref<163840x128xf32, #tpu.memory_space<hbm>> -> memref<128x128xf32, #tpu.memory_space<hbm>>
      tpu.enqueue_dma source(%dma_start3A_47 : memref<128x128xf32, #tpu.memory_space<hbm>>) target(%dma_start3A_45 : memref<128x128xf32, #tpu.memory_space<vmem>>) target_semaphore(%arg12 : memref<!tpu.dma_semaphore, #tpu.memory_space<semaphore_mem>>)
      %scan3A = arith.constant 0 : i32
      %scan3A_48 = arith.constant 0 : i32
      %scan3A_49 = arith.constant 20 : i32
      %scan3A_50 = arith.addi %scan3A_48, %scan3A_49 : i32
      %scan3A_51 = arith.constant 1 : i32
      scf.for %scan3A_131 = %scan3A_48 to %scan3A_50 step %scan3A_51  : i32 {
        %mul3A_132 = arith.constant 2 : i32
        %mul3A_133 = arith.muli %mul3A_132, %scan3A_131 : i32
        %add3A_134 = arith.constant 0 : i32
        %add3A_135 = arith.addi %mul3A_133, %add3A_134 : i32
        %dma_wait3A = arith.constant 0 : i32
        %dma_wait3A_136 = arith.constant 0 : i32
        %dma_wait3A_137 = arith.constant 0 : i32
        %dma_wait3A_138 = tpu.memref_slice %arg9[%dma_wait3A, %dma_wait3A_136, %dma_wait3A_137] : memref<2x128x128xf32, #tpu.memory_space<vmem>> -> memref<1x128x128xf32, #tpu.memory_space<vmem>>
        %dma_wait3A_139 = tpu.memref_squeeze %dma_wait3A_138 : memref<1x128x128xf32, #tpu.memory_space<vmem>> -> memref<128x128xf32, #tpu.memory_space<vmem>>
        %dma_wait3A_140 = arith.constant 0 : i32
        %dma_wait3A_141 = arith.constant 0 : i32
        %dma_wait3A_142 = tpu.memref_slice %arg3[%dma_wait3A_140, %dma_wait3A_141] : memref<163840x128xf32, #tpu.memory_space<hbm>> -> memref<128x128xf32, #tpu.memory_space<hbm>>
        %dma_wait3A_143 = arith.constant 0 : i32
        %dma_wait3A_144 = arith.constant 0 : i32
        %dma_wait3A_145 = tpu.memref_slice %arg9[%dma_wait3A, %dma_wait3A_143, %dma_wait3A_144] : memref<2x128x128xf32, #tpu.memory_space<vmem>> -> memref<1x128x128xf32, #tpu.memory_space<vmem>>
        %dma_wait3A_146 = tpu.memref_squeeze %dma_wait3A_145 : memref<1x128x128xf32, #tpu.memory_space<vmem>> -> memref<128x128xf32, #tpu.memory_space<vmem>>
        %dma_wait3A_147 = arith.constant 0 : i32
        %dma_wait3A_148 = arith.constant 0 : i32
        %dma_wait3A_149 = tpu.memref_slice %arg3[%dma_wait3A_147, %dma_wait3A_148] : memref<163840x128xf32, #tpu.memory_space<hbm>> -> memref<128x128xf32, #tpu.memory_space<hbm>>
        tpu.wait_dma2 semaphore(%arg11 : memref<!tpu.dma_semaphore, #tpu.memory_space<semaphore_mem>>) src(%dma_wait3A_149 : memref<128x128xf32, #tpu.memory_space<hbm>>) dst(%dma_wait3A_146 : memref<128x128xf32, #tpu.memory_space<vmem>>)
        %run_scoped3A_150 = arith.constant 0 : i32
        "tpu.region"() ({
          %run_scoped3A_184 = tpu.sem_alloc : memref<!tpu.dma_semaphore, #tpu.memory_space<semaphore_mem>>
          %dma_start3A_185 = arith.constant 0 : i32
          %dma_start3A_186 = arith.constant 0 : i32
          %dma_start3A_187 = tpu.memref_slice %arg9[%run_scoped3A_150, %dma_start3A_185, %dma_start3A_186] : memref<2x128x128xf32, #tpu.memory_space<vmem>> -> memref<1x128x128xf32, #tpu.memory_space<vmem>>
          %dma_start3A_188 = tpu.memref_squeeze %dma_start3A_187 : memref<1x128x128xf32, #tpu.memory_space<vmem>> -> memref<128x128xf32, #tpu.memory_space<vmem>>
          %dma_start3A_189 = arith.constant 0 : i32
          %dma_start3A_190 = tpu.memref_slice %arg8[%add3A_135, %dma_start3A_189] : memref<40x128xi32, #tpu.memory_space<vmem>> -> memref<1x128xi32, #tpu.memory_space<vmem>>
          %dma_start3A_191 = tpu.memref_squeeze %dma_start3A_190 : memref<1x128xi32, #tpu.memory_space<vmem>> -> memref<128xi32, #tpu.memory_space<vmem>>
          %dma_start3A_192 = arith.constant 0 : i32
          %dma_start3A_193 = arith.constant 0 : i32
          %dma_start3A_194 = tpu.memref_slice %arg10[%dma_start3A_192, %dma_start3A_193] : memref<10240x128xf32, #tpu.memory_space<vmem_shared>> -> memref<10240x128xf32, #tpu.memory_space<vmem_shared>>
          tpu.enqueue_indirect_dma source(%dma_start3A_188 : memref<128x128xf32, #tpu.memory_space<vmem>>) target(%dma_start3A_194 : memref<10240x128xf32, #tpu.memory_space<vmem_shared>>) offsets(%dma_start3A_191 : memref<128xi32, #tpu.memory_space<vmem>>) semaphore(%run_scoped3A_184 : memref<!tpu.dma_semaphore, #tpu.memory_space<semaphore_mem>>) {add = true}
          %dma_wait3A_195 = arith.constant 0 : i32
          %dma_wait3A_196 = arith.constant 0 : i32
          %dma_wait3A_197 = tpu.memref_slice %arg9[%run_scoped3A_150, %dma_wait3A_195, %dma_wait3A_196] : memref<2x128x128xf32, #tpu.memory_space<vmem>> -> memref<1x128x128xf32, #tpu.memory_space<vmem>>
          %dma_wait3A_198 = tpu.memref_squeeze %dma_wait3A_197 : memref<1x128x128xf32, #tpu.memory_space<vmem>> -> memref<128x128xf32, #tpu.memory_space<vmem>>
          %dma_wait3A_199 = arith.constant 0 : i32
          %dma_wait3A_200 = tpu.memref_slice %arg8[%add3A_135, %dma_wait3A_199] : memref<40x128xi32, #tpu.memory_space<vmem>> -> memref<1x128xi32, #tpu.memory_space<vmem>>
          %dma_wait3A_201 = tpu.memref_squeeze %dma_wait3A_200 : memref<1x128xi32, #tpu.memory_space<vmem>> -> memref<128xi32, #tpu.memory_space<vmem>>
          %dma_wait3A_202 = arith.constant 0 : i32
          %dma_wait3A_203 = arith.constant 0 : i32
          %dma_wait3A_204 = tpu.memref_slice %arg10[%dma_wait3A_202, %dma_wait3A_203] : memref<10240x128xf32, #tpu.memory_space<vmem_shared>> -> memref<10240x128xf32, #tpu.memory_space<vmem_shared>>
          tpu.wait_indirect_dma semaphore(%run_scoped3A_184 : memref<!tpu.dma_semaphore, #tpu.memory_space<semaphore_mem>>) src(%dma_wait3A_198 : memref<128x128xf32, #tpu.memory_space<vmem>>) dst(%dma_wait3A_204 : memref<10240x128xf32, #tpu.memory_space<vmem_shared>>)
          tpu.yield
        }) : () -> ()
        %add3A_151 = arith.constant 2 : i32
        %add3A_152 = arith.addi %add3A_135, %add3A_151 : i32
        %lt3A = arith.constant 40 : i32
        %lt3A_153 = arith.cmpi slt, %add3A_152, %lt3A : i32
        %convert_element_type3A_154 = arith.extui %lt3A_153 : i1 to i32
        %cond3A_155 = arith.constant 0 : i32
        %cond3A_156 = arith.cmpi ne, %convert_element_type3A_154, %cond3A_155 : i32
        scf.if %cond3A_156 {
          %add3A_184 = arith.constant 2 : i32
          %add3A_185 = arith.addi %add3A_135, %add3A_184 : i32
          %mul3A_186 = arith.constant 80 : i32
          %mul3A_187 = arith.muli %arg1, %mul3A_186 : i32
          %add3A_188 = arith.constant 0 : i32
          %add3A_189 = arith.addi %mul3A_187, %add3A_188 : i32
          %add3A_190 = arith.addi %add3A_189, %add3A_185 : i32
          %mul3A_191 = arith.constant 128 : i32
          %mul3A_192 = arith.muli %add3A_190, %mul3A_191 : i32
          %dma_start3A_193 = arith.constant 0 : i32
          %dma_start3A_194 = arith.constant 0 : i32
          %dma_start3A_195 = arith.constant 0 : i32
          %dma_start3A_196 = tpu.memref_slice %arg9[%dma_start3A_193, %dma_start3A_194, %dma_start3A_195] : memref<2x128x128xf32, #tpu.memory_space<vmem>> -> memref<1x128x128xf32, #tpu.memory_space<vmem>>
          %dma_start3A_197 = tpu.memref_squeeze %dma_start3A_196 : memref<1x128x128xf32, #tpu.memory_space<vmem>> -> memref<128x128xf32, #tpu.memory_space<vmem>>
          %dma_start3A_198 = arith.constant 0 : i32
          %dma_start3A_199 = tpu.memref_slice %arg3[%mul3A_192, %dma_start3A_198] : memref<163840x128xf32, #tpu.memory_space<hbm>> -> memref<128x128xf32, #tpu.memory_space<hbm>>
          %dma_start3A_200 = arith.constant 0 : i32
          %dma_start3A_201 = arith.constant 0 : i32
          %dma_start3A_202 = tpu.memref_slice %arg9[%dma_start3A_193, %dma_start3A_200, %dma_start3A_201] : memref<2x128x128xf32, #tpu.memory_space<vmem>> -> memref<1x128x128xf32, #tpu.memory_space<vmem>>
          %dma_start3A_203 = tpu.memref_squeeze %dma_start3A_202 : memref<1x128x128xf32, #tpu.memory_space<vmem>> -> memref<128x128xf32, #tpu.memory_space<vmem>>
          %dma_start3A_204 = arith.constant 0 : i32
          %dma_start3A_205 = tpu.memref_slice %arg3[%mul3A_192, %dma_start3A_204] : memref<163840x128xf32, #tpu.memory_space<hbm>> -> memref<128x128xf32, #tpu.memory_space<hbm>>
          tpu.enqueue_dma source(%dma_start3A_205 : memref<128x128xf32, #tpu.memory_space<hbm>>) target(%dma_start3A_203 : memref<128x128xf32, #tpu.memory_space<vmem>>) target_semaphore(%arg11 : memref<!tpu.dma_semaphore, #tpu.memory_space<semaphore_mem>>)
        } else {
        }
        %mul3A_157 = arith.constant 2 : i32
        %mul3A_158 = arith.muli %mul3A_157, %scan3A_131 : i32
        %add3A_159 = arith.constant 1 : i32
        %add3A_160 = arith.addi %mul3A_158, %add3A_159 : i32
        %dma_wait3A_161 = arith.constant 1 : i32
        %dma_wait3A_162 = arith.constant 0 : i32
        %dma_wait3A_163 = arith.constant 0 : i32
        %dma_wait3A_164 = tpu.memref_slice %arg9[%dma_wait3A_161, %dma_wait3A_162, %dma_wait3A_163] : memref<2x128x128xf32, #tpu.memory_space<vmem>> -> memref<1x128x128xf32, #tpu.memory_space<vmem>>
        %dma_wait3A_165 = tpu.memref_squeeze %dma_wait3A_164 : memref<1x128x128xf32, #tpu.memory_space<vmem>> -> memref<128x128xf32, #tpu.memory_space<vmem>>
        %dma_wait3A_166 = arith.constant 0 : i32
        %dma_wait3A_167 = arith.constant 0 : i32
        %dma_wait3A_168 = tpu.memref_slice %arg3[%dma_wait3A_166, %dma_wait3A_167] : memref<163840x128xf32, #tpu.memory_space<hbm>> -> memref<128x128xf32, #tpu.memory_space<hbm>>
        %dma_wait3A_169 = arith.constant 0 : i32
        %dma_wait3A_170 = arith.constant 0 : i32
        %dma_wait3A_171 = tpu.memref_slice %arg9[%dma_wait3A_161, %dma_wait3A_169, %dma_wait3A_170] : memref<2x128x128xf32, #tpu.memory_space<vmem>> -> memref<1x128x128xf32, #tpu.memory_space<vmem>>
        %dma_wait3A_172 = tpu.memref_squeeze %dma_wait3A_171 : memref<1x128x128xf32, #tpu.memory_space<vmem>> -> memref<128x128xf32, #tpu.memory_space<vmem>>
        %dma_wait3A_173 = arith.constant 0 : i32
        %dma_wait3A_174 = arith.constant 0 : i32
        %dma_wait3A_175 = tpu.memref_slice %arg3[%dma_wait3A_173, %dma_wait3A_174] : memref<163840x128xf32, #tpu.memory_space<hbm>> -> memref<128x128xf32, #tpu.memory_space<hbm>>
        tpu.wait_dma2 semaphore(%arg12 : memref<!tpu.dma_semaphore, #tpu.memory_space<semaphore_mem>>) src(%dma_wait3A_175 : memref<128x128xf32, #tpu.memory_space<hbm>>) dst(%dma_wait3A_172 : memref<128x128xf32, #tpu.memory_space<vmem>>)
        %run_scoped3A_176 = arith.constant 1 : i32
        "tpu.region"() ({
          %run_scoped3A_184 = tpu.sem_alloc : memref<!tpu.dma_semaphore, #tpu.memory_space<semaphore_mem>>
          %dma_start3A_185 = arith.constant 0 : i32
          %dma_start3A_186 = arith.constant 0 : i32
          %dma_start3A_187 = tpu.memref_slice %arg9[%run_scoped3A_176, %dma_start3A_185, %dma_start3A_186] : memref<2x128x128xf32, #tpu.memory_space<vmem>> -> memref<1x128x128xf32, #tpu.memory_space<vmem>>
          %dma_start3A_188 = tpu.memref_squeeze %dma_start3A_187 : memref<1x128x128xf32, #tpu.memory_space<vmem>> -> memref<128x128xf32, #tpu.memory_space<vmem>>
          %dma_start3A_189 = arith.constant 0 : i32
          %dma_start3A_190 = tpu.memref_slice %arg8[%add3A_160, %dma_start3A_189] : memref<40x128xi32, #tpu.memory_space<vmem>> -> memref<1x128xi32, #tpu.memory_space<vmem>>
          %dma_start3A_191 = tpu.memref_squeeze %dma_start3A_190 : memref<1x128xi32, #tpu.memory_space<vmem>> -> memref<128xi32, #tpu.memory_space<vmem>>
          %dma_start3A_192 = arith.constant 0 : i32
          %dma_start3A_193 = arith.constant 0 : i32
          %dma_start3A_194 = tpu.memref_slice %arg10[%dma_start3A_192, %dma_start3A_193] : memref<10240x128xf32, #tpu.memory_space<vmem_shared>> -> memref<10240x128xf32, #tpu.memory_space<vmem_shared>>
          tpu.enqueue_indirect_dma source(%dma_start3A_188 : memref<128x128xf32, #tpu.memory_space<vmem>>) target(%dma_start3A_194 : memref<10240x128xf32, #tpu.memory_space<vmem_shared>>) offsets(%dma_start3A_191 : memref<128xi32, #tpu.memory_space<vmem>>) semaphore(%run_scoped3A_184 : memref<!tpu.dma_semaphore, #tpu.memory_space<semaphore_mem>>) {add = true}
          %dma_wait3A_195 = arith.constant 0 : i32
          %dma_wait3A_196 = arith.constant 0 : i32
          %dma_wait3A_197 = tpu.memref_slice %arg9[%run_scoped3A_176, %dma_wait3A_195, %dma_wait3A_196] : memref<2x128x128xf32, #tpu.memory_space<vmem>> -> memref<1x128x128xf32, #tpu.memory_space<vmem>>
          %dma_wait3A_198 = tpu.memref_squeeze %dma_wait3A_197 : memref<1x128x128xf32, #tpu.memory_space<vmem>> -> memref<128x128xf32, #tpu.memory_space<vmem>>
          %dma_wait3A_199 = arith.constant 0 : i32
          %dma_wait3A_200 = tpu.memref_slice %arg8[%add3A_160, %dma_wait3A_199] : memref<40x128xi32, #tpu.memory_space<vmem>> -> memref<1x128xi32, #tpu.memory_space<vmem>>
          %dma_wait3A_201 = tpu.memref_squeeze %dma_wait3A_200 : memref<1x128xi32, #tpu.memory_space<vmem>> -> memref<128xi32, #tpu.memory_space<vmem>>
          %dma_wait3A_202 = arith.constant 0 : i32
          %dma_wait3A_203 = arith.constant 0 : i32
          %dma_wait3A_204 = tpu.memref_slice %arg10[%dma_wait3A_202, %dma_wait3A_203] : memref<10240x128xf32, #tpu.memory_space<vmem_shared>> -> memref<10240x128xf32, #tpu.memory_space<vmem_shared>>
          tpu.wait_indirect_dma semaphore(%run_scoped3A_184 : memref<!tpu.dma_semaphore, #tpu.memory_space<semaphore_mem>>) src(%dma_wait3A_198 : memref<128x128xf32, #tpu.memory_space<vmem>>) dst(%dma_wait3A_204 : memref<10240x128xf32, #tpu.memory_space<vmem_shared>>)
          tpu.yield
        }) : () -> ()
        %add3A_177 = arith.constant 2 : i32
        %add3A_178 = arith.addi %add3A_160, %add3A_177 : i32
        %lt3A_179 = arith.constant 40 : i32
        %lt3A_180 = arith.cmpi slt, %add3A_178, %lt3A_179 : i32
        %convert_element_type3A_181 = arith.extui %lt3A_180 : i1 to i32
        %cond3A_182 = arith.constant 0 : i32
        %cond3A_183 = arith.cmpi ne, %convert_element_type3A_181, %cond3A_182 : i32
        scf.if %cond3A_183 {
          %add3A_184 = arith.constant 2 : i32
          %add3A_185 = arith.addi %add3A_160, %add3A_184 : i32
          %mul3A_186 = arith.constant 80 : i32
          %mul3A_187 = arith.muli %arg1, %mul3A_186 : i32
          %add3A_188 = arith.constant 0 : i32
          %add3A_189 = arith.addi %mul3A_187, %add3A_188 : i32
          %add3A_190 = arith.addi %add3A_189, %add3A_185 : i32
          %mul3A_191 = arith.constant 128 : i32
          %mul3A_192 = arith.muli %add3A_190, %mul3A_191 : i32
          %dma_start3A_193 = arith.constant 1 : i32
          %dma_start3A_194 = arith.constant 0 : i32
          %dma_start3A_195 = arith.constant 0 : i32
          %dma_start3A_196 = tpu.memref_slice %arg9[%dma_start3A_193, %dma_start3A_194, %dma_start3A_195] : memref<2x128x128xf32, #tpu.memory_space<vmem>> -> memref<1x128x128xf32, #tpu.memory_space<vmem>>
          %dma_start3A_197 = tpu.memref_squeeze %dma_start3A_196 : memref<1x128x128xf32, #tpu.memory_space<vmem>> -> memref<128x128xf32, #tpu.memory_space<vmem>>
          %dma_start3A_198 = arith.constant 0 : i32
          %dma_start3A_199 = tpu.memref_slice %arg3[%mul3A_192, %dma_start3A_198] : memref<163840x128xf32, #tpu.memory_space<hbm>> -> memref<128x128xf32, #tpu.memory_space<hbm>>
          %dma_start3A_200 = arith.constant 0 : i32
          %dma_start3A_201 = arith.constant 0 : i32
          %dma_start3A_202 = tpu.memref_slice %arg9[%dma_start3A_193, %dma_start3A_200, %dma_start3A_201] : memref<2x128x128xf32, #tpu.memory_space<vmem>> -> memref<1x128x128xf32, #tpu.memory_space<vmem>>
          %dma_start3A_203 = tpu.memref_squeeze %dma_start3A_202 : memref<1x128x128xf32, #tpu.memory_space<vmem>> -> memref<128x128xf32, #tpu.memory_space<vmem>>
          %dma_start3A_204 = arith.constant 0 : i32
          %dma_start3A_205 = tpu.memref_slice %arg3[%mul3A_192, %dma_start3A_204] : memref<163840x128xf32, #tpu.memory_space<hbm>> -> memref<128x128xf32, #tpu.memory_space<hbm>>
          tpu.enqueue_dma source(%dma_start3A_205 : memref<128x128xf32, #tpu.memory_space<hbm>>) target(%dma_start3A_203 : memref<128x128xf32, #tpu.memory_space<vmem>>) target_semaphore(%arg12 : memref<!tpu.dma_semaphore, #tpu.memory_space<semaphore_mem>>)
        } else {
        }
      }
      %scan3A_52 = arith.constant 20 : i32
      "tpu.region"() ({
        %run_scoped3A_131 = tpu.sem_alloc : memref<!tpu.dma_semaphore, #tpu.memory_space<semaphore_mem>>
        %dma_start3A_132 = arith.constant 40 : i32
        %dma_start3A_133 = arith.constant 0 : i32
        %dma_start3A_134 = tpu.memref_slice %arg4[%arg1, %dma_start3A_132, %dma_start3A_133] : memref<16x80x128xi32, #tpu.memory_space<hbm>> -> memref<1x40x128xi32, #tpu.memory_space<hbm>>
        %dma_start3A_135 = tpu.memref_squeeze %dma_start3A_134 : memref<1x40x128xi32, #tpu.memory_space<hbm>> -> memref<40x128xi32, #tpu.memory_space<hbm>>
        %dma_start3A_136 = arith.constant 40 : i32
        %dma_start3A_137 = arith.constant 0 : i32
        %dma_start3A_138 = tpu.memref_slice %arg4[%arg1, %dma_start3A_136, %dma_start3A_137] : memref<16x80x128xi32, #tpu.memory_space<hbm>> -> memref<1x40x128xi32, #tpu.memory_space<hbm>>
        %dma_start3A_139 = tpu.memref_squeeze %dma_start3A_138 : memref<1x40x128xi32, #tpu.memory_space<hbm>> -> memref<40x128xi32, #tpu.memory_space<hbm>>
        tpu.enqueue_dma source(%dma_start3A_139 : memref<40x128xi32, #tpu.memory_space<hbm>>) target(%arg8 : memref<40x128xi32, #tpu.memory_space<vmem>>) target_semaphore(%run_scoped3A_131 : memref<!tpu.dma_semaphore, #tpu.memory_space<semaphore_mem>>)
        %dma_wait3A = arith.constant 40 : i32
        %dma_wait3A_140 = arith.constant 0 : i32
        %dma_wait3A_141 = tpu.memref_slice %arg4[%arg1, %dma_wait3A, %dma_wait3A_140] : memref<16x80x128xi32, #tpu.memory_space<hbm>> -> memref<1x40x128xi32, #tpu.memory_space<hbm>>
        %dma_wait3A_142 = tpu.memref_squeeze %dma_wait3A_141 : memref<1x40x128xi32, #tpu.memory_space<hbm>> -> memref<40x128xi32, #tpu.memory_space<hbm>>
        %dma_wait3A_143 = arith.constant 40 : i32
        %dma_wait3A_144 = arith.constant 0 : i32
        %dma_wait3A_145 = tpu.memref_slice %arg4[%arg1, %dma_wait3A_143, %dma_wait3A_144] : memref<16x80x128xi32, #tpu.memory_space<hbm>> -> memref<1x40x128xi32, #tpu.memory_space<hbm>>
        %dma_wait3A_146 = tpu.memref_squeeze %dma_wait3A_145 : memref<1x40x128xi32, #tpu.memory_space<hbm>> -> memref<40x128xi32, #tpu.memory_space<hbm>>
        tpu.wait_dma2 semaphore(%run_scoped3A_131 : memref<!tpu.dma_semaphore, #tpu.memory_space<semaphore_mem>>) src(%dma_wait3A_146 : memref<40x128xi32, #tpu.memory_space<hbm>>) dst(%arg8 : memref<40x128xi32, #tpu.memory_space<vmem>>)
        tpu.yield
      }) : () -> ()
      %mul3A_53 = arith.constant 80 : i32
      %mul3A_54 = arith.muli %arg1, %mul3A_53 : i32
      %add3A_55 = arith.constant 40 : i32
      %add3A_56 = arith.addi %mul3A_54, %add3A_55 : i32
      %add3A_57 = arith.constant 0 : i32
      %add3A_58 = arith.addi %add3A_56, %add3A_57 : i32
      %mul3A_59 = arith.constant 128 : i32
      %mul3A_60 = arith.muli %add3A_58, %mul3A_59 : i32
      %dma_start3A_61 = arith.constant 0 : i32
      %dma_start3A_62 = arith.constant 0 : i32
      %dma_start3A_63 = arith.constant 0 : i32
      %dma_start3A_64 = tpu.memref_slice %arg9[%dma_start3A_61, %dma_start3A_62, %dma_start3A_63] : memref<2x128x128xf32, #tpu.memory_space<vmem>> -> memref<1x128x128xf32, #tpu.memory_space<vmem>>
      %dma_start3A_65 = tpu.memref_squeeze %dma_start3A_64 : memref<1x128x128xf32, #tpu.memory_space<vmem>> -> memref<128x128xf32, #tpu.memory_space<vmem>>
      %dma_start3A_66 = arith.constant 0 : i32
      %dma_start3A_67 = tpu.memref_slice %arg3[%mul3A_60, %dma_start3A_66] : memref<163840x128xf32, #tpu.memory_space<hbm>> -> memref<128x128xf32, #tpu.memory_space<hbm>>
      %dma_start3A_68 = arith.constant 0 : i32
      %dma_start3A_69 = arith.constant 0 : i32
      %dma_start3A_70 = tpu.memref_slice %arg9[%dma_start3A_61, %dma_start3A_68, %dma_start3A_69] : memref<2x128x128xf32, #tpu.memory_space<vmem>> -> memref<1x128x128xf32, #tpu.memory_space<vmem>>
      %dma_start3A_71 = tpu.memref_squeeze %dma_start3A_70 : memref<1x128x128xf32, #tpu.memory_space<vmem>> -> memref<128x128xf32, #tpu.memory_space<vmem>>
      %dma_start3A_72 = arith.constant 0 : i32
      %dma_start3A_73 = tpu.memref_slice %arg3[%mul3A_60, %dma_start3A_72] : memref<163840x128xf32, #tpu.memory_space<hbm>> -> memref<128x128xf32, #tpu.memory_space<hbm>>
      tpu.enqueue_dma source(%dma_start3A_73 : memref<128x128xf32, #tpu.memory_space<hbm>>) target(%dma_start3A_71 : memref<128x128xf32, #tpu.memory_space<vmem>>) target_semaphore(%arg11 : memref<!tpu.dma_semaphore, #tpu.memory_space<semaphore_mem>>)
      %mul3A_74 = arith.constant 80 : i32
      %mul3A_75 = arith.muli %arg1, %mul3A_74 : i32
      %add3A_76 = arith.constant 40 : i32
      %add3A_77 = arith.addi %mul3A_75, %add3A_76 : i32
      %add3A_78 = arith.constant 1 : i32
      %add3A_79 = arith.addi %add3A_77, %add3A_78 : i32
      %mul3A_80 = arith.constant 128 : i32
      %mul3A_81 = arith.muli %add3A_79, %mul3A_80 : i32
      %dma_start3A_82 = arith.constant 1 : i32
      %dma_start3A_83 = arith.constant 0 : i32
      %dma_start3A_84 = arith.constant 0 : i32
      %dma_start3A_85 = tpu.memref_slice %arg9[%dma_start3A_82, %dma_start3A_83, %dma_start3A_84] : memref<2x128x128xf32, #tpu.memory_space<vmem>> -> memref<1x128x128xf32, #tpu.memory_space<vmem>>
      %dma_start3A_86 = tpu.memref_squeeze %dma_start3A_85 : memref<1x128x128xf32, #tpu.memory_space<vmem>> -> memref<128x128xf32, #tpu.memory_space<vmem>>
      %dma_start3A_87 = arith.constant 0 : i32
      %dma_start3A_88 = tpu.memref_slice %arg3[%mul3A_81, %dma_start3A_87] : memref<163840x128xf32, #tpu.memory_space<hbm>> -> memref<128x128xf32, #tpu.memory_space<hbm>>
      %dma_start3A_89 = arith.constant 0 : i32
      %dma_start3A_90 = arith.constant 0 : i32
      %dma_start3A_91 = tpu.memref_slice %arg9[%dma_start3A_82, %dma_start3A_89, %dma_start3A_90] : memref<2x128x128xf32, #tpu.memory_space<vmem>> -> memref<1x128x128xf32, #tpu.memory_space<vmem>>
      %dma_start3A_92 = tpu.memref_squeeze %dma_start3A_91 : memref<1x128x128xf32, #tpu.memory_space<vmem>> -> memref<128x128xf32, #tpu.memory_space<vmem>>
      %dma_start3A_93 = arith.constant 0 : i32
      %dma_start3A_94 = tpu.memref_slice %arg3[%mul3A_81, %dma_start3A_93] : memref<163840x128xf32, #tpu.memory_space<hbm>> -> memref<128x128xf32, #tpu.memory_space<hbm>>
      tpu.enqueue_dma source(%dma_start3A_94 : memref<128x128xf32, #tpu.memory_space<hbm>>) target(%dma_start3A_92 : memref<128x128xf32, #tpu.memory_space<vmem>>) target_semaphore(%arg12 : memref<!tpu.dma_semaphore, #tpu.memory_space<semaphore_mem>>)
      %scan3A_95 = arith.constant 0 : i32
      %scan3A_96 = arith.constant 0 : i32
      %scan3A_97 = arith.constant 20 : i32
      %scan3A_98 = arith.addi %scan3A_96, %scan3A_97 : i32
      %scan3A_99 = arith.constant 1 : i32
      scf.for %scan3A_131 = %scan3A_96 to %scan3A_98 step %scan3A_99  : i32 {
        %mul3A_132 = arith.constant 2 : i32
        %mul3A_133 = arith.muli %mul3A_132, %scan3A_131 : i32
        %add3A_134 = arith.constant 0 : i32
        %add3A_135 = arith.addi %mul3A_133, %add3A_134 : i32
        %dma_wait3A = arith.constant 0 : i32
        %dma_wait3A_136 = arith.constant 0 : i32
        %dma_wait3A_137 = arith.constant 0 : i32
        %dma_wait3A_138 = tpu.memref_slice %arg9[%dma_wait3A, %dma_wait3A_136, %dma_wait3A_137] : memref<2x128x128xf32, #tpu.memory_space<vmem>> -> memref<1x128x128xf32, #tpu.memory_space<vmem>>
        %dma_wait3A_139 = tpu.memref_squeeze %dma_wait3A_138 : memref<1x128x128xf32, #tpu.memory_space<vmem>> -> memref<128x128xf32, #tpu.memory_space<vmem>>
        %dma_wait3A_140 = arith.constant 0 : i32
        %dma_wait3A_141 = arith.constant 0 : i32
        %dma_wait3A_142 = tpu.memref_slice %arg3[%dma_wait3A_140, %dma_wait3A_141] : memref<163840x128xf32, #tpu.memory_space<hbm>> -> memref<128x128xf32, #tpu.memory_space<hbm>>
        %dma_wait3A_143 = arith.constant 0 : i32
        %dma_wait3A_144 = arith.constant 0 : i32
        %dma_wait3A_145 = tpu.memref_slice %arg9[%dma_wait3A, %dma_wait3A_143, %dma_wait3A_144] : memref<2x128x128xf32, #tpu.memory_space<vmem>> -> memref<1x128x128xf32, #tpu.memory_space<vmem>>
        %dma_wait3A_146 = tpu.memref_squeeze %dma_wait3A_145 : memref<1x128x128xf32, #tpu.memory_space<vmem>> -> memref<128x128xf32, #tpu.memory_space<vmem>>
        %dma_wait3A_147 = arith.constant 0 : i32
        %dma_wait3A_148 = arith.constant 0 : i32
        %dma_wait3A_149 = tpu.memref_slice %arg3[%dma_wait3A_147, %dma_wait3A_148] : memref<163840x128xf32, #tpu.memory_space<hbm>> -> memref<128x128xf32, #tpu.memory_space<hbm>>
        tpu.wait_dma2 semaphore(%arg11 : memref<!tpu.dma_semaphore, #tpu.memory_space<semaphore_mem>>) src(%dma_wait3A_149 : memref<128x128xf32, #tpu.memory_space<hbm>>) dst(%dma_wait3A_146 : memref<128x128xf32, #tpu.memory_space<vmem>>)
        %run_scoped3A_150 = arith.constant 0 : i32
        "tpu.region"() ({
          %run_scoped3A_184 = tpu.sem_alloc : memref<!tpu.dma_semaphore, #tpu.memory_space<semaphore_mem>>
          %dma_start3A_185 = arith.constant 0 : i32
          %dma_start3A_186 = arith.constant 0 : i32
          %dma_start3A_187 = tpu.memref_slice %arg9[%run_scoped3A_150, %dma_start3A_185, %dma_start3A_186] : memref<2x128x128xf32, #tpu.memory_space<vmem>> -> memref<1x128x128xf32, #tpu.memory_space<vmem>>
          %dma_start3A_188 = tpu.memref_squeeze %dma_start3A_187 : memref<1x128x128xf32, #tpu.memory_space<vmem>> -> memref<128x128xf32, #tpu.memory_space<vmem>>
          %dma_start3A_189 = arith.constant 0 : i32
          %dma_start3A_190 = tpu.memref_slice %arg8[%add3A_135, %dma_start3A_189] : memref<40x128xi32, #tpu.memory_space<vmem>> -> memref<1x128xi32, #tpu.memory_space<vmem>>
          %dma_start3A_191 = tpu.memref_squeeze %dma_start3A_190 : memref<1x128xi32, #tpu.memory_space<vmem>> -> memref<128xi32, #tpu.memory_space<vmem>>
          %dma_start3A_192 = arith.constant 0 : i32
          %dma_start3A_193 = arith.constant 0 : i32
          %dma_start3A_194 = tpu.memref_slice %arg10[%dma_start3A_192, %dma_start3A_193] : memref<10240x128xf32, #tpu.memory_space<vmem_shared>> -> memref<10240x128xf32, #tpu.memory_space<vmem_shared>>
          tpu.enqueue_indirect_dma source(%dma_start3A_188 : memref<128x128xf32, #tpu.memory_space<vmem>>) target(%dma_start3A_194 : memref<10240x128xf32, #tpu.memory_space<vmem_shared>>) offsets(%dma_start3A_191 : memref<128xi32, #tpu.memory_space<vmem>>) semaphore(%run_scoped3A_184 : memref<!tpu.dma_semaphore, #tpu.memory_space<semaphore_mem>>) {add = true}
          %dma_wait3A_195 = arith.constant 0 : i32
          %dma_wait3A_196 = arith.constant 0 : i32
          %dma_wait3A_197 = tpu.memref_slice %arg9[%run_scoped3A_150, %dma_wait3A_195, %dma_wait3A_196] : memref<2x128x128xf32, #tpu.memory_space<vmem>> -> memref<1x128x128xf32, #tpu.memory_space<vmem>>
          %dma_wait3A_198 = tpu.memref_squeeze %dma_wait3A_197 : memref<1x128x128xf32, #tpu.memory_space<vmem>> -> memref<128x128xf32, #tpu.memory_space<vmem>>
          %dma_wait3A_199 = arith.constant 0 : i32
          %dma_wait3A_200 = tpu.memref_slice %arg8[%add3A_135, %dma_wait3A_199] : memref<40x128xi32, #tpu.memory_space<vmem>> -> memref<1x128xi32, #tpu.memory_space<vmem>>
          %dma_wait3A_201 = tpu.memref_squeeze %dma_wait3A_200 : memref<1x128xi32, #tpu.memory_space<vmem>> -> memref<128xi32, #tpu.memory_space<vmem>>
          %dma_wait3A_202 = arith.constant 0 : i32
          %dma_wait3A_203 = arith.constant 0 : i32
          %dma_wait3A_204 = tpu.memref_slice %arg10[%dma_wait3A_202, %dma_wait3A_203] : memref<10240x128xf32, #tpu.memory_space<vmem_shared>> -> memref<10240x128xf32, #tpu.memory_space<vmem_shared>>
          tpu.wait_indirect_dma semaphore(%run_scoped3A_184 : memref<!tpu.dma_semaphore, #tpu.memory_space<semaphore_mem>>) src(%dma_wait3A_198 : memref<128x128xf32, #tpu.memory_space<vmem>>) dst(%dma_wait3A_204 : memref<10240x128xf32, #tpu.memory_space<vmem_shared>>)
          tpu.yield
        }) : () -> ()
        %add3A_151 = arith.constant 2 : i32
        %add3A_152 = arith.addi %add3A_135, %add3A_151 : i32
        %lt3A = arith.constant 40 : i32
        %lt3A_153 = arith.cmpi slt, %add3A_152, %lt3A : i32
        %convert_element_type3A_154 = arith.extui %lt3A_153 : i1 to i32
        %cond3A_155 = arith.constant 0 : i32
        %cond3A_156 = arith.cmpi ne, %convert_element_type3A_154, %cond3A_155 : i32
        scf.if %cond3A_156 {
          %add3A_184 = arith.constant 2 : i32
          %add3A_185 = arith.addi %add3A_135, %add3A_184 : i32
          %mul3A_186 = arith.constant 80 : i32
          %mul3A_187 = arith.muli %arg1, %mul3A_186 : i32
          %add3A_188 = arith.constant 40 : i32
          %add3A_189 = arith.addi %mul3A_187, %add3A_188 : i32
          %add3A_190 = arith.addi %add3A_189, %add3A_185 : i32
          %mul3A_191 = arith.constant 128 : i32
          %mul3A_192 = arith.muli %add3A_190, %mul3A_191 : i32
          %dma_start3A_193 = arith.constant 0 : i32
          %dma_start3A_194 = arith.constant 0 : i32
          %dma_start3A_195 = arith.constant 0 : i32
          %dma_start3A_196 = tpu.memref_slice %arg9[%dma_start3A_193, %dma_start3A_194, %dma_start3A_195] : memref<2x128x128xf32, #tpu.memory_space<vmem>> -> memref<1x128x128xf32, #tpu.memory_space<vmem>>
          %dma_start3A_197 = tpu.memref_squeeze %dma_start3A_196 : memref<1x128x128xf32, #tpu.memory_space<vmem>> -> memref<128x128xf32, #tpu.memory_space<vmem>>
          %dma_start3A_198 = arith.constant 0 : i32
          %dma_start3A_199 = tpu.memref_slice %arg3[%mul3A_192, %dma_start3A_198] : memref<163840x128xf32, #tpu.memory_space<hbm>> -> memref<128x128xf32, #tpu.memory_space<hbm>>
          %dma_start3A_200 = arith.constant 0 : i32
          %dma_start3A_201 = arith.constant 0 : i32
          %dma_start3A_202 = tpu.memref_slice %arg9[%dma_start3A_193, %dma_start3A_200, %dma_start3A_201] : memref<2x128x128xf32, #tpu.memory_space<vmem>> -> memref<1x128x128xf32, #tpu.memory_space<vmem>>
          %dma_start3A_203 = tpu.memref_squeeze %dma_start3A_202 : memref<1x128x128xf32, #tpu.memory_space<vmem>> -> memref<128x128xf32, #tpu.memory_space<vmem>>
          %dma_start3A_204 = arith.constant 0 : i32
          %dma_start3A_205 = tpu.memref_slice %arg3[%mul3A_192, %dma_start3A_204] : memref<163840x128xf32, #tpu.memory_space<hbm>> -> memref<128x128xf32, #tpu.memory_space<hbm>>
          tpu.enqueue_dma source(%dma_start3A_205 : memref<128x128xf32, #tpu.memory_space<hbm>>) target(%dma_start3A_203 : memref<128x128xf32, #tpu.memory_space<vmem>>) target_semaphore(%arg11 : memref<!tpu.dma_semaphore, #tpu.memory_space<semaphore_mem>>)
        } else {
        }
        %mul3A_157 = arith.constant 2 : i32
        %mul3A_158 = arith.muli %mul3A_157, %scan3A_131 : i32
        %add3A_159 = arith.constant 1 : i32
        %add3A_160 = arith.addi %mul3A_158, %add3A_159 : i32
        %dma_wait3A_161 = arith.constant 1 : i32
        %dma_wait3A_162 = arith.constant 0 : i32
        %dma_wait3A_163 = arith.constant 0 : i32
        %dma_wait3A_164 = tpu.memref_slice %arg9[%dma_wait3A_161, %dma_wait3A_162, %dma_wait3A_163] : memref<2x128x128xf32, #tpu.memory_space<vmem>> -> memref<1x128x128xf32, #tpu.memory_space<vmem>>
        %dma_wait3A_165 = tpu.memref_squeeze %dma_wait3A_164 : memref<1x128x128xf32, #tpu.memory_space<vmem>> -> memref<128x128xf32, #tpu.memory_space<vmem>>
        %dma_wait3A_166 = arith.constant 0 : i32
        %dma_wait3A_167 = arith.constant 0 : i32
        %dma_wait3A_168 = tpu.memref_slice %arg3[%dma_wait3A_166, %dma_wait3A_167] : memref<163840x128xf32, #tpu.memory_space<hbm>> -> memref<128x128xf32, #tpu.memory_space<hbm>>
        %dma_wait3A_169 = arith.constant 0 : i32
        %dma_wait3A_170 = arith.constant 0 : i32
        %dma_wait3A_171 = tpu.memref_slice %arg9[%dma_wait3A_161, %dma_wait3A_169, %dma_wait3A_170] : memref<2x128x128xf32, #tpu.memory_space<vmem>> -> memref<1x128x128xf32, #tpu.memory_space<vmem>>
        %dma_wait3A_172 = tpu.memref_squeeze %dma_wait3A_171 : memref<1x128x128xf32, #tpu.memory_space<vmem>> -> memref<128x128xf32, #tpu.memory_space<vmem>>
        %dma_wait3A_173 = arith.constant 0 : i32
        %dma_wait3A_174 = arith.constant 0 : i32
        %dma_wait3A_175 = tpu.memref_slice %arg3[%dma_wait3A_173, %dma_wait3A_174] : memref<163840x128xf32, #tpu.memory_space<hbm>> -> memref<128x128xf32, #tpu.memory_space<hbm>>
        tpu.wait_dma2 semaphore(%arg12 : memref<!tpu.dma_semaphore, #tpu.memory_space<semaphore_mem>>) src(%dma_wait3A_175 : memref<128x128xf32, #tpu.memory_space<hbm>>) dst(%dma_wait3A_172 : memref<128x128xf32, #tpu.memory_space<vmem>>)
        %run_scoped3A_176 = arith.constant 1 : i32
        "tpu.region"() ({
          %run_scoped3A_184 = tpu.sem_alloc : memref<!tpu.dma_semaphore, #tpu.memory_space<semaphore_mem>>
          %dma_start3A_185 = arith.constant 0 : i32
          %dma_start3A_186 = arith.constant 0 : i32
          %dma_start3A_187 = tpu.memref_slice %arg9[%run_scoped3A_176, %dma_start3A_185, %dma_start3A_186] : memref<2x128x128xf32, #tpu.memory_space<vmem>> -> memref<1x128x128xf32, #tpu.memory_space<vmem>>
          %dma_start3A_188 = tpu.memref_squeeze %dma_start3A_187 : memref<1x128x128xf32, #tpu.memory_space<vmem>> -> memref<128x128xf32, #tpu.memory_space<vmem>>
          %dma_start3A_189 = arith.constant 0 : i32
          %dma_start3A_190 = tpu.memref_slice %arg8[%add3A_160, %dma_start3A_189] : memref<40x128xi32, #tpu.memory_space<vmem>> -> memref<1x128xi32, #tpu.memory_space<vmem>>
          %dma_start3A_191 = tpu.memref_squeeze %dma_start3A_190 : memref<1x128xi32, #tpu.memory_space<vmem>> -> memref<128xi32, #tpu.memory_space<vmem>>
          %dma_start3A_192 = arith.constant 0 : i32
          %dma_start3A_193 = arith.constant 0 : i32
          %dma_start3A_194 = tpu.memref_slice %arg10[%dma_start3A_192, %dma_start3A_193] : memref<10240x128xf32, #tpu.memory_space<vmem_shared>> -> memref<10240x128xf32, #tpu.memory_space<vmem_shared>>
          tpu.enqueue_indirect_dma source(%dma_start3A_188 : memref<128x128xf32, #tpu.memory_space<vmem>>) target(%dma_start3A_194 : memref<10240x128xf32, #tpu.memory_space<vmem_shared>>) offsets(%dma_start3A_191 : memref<128xi32, #tpu.memory_space<vmem>>) semaphore(%run_scoped3A_184 : memref<!tpu.dma_semaphore, #tpu.memory_space<semaphore_mem>>) {add = true}
          %dma_wait3A_195 = arith.constant 0 : i32
          %dma_wait3A_196 = arith.constant 0 : i32
          %dma_wait3A_197 = tpu.memref_slice %arg9[%run_scoped3A_176, %dma_wait3A_195, %dma_wait3A_196] : memref<2x128x128xf32, #tpu.memory_space<vmem>> -> memref<1x128x128xf32, #tpu.memory_space<vmem>>
          %dma_wait3A_198 = tpu.memref_squeeze %dma_wait3A_197 : memref<1x128x128xf32, #tpu.memory_space<vmem>> -> memref<128x128xf32, #tpu.memory_space<vmem>>
          %dma_wait3A_199 = arith.constant 0 : i32
          %dma_wait3A_200 = tpu.memref_slice %arg8[%add3A_160, %dma_wait3A_199] : memref<40x128xi32, #tpu.memory_space<vmem>> -> memref<1x128xi32, #tpu.memory_space<vmem>>
          %dma_wait3A_201 = tpu.memref_squeeze %dma_wait3A_200 : memref<1x128xi32, #tpu.memory_space<vmem>> -> memref<128xi32, #tpu.memory_space<vmem>>
          %dma_wait3A_202 = arith.constant 0 : i32
          %dma_wait3A_203 = arith.constant 0 : i32
          %dma_wait3A_204 = tpu.memref_slice %arg10[%dma_wait3A_202, %dma_wait3A_203] : memref<10240x128xf32, #tpu.memory_space<vmem_shared>> -> memref<10240x128xf32, #tpu.memory_space<vmem_shared>>
          tpu.wait_indirect_dma semaphore(%run_scoped3A_184 : memref<!tpu.dma_semaphore, #tpu.memory_space<semaphore_mem>>) src(%dma_wait3A_198 : memref<128x128xf32, #tpu.memory_space<vmem>>) dst(%dma_wait3A_204 : memref<10240x128xf32, #tpu.memory_space<vmem_shared>>)
          tpu.yield
        }) : () -> ()
        %add3A_177 = arith.constant 2 : i32
        %add3A_178 = arith.addi %add3A_160, %add3A_177 : i32
        %lt3A_179 = arith.constant 40 : i32
        %lt3A_180 = arith.cmpi slt, %add3A_178, %lt3A_179 : i32
        %convert_element_type3A_181 = arith.extui %lt3A_180 : i1 to i32
        %cond3A_182 = arith.constant 0 : i32
        %cond3A_183 = arith.cmpi ne, %convert_element_type3A_181, %cond3A_182 : i32
        scf.if %cond3A_183 {
          %add3A_184 = arith.constant 2 : i32
          %add3A_185 = arith.addi %add3A_160, %add3A_184 : i32
          %mul3A_186 = arith.constant 80 : i32
          %mul3A_187 = arith.muli %arg1, %mul3A_186 : i32
          %add3A_188 = arith.constant 40 : i32
          %add3A_189 = arith.addi %mul3A_187, %add3A_188 : i32
          %add3A_190 = arith.addi %add3A_189, %add3A_185 : i32
          %mul3A_191 = arith.constant 128 : i32
          %mul3A_192 = arith.muli %add3A_190, %mul3A_191 : i32
          %dma_start3A_193 = arith.constant 1 : i32
          %dma_start3A_194 = arith.constant 0 : i32
          %dma_start3A_195 = arith.constant 0 : i32
          %dma_start3A_196 = tpu.memref_slice %arg9[%dma_start3A_193, %dma_start3A_194, %dma_start3A_195] : memref<2x128x128xf32, #tpu.memory_space<vmem>> -> memref<1x128x128xf32, #tpu.memory_space<vmem>>
          %dma_start3A_197 = tpu.memref_squeeze %dma_start3A_196 : memref<1x128x128xf32, #tpu.memory_space<vmem>> -> memref<128x128xf32, #tpu.memory_space<vmem>>
          %dma_start3A_198 = arith.constant 0 : i32
          %dma_start3A_199 = tpu.memref_slice %arg3[%mul3A_192, %dma_start3A_198] : memref<163840x128xf32, #tpu.memory_space<hbm>> -> memref<128x128xf32, #tpu.memory_space<hbm>>
          %dma_start3A_200 = arith.constant 0 : i32
          %dma_start3A_201 = arith.constant 0 : i32
          %dma_start3A_202 = tpu.memref_slice %arg9[%dma_start3A_193, %dma_start3A_200, %dma_start3A_201] : memref<2x128x128xf32, #tpu.memory_space<vmem>> -> memref<1x128x128xf32, #tpu.memory_space<vmem>>
          %dma_start3A_203 = tpu.memref_squeeze %dma_start3A_202 : memref<1x128x128xf32, #tpu.memory_space<vmem>> -> memref<128x128xf32, #tpu.memory_space<vmem>>
          %dma_start3A_204 = arith.constant 0 : i32
          %dma_start3A_205 = tpu.memref_slice %arg3[%mul3A_192, %dma_start3A_204] : memref<163840x128xf32, #tpu.memory_space<hbm>> -> memref<128x128xf32, #tpu.memory_space<hbm>>
          tpu.enqueue_dma source(%dma_start3A_205 : memref<128x128xf32, #tpu.memory_space<hbm>>) target(%dma_start3A_203 : memref<128x128xf32, #tpu.memory_space<vmem>>) target_semaphore(%arg12 : memref<!tpu.dma_semaphore, #tpu.memory_space<semaphore_mem>>)
        } else {
        }
      }
      %scan3A_100 = arith.constant 20 : i32
      %barrier3A_101 = arith.constant 0 : index
      tpu.barrier barrier_id(%barrier3A_101)
      %mul3A_102 = arith.constant 640 : i32
      %mul3A_103 = arith.muli %arg1, %mul3A_102 : i32
      %add3A_104 = arith.constant 0 : i32
      %add3A_105 = arith.addi %mul3A_103, %add3A_104 : i32
      %run_scoped3A = arith.constant 0 : i32
      "tpu.region"() ({
        %run_scoped3A_131 = tpu.sem_alloc : memref<!tpu.dma_semaphore, #tpu.memory_space<semaphore_mem>>
        %dma_start3A_132 = arith.constant 0 : i32
        %dma_start3A_133 = arith.constant 0 : i32
        %dma_start3A_134 = tpu.memref_slice %arg9[%run_scoped3A, %dma_start3A_132, %dma_start3A_133] : memref<2x128x128xf32, #tpu.memory_space<vmem>> -> memref<1x128x128xf32, #tpu.memory_space<vmem>>
        %dma_start3A_135 = tpu.memref_squeeze %dma_start3A_134 : memref<1x128x128xf32, #tpu.memory_space<vmem>> -> memref<128x128xf32, #tpu.memory_space<vmem>>
        %dma_start3A_136 = arith.constant 0 : i32
        %dma_start3A_137 = tpu.memref_slice %arg10[%add3A_105, %dma_start3A_136] : memref<10240x128xf32, #tpu.memory_space<vmem_shared>> -> memref<128x128xf32, #tpu.memory_space<vmem_shared>>
        %dma_start3A_138 = arith.constant 0 : i32
        %dma_start3A_139 = arith.constant 0 : i32
        %dma_start3A_140 = tpu.memref_slice %arg9[%run_scoped3A, %dma_start3A_138, %dma_start3A_139] : memref<2x128x128xf32, #tpu.memory_space<vmem>> -> memref<1x128x128xf32, #tpu.memory_space<vmem>>
        %dma_start3A_141 = tpu.memref_squeeze %dma_start3A_140 : memref<1x128x128xf32, #tpu.memory_space<vmem>> -> memref<128x128xf32, #tpu.memory_space<vmem>>
        %dma_start3A_142 = arith.constant 0 : i32
        %dma_start3A_143 = tpu.memref_slice %arg10[%add3A_105, %dma_start3A_142] : memref<10240x128xf32, #tpu.memory_space<vmem_shared>> -> memref<128x128xf32, #tpu.memory_space<vmem_shared>>
        tpu.enqueue_dma source(%dma_start3A_143 : memref<128x128xf32, #tpu.memory_space<vmem_shared>>) target(%dma_start3A_141 : memref<128x128xf32, #tpu.memory_space<vmem>>) target_semaphore(%run_scoped3A_131 : memref<!tpu.dma_semaphore, #tpu.memory_space<semaphore_mem>>)
        %dma_wait3A = arith.constant 0 : i32
        %dma_wait3A_144 = arith.constant 0 : i32
        %dma_wait3A_145 = tpu.memref_slice %arg9[%run_scoped3A, %dma_wait3A, %dma_wait3A_144] : memref<2x128x128xf32, #tpu.memory_space<vmem>> -> memref<1x128x128xf32, #tpu.memory_space<vmem>>
        %dma_wait3A_146 = tpu.memref_squeeze %dma_wait3A_145 : memref<1x128x128xf32, #tpu.memory_space<vmem>> -> memref<128x128xf32, #tpu.memory_space<vmem>>
        %dma_wait3A_147 = arith.constant 0 : i32
        %dma_wait3A_148 = tpu.memref_slice %arg10[%add3A_105, %dma_wait3A_147] : memref<10240x128xf32, #tpu.memory_space<vmem_shared>> -> memref<128x128xf32, #tpu.memory_space<vmem_shared>>
        %dma_wait3A_149 = arith.constant 0 : i32
        %dma_wait3A_150 = arith.constant 0 : i32
        %dma_wait3A_151 = tpu.memref_slice %arg9[%run_scoped3A, %dma_wait3A_149, %dma_wait3A_150] : memref<2x128x128xf32, #tpu.memory_space<vmem>> -> memref<1x128x128xf32, #tpu.memory_space<vmem>>
        %dma_wait3A_152 = tpu.memref_squeeze %dma_wait3A_151 : memref<1x128x128xf32, #tpu.memory_space<vmem>> -> memref<128x128xf32, #tpu.memory_space<vmem>>
        %dma_wait3A_153 = arith.constant 0 : i32
        %dma_wait3A_154 = tpu.memref_slice %arg10[%add3A_105, %dma_wait3A_153] : memref<10240x128xf32, #tpu.memory_space<vmem_shared>> -> memref<128x128xf32, #tpu.memory_space<vmem_shared>>
        tpu.wait_dma2 semaphore(%run_scoped3A_131 : memref<!tpu.dma_semaphore, #tpu.memory_space<semaphore_mem>>) src(%dma_wait3A_154 : memref<128x128xf32, #tpu.memory_space<vmem_shared>>) dst(%dma_wait3A_152 : memref<128x128xf32, #tpu.memory_space<vmem>>)
        tpu.yield
      }) : () -> ()
      %run_scoped3A_106 = arith.constant 0 : i32
      "tpu.region"() ({
        %run_scoped3A_131 = tpu.sem_alloc : memref<!tpu.dma_semaphore, #tpu.memory_space<semaphore_mem>>
        %dma_start3A_132 = arith.constant 0 : i32
        %dma_start3A_133 = arith.constant 0 : i32
        %dma_start3A_134 = tpu.memref_slice %arg9[%run_scoped3A_106, %dma_start3A_132, %dma_start3A_133] : memref<2x128x128xf32, #tpu.memory_space<vmem>> -> memref<1x128x128xf32, #tpu.memory_space<vmem>>
        %dma_start3A_135 = tpu.memref_squeeze %dma_start3A_134 : memref<1x128x128xf32, #tpu.memory_space<vmem>> -> memref<128x128xf32, #tpu.memory_space<vmem>>
        %dma_start3A_136 = arith.constant 0 : i32
        %dma_start3A_137 = tpu.memref_slice %arg7[%add3A_105, %dma_start3A_136] : memref<10240x128xf32, #tpu.memory_space<hbm>> -> memref<128x128xf32, #tpu.memory_space<hbm>>
        %dma_start3A_138 = arith.constant 0 : i32
        %dma_start3A_139 = tpu.memref_slice %arg7[%add3A_105, %dma_start3A_138] : memref<10240x128xf32, #tpu.memory_space<hbm>> -> memref<128x128xf32, #tpu.memory_space<hbm>>
        %dma_start3A_140 = arith.constant 0 : i32
        %dma_start3A_141 = arith.constant 0 : i32
        %dma_start3A_142 = tpu.memref_slice %arg9[%run_scoped3A_106, %dma_start3A_140, %dma_start3A_141] : memref<2x128x128xf32, #tpu.memory_space<vmem>> -> memref<1x128x128xf32, #tpu.memory_space<vmem>>
        %dma_start3A_143 = tpu.memref_squeeze %dma_start3A_142 : memref<1x128x128xf32, #tpu.memory_space<vmem>> -> memref<128x128xf32, #tpu.memory_space<vmem>>
        tpu.enqueue_dma source(%dma_start3A_143 : memref<128x128xf32, #tpu.memory_space<vmem>>) target(%dma_start3A_139 : memref<128x128xf32, #tpu.memory_space<hbm>>) target_semaphore(%run_scoped3A_131 : memref<!tpu.dma_semaphore, #tpu.memory_space<semaphore_mem>>)
        %dma_wait3A = arith.constant 0 : i32
        %dma_wait3A_144 = arith.constant 0 : i32
        %dma_wait3A_145 = tpu.memref_slice %arg9[%run_scoped3A_106, %dma_wait3A, %dma_wait3A_144] : memref<2x128x128xf32, #tpu.memory_space<vmem>> -> memref<1x128x128xf32, #tpu.memory_space<vmem>>
        %dma_wait3A_146 = tpu.memref_squeeze %dma_wait3A_145 : memref<1x128x128xf32, #tpu.memory_space<vmem>> -> memref<128x128xf32, #tpu.memory_space<vmem>>
        %dma_wait3A_147 = arith.constant 0 : i32
        %dma_wait3A_148 = tpu.memref_slice %arg7[%add3A_105, %dma_wait3A_147] : memref<10240x128xf32, #tpu.memory_space<hbm>> -> memref<128x128xf32, #tpu.memory_space<hbm>>
        %dma_wait3A_149 = arith.constant 0 : i32
        %dma_wait3A_150 = tpu.memref_slice %arg7[%add3A_105, %dma_wait3A_149] : memref<10240x128xf32, #tpu.memory_space<hbm>> -> memref<128x128xf32, #tpu.memory_space<hbm>>
        %dma_wait3A_151 = arith.constant 0 : i32
        %dma_wait3A_152 = arith.constant 0 : i32
        %dma_wait3A_153 = tpu.memref_slice %arg9[%run_scoped3A_106, %dma_wait3A_151, %dma_wait3A_152] : memref<2x128x128xf32, #tpu.memory_space<vmem>> -> memref<1x128x128xf32, #tpu.memory_space<vmem>>
        %dma_wait3A_154 = tpu.memref_squeeze %dma_wait3A_153 : memref<1x128x128xf32, #tpu.memory_space<vmem>> -> memref<128x128xf32, #tpu.memory_space<vmem>>
        tpu.wait_dma2 semaphore(%run_scoped3A_131 : memref<!tpu.dma_semaphore, #tpu.memory_space<semaphore_mem>>) src(%dma_wait3A_154 : memref<128x128xf32, #tpu.memory_space<vmem>>) dst(%dma_wait3A_150 : memref<128x128xf32, #tpu.memory_space<hbm>>)
        tpu.yield
      }) : () -> ()
      %mul3A_107 = arith.constant 640 : i32
      %mul3A_108 = arith.muli %arg1, %mul3A_107 : i32
      %add3A_109 = arith.constant 128 : i32
      %add3A_110 = arith.addi %mul3A_108, %add3A_109 : i32
      %run_scoped3A_111 = arith.constant 0 : i32
      "tpu.region"() ({
        %run_scoped3A_131 = tpu.sem_alloc : memref<!tpu.dma_semaphore, #tpu.memory_space<semaphore_mem>>
        %dma_start3A_132 = arith.constant 0 : i32
        %dma_start3A_133 = arith.constant 0 : i32
        %dma_start3A_134 = tpu.memref_slice %arg9[%run_scoped3A_111, %dma_start3A_132, %dma_start3A_133] : memref<2x128x128xf32, #tpu.memory_space<vmem>> -> memref<1x128x128xf32, #tpu.memory_space<vmem>>
        %dma_start3A_135 = tpu.memref_squeeze %dma_start3A_134 : memref<1x128x128xf32, #tpu.memory_space<vmem>> -> memref<128x128xf32, #tpu.memory_space<vmem>>
        %dma_start3A_136 = arith.constant 0 : i32
        %dma_start3A_137 = tpu.memref_slice %arg10[%add3A_110, %dma_start3A_136] : memref<10240x128xf32, #tpu.memory_space<vmem_shared>> -> memref<128x128xf32, #tpu.memory_space<vmem_shared>>
        %dma_start3A_138 = arith.constant 0 : i32
        %dma_start3A_139 = arith.constant 0 : i32
        %dma_start3A_140 = tpu.memref_slice %arg9[%run_scoped3A_111, %dma_start3A_138, %dma_start3A_139] : memref<2x128x128xf32, #tpu.memory_space<vmem>> -> memref<1x128x128xf32, #tpu.memory_space<vmem>>
        %dma_start3A_141 = tpu.memref_squeeze %dma_start3A_140 : memref<1x128x128xf32, #tpu.memory_space<vmem>> -> memref<128x128xf32, #tpu.memory_space<vmem>>
        %dma_start3A_142 = arith.constant 0 : i32
        %dma_start3A_143 = tpu.memref_slice %arg10[%add3A_110, %dma_start3A_142] : memref<10240x128xf32, #tpu.memory_space<vmem_shared>> -> memref<128x128xf32, #tpu.memory_space<vmem_shared>>
        tpu.enqueue_dma source(%dma_start3A_143 : memref<128x128xf32, #tpu.memory_space<vmem_shared>>) target(%dma_start3A_141 : memref<128x128xf32, #tpu.memory_space<vmem>>) target_semaphore(%run_scoped3A_131 : memref<!tpu.dma_semaphore, #tpu.memory_space<semaphore_mem>>)
        %dma_wait3A = arith.constant 0 : i32
        %dma_wait3A_144 = arith.constant 0 : i32
        %dma_wait3A_145 = tpu.memref_slice %arg9[%run_scoped3A_111, %dma_wait3A, %dma_wait3A_144] : memref<2x128x128xf32, #tpu.memory_space<vmem>> -> memref<1x128x128xf32, #tpu.memory_space<vmem>>
        %dma_wait3A_146 = tpu.memref_squeeze %dma_wait3A_145 : memref<1x128x128xf32, #tpu.memory_space<vmem>> -> memref<128x128xf32, #tpu.memory_space<vmem>>
        %dma_wait3A_147 = arith.constant 0 : i32
        %dma_wait3A_148 = tpu.memref_slice %arg10[%add3A_110, %dma_wait3A_147] : memref<10240x128xf32, #tpu.memory_space<vmem_shared>> -> memref<128x128xf32, #tpu.memory_space<vmem_shared>>
        %dma_wait3A_149 = arith.constant 0 : i32
        %dma_wait3A_150 = arith.constant 0 : i32
        %dma_wait3A_151 = tpu.memref_slice %arg9[%run_scoped3A_111, %dma_wait3A_149, %dma_wait3A_150] : memref<2x128x128xf32, #tpu.memory_space<vmem>> -> memref<1x128x128xf32, #tpu.memory_space<vmem>>
        %dma_wait3A_152 = tpu.memref_squeeze %dma_wait3A_151 : memref<1x128x128xf32, #tpu.memory_space<vmem>> -> memref<128x128xf32, #tpu.memory_space<vmem>>
        %dma_wait3A_153 = arith.constant 0 : i32
        %dma_wait3A_154 = tpu.memref_slice %arg10[%add3A_110, %dma_wait3A_153] : memref<10240x128xf32, #tpu.memory_space<vmem_shared>> -> memref<128x128xf32, #tpu.memory_space<vmem_shared>>
        tpu.wait_dma2 semaphore(%run_scoped3A_131 : memref<!tpu.dma_semaphore, #tpu.memory_space<semaphore_mem>>) src(%dma_wait3A_154 : memref<128x128xf32, #tpu.memory_space<vmem_shared>>) dst(%dma_wait3A_152 : memref<128x128xf32, #tpu.memory_space<vmem>>)
        tpu.yield
      }) : () -> ()
      %run_scoped3A_112 = arith.constant 0 : i32
      "tpu.region"() ({
        %run_scoped3A_131 = tpu.sem_alloc : memref<!tpu.dma_semaphore, #tpu.memory_space<semaphore_mem>>
        %dma_start3A_132 = arith.constant 0 : i32
        %dma_start3A_133 = arith.constant 0 : i32
        %dma_start3A_134 = tpu.memref_slice %arg9[%run_scoped3A_112, %dma_start3A_132, %dma_start3A_133] : memref<2x128x128xf32, #tpu.memory_space<vmem>> -> memref<1x128x128xf32, #tpu.memory_space<vmem>>
        %dma_start3A_135 = tpu.memref_squeeze %dma_start3A_134 : memref<1x128x128xf32, #tpu.memory_space<vmem>> -> memref<128x128xf32, #tpu.memory_space<vmem>>
        %dma_start3A_136 = arith.constant 0 : i32
        %dma_start3A_137 = tpu.memref_slice %arg7[%add3A_110, %dma_start3A_136] : memref<10240x128xf32, #tpu.memory_space<hbm>> -> memref<128x128xf32, #tpu.memory_space<hbm>>
        %dma_start3A_138 = arith.constant 0 : i32
        %dma_start3A_139 = tpu.memref_slice %arg7[%add3A_110, %dma_start3A_138] : memref<10240x128xf32, #tpu.memory_space<hbm>> -> memref<128x128xf32, #tpu.memory_space<hbm>>
        %dma_start3A_140 = arith.constant 0 : i32
        %dma_start3A_141 = arith.constant 0 : i32
        %dma_start3A_142 = tpu.memref_slice %arg9[%run_scoped3A_112, %dma_start3A_140, %dma_start3A_141] : memref<2x128x128xf32, #tpu.memory_space<vmem>> -> memref<1x128x128xf32, #tpu.memory_space<vmem>>
        %dma_start3A_143 = tpu.memref_squeeze %dma_start3A_142 : memref<1x128x128xf32, #tpu.memory_space<vmem>> -> memref<128x128xf32, #tpu.memory_space<vmem>>
        tpu.enqueue_dma source(%dma_start3A_143 : memref<128x128xf32, #tpu.memory_space<vmem>>) target(%dma_start3A_139 : memref<128x128xf32, #tpu.memory_space<hbm>>) target_semaphore(%run_scoped3A_131 : memref<!tpu.dma_semaphore, #tpu.memory_space<semaphore_mem>>)
        %dma_wait3A = arith.constant 0 : i32
        %dma_wait3A_144 = arith.constant 0 : i32
        %dma_wait3A_145 = tpu.memref_slice %arg9[%run_scoped3A_112, %dma_wait3A, %dma_wait3A_144] : memref<2x128x128xf32, #tpu.memory_space<vmem>> -> memref<1x128x128xf32, #tpu.memory_space<vmem>>
        %dma_wait3A_146 = tpu.memref_squeeze %dma_wait3A_145 : memref<1x128x128xf32, #tpu.memory_space<vmem>> -> memref<128x128xf32, #tpu.memory_space<vmem>>
        %dma_wait3A_147 = arith.constant 0 : i32
        %dma_wait3A_148 = tpu.memref_slice %arg7[%add3A_110, %dma_wait3A_147] : memref<10240x128xf32, #tpu.memory_space<hbm>> -> memref<128x128xf32, #tpu.memory_space<hbm>>
        %dma_wait3A_149 = arith.constant 0 : i32
        %dma_wait3A_150 = tpu.memref_slice %arg7[%add3A_110, %dma_wait3A_149] : memref<10240x128xf32, #tpu.memory_space<hbm>> -> memref<128x128xf32, #tpu.memory_space<hbm>>
        %dma_wait3A_151 = arith.constant 0 : i32
        %dma_wait3A_152 = arith.constant 0 : i32
        %dma_wait3A_153 = tpu.memref_slice %arg9[%run_scoped3A_112, %dma_wait3A_151, %dma_wait3A_152] : memref<2x128x128xf32, #tpu.memory_space<vmem>> -> memref<1x128x128xf32, #tpu.memory_space<vmem>>
        %dma_wait3A_154 = tpu.memref_squeeze %dma_wait3A_153 : memref<1x128x128xf32, #tpu.memory_space<vmem>> -> memref<128x128xf32, #tpu.memory_space<vmem>>
        tpu.wait_dma2 semaphore(%run_scoped3A_131 : memref<!tpu.dma_semaphore, #tpu.memory_space<semaphore_mem>>) src(%dma_wait3A_154 : memref<128x128xf32, #tpu.memory_space<vmem>>) dst(%dma_wait3A_150 : memref<128x128xf32, #tpu.memory_space<hbm>>)
        tpu.yield
      }) : () -> ()
      %mul3A_113 = arith.constant 640 : i32
      %mul3A_114 = arith.muli %arg1, %mul3A_113 : i32
      %add3A_115 = arith.constant 256 : i32
      %add3A_116 = arith.addi %mul3A_114, %add3A_115 : i32
      %run_scoped3A_117 = arith.constant 0 : i32
      "tpu.region"() ({
        %run_scoped3A_131 = tpu.sem_alloc : memref<!tpu.dma_semaphore, #tpu.memory_space<semaphore_mem>>
        %dma_start3A_132 = arith.constant 0 : i32
        %dma_start3A_133 = arith.constant 0 : i32
        %dma_start3A_134 = tpu.memref_slice %arg9[%run_scoped3A_117, %dma_start3A_132, %dma_start3A_133] : memref<2x128x128xf32, #tpu.memory_space<vmem>> -> memref<1x128x128xf32, #tpu.memory_space<vmem>>
        %dma_start3A_135 = tpu.memref_squeeze %dma_start3A_134 : memref<1x128x128xf32, #tpu.memory_space<vmem>> -> memref<128x128xf32, #tpu.memory_space<vmem>>
        %dma_start3A_136 = arith.constant 0 : i32
        %dma_start3A_137 = tpu.memref_slice %arg10[%add3A_116, %dma_start3A_136] : memref<10240x128xf32, #tpu.memory_space<vmem_shared>> -> memref<128x128xf32, #tpu.memory_space<vmem_shared>>
        %dma_start3A_138 = arith.constant 0 : i32
        %dma_start3A_139 = arith.constant 0 : i32
        %dma_start3A_140 = tpu.memref_slice %arg9[%run_scoped3A_117, %dma_start3A_138, %dma_start3A_139] : memref<2x128x128xf32, #tpu.memory_space<vmem>> -> memref<1x128x128xf32, #tpu.memory_space<vmem>>
        %dma_start3A_141 = tpu.memref_squeeze %dma_start3A_140 : memref<1x128x128xf32, #tpu.memory_space<vmem>> -> memref<128x128xf32, #tpu.memory_space<vmem>>
        %dma_start3A_142 = arith.constant 0 : i32
        %dma_start3A_143 = tpu.memref_slice %arg10[%add3A_116, %dma_start3A_142] : memref<10240x128xf32, #tpu.memory_space<vmem_shared>> -> memref<128x128xf32, #tpu.memory_space<vmem_shared>>
        tpu.enqueue_dma source(%dma_start3A_143 : memref<128x128xf32, #tpu.memory_space<vmem_shared>>) target(%dma_start3A_141 : memref<128x128xf32, #tpu.memory_space<vmem>>) target_semaphore(%run_scoped3A_131 : memref<!tpu.dma_semaphore, #tpu.memory_space<semaphore_mem>>)
        %dma_wait3A = arith.constant 0 : i32
        %dma_wait3A_144 = arith.constant 0 : i32
        %dma_wait3A_145 = tpu.memref_slice %arg9[%run_scoped3A_117, %dma_wait3A, %dma_wait3A_144] : memref<2x128x128xf32, #tpu.memory_space<vmem>> -> memref<1x128x128xf32, #tpu.memory_space<vmem>>
        %dma_wait3A_146 = tpu.memref_squeeze %dma_wait3A_145 : memref<1x128x128xf32, #tpu.memory_space<vmem>> -> memref<128x128xf32, #tpu.memory_space<vmem>>
        %dma_wait3A_147 = arith.constant 0 : i32
        %dma_wait3A_148 = tpu.memref_slice %arg10[%add3A_116, %dma_wait3A_147] : memref<10240x128xf32, #tpu.memory_space<vmem_shared>> -> memref<128x128xf32, #tpu.memory_space<vmem_shared>>
        %dma_wait3A_149 = arith.constant 0 : i32
        %dma_wait3A_150 = arith.constant 0 : i32
        %dma_wait3A_151 = tpu.memref_slice %arg9[%run_scoped3A_117, %dma_wait3A_149, %dma_wait3A_150] : memref<2x128x128xf32, #tpu.memory_space<vmem>> -> memref<1x128x128xf32, #tpu.memory_space<vmem>>
        %dma_wait3A_152 = tpu.memref_squeeze %dma_wait3A_151 : memref<1x128x128xf32, #tpu.memory_space<vmem>> -> memref<128x128xf32, #tpu.memory_space<vmem>>
        %dma_wait3A_153 = arith.constant 0 : i32
        %dma_wait3A_154 = tpu.memref_slice %arg10[%add3A_116, %dma_wait3A_153] : memref<10240x128xf32, #tpu.memory_space<vmem_shared>> -> memref<128x128xf32, #tpu.memory_space<vmem_shared>>
        tpu.wait_dma2 semaphore(%run_scoped3A_131 : memref<!tpu.dma_semaphore, #tpu.memory_space<semaphore_mem>>) src(%dma_wait3A_154 : memref<128x128xf32, #tpu.memory_space<vmem_shared>>) dst(%dma_wait3A_152 : memref<128x128xf32, #tpu.memory_space<vmem>>)
        tpu.yield
      }) : () -> ()
      %run_scoped3A_118 = arith.constant 0 : i32
      "tpu.region"() ({
        %run_scoped3A_131 = tpu.sem_alloc : memref<!tpu.dma_semaphore, #tpu.memory_space<semaphore_mem>>
        %dma_start3A_132 = arith.constant 0 : i32
        %dma_start3A_133 = arith.constant 0 : i32
        %dma_start3A_134 = tpu.memref_slice %arg9[%run_scoped3A_118, %dma_start3A_132, %dma_start3A_133] : memref<2x128x128xf32, #tpu.memory_space<vmem>> -> memref<1x128x128xf32, #tpu.memory_space<vmem>>
        %dma_start3A_135 = tpu.memref_squeeze %dma_start3A_134 : memref<1x128x128xf32, #tpu.memory_space<vmem>> -> memref<128x128xf32, #tpu.memory_space<vmem>>
        %dma_start3A_136 = arith.constant 0 : i32
        %dma_start3A_137 = tpu.memref_slice %arg7[%add3A_116, %dma_start3A_136] : memref<10240x128xf32, #tpu.memory_space<hbm>> -> memref<128x128xf32, #tpu.memory_space<hbm>>
        %dma_start3A_138 = arith.constant 0 : i32
        %dma_start3A_139 = tpu.memref_slice %arg7[%add3A_116, %dma_start3A_138] : memref<10240x128xf32, #tpu.memory_space<hbm>> -> memref<128x128xf32, #tpu.memory_space<hbm>>
        %dma_start3A_140 = arith.constant 0 : i32
        %dma_start3A_141 = arith.constant 0 : i32
        %dma_start3A_142 = tpu.memref_slice %arg9[%run_scoped3A_118, %dma_start3A_140, %dma_start3A_141] : memref<2x128x128xf32, #tpu.memory_space<vmem>> -> memref<1x128x128xf32, #tpu.memory_space<vmem>>
        %dma_start3A_143 = tpu.memref_squeeze %dma_start3A_142 : memref<1x128x128xf32, #tpu.memory_space<vmem>> -> memref<128x128xf32, #tpu.memory_space<vmem>>
        tpu.enqueue_dma source(%dma_start3A_143 : memref<128x128xf32, #tpu.memory_space<vmem>>) target(%dma_start3A_139 : memref<128x128xf32, #tpu.memory_space<hbm>>) target_semaphore(%run_scoped3A_131 : memref<!tpu.dma_semaphore, #tpu.memory_space<semaphore_mem>>)
        %dma_wait3A = arith.constant 0 : i32
        %dma_wait3A_144 = arith.constant 0 : i32
        %dma_wait3A_145 = tpu.memref_slice %arg9[%run_scoped3A_118, %dma_wait3A, %dma_wait3A_144] : memref<2x128x128xf32, #tpu.memory_space<vmem>> -> memref<1x128x128xf32, #tpu.memory_space<vmem>>
        %dma_wait3A_146 = tpu.memref_squeeze %dma_wait3A_145 : memref<1x128x128xf32, #tpu.memory_space<vmem>> -> memref<128x128xf32, #tpu.memory_space<vmem>>
        %dma_wait3A_147 = arith.constant 0 : i32
        %dma_wait3A_148 = tpu.memref_slice %arg7[%add3A_116, %dma_wait3A_147] : memref<10240x128xf32, #tpu.memory_space<hbm>> -> memref<128x128xf32, #tpu.memory_space<hbm>>
        %dma_wait3A_149 = arith.constant 0 : i32
        %dma_wait3A_150 = tpu.memref_slice %arg7[%add3A_116, %dma_wait3A_149] : memref<10240x128xf32, #tpu.memory_space<hbm>> -> memref<128x128xf32, #tpu.memory_space<hbm>>
        %dma_wait3A_151 = arith.constant 0 : i32
        %dma_wait3A_152 = arith.constant 0 : i32
        %dma_wait3A_153 = tpu.memref_slice %arg9[%run_scoped3A_118, %dma_wait3A_151, %dma_wait3A_152] : memref<2x128x128xf32, #tpu.memory_space<vmem>> -> memref<1x128x128xf32, #tpu.memory_space<vmem>>
        %dma_wait3A_154 = tpu.memref_squeeze %dma_wait3A_153 : memref<1x128x128xf32, #tpu.memory_space<vmem>> -> memref<128x128xf32, #tpu.memory_space<vmem>>
        tpu.wait_dma2 semaphore(%run_scoped3A_131 : memref<!tpu.dma_semaphore, #tpu.memory_space<semaphore_mem>>) src(%dma_wait3A_154 : memref<128x128xf32, #tpu.memory_space<vmem>>) dst(%dma_wait3A_150 : memref<128x128xf32, #tpu.memory_space<hbm>>)
        tpu.yield
      }) : () -> ()
      %mul3A_119 = arith.constant 640 : i32
      %mul3A_120 = arith.muli %arg1, %mul3A_119 : i32
      %add3A_121 = arith.constant 384 : i32
      %add3A_122 = arith.addi %mul3A_120, %add3A_121 : i32
      %run_scoped3A_123 = arith.constant 0 : i32
      "tpu.region"() ({
        %run_scoped3A_131 = tpu.sem_alloc : memref<!tpu.dma_semaphore, #tpu.memory_space<semaphore_mem>>
        %dma_start3A_132 = arith.constant 0 : i32
        %dma_start3A_133 = arith.constant 0 : i32
        %dma_start3A_134 = tpu.memref_slice %arg9[%run_scoped3A_123, %dma_start3A_132, %dma_start3A_133] : memref<2x128x128xf32, #tpu.memory_space<vmem>> -> memref<1x128x128xf32, #tpu.memory_space<vmem>>
        %dma_start3A_135 = tpu.memref_squeeze %dma_start3A_134 : memref<1x128x128xf32, #tpu.memory_space<vmem>> -> memref<128x128xf32, #tpu.memory_space<vmem>>
        %dma_start3A_136 = arith.constant 0 : i32
        %dma_start3A_137 = tpu.memref_slice %arg10[%add3A_122, %dma_start3A_136] : memref<10240x128xf32, #tpu.memory_space<vmem_shared>> -> memref<128x128xf32, #tpu.memory_space<vmem_shared>>
        %dma_start3A_138 = arith.constant 0 : i32
        %dma_start3A_139 = arith.constant 0 : i32
        %dma_start3A_140 = tpu.memref_slice %arg9[%run_scoped3A_123, %dma_start3A_138, %dma_start3A_139] : memref<2x128x128xf32, #tpu.memory_space<vmem>> -> memref<1x128x128xf32, #tpu.memory_space<vmem>>
        %dma_start3A_141 = tpu.memref_squeeze %dma_start3A_140 : memref<1x128x128xf32, #tpu.memory_space<vmem>> -> memref<128x128xf32, #tpu.memory_space<vmem>>
        %dma_start3A_142 = arith.constant 0 : i32
        %dma_start3A_143 = tpu.memref_slice %arg10[%add3A_122, %dma_start3A_142] : memref<10240x128xf32, #tpu.memory_space<vmem_shared>> -> memref<128x128xf32, #tpu.memory_space<vmem_shared>>
        tpu.enqueue_dma source(%dma_start3A_143 : memref<128x128xf32, #tpu.memory_space<vmem_shared>>) target(%dma_start3A_141 : memref<128x128xf32, #tpu.memory_space<vmem>>) target_semaphore(%run_scoped3A_131 : memref<!tpu.dma_semaphore, #tpu.memory_space<semaphore_mem>>)
        %dma_wait3A = arith.constant 0 : i32
        %dma_wait3A_144 = arith.constant 0 : i32
        %dma_wait3A_145 = tpu.memref_slice %arg9[%run_scoped3A_123, %dma_wait3A, %dma_wait3A_144] : memref<2x128x128xf32, #tpu.memory_space<vmem>> -> memref<1x128x128xf32, #tpu.memory_space<vmem>>
        %dma_wait3A_146 = tpu.memref_squeeze %dma_wait3A_145 : memref<1x128x128xf32, #tpu.memory_space<vmem>> -> memref<128x128xf32, #tpu.memory_space<vmem>>
        %dma_wait3A_147 = arith.constant 0 : i32
        %dma_wait3A_148 = tpu.memref_slice %arg10[%add3A_122, %dma_wait3A_147] : memref<10240x128xf32, #tpu.memory_space<vmem_shared>> -> memref<128x128xf32, #tpu.memory_space<vmem_shared>>
        %dma_wait3A_149 = arith.constant 0 : i32
        %dma_wait3A_150 = arith.constant 0 : i32
        %dma_wait3A_151 = tpu.memref_slice %arg9[%run_scoped3A_123, %dma_wait3A_149, %dma_wait3A_150] : memref<2x128x128xf32, #tpu.memory_space<vmem>> -> memref<1x128x128xf32, #tpu.memory_space<vmem>>
        %dma_wait3A_152 = tpu.memref_squeeze %dma_wait3A_151 : memref<1x128x128xf32, #tpu.memory_space<vmem>> -> memref<128x128xf32, #tpu.memory_space<vmem>>
        %dma_wait3A_153 = arith.constant 0 : i32
        %dma_wait3A_154 = tpu.memref_slice %arg10[%add3A_122, %dma_wait3A_153] : memref<10240x128xf32, #tpu.memory_space<vmem_shared>> -> memref<128x128xf32, #tpu.memory_space<vmem_shared>>
        tpu.wait_dma2 semaphore(%run_scoped3A_131 : memref<!tpu.dma_semaphore, #tpu.memory_space<semaphore_mem>>) src(%dma_wait3A_154 : memref<128x128xf32, #tpu.memory_space<vmem_shared>>) dst(%dma_wait3A_152 : memref<128x128xf32, #tpu.memory_space<vmem>>)
        tpu.yield
      }) : () -> ()
      %run_scoped3A_124 = arith.constant 0 : i32
      "tpu.region"() ({
        %run_scoped3A_131 = tpu.sem_alloc : memref<!tpu.dma_semaphore, #tpu.memory_space<semaphore_mem>>
        %dma_start3A_132 = arith.constant 0 : i32
        %dma_start3A_133 = arith.constant 0 : i32
        %dma_start3A_134 = tpu.memref_slice %arg9[%run_scoped3A_124, %dma_start3A_132, %dma_start3A_133] : memref<2x128x128xf32, #tpu.memory_space<vmem>> -> memref<1x128x128xf32, #tpu.memory_space<vmem>>
        %dma_start3A_135 = tpu.memref_squeeze %dma_start3A_134 : memref<1x128x128xf32, #tpu.memory_space<vmem>> -> memref<128x128xf32, #tpu.memory_space<vmem>>
        %dma_start3A_136 = arith.constant 0 : i32
        %dma_start3A_137 = tpu.memref_slice %arg7[%add3A_122, %dma_start3A_136] : memref<10240x128xf32, #tpu.memory_space<hbm>> -> memref<128x128xf32, #tpu.memory_space<hbm>>
        %dma_start3A_138 = arith.constant 0 : i32
        %dma_start3A_139 = tpu.memref_slice %arg7[%add3A_122, %dma_start3A_138] : memref<10240x128xf32, #tpu.memory_space<hbm>> -> memref<128x128xf32, #tpu.memory_space<hbm>>
        %dma_start3A_140 = arith.constant 0 : i32
        %dma_start3A_141 = arith.constant 0 : i32
        %dma_start3A_142 = tpu.memref_slice %arg9[%run_scoped3A_124, %dma_start3A_140, %dma_start3A_141] : memref<2x128x128xf32, #tpu.memory_space<vmem>> -> memref<1x128x128xf32, #tpu.memory_space<vmem>>
        %dma_start3A_143 = tpu.memref_squeeze %dma_start3A_142 : memref<1x128x128xf32, #tpu.memory_space<vmem>> -> memref<128x128xf32, #tpu.memory_space<vmem>>
        tpu.enqueue_dma source(%dma_start3A_143 : memref<128x128xf32, #tpu.memory_space<vmem>>) target(%dma_start3A_139 : memref<128x128xf32, #tpu.memory_space<hbm>>) target_semaphore(%run_scoped3A_131 : memref<!tpu.dma_semaphore, #tpu.memory_space<semaphore_mem>>)
        %dma_wait3A = arith.constant 0 : i32
        %dma_wait3A_144 = arith.constant 0 : i32
        %dma_wait3A_145 = tpu.memref_slice %arg9[%run_scoped3A_124, %dma_wait3A, %dma_wait3A_144] : memref<2x128x128xf32, #tpu.memory_space<vmem>> -> memref<1x128x128xf32, #tpu.memory_space<vmem>>
        %dma_wait3A_146 = tpu.memref_squeeze %dma_wait3A_145 : memref<1x128x128xf32, #tpu.memory_space<vmem>> -> memref<128x128xf32, #tpu.memory_space<vmem>>
        %dma_wait3A_147 = arith.constant 0 : i32
        %dma_wait3A_148 = tpu.memref_slice %arg7[%add3A_122, %dma_wait3A_147] : memref<10240x128xf32, #tpu.memory_space<hbm>> -> memref<128x128xf32, #tpu.memory_space<hbm>>
        %dma_wait3A_149 = arith.constant 0 : i32
        %dma_wait3A_150 = tpu.memref_slice %arg7[%add3A_122, %dma_wait3A_149] : memref<10240x128xf32, #tpu.memory_space<hbm>> -> memref<128x128xf32, #tpu.memory_space<hbm>>
        %dma_wait3A_151 = arith.constant 0 : i32
        %dma_wait3A_152 = arith.constant 0 : i32
        %dma_wait3A_153 = tpu.memref_slice %arg9[%run_scoped3A_124, %dma_wait3A_151, %dma_wait3A_152] : memref<2x128x128xf32, #tpu.memory_space<vmem>> -> memref<1x128x128xf32, #tpu.memory_space<vmem>>
        %dma_wait3A_154 = tpu.memref_squeeze %dma_wait3A_153 : memref<1x128x128xf32, #tpu.memory_space<vmem>> -> memref<128x128xf32, #tpu.memory_space<vmem>>
        tpu.wait_dma2 semaphore(%run_scoped3A_131 : memref<!tpu.dma_semaphore, #tpu.memory_space<semaphore_mem>>) src(%dma_wait3A_154 : memref<128x128xf32, #tpu.memory_space<vmem>>) dst(%dma_wait3A_150 : memref<128x128xf32, #tpu.memory_space<hbm>>)
        tpu.yield
      }) : () -> ()
      %mul3A_125 = arith.constant 640 : i32
      %mul3A_126 = arith.muli %arg1, %mul3A_125 : i32
      %add3A_127 = arith.constant 512 : i32
      %add3A_128 = arith.addi %mul3A_126, %add3A_127 : i32
      %run_scoped3A_129 = arith.constant 0 : i32
      "tpu.region"() ({
        %run_scoped3A_131 = tpu.sem_alloc : memref<!tpu.dma_semaphore, #tpu.memory_space<semaphore_mem>>
        %dma_start3A_132 = arith.constant 0 : i32
        %dma_start3A_133 = arith.constant 0 : i32
        %dma_start3A_134 = tpu.memref_slice %arg9[%run_scoped3A_129, %dma_start3A_132, %dma_start3A_133] : memref<2x128x128xf32, #tpu.memory_space<vmem>> -> memref<1x128x128xf32, #tpu.memory_space<vmem>>
        %dma_start3A_135 = tpu.memref_squeeze %dma_start3A_134 : memref<1x128x128xf32, #tpu.memory_space<vmem>> -> memref<128x128xf32, #tpu.memory_space<vmem>>
        %dma_start3A_136 = arith.constant 0 : i32
        %dma_start3A_137 = tpu.memref_slice %arg10[%add3A_128, %dma_start3A_136] : memref<10240x128xf32, #tpu.memory_space<vmem_shared>> -> memref<128x128xf32, #tpu.memory_space<vmem_shared>>
        %dma_start3A_138 = arith.constant 0 : i32
        %dma_start3A_139 = arith.constant 0 : i32
        %dma_start3A_140 = tpu.memref_slice %arg9[%run_scoped3A_129, %dma_start3A_138, %dma_start3A_139] : memref<2x128x128xf32, #tpu.memory_space<vmem>> -> memref<1x128x128xf32, #tpu.memory_space<vmem>>
        %dma_start3A_141 = tpu.memref_squeeze %dma_start3A_140 : memref<1x128x128xf32, #tpu.memory_space<vmem>> -> memref<128x128xf32, #tpu.memory_space<vmem>>
        %dma_start3A_142 = arith.constant 0 : i32
        %dma_start3A_143 = tpu.memref_slice %arg10[%add3A_128, %dma_start3A_142] : memref<10240x128xf32, #tpu.memory_space<vmem_shared>> -> memref<128x128xf32, #tpu.memory_space<vmem_shared>>
        tpu.enqueue_dma source(%dma_start3A_143 : memref<128x128xf32, #tpu.memory_space<vmem_shared>>) target(%dma_start3A_141 : memref<128x128xf32, #tpu.memory_space<vmem>>) target_semaphore(%run_scoped3A_131 : memref<!tpu.dma_semaphore, #tpu.memory_space<semaphore_mem>>)
        %dma_wait3A = arith.constant 0 : i32
        %dma_wait3A_144 = arith.constant 0 : i32
        %dma_wait3A_145 = tpu.memref_slice %arg9[%run_scoped3A_129, %dma_wait3A, %dma_wait3A_144] : memref<2x128x128xf32, #tpu.memory_space<vmem>> -> memref<1x128x128xf32, #tpu.memory_space<vmem>>
        %dma_wait3A_146 = tpu.memref_squeeze %dma_wait3A_145 : memref<1x128x128xf32, #tpu.memory_space<vmem>> -> memref<128x128xf32, #tpu.memory_space<vmem>>
        %dma_wait3A_147 = arith.constant 0 : i32
        %dma_wait3A_148 = tpu.memref_slice %arg10[%add3A_128, %dma_wait3A_147] : memref<10240x128xf32, #tpu.memory_space<vmem_shared>> -> memref<128x128xf32, #tpu.memory_space<vmem_shared>>
        %dma_wait3A_149 = arith.constant 0 : i32
        %dma_wait3A_150 = arith.constant 0 : i32
        %dma_wait3A_151 = tpu.memref_slice %arg9[%run_scoped3A_129, %dma_wait3A_149, %dma_wait3A_150] : memref<2x128x128xf32, #tpu.memory_space<vmem>> -> memref<1x128x128xf32, #tpu.memory_space<vmem>>
        %dma_wait3A_152 = tpu.memref_squeeze %dma_wait3A_151 : memref<1x128x128xf32, #tpu.memory_space<vmem>> -> memref<128x128xf32, #tpu.memory_space<vmem>>
        %dma_wait3A_153 = arith.constant 0 : i32
        %dma_wait3A_154 = tpu.memref_slice %arg10[%add3A_128, %dma_wait3A_153] : memref<10240x128xf32, #tpu.memory_space<vmem_shared>> -> memref<128x128xf32, #tpu.memory_space<vmem_shared>>
        tpu.wait_dma2 semaphore(%run_scoped3A_131 : memref<!tpu.dma_semaphore, #tpu.memory_space<semaphore_mem>>) src(%dma_wait3A_154 : memref<128x128xf32, #tpu.memory_space<vmem_shared>>) dst(%dma_wait3A_152 : memref<128x128xf32, #tpu.memory_space<vmem>>)
        tpu.yield
      }) : () -> ()
      %run_scoped3A_130 = arith.constant 0 : i32
      "tpu.region"() ({
        %run_scoped3A_131 = tpu.sem_alloc : memref<!tpu.dma_semaphore, #tpu.memory_space<semaphore_mem>>
        %dma_start3A_132 = arith.constant 0 : i32
        %dma_start3A_133 = arith.constant 0 : i32
        %dma_start3A_134 = tpu.memref_slice %arg9[%run_scoped3A_130, %dma_start3A_132, %dma_start3A_133] : memref<2x128x128xf32, #tpu.memory_space<vmem>> -> memref<1x128x128xf32, #tpu.memory_space<vmem>>
        %dma_start3A_135 = tpu.memref_squeeze %dma_start3A_134 : memref<1x128x128xf32, #tpu.memory_space<vmem>> -> memref<128x128xf32, #tpu.memory_space<vmem>>
        %dma_start3A_136 = arith.constant 0 : i32
        %dma_start3A_137 = tpu.memref_slice %arg7[%add3A_128, %dma_start3A_136] : memref<10240x128xf32, #tpu.memory_space<hbm>> -> memref<128x128xf32, #tpu.memory_space<hbm>>
        %dma_start3A_138 = arith.constant 0 : i32
        %dma_start3A_139 = tpu.memref_slice %arg7[%add3A_128, %dma_start3A_138] : memref<10240x128xf32, #tpu.memory_space<hbm>> -> memref<128x128xf32, #tpu.memory_space<hbm>>
        %dma_start3A_140 = arith.constant 0 : i32
        %dma_start3A_141 = arith.constant 0 : i32
        %dma_start3A_142 = tpu.memref_slice %arg9[%run_scoped3A_130, %dma_start3A_140, %dma_start3A_141] : memref<2x128x128xf32, #tpu.memory_space<vmem>> -> memref<1x128x128xf32, #tpu.memory_space<vmem>>
        %dma_start3A_143 = tpu.memref_squeeze %dma_start3A_142 : memref<1x128x128xf32, #tpu.memory_space<vmem>> -> memref<128x128xf32, #tpu.memory_space<vmem>>
        tpu.enqueue_dma source(%dma_start3A_143 : memref<128x128xf32, #tpu.memory_space<vmem>>) target(%dma_start3A_139 : memref<128x128xf32, #tpu.memory_space<hbm>>) target_semaphore(%run_scoped3A_131 : memref<!tpu.dma_semaphore, #tpu.memory_space<semaphore_mem>>)
        %dma_wait3A = arith.constant 0 : i32
        %dma_wait3A_144 = arith.constant 0 : i32
        %dma_wait3A_145 = tpu.memref_slice %arg9[%run_scoped3A_130, %dma_wait3A, %dma_wait3A_144] : memref<2x128x128xf32, #tpu.memory_space<vmem>> -> memref<1x128x128xf32, #tpu.memory_space<vmem>>
        %dma_wait3A_146 = tpu.memref_squeeze %dma_wait3A_145 : memref<1x128x128xf32, #tpu.memory_space<vmem>> -> memref<128x128xf32, #tpu.memory_space<vmem>>
        %dma_wait3A_147 = arith.constant 0 : i32
        %dma_wait3A_148 = tpu.memref_slice %arg7[%add3A_128, %dma_wait3A_147] : memref<10240x128xf32, #tpu.memory_space<hbm>> -> memref<128x128xf32, #tpu.memory_space<hbm>>
        %dma_wait3A_149 = arith.constant 0 : i32
        %dma_wait3A_150 = tpu.memref_slice %arg7[%add3A_128, %dma_wait3A_149] : memref<10240x128xf32, #tpu.memory_space<hbm>> -> memref<128x128xf32, #tpu.memory_space<hbm>>
        %dma_wait3A_151 = arith.constant 0 : i32
        %dma_wait3A_152 = arith.constant 0 : i32
        %dma_wait3A_153 = tpu.memref_slice %arg9[%run_scoped3A_130, %dma_wait3A_151, %dma_wait3A_152] : memref<2x128x128xf32, #tpu.memory_space<vmem>> -> memref<1x128x128xf32, #tpu.memory_space<vmem>>
        %dma_wait3A_154 = tpu.memref_squeeze %dma_wait3A_153 : memref<1x128x128xf32, #tpu.memory_space<vmem>> -> memref<128x128xf32, #tpu.memory_space<vmem>>
        tpu.wait_dma2 semaphore(%run_scoped3A_131 : memref<!tpu.dma_semaphore, #tpu.memory_space<semaphore_mem>>) src(%dma_wait3A_154 : memref<128x128xf32, #tpu.memory_space<vmem>>) dst(%dma_wait3A_150 : memref<128x128xf32, #tpu.memory_space<hbm>>)
        tpu.yield
      }) : () -> ()
    } else {
    }
    return
  }
}

#map = affine_map<(d0, d1) -> (0, 0)>
#map1 = affine_map<(d0, d1) -> (0, 0, 0)>
module attributes {stable_mosaic.version = 14 : i64} {
  func.func @body(%arg0: i32, %arg1: i32, %arg2: memref<163840x128xf32, #tpu.memory_space<hbm>>, %arg3: memref<163840x128xf32, #tpu.memory_space<hbm>>, %arg4: memref<16x80x128xi32, #tpu.memory_space<hbm>>, %arg5: memref<640x128xf32, #tpu.memory_space<hbm>>, %arg6: memref<10240x128xf32, #tpu.memory_space<hbm>>, %arg7: memref<10240x128xf32, #tpu.memory_space<hbm>>, %arg8: memref<40x128xi32, #tpu.memory_space<vmem>>, %arg9: memref<2x128x128xf32, #tpu.memory_space<vmem>>, %arg10: memref<10240x128xf32, #tpu.memory_space<vmem_shared>>, %arg11: memref<!tpu.dma_semaphore, #tpu.memory_space<semaphore_mem>>, %arg12: memref<!tpu.dma_semaphore, #tpu.memory_space<semaphore_mem>>) attributes {dimension_semantics = [#tpu.dimension_semantics<core_parallel>, #tpu.dimension_semantics<subcore_parallel>], iteration_bounds = array<i64: 2, 16>, scalar_prefetch = 0 : i64, scratch_operands = 5 : i64, tpu.core_type = #tpu.core_type<sc_vector_subcore>, window_params = [{transform_indices = #map}, {transform_indices = #map}, {transform_indices = #map1}, {transform_indices = #map}, {transform_indices = #map}, {transform_indices = #map}]} {
    %mul3A = arith.constant 640 : i32
    %mul3A_0 = arith.muli %arg1, %mul3A : i32
    "tpu.region"() ({
      %run_scoped3A = tpu.sem_alloc : memref<!tpu.dma_semaphore, #tpu.memory_space<semaphore_mem>>
      %dma_start3A = arith.constant 0 : i32
      %dma_start3A_8 = tpu.memref_slice %arg10[%mul3A_0, %dma_start3A] : memref<10240x128xf32, #tpu.memory_space<vmem_shared>> -> memref<640x128xf32, #tpu.memory_space<vmem_shared>>
      tpu.enqueue_dma source(%arg5 : memref<640x128xf32, #tpu.memory_space<hbm>>) target(%dma_start3A_8 : memref<640x128xf32, #tpu.memory_space<vmem_shared>>) target_semaphore(%run_scoped3A : memref<!tpu.dma_semaphore, #tpu.memory_space<semaphore_mem>>)
      %dma_wait3A = arith.constant 0 : i32
      %dma_wait3A_9 = tpu.memref_slice %arg10[%mul3A_0, %dma_wait3A] : memref<10240x128xf32, #tpu.memory_space<vmem_shared>> -> memref<640x128xf32, #tpu.memory_space<vmem_shared>>
      tpu.wait_dma2 semaphore(%run_scoped3A : memref<!tpu.dma_semaphore, #tpu.memory_space<semaphore_mem>>) src(%arg5 : memref<640x128xf32, #tpu.memory_space<hbm>>) dst(%dma_wait3A_9 : memref<640x128xf32, #tpu.memory_space<vmem_shared>>)
      tpu.yield
    }) : () -> ()
    %barrier3A = arith.constant 0 : index
    tpu.barrier barrier_id(%barrier3A)
    %eq3A = arith.constant 0 : i32
    %eq3A_1 = arith.cmpi eq, %arg0, %eq3A : i32
    %convert_element_type3A = arith.extui %eq3A_1 : i1 to i32
    %cond3A = arith.constant 0 : i32
    %cond3A_2 = arith.cmpi ne, %convert_element_type3A, %cond3A : i32
    scf.if %cond3A_2 {
      "tpu.region"() ({
        %run_scoped3A_131 = tpu.sem_alloc : memref<!tpu.dma_semaphore, #tpu.memory_space<semaphore_mem>>
        %dma_start3A_132 = arith.constant 0 : i32
        %dma_start3A_133 = arith.constant 0 : i32
        %dma_start3A_134 = tpu.memref_slice %arg4[%arg1, %dma_start3A_132, %dma_start3A_133] : memref<16x80x128xi32, #tpu.memory_space<hbm>> -> memref<1x40x128xi32, #tpu.memory_space<hbm>>
        %dma_start3A_135 = tpu.memref_squeeze %dma_start3A_134 : memref<1x40x128xi32, #tpu.memory_space<hbm>> -> memref<40x128xi32, #tpu.memory_space<hbm>>
        %dma_start3A_136 = arith.constant 0 : i32
        %dma_start3A_137 = arith.constant 0 : i32
        %dma_start3A_138 = tpu.memref_slice %arg4[%arg1, %dma_start3A_136, %dma_start3A_137] : memref<16x80x128xi32, #tpu.memory_space<hbm>> -> memref<1x40x128xi32, #tpu.memory_space<hbm>>
        %dma_start3A_139 = tpu.memref_squeeze %dma_start3A_138 : memref<1x40x128xi32, #tpu.memory_space<hbm>> -> memref<40x128xi32, #tpu.memory_space<hbm>>
        tpu.enqueue_dma source(%dma_start3A_139 : memref<40x128xi32, #tpu.memory_space<hbm>>) target(%arg8 : memref<40x128xi32, #tpu.memory_space<vmem>>) target_semaphore(%run_scoped3A_131 : memref<!tpu.dma_semaphore, #tpu.memory_space<semaphore_mem>>)
        %dma_wait3A = arith.constant 0 : i32
        %dma_wait3A_140 = arith.constant 0 : i32
        %dma_wait3A_141 = tpu.memref_slice %arg4[%arg1, %dma_wait3A, %dma_wait3A_140] : memref<16x80x128xi32, #tpu.memory_space<hbm>> -> memref<1x40x128xi32, #tpu.memory_space<hbm>>
        %dma_wait3A_142 = tpu.memref_squeeze %dma_wait3A_141 : memref<1x40x128xi32, #tpu.memory_space<hbm>> -> memref<40x128xi32, #tpu.memory_space<hbm>>
        %dma_wait3A_143 = arith.constant 0 : i32
        %dma_wait3A_144 = arith.constant 0 : i32
        %dma_wait3A_145 = tpu.memref_slice %arg4[%arg1, %dma_wait3A_143, %dma_wait3A_144] : memref<16x80x128xi32, #tpu.memory_space<hbm>> -> memref<1x40x128xi32, #tpu.memory_space<hbm>>
        %dma_wait3A_146 = tpu.memref_squeeze %dma_wait3A_145 : memref<1x40x128xi32, #tpu.memory_space<hbm>> -> memref<40x128xi32, #tpu.memory_space<hbm>>
        tpu.wait_dma2 semaphore(%run_scoped3A_131 : memref<!tpu.dma_semaphore, #tpu.memory_space<semaphore_mem>>) src(%dma_wait3A_146 : memref<40x128xi32, #tpu.memory_space<hbm>>) dst(%arg8 : memref<40x128xi32, #tpu.memory_space<vmem>>)
        tpu.yield
      }) : () -> ()
      %mul3A_8 = arith.constant 80 : i32
      %mul3A_9 = arith.muli %arg1, %mul3A_8 : i32
      %add3A = arith.constant 0 : i32
      %add3A_10 = arith.addi %mul3A_9, %add3A : i32
      %add3A_11 = arith.constant 0 : i32
      %add3A_12 = arith.addi %add3A_10, %add3A_11 : i32
      %mul3A_13 = arith.constant 128 : i32
      %mul3A_14 = arith.muli %add3A_12, %mul3A_13 : i32
      %dma_start3A = arith.constant 0 : i32
      %dma_start3A_15 = arith.constant 0 : i32
      %dma_start3A_16 = arith.constant 0 : i32
      %dma_start3A_17 = tpu.memref_slice %arg9[%dma_start3A, %dma_start3A_15, %dma_start3A_16] : memref<2x128x128xf32, #tpu.memory_space<vmem>> -> memref<1x128x128xf32, #tpu.memory_space<vmem>>
      %dma_start3A_18 = tpu.memref_squeeze %dma_start3A_17 : memref<1x128x128xf32, #tpu.memory_space<vmem>> -> memref<128x128xf32, #tpu.memory_space<vmem>>
      %dma_start3A_19 = arith.constant 0 : i32
      %dma_start3A_20 = tpu.memref_slice %arg2[%mul3A_14, %dma_start3A_19] : memref<163840x128xf32, #tpu.memory_space<hbm>> -> memref<128x128xf32, #tpu.memory_space<hbm>>
      %dma_start3A_21 = arith.constant 0 : i32
      %dma_start3A_22 = arith.constant 0 : i32
      %dma_start3A_23 = tpu.memref_slice %arg9[%dma_start3A, %dma_start3A_21, %dma_start3A_22] : memref<2x128x128xf32, #tpu.memory_space<vmem>> -> memref<1x128x128xf32, #tpu.memory_space<vmem>>
      %dma_start3A_24 = tpu.memref_squeeze %dma_start3A_23 : memref<1x128x128xf32, #tpu.memory_space<vmem>> -> memref<128x128xf32, #tpu.memory_space<vmem>>
      %dma_start3A_25 = arith.constant 0 : i32
      %dma_start3A_26 = tpu.memref_slice %arg2[%mul3A_14, %dma_start3A_25] : memref<163840x128xf32, #tpu.memory_space<hbm>> -> memref<128x128xf32, #tpu.memory_space<hbm>>
      tpu.enqueue_dma source(%dma_start3A_26 : memref<128x128xf32, #tpu.memory_space<hbm>>) target(%dma_start3A_24 : memref<128x128xf32, #tpu.memory_space<vmem>>) target_semaphore(%arg11 : memref<!tpu.dma_semaphore, #tpu.memory_space<semaphore_mem>>)
      %mul3A_27 = arith.constant 80 : i32
      %mul3A_28 = arith.muli %arg1, %mul3A_27 : i32
      %add3A_29 = arith.constant 0 : i32
      %add3A_30 = arith.addi %mul3A_28, %add3A_29 : i32
      %add3A_31 = arith.constant 1 : i32
      %add3A_32 = arith.addi %add3A_30, %add3A_31 : i32
      %mul3A_33 = arith.constant 128 : i32
      %mul3A_34 = arith.muli %add3A_32, %mul3A_33 : i32
      %dma_start3A_35 = arith.constant 1 : i32
      %dma_start3A_36 = arith.constant 0 : i32
      %dma_start3A_37 = arith.constant 0 : i32
      %dma_start3A_38 = tpu.memref_slice %arg9[%dma_start3A_35, %dma_start3A_36, %dma_start3A_37] : memref<2x128x128xf32, #tpu.memory_space<vmem>> -> memref<1x128x128xf32, #tpu.memory_space<vmem>>
      %dma_start3A_39 = tpu.memref_squeeze %dma_start3A_38 : memref<1x128x128xf32, #tpu.memory_space<vmem>> -> memref<128x128xf32, #tpu.memory_space<vmem>>
      %dma_start3A_40 = arith.constant 0 : i32
      %dma_start3A_41 = tpu.memref_slice %arg2[%mul3A_34, %dma_start3A_40] : memref<163840x128xf32, #tpu.memory_space<hbm>> -> memref<128x128xf32, #tpu.memory_space<hbm>>
      %dma_start3A_42 = arith.constant 0 : i32
      %dma_start3A_43 = arith.constant 0 : i32
      %dma_start3A_44 = tpu.memref_slice %arg9[%dma_start3A_35, %dma_start3A_42, %dma_start3A_43] : memref<2x128x128xf32, #tpu.memory_space<vmem>> -> memref<1x128x128xf32, #tpu.memory_space<vmem>>
      %dma_start3A_45 = tpu.memref_squeeze %dma_start3A_44 : memref<1x128x128xf32, #tpu.memory_space<vmem>> -> memref<128x128xf32, #tpu.memory_space<vmem>>
      %dma_start3A_46 = arith.constant 0 : i32
      %dma_start3A_47 = tpu.memref_slice %arg2[%mul3A_34, %dma_start3A_46] : memref<163840x128xf32, #tpu.memory_space<hbm>> -> memref<128x128xf32, #tpu.memory_space<hbm>>
      tpu.enqueue_dma source(%dma_start3A_47 : memref<128x128xf32, #tpu.memory_space<hbm>>) target(%dma_start3A_45 : memref<128x128xf32, #tpu.memory_space<vmem>>) target_semaphore(%arg12 : memref<!tpu.dma_semaphore, #tpu.memory_space<semaphore_mem>>)
      %scan3A = arith.constant 0 : i32
      %scan3A_48 = arith.constant 0 : i32
      %scan3A_49 = arith.constant 20 : i32
      %scan3A_50 = arith.addi %scan3A_48, %scan3A_49 : i32
      %scan3A_51 = arith.constant 1 : i32
      scf.for %scan3A_131 = %scan3A_48 to %scan3A_50 step %scan3A_51  : i32 {
        %mul3A_132 = arith.constant 2 : i32
        %mul3A_133 = arith.muli %mul3A_132, %scan3A_131 : i32
        %add3A_134 = arith.constant 0 : i32
        %add3A_135 = arith.addi %mul3A_133, %add3A_134 : i32
        %dma_wait3A = arith.constant 0 : i32
        %dma_wait3A_136 = arith.constant 0 : i32
        %dma_wait3A_137 = arith.constant 0 : i32
        %dma_wait3A_138 = tpu.memref_slice %arg9[%dma_wait3A, %dma_wait3A_136, %dma_wait3A_137] : memref<2x128x128xf32, #tpu.memory_space<vmem>> -> memref<1x128x128xf32, #tpu.memory_space<vmem>>
        %dma_wait3A_139 = tpu.memref_squeeze %dma_wait3A_138 : memref<1x128x128xf32, #tpu.memory_space<vmem>> -> memref<128x128xf32, #tpu.memory_space<vmem>>
        %dma_wait3A_140 = arith.constant 0 : i32
        %dma_wait3A_141 = arith.constant 0 : i32
        %dma_wait3A_142 = tpu.memref_slice %arg2[%dma_wait3A_140, %dma_wait3A_141] : memref<163840x128xf32, #tpu.memory_space<hbm>> -> memref<128x128xf32, #tpu.memory_space<hbm>>
        %dma_wait3A_143 = arith.constant 0 : i32
        %dma_wait3A_144 = arith.constant 0 : i32
        %dma_wait3A_145 = tpu.memref_slice %arg9[%dma_wait3A, %dma_wait3A_143, %dma_wait3A_144] : memref<2x128x128xf32, #tpu.memory_space<vmem>> -> memref<1x128x128xf32, #tpu.memory_space<vmem>>
        %dma_wait3A_146 = tpu.memref_squeeze %dma_wait3A_145 : memref<1x128x128xf32, #tpu.memory_space<vmem>> -> memref<128x128xf32, #tpu.memory_space<vmem>>
        %dma_wait3A_147 = arith.constant 0 : i32
        %dma_wait3A_148 = arith.constant 0 : i32
        %dma_wait3A_149 = tpu.memref_slice %arg2[%dma_wait3A_147, %dma_wait3A_148] : memref<163840x128xf32, #tpu.memory_space<hbm>> -> memref<128x128xf32, #tpu.memory_space<hbm>>
        tpu.wait_dma2 semaphore(%arg11 : memref<!tpu.dma_semaphore, #tpu.memory_space<semaphore_mem>>) src(%dma_wait3A_149 : memref<128x128xf32, #tpu.memory_space<hbm>>) dst(%dma_wait3A_146 : memref<128x128xf32, #tpu.memory_space<vmem>>)
        %run_scoped3A_150 = arith.constant 0 : i32
        "tpu.region"() ({
          %run_scoped3A_184 = tpu.sem_alloc : memref<!tpu.dma_semaphore, #tpu.memory_space<semaphore_mem>>
          %dma_start3A_185 = arith.constant 0 : i32
          %dma_start3A_186 = arith.constant 0 : i32
          %dma_start3A_187 = tpu.memref_slice %arg9[%run_scoped3A_150, %dma_start3A_185, %dma_start3A_186] : memref<2x128x128xf32, #tpu.memory_space<vmem>> -> memref<1x128x128xf32, #tpu.memory_space<vmem>>
          %dma_start3A_188 = tpu.memref_squeeze %dma_start3A_187 : memref<1x128x128xf32, #tpu.memory_space<vmem>> -> memref<128x128xf32, #tpu.memory_space<vmem>>
          %dma_start3A_189 = arith.constant 0 : i32
          %dma_start3A_190 = tpu.memref_slice %arg8[%add3A_135, %dma_start3A_189] : memref<40x128xi32, #tpu.memory_space<vmem>> -> memref<1x128xi32, #tpu.memory_space<vmem>>
          %dma_start3A_191 = tpu.memref_squeeze %dma_start3A_190 : memref<1x128xi32, #tpu.memory_space<vmem>> -> memref<128xi32, #tpu.memory_space<vmem>>
          %dma_start3A_192 = arith.constant 0 : i32
          %dma_start3A_193 = arith.constant 0 : i32
          %dma_start3A_194 = tpu.memref_slice %arg10[%dma_start3A_192, %dma_start3A_193] : memref<10240x128xf32, #tpu.memory_space<vmem_shared>> -> memref<10240x128xf32, #tpu.memory_space<vmem_shared>>
          tpu.enqueue_indirect_dma source(%dma_start3A_188 : memref<128x128xf32, #tpu.memory_space<vmem>>) target(%dma_start3A_194 : memref<10240x128xf32, #tpu.memory_space<vmem_shared>>) offsets(%dma_start3A_191 : memref<128xi32, #tpu.memory_space<vmem>>) semaphore(%run_scoped3A_184 : memref<!tpu.dma_semaphore, #tpu.memory_space<semaphore_mem>>) {add = true}
          %dma_wait3A_195 = arith.constant 0 : i32
          %dma_wait3A_196 = arith.constant 0 : i32
          %dma_wait3A_197 = tpu.memref_slice %arg9[%run_scoped3A_150, %dma_wait3A_195, %dma_wait3A_196] : memref<2x128x128xf32, #tpu.memory_space<vmem>> -> memref<1x128x128xf32, #tpu.memory_space<vmem>>
          %dma_wait3A_198 = tpu.memref_squeeze %dma_wait3A_197 : memref<1x128x128xf32, #tpu.memory_space<vmem>> -> memref<128x128xf32, #tpu.memory_space<vmem>>
          %dma_wait3A_199 = arith.constant 0 : i32
          %dma_wait3A_200 = tpu.memref_slice %arg8[%add3A_135, %dma_wait3A_199] : memref<40x128xi32, #tpu.memory_space<vmem>> -> memref<1x128xi32, #tpu.memory_space<vmem>>
          %dma_wait3A_201 = tpu.memref_squeeze %dma_wait3A_200 : memref<1x128xi32, #tpu.memory_space<vmem>> -> memref<128xi32, #tpu.memory_space<vmem>>
          %dma_wait3A_202 = arith.constant 0 : i32
          %dma_wait3A_203 = arith.constant 0 : i32
          %dma_wait3A_204 = tpu.memref_slice %arg10[%dma_wait3A_202, %dma_wait3A_203] : memref<10240x128xf32, #tpu.memory_space<vmem_shared>> -> memref<10240x128xf32, #tpu.memory_space<vmem_shared>>
          tpu.wait_indirect_dma semaphore(%run_scoped3A_184 : memref<!tpu.dma_semaphore, #tpu.memory_space<semaphore_mem>>) src(%dma_wait3A_198 : memref<128x128xf32, #tpu.memory_space<vmem>>) dst(%dma_wait3A_204 : memref<10240x128xf32, #tpu.memory_space<vmem_shared>>)
          tpu.yield
        }) : () -> ()
        %add3A_151 = arith.constant 2 : i32
        %add3A_152 = arith.addi %add3A_135, %add3A_151 : i32
        %lt3A = arith.constant 40 : i32
        %lt3A_153 = arith.cmpi slt, %add3A_152, %lt3A : i32
        %convert_element_type3A_154 = arith.extui %lt3A_153 : i1 to i32
        %cond3A_155 = arith.constant 0 : i32
        %cond3A_156 = arith.cmpi ne, %convert_element_type3A_154, %cond3A_155 : i32
        scf.if %cond3A_156 {
          %add3A_184 = arith.constant 2 : i32
          %add3A_185 = arith.addi %add3A_135, %add3A_184 : i32
          %mul3A_186 = arith.constant 80 : i32
          %mul3A_187 = arith.muli %arg1, %mul3A_186 : i32
          %add3A_188 = arith.constant 0 : i32
          %add3A_189 = arith.addi %mul3A_187, %add3A_188 : i32
          %add3A_190 = arith.addi %add3A_189, %add3A_185 : i32
          %mul3A_191 = arith.constant 128 : i32
          %mul3A_192 = arith.muli %add3A_190, %mul3A_191 : i32
          %dma_start3A_193 = arith.constant 0 : i32
          %dma_start3A_194 = arith.constant 0 : i32
          %dma_start3A_195 = arith.constant 0 : i32
          %dma_start3A_196 = tpu.memref_slice %arg9[%dma_start3A_193, %dma_start3A_194, %dma_start3A_195] : memref<2x128x128xf32, #tpu.memory_space<vmem>> -> memref<1x128x128xf32, #tpu.memory_space<vmem>>
          %dma_start3A_197 = tpu.memref_squeeze %dma_start3A_196 : memref<1x128x128xf32, #tpu.memory_space<vmem>> -> memref<128x128xf32, #tpu.memory_space<vmem>>
          %dma_start3A_198 = arith.constant 0 : i32
          %dma_start3A_199 = tpu.memref_slice %arg2[%mul3A_192, %dma_start3A_198] : memref<163840x128xf32, #tpu.memory_space<hbm>> -> memref<128x128xf32, #tpu.memory_space<hbm>>
          %dma_start3A_200 = arith.constant 0 : i32
          %dma_start3A_201 = arith.constant 0 : i32
          %dma_start3A_202 = tpu.memref_slice %arg9[%dma_start3A_193, %dma_start3A_200, %dma_start3A_201] : memref<2x128x128xf32, #tpu.memory_space<vmem>> -> memref<1x128x128xf32, #tpu.memory_space<vmem>>
          %dma_start3A_203 = tpu.memref_squeeze %dma_start3A_202 : memref<1x128x128xf32, #tpu.memory_space<vmem>> -> memref<128x128xf32, #tpu.memory_space<vmem>>
          %dma_start3A_204 = arith.constant 0 : i32
          %dma_start3A_205 = tpu.memref_slice %arg2[%mul3A_192, %dma_start3A_204] : memref<163840x128xf32, #tpu.memory_space<hbm>> -> memref<128x128xf32, #tpu.memory_space<hbm>>
          tpu.enqueue_dma source(%dma_start3A_205 : memref<128x128xf32, #tpu.memory_space<hbm>>) target(%dma_start3A_203 : memref<128x128xf32, #tpu.memory_space<vmem>>) target_semaphore(%arg11 : memref<!tpu.dma_semaphore, #tpu.memory_space<semaphore_mem>>)
        } else {
        }
        %mul3A_157 = arith.constant 2 : i32
        %mul3A_158 = arith.muli %mul3A_157, %scan3A_131 : i32
        %add3A_159 = arith.constant 1 : i32
        %add3A_160 = arith.addi %mul3A_158, %add3A_159 : i32
        %dma_wait3A_161 = arith.constant 1 : i32
        %dma_wait3A_162 = arith.constant 0 : i32
        %dma_wait3A_163 = arith.constant 0 : i32
        %dma_wait3A_164 = tpu.memref_slice %arg9[%dma_wait3A_161, %dma_wait3A_162, %dma_wait3A_163] : memref<2x128x128xf32, #tpu.memory_space<vmem>> -> memref<1x128x128xf32, #tpu.memory_space<vmem>>
        %dma_wait3A_165 = tpu.memref_squeeze %dma_wait3A_164 : memref<1x128x128xf32, #tpu.memory_space<vmem>> -> memref<128x128xf32, #tpu.memory_space<vmem>>
        %dma_wait3A_166 = arith.constant 0 : i32
        %dma_wait3A_167 = arith.constant 0 : i32
        %dma_wait3A_168 = tpu.memref_slice %arg2[%dma_wait3A_166, %dma_wait3A_167] : memref<163840x128xf32, #tpu.memory_space<hbm>> -> memref<128x128xf32, #tpu.memory_space<hbm>>
        %dma_wait3A_169 = arith.constant 0 : i32
        %dma_wait3A_170 = arith.constant 0 : i32
        %dma_wait3A_171 = tpu.memref_slice %arg9[%dma_wait3A_161, %dma_wait3A_169, %dma_wait3A_170] : memref<2x128x128xf32, #tpu.memory_space<vmem>> -> memref<1x128x128xf32, #tpu.memory_space<vmem>>
        %dma_wait3A_172 = tpu.memref_squeeze %dma_wait3A_171 : memref<1x128x128xf32, #tpu.memory_space<vmem>> -> memref<128x128xf32, #tpu.memory_space<vmem>>
        %dma_wait3A_173 = arith.constant 0 : i32
        %dma_wait3A_174 = arith.constant 0 : i32
        %dma_wait3A_175 = tpu.memref_slice %arg2[%dma_wait3A_173, %dma_wait3A_174] : memref<163840x128xf32, #tpu.memory_space<hbm>> -> memref<128x128xf32, #tpu.memory_space<hbm>>
        tpu.wait_dma2 semaphore(%arg12 : memref<!tpu.dma_semaphore, #tpu.memory_space<semaphore_mem>>) src(%dma_wait3A_175 : memref<128x128xf32, #tpu.memory_space<hbm>>) dst(%dma_wait3A_172 : memref<128x128xf32, #tpu.memory_space<vmem>>)
        %run_scoped3A_176 = arith.constant 1 : i32
        "tpu.region"() ({
          %run_scoped3A_184 = tpu.sem_alloc : memref<!tpu.dma_semaphore, #tpu.memory_space<semaphore_mem>>
          %dma_start3A_185 = arith.constant 0 : i32
          %dma_start3A_186 = arith.constant 0 : i32
          %dma_start3A_187 = tpu.memref_slice %arg9[%run_scoped3A_176, %dma_start3A_185, %dma_start3A_186] : memref<2x128x128xf32, #tpu.memory_space<vmem>> -> memref<1x128x128xf32, #tpu.memory_space<vmem>>
          %dma_start3A_188 = tpu.memref_squeeze %dma_start3A_187 : memref<1x128x128xf32, #tpu.memory_space<vmem>> -> memref<128x128xf32, #tpu.memory_space<vmem>>
          %dma_start3A_189 = arith.constant 0 : i32
          %dma_start3A_190 = tpu.memref_slice %arg8[%add3A_160, %dma_start3A_189] : memref<40x128xi32, #tpu.memory_space<vmem>> -> memref<1x128xi32, #tpu.memory_space<vmem>>
          %dma_start3A_191 = tpu.memref_squeeze %dma_start3A_190 : memref<1x128xi32, #tpu.memory_space<vmem>> -> memref<128xi32, #tpu.memory_space<vmem>>
          %dma_start3A_192 = arith.constant 0 : i32
          %dma_start3A_193 = arith.constant 0 : i32
          %dma_start3A_194 = tpu.memref_slice %arg10[%dma_start3A_192, %dma_start3A_193] : memref<10240x128xf32, #tpu.memory_space<vmem_shared>> -> memref<10240x128xf32, #tpu.memory_space<vmem_shared>>
          tpu.enqueue_indirect_dma source(%dma_start3A_188 : memref<128x128xf32, #tpu.memory_space<vmem>>) target(%dma_start3A_194 : memref<10240x128xf32, #tpu.memory_space<vmem_shared>>) offsets(%dma_start3A_191 : memref<128xi32, #tpu.memory_space<vmem>>) semaphore(%run_scoped3A_184 : memref<!tpu.dma_semaphore, #tpu.memory_space<semaphore_mem>>) {add = true}
          %dma_wait3A_195 = arith.constant 0 : i32
          %dma_wait3A_196 = arith.constant 0 : i32
          %dma_wait3A_197 = tpu.memref_slice %arg9[%run_scoped3A_176, %dma_wait3A_195, %dma_wait3A_196] : memref<2x128x128xf32, #tpu.memory_space<vmem>> -> memref<1x128x128xf32, #tpu.memory_space<vmem>>
          %dma_wait3A_198 = tpu.memref_squeeze %dma_wait3A_197 : memref<1x128x128xf32, #tpu.memory_space<vmem>> -> memref<128x128xf32, #tpu.memory_space<vmem>>
          %dma_wait3A_199 = arith.constant 0 : i32
          %dma_wait3A_200 = tpu.memref_slice %arg8[%add3A_160, %dma_wait3A_199] : memref<40x128xi32, #tpu.memory_space<vmem>> -> memref<1x128xi32, #tpu.memory_space<vmem>>
          %dma_wait3A_201 = tpu.memref_squeeze %dma_wait3A_200 : memref<1x128xi32, #tpu.memory_space<vmem>> -> memref<128xi32, #tpu.memory_space<vmem>>
          %dma_wait3A_202 = arith.constant 0 : i32
          %dma_wait3A_203 = arith.constant 0 : i32
          %dma_wait3A_204 = tpu.memref_slice %arg10[%dma_wait3A_202, %dma_wait3A_203] : memref<10240x128xf32, #tpu.memory_space<vmem_shared>> -> memref<10240x128xf32, #tpu.memory_space<vmem_shared>>
          tpu.wait_indirect_dma semaphore(%run_scoped3A_184 : memref<!tpu.dma_semaphore, #tpu.memory_space<semaphore_mem>>) src(%dma_wait3A_198 : memref<128x128xf32, #tpu.memory_space<vmem>>) dst(%dma_wait3A_204 : memref<10240x128xf32, #tpu.memory_space<vmem_shared>>)
          tpu.yield
        }) : () -> ()
        %add3A_177 = arith.constant 2 : i32
        %add3A_178 = arith.addi %add3A_160, %add3A_177 : i32
        %lt3A_179 = arith.constant 40 : i32
        %lt3A_180 = arith.cmpi slt, %add3A_178, %lt3A_179 : i32
        %convert_element_type3A_181 = arith.extui %lt3A_180 : i1 to i32
        %cond3A_182 = arith.constant 0 : i32
        %cond3A_183 = arith.cmpi ne, %convert_element_type3A_181, %cond3A_182 : i32
        scf.if %cond3A_183 {
          %add3A_184 = arith.constant 2 : i32
          %add3A_185 = arith.addi %add3A_160, %add3A_184 : i32
          %mul3A_186 = arith.constant 80 : i32
          %mul3A_187 = arith.muli %arg1, %mul3A_186 : i32
          %add3A_188 = arith.constant 0 : i32
          %add3A_189 = arith.addi %mul3A_187, %add3A_188 : i32
          %add3A_190 = arith.addi %add3A_189, %add3A_185 : i32
          %mul3A_191 = arith.constant 128 : i32
          %mul3A_192 = arith.muli %add3A_190, %mul3A_191 : i32
          %dma_start3A_193 = arith.constant 1 : i32
          %dma_start3A_194 = arith.constant 0 : i32
          %dma_start3A_195 = arith.constant 0 : i32
          %dma_start3A_196 = tpu.memref_slice %arg9[%dma_start3A_193, %dma_start3A_194, %dma_start3A_195] : memref<2x128x128xf32, #tpu.memory_space<vmem>> -> memref<1x128x128xf32, #tpu.memory_space<vmem>>
          %dma_start3A_197 = tpu.memref_squeeze %dma_start3A_196 : memref<1x128x128xf32, #tpu.memory_space<vmem>> -> memref<128x128xf32, #tpu.memory_space<vmem>>
          %dma_start3A_198 = arith.constant 0 : i32
          %dma_start3A_199 = tpu.memref_slice %arg2[%mul3A_192, %dma_start3A_198] : memref<163840x128xf32, #tpu.memory_space<hbm>> -> memref<128x128xf32, #tpu.memory_space<hbm>>
          %dma_start3A_200 = arith.constant 0 : i32
          %dma_start3A_201 = arith.constant 0 : i32
          %dma_start3A_202 = tpu.memref_slice %arg9[%dma_start3A_193, %dma_start3A_200, %dma_start3A_201] : memref<2x128x128xf32, #tpu.memory_space<vmem>> -> memref<1x128x128xf32, #tpu.memory_space<vmem>>
          %dma_start3A_203 = tpu.memref_squeeze %dma_start3A_202 : memref<1x128x128xf32, #tpu.memory_space<vmem>> -> memref<128x128xf32, #tpu.memory_space<vmem>>
          %dma_start3A_204 = arith.constant 0 : i32
          %dma_start3A_205 = tpu.memref_slice %arg2[%mul3A_192, %dma_start3A_204] : memref<163840x128xf32, #tpu.memory_space<hbm>> -> memref<128x128xf32, #tpu.memory_space<hbm>>
          tpu.enqueue_dma source(%dma_start3A_205 : memref<128x128xf32, #tpu.memory_space<hbm>>) target(%dma_start3A_203 : memref<128x128xf32, #tpu.memory_space<vmem>>) target_semaphore(%arg12 : memref<!tpu.dma_semaphore, #tpu.memory_space<semaphore_mem>>)
        } else {
        }
      }
      %scan3A_52 = arith.constant 20 : i32
      "tpu.region"() ({
        %run_scoped3A_131 = tpu.sem_alloc : memref<!tpu.dma_semaphore, #tpu.memory_space<semaphore_mem>>
        %dma_start3A_132 = arith.constant 40 : i32
        %dma_start3A_133 = arith.constant 0 : i32
        %dma_start3A_134 = tpu.memref_slice %arg4[%arg1, %dma_start3A_132, %dma_start3A_133] : memref<16x80x128xi32, #tpu.memory_space<hbm>> -> memref<1x40x128xi32, #tpu.memory_space<hbm>>
        %dma_start3A_135 = tpu.memref_squeeze %dma_start3A_134 : memref<1x40x128xi32, #tpu.memory_space<hbm>> -> memref<40x128xi32, #tpu.memory_space<hbm>>
        %dma_start3A_136 = arith.constant 40 : i32
        %dma_start3A_137 = arith.constant 0 : i32
        %dma_start3A_138 = tpu.memref_slice %arg4[%arg1, %dma_start3A_136, %dma_start3A_137] : memref<16x80x128xi32, #tpu.memory_space<hbm>> -> memref<1x40x128xi32, #tpu.memory_space<hbm>>
        %dma_start3A_139 = tpu.memref_squeeze %dma_start3A_138 : memref<1x40x128xi32, #tpu.memory_space<hbm>> -> memref<40x128xi32, #tpu.memory_space<hbm>>
        tpu.enqueue_dma source(%dma_start3A_139 : memref<40x128xi32, #tpu.memory_space<hbm>>) target(%arg8 : memref<40x128xi32, #tpu.memory_space<vmem>>) target_semaphore(%run_scoped3A_131 : memref<!tpu.dma_semaphore, #tpu.memory_space<semaphore_mem>>)
        %dma_wait3A = arith.constant 40 : i32
        %dma_wait3A_140 = arith.constant 0 : i32
        %dma_wait3A_141 = tpu.memref_slice %arg4[%arg1, %dma_wait3A, %dma_wait3A_140] : memref<16x80x128xi32, #tpu.memory_space<hbm>> -> memref<1x40x128xi32, #tpu.memory_space<hbm>>
        %dma_wait3A_142 = tpu.memref_squeeze %dma_wait3A_141 : memref<1x40x128xi32, #tpu.memory_space<hbm>> -> memref<40x128xi32, #tpu.memory_space<hbm>>
        %dma_wait3A_143 = arith.constant 40 : i32
        %dma_wait3A_144 = arith.constant 0 : i32
        %dma_wait3A_145 = tpu.memref_slice %arg4[%arg1, %dma_wait3A_143, %dma_wait3A_144] : memref<16x80x128xi32, #tpu.memory_space<hbm>> -> memref<1x40x128xi32, #tpu.memory_space<hbm>>
        %dma_wait3A_146 = tpu.memref_squeeze %dma_wait3A_145 : memref<1x40x128xi32, #tpu.memory_space<hbm>> -> memref<40x128xi32, #tpu.memory_space<hbm>>
        tpu.wait_dma2 semaphore(%run_scoped3A_131 : memref<!tpu.dma_semaphore, #tpu.memory_space<semaphore_mem>>) src(%dma_wait3A_146 : memref<40x128xi32, #tpu.memory_space<hbm>>) dst(%arg8 : memref<40x128xi32, #tpu.memory_space<vmem>>)
        tpu.yield
      }) : () -> ()
      %mul3A_53 = arith.constant 80 : i32
      %mul3A_54 = arith.muli %arg1, %mul3A_53 : i32
      %add3A_55 = arith.constant 40 : i32
      %add3A_56 = arith.addi %mul3A_54, %add3A_55 : i32
      %add3A_57 = arith.constant 0 : i32
      %add3A_58 = arith.addi %add3A_56, %add3A_57 : i32
      %mul3A_59 = arith.constant 128 : i32
      %mul3A_60 = arith.muli %add3A_58, %mul3A_59 : i32
      %dma_start3A_61 = arith.constant 0 : i32
      %dma_start3A_62 = arith.constant 0 : i32
      %dma_start3A_63 = arith.constant 0 : i32
      %dma_start3A_64 = tpu.memref_slice %arg9[%dma_start3A_61, %dma_start3A_62, %dma_start3A_63] : memref<2x128x128xf32, #tpu.memory_space<vmem>> -> memref<1x128x128xf32, #tpu.memory_space<vmem>>
      %dma_start3A_65 = tpu.memref_squeeze %dma_start3A_64 : memref<1x128x128xf32, #tpu.memory_space<vmem>> -> memref<128x128xf32, #tpu.memory_space<vmem>>
      %dma_start3A_66 = arith.constant 0 : i32
      %dma_start3A_67 = tpu.memref_slice %arg2[%mul3A_60, %dma_start3A_66] : memref<163840x128xf32, #tpu.memory_space<hbm>> -> memref<128x128xf32, #tpu.memory_space<hbm>>
      %dma_start3A_68 = arith.constant 0 : i32
      %dma_start3A_69 = arith.constant 0 : i32
      %dma_start3A_70 = tpu.memref_slice %arg9[%dma_start3A_61, %dma_start3A_68, %dma_start3A_69] : memref<2x128x128xf32, #tpu.memory_space<vmem>> -> memref<1x128x128xf32, #tpu.memory_space<vmem>>
      %dma_start3A_71 = tpu.memref_squeeze %dma_start3A_70 : memref<1x128x128xf32, #tpu.memory_space<vmem>> -> memref<128x128xf32, #tpu.memory_space<vmem>>
      %dma_start3A_72 = arith.constant 0 : i32
      %dma_start3A_73 = tpu.memref_slice %arg2[%mul3A_60, %dma_start3A_72] : memref<163840x128xf32, #tpu.memory_space<hbm>> -> memref<128x128xf32, #tpu.memory_space<hbm>>
      tpu.enqueue_dma source(%dma_start3A_73 : memref<128x128xf32, #tpu.memory_space<hbm>>) target(%dma_start3A_71 : memref<128x128xf32, #tpu.memory_space<vmem>>) target_semaphore(%arg11 : memref<!tpu.dma_semaphore, #tpu.memory_space<semaphore_mem>>)
      %mul3A_74 = arith.constant 80 : i32
      %mul3A_75 = arith.muli %arg1, %mul3A_74 : i32
      %add3A_76 = arith.constant 40 : i32
      %add3A_77 = arith.addi %mul3A_75, %add3A_76 : i32
      %add3A_78 = arith.constant 1 : i32
      %add3A_79 = arith.addi %add3A_77, %add3A_78 : i32
      %mul3A_80 = arith.constant 128 : i32
      %mul3A_81 = arith.muli %add3A_79, %mul3A_80 : i32
      %dma_start3A_82 = arith.constant 1 : i32
      %dma_start3A_83 = arith.constant 0 : i32
      %dma_start3A_84 = arith.constant 0 : i32
      %dma_start3A_85 = tpu.memref_slice %arg9[%dma_start3A_82, %dma_start3A_83, %dma_start3A_84] : memref<2x128x128xf32, #tpu.memory_space<vmem>> -> memref<1x128x128xf32, #tpu.memory_space<vmem>>
      %dma_start3A_86 = tpu.memref_squeeze %dma_start3A_85 : memref<1x128x128xf32, #tpu.memory_space<vmem>> -> memref<128x128xf32, #tpu.memory_space<vmem>>
      %dma_start3A_87 = arith.constant 0 : i32
      %dma_start3A_88 = tpu.memref_slice %arg2[%mul3A_81, %dma_start3A_87] : memref<163840x128xf32, #tpu.memory_space<hbm>> -> memref<128x128xf32, #tpu.memory_space<hbm>>
      %dma_start3A_89 = arith.constant 0 : i32
      %dma_start3A_90 = arith.constant 0 : i32
      %dma_start3A_91 = tpu.memref_slice %arg9[%dma_start3A_82, %dma_start3A_89, %dma_start3A_90] : memref<2x128x128xf32, #tpu.memory_space<vmem>> -> memref<1x128x128xf32, #tpu.memory_space<vmem>>
      %dma_start3A_92 = tpu.memref_squeeze %dma_start3A_91 : memref<1x128x128xf32, #tpu.memory_space<vmem>> -> memref<128x128xf32, #tpu.memory_space<vmem>>
      %dma_start3A_93 = arith.constant 0 : i32
      %dma_start3A_94 = tpu.memref_slice %arg2[%mul3A_81, %dma_start3A_93] : memref<163840x128xf32, #tpu.memory_space<hbm>> -> memref<128x128xf32, #tpu.memory_space<hbm>>
      tpu.enqueue_dma source(%dma_start3A_94 : memref<128x128xf32, #tpu.memory_space<hbm>>) target(%dma_start3A_92 : memref<128x128xf32, #tpu.memory_space<vmem>>) target_semaphore(%arg12 : memref<!tpu.dma_semaphore, #tpu.memory_space<semaphore_mem>>)
      %scan3A_95 = arith.constant 0 : i32
      %scan3A_96 = arith.constant 0 : i32
      %scan3A_97 = arith.constant 20 : i32
      %scan3A_98 = arith.addi %scan3A_96, %scan3A_97 : i32
      %scan3A_99 = arith.constant 1 : i32
      scf.for %scan3A_131 = %scan3A_96 to %scan3A_98 step %scan3A_99  : i32 {
        %mul3A_132 = arith.constant 2 : i32
        %mul3A_133 = arith.muli %mul3A_132, %scan3A_131 : i32
        %add3A_134 = arith.constant 0 : i32
        %add3A_135 = arith.addi %mul3A_133, %add3A_134 : i32
        %dma_wait3A = arith.constant 0 : i32
        %dma_wait3A_136 = arith.constant 0 : i32
        %dma_wait3A_137 = arith.constant 0 : i32
        %dma_wait3A_138 = tpu.memref_slice %arg9[%dma_wait3A, %dma_wait3A_136, %dma_wait3A_137] : memref<2x128x128xf32, #tpu.memory_space<vmem>> -> memref<1x128x128xf32, #tpu.memory_space<vmem>>
        %dma_wait3A_139 = tpu.memref_squeeze %dma_wait3A_138 : memref<1x128x128xf32, #tpu.memory_space<vmem>> -> memref<128x128xf32, #tpu.memory_space<vmem>>
        %dma_wait3A_140 = arith.constant 0 : i32
        %dma_wait3A_141 = arith.constant 0 : i32
        %dma_wait3A_142 = tpu.memref_slice %arg2[%dma_wait3A_140, %dma_wait3A_141] : memref<163840x128xf32, #tpu.memory_space<hbm>> -> memref<128x128xf32, #tpu.memory_space<hbm>>
        %dma_wait3A_143 = arith.constant 0 : i32
        %dma_wait3A_144 = arith.constant 0 : i32
        %dma_wait3A_145 = tpu.memref_slice %arg9[%dma_wait3A, %dma_wait3A_143, %dma_wait3A_144] : memref<2x128x128xf32, #tpu.memory_space<vmem>> -> memref<1x128x128xf32, #tpu.memory_space<vmem>>
        %dma_wait3A_146 = tpu.memref_squeeze %dma_wait3A_145 : memref<1x128x128xf32, #tpu.memory_space<vmem>> -> memref<128x128xf32, #tpu.memory_space<vmem>>
        %dma_wait3A_147 = arith.constant 0 : i32
        %dma_wait3A_148 = arith.constant 0 : i32
        %dma_wait3A_149 = tpu.memref_slice %arg2[%dma_wait3A_147, %dma_wait3A_148] : memref<163840x128xf32, #tpu.memory_space<hbm>> -> memref<128x128xf32, #tpu.memory_space<hbm>>
        tpu.wait_dma2 semaphore(%arg11 : memref<!tpu.dma_semaphore, #tpu.memory_space<semaphore_mem>>) src(%dma_wait3A_149 : memref<128x128xf32, #tpu.memory_space<hbm>>) dst(%dma_wait3A_146 : memref<128x128xf32, #tpu.memory_space<vmem>>)
        %run_scoped3A_150 = arith.constant 0 : i32
        "tpu.region"() ({
          %run_scoped3A_184 = tpu.sem_alloc : memref<!tpu.dma_semaphore, #tpu.memory_space<semaphore_mem>>
          %dma_start3A_185 = arith.constant 0 : i32
          %dma_start3A_186 = arith.constant 0 : i32
          %dma_start3A_187 = tpu.memref_slice %arg9[%run_scoped3A_150, %dma_start3A_185, %dma_start3A_186] : memref<2x128x128xf32, #tpu.memory_space<vmem>> -> memref<1x128x128xf32, #tpu.memory_space<vmem>>
          %dma_start3A_188 = tpu.memref_squeeze %dma_start3A_187 : memref<1x128x128xf32, #tpu.memory_space<vmem>> -> memref<128x128xf32, #tpu.memory_space<vmem>>
          %dma_start3A_189 = arith.constant 0 : i32
          %dma_start3A_190 = tpu.memref_slice %arg8[%add3A_135, %dma_start3A_189] : memref<40x128xi32, #tpu.memory_space<vmem>> -> memref<1x128xi32, #tpu.memory_space<vmem>>
          %dma_start3A_191 = tpu.memref_squeeze %dma_start3A_190 : memref<1x128xi32, #tpu.memory_space<vmem>> -> memref<128xi32, #tpu.memory_space<vmem>>
          %dma_start3A_192 = arith.constant 0 : i32
          %dma_start3A_193 = arith.constant 0 : i32
          %dma_start3A_194 = tpu.memref_slice %arg10[%dma_start3A_192, %dma_start3A_193] : memref<10240x128xf32, #tpu.memory_space<vmem_shared>> -> memref<10240x128xf32, #tpu.memory_space<vmem_shared>>
          tpu.enqueue_indirect_dma source(%dma_start3A_188 : memref<128x128xf32, #tpu.memory_space<vmem>>) target(%dma_start3A_194 : memref<10240x128xf32, #tpu.memory_space<vmem_shared>>) offsets(%dma_start3A_191 : memref<128xi32, #tpu.memory_space<vmem>>) semaphore(%run_scoped3A_184 : memref<!tpu.dma_semaphore, #tpu.memory_space<semaphore_mem>>) {add = true}
          %dma_wait3A_195 = arith.constant 0 : i32
          %dma_wait3A_196 = arith.constant 0 : i32
          %dma_wait3A_197 = tpu.memref_slice %arg9[%run_scoped3A_150, %dma_wait3A_195, %dma_wait3A_196] : memref<2x128x128xf32, #tpu.memory_space<vmem>> -> memref<1x128x128xf32, #tpu.memory_space<vmem>>
          %dma_wait3A_198 = tpu.memref_squeeze %dma_wait3A_197 : memref<1x128x128xf32, #tpu.memory_space<vmem>> -> memref<128x128xf32, #tpu.memory_space<vmem>>
          %dma_wait3A_199 = arith.constant 0 : i32
          %dma_wait3A_200 = tpu.memref_slice %arg8[%add3A_135, %dma_wait3A_199] : memref<40x128xi32, #tpu.memory_space<vmem>> -> memref<1x128xi32, #tpu.memory_space<vmem>>
          %dma_wait3A_201 = tpu.memref_squeeze %dma_wait3A_200 : memref<1x128xi32, #tpu.memory_space<vmem>> -> memref<128xi32, #tpu.memory_space<vmem>>
          %dma_wait3A_202 = arith.constant 0 : i32
          %dma_wait3A_203 = arith.constant 0 : i32
          %dma_wait3A_204 = tpu.memref_slice %arg10[%dma_wait3A_202, %dma_wait3A_203] : memref<10240x128xf32, #tpu.memory_space<vmem_shared>> -> memref<10240x128xf32, #tpu.memory_space<vmem_shared>>
          tpu.wait_indirect_dma semaphore(%run_scoped3A_184 : memref<!tpu.dma_semaphore, #tpu.memory_space<semaphore_mem>>) src(%dma_wait3A_198 : memref<128x128xf32, #tpu.memory_space<vmem>>) dst(%dma_wait3A_204 : memref<10240x128xf32, #tpu.memory_space<vmem_shared>>)
          tpu.yield
        }) : () -> ()
        %add3A_151 = arith.constant 2 : i32
        %add3A_152 = arith.addi %add3A_135, %add3A_151 : i32
        %lt3A = arith.constant 40 : i32
        %lt3A_153 = arith.cmpi slt, %add3A_152, %lt3A : i32
        %convert_element_type3A_154 = arith.extui %lt3A_153 : i1 to i32
        %cond3A_155 = arith.constant 0 : i32
        %cond3A_156 = arith.cmpi ne, %convert_element_type3A_154, %cond3A_155 : i32
        scf.if %cond3A_156 {
          %add3A_184 = arith.constant 2 : i32
          %add3A_185 = arith.addi %add3A_135, %add3A_184 : i32
          %mul3A_186 = arith.constant 80 : i32
          %mul3A_187 = arith.muli %arg1, %mul3A_186 : i32
          %add3A_188 = arith.constant 40 : i32
          %add3A_189 = arith.addi %mul3A_187, %add3A_188 : i32
          %add3A_190 = arith.addi %add3A_189, %add3A_185 : i32
          %mul3A_191 = arith.constant 128 : i32
          %mul3A_192 = arith.muli %add3A_190, %mul3A_191 : i32
          %dma_start3A_193 = arith.constant 0 : i32
          %dma_start3A_194 = arith.constant 0 : i32
          %dma_start3A_195 = arith.constant 0 : i32
          %dma_start3A_196 = tpu.memref_slice %arg9[%dma_start3A_193, %dma_start3A_194, %dma_start3A_195] : memref<2x128x128xf32, #tpu.memory_space<vmem>> -> memref<1x128x128xf32, #tpu.memory_space<vmem>>
          %dma_start3A_197 = tpu.memref_squeeze %dma_start3A_196 : memref<1x128x128xf32, #tpu.memory_space<vmem>> -> memref<128x128xf32, #tpu.memory_space<vmem>>
          %dma_start3A_198 = arith.constant 0 : i32
          %dma_start3A_199 = tpu.memref_slice %arg2[%mul3A_192, %dma_start3A_198] : memref<163840x128xf32, #tpu.memory_space<hbm>> -> memref<128x128xf32, #tpu.memory_space<hbm>>
          %dma_start3A_200 = arith.constant 0 : i32
          %dma_start3A_201 = arith.constant 0 : i32
          %dma_start3A_202 = tpu.memref_slice %arg9[%dma_start3A_193, %dma_start3A_200, %dma_start3A_201] : memref<2x128x128xf32, #tpu.memory_space<vmem>> -> memref<1x128x128xf32, #tpu.memory_space<vmem>>
          %dma_start3A_203 = tpu.memref_squeeze %dma_start3A_202 : memref<1x128x128xf32, #tpu.memory_space<vmem>> -> memref<128x128xf32, #tpu.memory_space<vmem>>
          %dma_start3A_204 = arith.constant 0 : i32
          %dma_start3A_205 = tpu.memref_slice %arg2[%mul3A_192, %dma_start3A_204] : memref<163840x128xf32, #tpu.memory_space<hbm>> -> memref<128x128xf32, #tpu.memory_space<hbm>>
          tpu.enqueue_dma source(%dma_start3A_205 : memref<128x128xf32, #tpu.memory_space<hbm>>) target(%dma_start3A_203 : memref<128x128xf32, #tpu.memory_space<vmem>>) target_semaphore(%arg11 : memref<!tpu.dma_semaphore, #tpu.memory_space<semaphore_mem>>)
        } else {
        }
        %mul3A_157 = arith.constant 2 : i32
        %mul3A_158 = arith.muli %mul3A_157, %scan3A_131 : i32
        %add3A_159 = arith.constant 1 : i32
        %add3A_160 = arith.addi %mul3A_158, %add3A_159 : i32
        %dma_wait3A_161 = arith.constant 1 : i32
        %dma_wait3A_162 = arith.constant 0 : i32
        %dma_wait3A_163 = arith.constant 0 : i32
        %dma_wait3A_164 = tpu.memref_slice %arg9[%dma_wait3A_161, %dma_wait3A_162, %dma_wait3A_163] : memref<2x128x128xf32, #tpu.memory_space<vmem>> -> memref<1x128x128xf32, #tpu.memory_space<vmem>>
        %dma_wait3A_165 = tpu.memref_squeeze %dma_wait3A_164 : memref<1x128x128xf32, #tpu.memory_space<vmem>> -> memref<128x128xf32, #tpu.memory_space<vmem>>
        %dma_wait3A_166 = arith.constant 0 : i32
        %dma_wait3A_167 = arith.constant 0 : i32
        %dma_wait3A_168 = tpu.memref_slice %arg2[%dma_wait3A_166, %dma_wait3A_167] : memref<163840x128xf32, #tpu.memory_space<hbm>> -> memref<128x128xf32, #tpu.memory_space<hbm>>
        %dma_wait3A_169 = arith.constant 0 : i32
        %dma_wait3A_170 = arith.constant 0 : i32
        %dma_wait3A_171 = tpu.memref_slice %arg9[%dma_wait3A_161, %dma_wait3A_169, %dma_wait3A_170] : memref<2x128x128xf32, #tpu.memory_space<vmem>> -> memref<1x128x128xf32, #tpu.memory_space<vmem>>
        %dma_wait3A_172 = tpu.memref_squeeze %dma_wait3A_171 : memref<1x128x128xf32, #tpu.memory_space<vmem>> -> memref<128x128xf32, #tpu.memory_space<vmem>>
        %dma_wait3A_173 = arith.constant 0 : i32
        %dma_wait3A_174 = arith.constant 0 : i32
        %dma_wait3A_175 = tpu.memref_slice %arg2[%dma_wait3A_173, %dma_wait3A_174] : memref<163840x128xf32, #tpu.memory_space<hbm>> -> memref<128x128xf32, #tpu.memory_space<hbm>>
        tpu.wait_dma2 semaphore(%arg12 : memref<!tpu.dma_semaphore, #tpu.memory_space<semaphore_mem>>) src(%dma_wait3A_175 : memref<128x128xf32, #tpu.memory_space<hbm>>) dst(%dma_wait3A_172 : memref<128x128xf32, #tpu.memory_space<vmem>>)
        %run_scoped3A_176 = arith.constant 1 : i32
        "tpu.region"() ({
          %run_scoped3A_184 = tpu.sem_alloc : memref<!tpu.dma_semaphore, #tpu.memory_space<semaphore_mem>>
          %dma_start3A_185 = arith.constant 0 : i32
          %dma_start3A_186 = arith.constant 0 : i32
          %dma_start3A_187 = tpu.memref_slice %arg9[%run_scoped3A_176, %dma_start3A_185, %dma_start3A_186] : memref<2x128x128xf32, #tpu.memory_space<vmem>> -> memref<1x128x128xf32, #tpu.memory_space<vmem>>
          %dma_start3A_188 = tpu.memref_squeeze %dma_start3A_187 : memref<1x128x128xf32, #tpu.memory_space<vmem>> -> memref<128x128xf32, #tpu.memory_space<vmem>>
          %dma_start3A_189 = arith.constant 0 : i32
          %dma_start3A_190 = tpu.memref_slice %arg8[%add3A_160, %dma_start3A_189] : memref<40x128xi32, #tpu.memory_space<vmem>> -> memref<1x128xi32, #tpu.memory_space<vmem>>
          %dma_start3A_191 = tpu.memref_squeeze %dma_start3A_190 : memref<1x128xi32, #tpu.memory_space<vmem>> -> memref<128xi32, #tpu.memory_space<vmem>>
          %dma_start3A_192 = arith.constant 0 : i32
          %dma_start3A_193 = arith.constant 0 : i32
          %dma_start3A_194 = tpu.memref_slice %arg10[%dma_start3A_192, %dma_start3A_193] : memref<10240x128xf32, #tpu.memory_space<vmem_shared>> -> memref<10240x128xf32, #tpu.memory_space<vmem_shared>>
          tpu.enqueue_indirect_dma source(%dma_start3A_188 : memref<128x128xf32, #tpu.memory_space<vmem>>) target(%dma_start3A_194 : memref<10240x128xf32, #tpu.memory_space<vmem_shared>>) offsets(%dma_start3A_191 : memref<128xi32, #tpu.memory_space<vmem>>) semaphore(%run_scoped3A_184 : memref<!tpu.dma_semaphore, #tpu.memory_space<semaphore_mem>>) {add = true}
          %dma_wait3A_195 = arith.constant 0 : i32
          %dma_wait3A_196 = arith.constant 0 : i32
          %dma_wait3A_197 = tpu.memref_slice %arg9[%run_scoped3A_176, %dma_wait3A_195, %dma_wait3A_196] : memref<2x128x128xf32, #tpu.memory_space<vmem>> -> memref<1x128x128xf32, #tpu.memory_space<vmem>>
          %dma_wait3A_198 = tpu.memref_squeeze %dma_wait3A_197 : memref<1x128x128xf32, #tpu.memory_space<vmem>> -> memref<128x128xf32, #tpu.memory_space<vmem>>
          %dma_wait3A_199 = arith.constant 0 : i32
          %dma_wait3A_200 = tpu.memref_slice %arg8[%add3A_160, %dma_wait3A_199] : memref<40x128xi32, #tpu.memory_space<vmem>> -> memref<1x128xi32, #tpu.memory_space<vmem>>
          %dma_wait3A_201 = tpu.memref_squeeze %dma_wait3A_200 : memref<1x128xi32, #tpu.memory_space<vmem>> -> memref<128xi32, #tpu.memory_space<vmem>>
          %dma_wait3A_202 = arith.constant 0 : i32
          %dma_wait3A_203 = arith.constant 0 : i32
          %dma_wait3A_204 = tpu.memref_slice %arg10[%dma_wait3A_202, %dma_wait3A_203] : memref<10240x128xf32, #tpu.memory_space<vmem_shared>> -> memref<10240x128xf32, #tpu.memory_space<vmem_shared>>
          tpu.wait_indirect_dma semaphore(%run_scoped3A_184 : memref<!tpu.dma_semaphore, #tpu.memory_space<semaphore_mem>>) src(%dma_wait3A_198 : memref<128x128xf32, #tpu.memory_space<vmem>>) dst(%dma_wait3A_204 : memref<10240x128xf32, #tpu.memory_space<vmem_shared>>)
          tpu.yield
        }) : () -> ()
        %add3A_177 = arith.constant 2 : i32
        %add3A_178 = arith.addi %add3A_160, %add3A_177 : i32
        %lt3A_179 = arith.constant 40 : i32
        %lt3A_180 = arith.cmpi slt, %add3A_178, %lt3A_179 : i32
        %convert_element_type3A_181 = arith.extui %lt3A_180 : i1 to i32
        %cond3A_182 = arith.constant 0 : i32
        %cond3A_183 = arith.cmpi ne, %convert_element_type3A_181, %cond3A_182 : i32
        scf.if %cond3A_183 {
          %add3A_184 = arith.constant 2 : i32
          %add3A_185 = arith.addi %add3A_160, %add3A_184 : i32
          %mul3A_186 = arith.constant 80 : i32
          %mul3A_187 = arith.muli %arg1, %mul3A_186 : i32
          %add3A_188 = arith.constant 40 : i32
          %add3A_189 = arith.addi %mul3A_187, %add3A_188 : i32
          %add3A_190 = arith.addi %add3A_189, %add3A_185 : i32
          %mul3A_191 = arith.constant 128 : i32
          %mul3A_192 = arith.muli %add3A_190, %mul3A_191 : i32
          %dma_start3A_193 = arith.constant 1 : i32
          %dma_start3A_194 = arith.constant 0 : i32
          %dma_start3A_195 = arith.constant 0 : i32
          %dma_start3A_196 = tpu.memref_slice %arg9[%dma_start3A_193, %dma_start3A_194, %dma_start3A_195] : memref<2x128x128xf32, #tpu.memory_space<vmem>> -> memref<1x128x128xf32, #tpu.memory_space<vmem>>
          %dma_start3A_197 = tpu.memref_squeeze %dma_start3A_196 : memref<1x128x128xf32, #tpu.memory_space<vmem>> -> memref<128x128xf32, #tpu.memory_space<vmem>>
          %dma_start3A_198 = arith.constant 0 : i32
          %dma_start3A_199 = tpu.memref_slice %arg2[%mul3A_192, %dma_start3A_198] : memref<163840x128xf32, #tpu.memory_space<hbm>> -> memref<128x128xf32, #tpu.memory_space<hbm>>
          %dma_start3A_200 = arith.constant 0 : i32
          %dma_start3A_201 = arith.constant 0 : i32
          %dma_start3A_202 = tpu.memref_slice %arg9[%dma_start3A_193, %dma_start3A_200, %dma_start3A_201] : memref<2x128x128xf32, #tpu.memory_space<vmem>> -> memref<1x128x128xf32, #tpu.memory_space<vmem>>
          %dma_start3A_203 = tpu.memref_squeeze %dma_start3A_202 : memref<1x128x128xf32, #tpu.memory_space<vmem>> -> memref<128x128xf32, #tpu.memory_space<vmem>>
          %dma_start3A_204 = arith.constant 0 : i32
          %dma_start3A_205 = tpu.memref_slice %arg2[%mul3A_192, %dma_start3A_204] : memref<163840x128xf32, #tpu.memory_space<hbm>> -> memref<128x128xf32, #tpu.memory_space<hbm>>
          tpu.enqueue_dma source(%dma_start3A_205 : memref<128x128xf32, #tpu.memory_space<hbm>>) target(%dma_start3A_203 : memref<128x128xf32, #tpu.memory_space<vmem>>) target_semaphore(%arg12 : memref<!tpu.dma_semaphore, #tpu.memory_space<semaphore_mem>>)
        } else {
        }
      }
      %scan3A_100 = arith.constant 20 : i32
      %barrier3A_101 = arith.constant 0 : index
      tpu.barrier barrier_id(%barrier3A_101)
      %mul3A_102 = arith.constant 640 : i32
      %mul3A_103 = arith.muli %arg1, %mul3A_102 : i32
      %add3A_104 = arith.constant 0 : i32
      %add3A_105 = arith.addi %mul3A_103, %add3A_104 : i32
      %run_scoped3A = arith.constant 0 : i32
      "tpu.region"() ({
        %run_scoped3A_131 = tpu.sem_alloc : memref<!tpu.dma_semaphore, #tpu.memory_space<semaphore_mem>>
        %dma_start3A_132 = arith.constant 0 : i32
        %dma_start3A_133 = arith.constant 0 : i32
        %dma_start3A_134 = tpu.memref_slice %arg9[%run_scoped3A, %dma_start3A_132, %dma_start3A_133] : memref<2x128x128xf32, #tpu.memory_space<vmem>> -> memref<1x128x128xf32, #tpu.memory_space<vmem>>
        %dma_start3A_135 = tpu.memref_squeeze %dma_start3A_134 : memref<1x128x128xf32, #tpu.memory_space<vmem>> -> memref<128x128xf32, #tpu.memory_space<vmem>>
        %dma_start3A_136 = arith.constant 0 : i32
        %dma_start3A_137 = tpu.memref_slice %arg10[%add3A_105, %dma_start3A_136] : memref<10240x128xf32, #tpu.memory_space<vmem_shared>> -> memref<128x128xf32, #tpu.memory_space<vmem_shared>>
        %dma_start3A_138 = arith.constant 0 : i32
        %dma_start3A_139 = arith.constant 0 : i32
        %dma_start3A_140 = tpu.memref_slice %arg9[%run_scoped3A, %dma_start3A_138, %dma_start3A_139] : memref<2x128x128xf32, #tpu.memory_space<vmem>> -> memref<1x128x128xf32, #tpu.memory_space<vmem>>
        %dma_start3A_141 = tpu.memref_squeeze %dma_start3A_140 : memref<1x128x128xf32, #tpu.memory_space<vmem>> -> memref<128x128xf32, #tpu.memory_space<vmem>>
        %dma_start3A_142 = arith.constant 0 : i32
        %dma_start3A_143 = tpu.memref_slice %arg10[%add3A_105, %dma_start3A_142] : memref<10240x128xf32, #tpu.memory_space<vmem_shared>> -> memref<128x128xf32, #tpu.memory_space<vmem_shared>>
        tpu.enqueue_dma source(%dma_start3A_143 : memref<128x128xf32, #tpu.memory_space<vmem_shared>>) target(%dma_start3A_141 : memref<128x128xf32, #tpu.memory_space<vmem>>) target_semaphore(%run_scoped3A_131 : memref<!tpu.dma_semaphore, #tpu.memory_space<semaphore_mem>>)
        %dma_wait3A = arith.constant 0 : i32
        %dma_wait3A_144 = arith.constant 0 : i32
        %dma_wait3A_145 = tpu.memref_slice %arg9[%run_scoped3A, %dma_wait3A, %dma_wait3A_144] : memref<2x128x128xf32, #tpu.memory_space<vmem>> -> memref<1x128x128xf32, #tpu.memory_space<vmem>>
        %dma_wait3A_146 = tpu.memref_squeeze %dma_wait3A_145 : memref<1x128x128xf32, #tpu.memory_space<vmem>> -> memref<128x128xf32, #tpu.memory_space<vmem>>
        %dma_wait3A_147 = arith.constant 0 : i32
        %dma_wait3A_148 = tpu.memref_slice %arg10[%add3A_105, %dma_wait3A_147] : memref<10240x128xf32, #tpu.memory_space<vmem_shared>> -> memref<128x128xf32, #tpu.memory_space<vmem_shared>>
        %dma_wait3A_149 = arith.constant 0 : i32
        %dma_wait3A_150 = arith.constant 0 : i32
        %dma_wait3A_151 = tpu.memref_slice %arg9[%run_scoped3A, %dma_wait3A_149, %dma_wait3A_150] : memref<2x128x128xf32, #tpu.memory_space<vmem>> -> memref<1x128x128xf32, #tpu.memory_space<vmem>>
        %dma_wait3A_152 = tpu.memref_squeeze %dma_wait3A_151 : memref<1x128x128xf32, #tpu.memory_space<vmem>> -> memref<128x128xf32, #tpu.memory_space<vmem>>
        %dma_wait3A_153 = arith.constant 0 : i32
        %dma_wait3A_154 = tpu.memref_slice %arg10[%add3A_105, %dma_wait3A_153] : memref<10240x128xf32, #tpu.memory_space<vmem_shared>> -> memref<128x128xf32, #tpu.memory_space<vmem_shared>>
        tpu.wait_dma2 semaphore(%run_scoped3A_131 : memref<!tpu.dma_semaphore, #tpu.memory_space<semaphore_mem>>) src(%dma_wait3A_154 : memref<128x128xf32, #tpu.memory_space<vmem_shared>>) dst(%dma_wait3A_152 : memref<128x128xf32, #tpu.memory_space<vmem>>)
        tpu.yield
      }) : () -> ()
      %run_scoped3A_106 = arith.constant 0 : i32
      "tpu.region"() ({
        %run_scoped3A_131 = tpu.sem_alloc : memref<!tpu.dma_semaphore, #tpu.memory_space<semaphore_mem>>
        %dma_start3A_132 = arith.constant 0 : i32
        %dma_start3A_133 = arith.constant 0 : i32
        %dma_start3A_134 = tpu.memref_slice %arg9[%run_scoped3A_106, %dma_start3A_132, %dma_start3A_133] : memref<2x128x128xf32, #tpu.memory_space<vmem>> -> memref<1x128x128xf32, #tpu.memory_space<vmem>>
        %dma_start3A_135 = tpu.memref_squeeze %dma_start3A_134 : memref<1x128x128xf32, #tpu.memory_space<vmem>> -> memref<128x128xf32, #tpu.memory_space<vmem>>
        %dma_start3A_136 = arith.constant 0 : i32
        %dma_start3A_137 = tpu.memref_slice %arg6[%add3A_105, %dma_start3A_136] : memref<10240x128xf32, #tpu.memory_space<hbm>> -> memref<128x128xf32, #tpu.memory_space<hbm>>
        %dma_start3A_138 = arith.constant 0 : i32
        %dma_start3A_139 = tpu.memref_slice %arg6[%add3A_105, %dma_start3A_138] : memref<10240x128xf32, #tpu.memory_space<hbm>> -> memref<128x128xf32, #tpu.memory_space<hbm>>
        %dma_start3A_140 = arith.constant 0 : i32
        %dma_start3A_141 = arith.constant 0 : i32
        %dma_start3A_142 = tpu.memref_slice %arg9[%run_scoped3A_106, %dma_start3A_140, %dma_start3A_141] : memref<2x128x128xf32, #tpu.memory_space<vmem>> -> memref<1x128x128xf32, #tpu.memory_space<vmem>>
        %dma_start3A_143 = tpu.memref_squeeze %dma_start3A_142 : memref<1x128x128xf32, #tpu.memory_space<vmem>> -> memref<128x128xf32, #tpu.memory_space<vmem>>
        tpu.enqueue_dma source(%dma_start3A_143 : memref<128x128xf32, #tpu.memory_space<vmem>>) target(%dma_start3A_139 : memref<128x128xf32, #tpu.memory_space<hbm>>) target_semaphore(%run_scoped3A_131 : memref<!tpu.dma_semaphore, #tpu.memory_space<semaphore_mem>>)
        %dma_wait3A = arith.constant 0 : i32
        %dma_wait3A_144 = arith.constant 0 : i32
        %dma_wait3A_145 = tpu.memref_slice %arg9[%run_scoped3A_106, %dma_wait3A, %dma_wait3A_144] : memref<2x128x128xf32, #tpu.memory_space<vmem>> -> memref<1x128x128xf32, #tpu.memory_space<vmem>>
        %dma_wait3A_146 = tpu.memref_squeeze %dma_wait3A_145 : memref<1x128x128xf32, #tpu.memory_space<vmem>> -> memref<128x128xf32, #tpu.memory_space<vmem>>
        %dma_wait3A_147 = arith.constant 0 : i32
        %dma_wait3A_148 = tpu.memref_slice %arg6[%add3A_105, %dma_wait3A_147] : memref<10240x128xf32, #tpu.memory_space<hbm>> -> memref<128x128xf32, #tpu.memory_space<hbm>>
        %dma_wait3A_149 = arith.constant 0 : i32
        %dma_wait3A_150 = tpu.memref_slice %arg6[%add3A_105, %dma_wait3A_149] : memref<10240x128xf32, #tpu.memory_space<hbm>> -> memref<128x128xf32, #tpu.memory_space<hbm>>
        %dma_wait3A_151 = arith.constant 0 : i32
        %dma_wait3A_152 = arith.constant 0 : i32
        %dma_wait3A_153 = tpu.memref_slice %arg9[%run_scoped3A_106, %dma_wait3A_151, %dma_wait3A_152] : memref<2x128x128xf32, #tpu.memory_space<vmem>> -> memref<1x128x128xf32, #tpu.memory_space<vmem>>
        %dma_wait3A_154 = tpu.memref_squeeze %dma_wait3A_153 : memref<1x128x128xf32, #tpu.memory_space<vmem>> -> memref<128x128xf32, #tpu.memory_space<vmem>>
        tpu.wait_dma2 semaphore(%run_scoped3A_131 : memref<!tpu.dma_semaphore, #tpu.memory_space<semaphore_mem>>) src(%dma_wait3A_154 : memref<128x128xf32, #tpu.memory_space<vmem>>) dst(%dma_wait3A_150 : memref<128x128xf32, #tpu.memory_space<hbm>>)
        tpu.yield
      }) : () -> ()
      %mul3A_107 = arith.constant 640 : i32
      %mul3A_108 = arith.muli %arg1, %mul3A_107 : i32
      %add3A_109 = arith.constant 128 : i32
      %add3A_110 = arith.addi %mul3A_108, %add3A_109 : i32
      %run_scoped3A_111 = arith.constant 0 : i32
      "tpu.region"() ({
        %run_scoped3A_131 = tpu.sem_alloc : memref<!tpu.dma_semaphore, #tpu.memory_space<semaphore_mem>>
        %dma_start3A_132 = arith.constant 0 : i32
        %dma_start3A_133 = arith.constant 0 : i32
        %dma_start3A_134 = tpu.memref_slice %arg9[%run_scoped3A_111, %dma_start3A_132, %dma_start3A_133] : memref<2x128x128xf32, #tpu.memory_space<vmem>> -> memref<1x128x128xf32, #tpu.memory_space<vmem>>
        %dma_start3A_135 = tpu.memref_squeeze %dma_start3A_134 : memref<1x128x128xf32, #tpu.memory_space<vmem>> -> memref<128x128xf32, #tpu.memory_space<vmem>>
        %dma_start3A_136 = arith.constant 0 : i32
        %dma_start3A_137 = tpu.memref_slice %arg10[%add3A_110, %dma_start3A_136] : memref<10240x128xf32, #tpu.memory_space<vmem_shared>> -> memref<128x128xf32, #tpu.memory_space<vmem_shared>>
        %dma_start3A_138 = arith.constant 0 : i32
        %dma_start3A_139 = arith.constant 0 : i32
        %dma_start3A_140 = tpu.memref_slice %arg9[%run_scoped3A_111, %dma_start3A_138, %dma_start3A_139] : memref<2x128x128xf32, #tpu.memory_space<vmem>> -> memref<1x128x128xf32, #tpu.memory_space<vmem>>
        %dma_start3A_141 = tpu.memref_squeeze %dma_start3A_140 : memref<1x128x128xf32, #tpu.memory_space<vmem>> -> memref<128x128xf32, #tpu.memory_space<vmem>>
        %dma_start3A_142 = arith.constant 0 : i32
        %dma_start3A_143 = tpu.memref_slice %arg10[%add3A_110, %dma_start3A_142] : memref<10240x128xf32, #tpu.memory_space<vmem_shared>> -> memref<128x128xf32, #tpu.memory_space<vmem_shared>>
        tpu.enqueue_dma source(%dma_start3A_143 : memref<128x128xf32, #tpu.memory_space<vmem_shared>>) target(%dma_start3A_141 : memref<128x128xf32, #tpu.memory_space<vmem>>) target_semaphore(%run_scoped3A_131 : memref<!tpu.dma_semaphore, #tpu.memory_space<semaphore_mem>>)
        %dma_wait3A = arith.constant 0 : i32
        %dma_wait3A_144 = arith.constant 0 : i32
        %dma_wait3A_145 = tpu.memref_slice %arg9[%run_scoped3A_111, %dma_wait3A, %dma_wait3A_144] : memref<2x128x128xf32, #tpu.memory_space<vmem>> -> memref<1x128x128xf32, #tpu.memory_space<vmem>>
        %dma_wait3A_146 = tpu.memref_squeeze %dma_wait3A_145 : memref<1x128x128xf32, #tpu.memory_space<vmem>> -> memref<128x128xf32, #tpu.memory_space<vmem>>
        %dma_wait3A_147 = arith.constant 0 : i32
        %dma_wait3A_148 = tpu.memref_slice %arg10[%add3A_110, %dma_wait3A_147] : memref<10240x128xf32, #tpu.memory_space<vmem_shared>> -> memref<128x128xf32, #tpu.memory_space<vmem_shared>>
        %dma_wait3A_149 = arith.constant 0 : i32
        %dma_wait3A_150 = arith.constant 0 : i32
        %dma_wait3A_151 = tpu.memref_slice %arg9[%run_scoped3A_111, %dma_wait3A_149, %dma_wait3A_150] : memref<2x128x128xf32, #tpu.memory_space<vmem>> -> memref<1x128x128xf32, #tpu.memory_space<vmem>>
        %dma_wait3A_152 = tpu.memref_squeeze %dma_wait3A_151 : memref<1x128x128xf32, #tpu.memory_space<vmem>> -> memref<128x128xf32, #tpu.memory_space<vmem>>
        %dma_wait3A_153 = arith.constant 0 : i32
        %dma_wait3A_154 = tpu.memref_slice %arg10[%add3A_110, %dma_wait3A_153] : memref<10240x128xf32, #tpu.memory_space<vmem_shared>> -> memref<128x128xf32, #tpu.memory_space<vmem_shared>>
        tpu.wait_dma2 semaphore(%run_scoped3A_131 : memref<!tpu.dma_semaphore, #tpu.memory_space<semaphore_mem>>) src(%dma_wait3A_154 : memref<128x128xf32, #tpu.memory_space<vmem_shared>>) dst(%dma_wait3A_152 : memref<128x128xf32, #tpu.memory_space<vmem>>)
        tpu.yield
      }) : () -> ()
      %run_scoped3A_112 = arith.constant 0 : i32
      "tpu.region"() ({
        %run_scoped3A_131 = tpu.sem_alloc : memref<!tpu.dma_semaphore, #tpu.memory_space<semaphore_mem>>
        %dma_start3A_132 = arith.constant 0 : i32
        %dma_start3A_133 = arith.constant 0 : i32
        %dma_start3A_134 = tpu.memref_slice %arg9[%run_scoped3A_112, %dma_start3A_132, %dma_start3A_133] : memref<2x128x128xf32, #tpu.memory_space<vmem>> -> memref<1x128x128xf32, #tpu.memory_space<vmem>>
        %dma_start3A_135 = tpu.memref_squeeze %dma_start3A_134 : memref<1x128x128xf32, #tpu.memory_space<vmem>> -> memref<128x128xf32, #tpu.memory_space<vmem>>
        %dma_start3A_136 = arith.constant 0 : i32
        %dma_start3A_137 = tpu.memref_slice %arg6[%add3A_110, %dma_start3A_136] : memref<10240x128xf32, #tpu.memory_space<hbm>> -> memref<128x128xf32, #tpu.memory_space<hbm>>
        %dma_start3A_138 = arith.constant 0 : i32
        %dma_start3A_139 = tpu.memref_slice %arg6[%add3A_110, %dma_start3A_138] : memref<10240x128xf32, #tpu.memory_space<hbm>> -> memref<128x128xf32, #tpu.memory_space<hbm>>
        %dma_start3A_140 = arith.constant 0 : i32
        %dma_start3A_141 = arith.constant 0 : i32
        %dma_start3A_142 = tpu.memref_slice %arg9[%run_scoped3A_112, %dma_start3A_140, %dma_start3A_141] : memref<2x128x128xf32, #tpu.memory_space<vmem>> -> memref<1x128x128xf32, #tpu.memory_space<vmem>>
        %dma_start3A_143 = tpu.memref_squeeze %dma_start3A_142 : memref<1x128x128xf32, #tpu.memory_space<vmem>> -> memref<128x128xf32, #tpu.memory_space<vmem>>
        tpu.enqueue_dma source(%dma_start3A_143 : memref<128x128xf32, #tpu.memory_space<vmem>>) target(%dma_start3A_139 : memref<128x128xf32, #tpu.memory_space<hbm>>) target_semaphore(%run_scoped3A_131 : memref<!tpu.dma_semaphore, #tpu.memory_space<semaphore_mem>>)
        %dma_wait3A = arith.constant 0 : i32
        %dma_wait3A_144 = arith.constant 0 : i32
        %dma_wait3A_145 = tpu.memref_slice %arg9[%run_scoped3A_112, %dma_wait3A, %dma_wait3A_144] : memref<2x128x128xf32, #tpu.memory_space<vmem>> -> memref<1x128x128xf32, #tpu.memory_space<vmem>>
        %dma_wait3A_146 = tpu.memref_squeeze %dma_wait3A_145 : memref<1x128x128xf32, #tpu.memory_space<vmem>> -> memref<128x128xf32, #tpu.memory_space<vmem>>
        %dma_wait3A_147 = arith.constant 0 : i32
        %dma_wait3A_148 = tpu.memref_slice %arg6[%add3A_110, %dma_wait3A_147] : memref<10240x128xf32, #tpu.memory_space<hbm>> -> memref<128x128xf32, #tpu.memory_space<hbm>>
        %dma_wait3A_149 = arith.constant 0 : i32
        %dma_wait3A_150 = tpu.memref_slice %arg6[%add3A_110, %dma_wait3A_149] : memref<10240x128xf32, #tpu.memory_space<hbm>> -> memref<128x128xf32, #tpu.memory_space<hbm>>
        %dma_wait3A_151 = arith.constant 0 : i32
        %dma_wait3A_152 = arith.constant 0 : i32
        %dma_wait3A_153 = tpu.memref_slice %arg9[%run_scoped3A_112, %dma_wait3A_151, %dma_wait3A_152] : memref<2x128x128xf32, #tpu.memory_space<vmem>> -> memref<1x128x128xf32, #tpu.memory_space<vmem>>
        %dma_wait3A_154 = tpu.memref_squeeze %dma_wait3A_153 : memref<1x128x128xf32, #tpu.memory_space<vmem>> -> memref<128x128xf32, #tpu.memory_space<vmem>>
        tpu.wait_dma2 semaphore(%run_scoped3A_131 : memref<!tpu.dma_semaphore, #tpu.memory_space<semaphore_mem>>) src(%dma_wait3A_154 : memref<128x128xf32, #tpu.memory_space<vmem>>) dst(%dma_wait3A_150 : memref<128x128xf32, #tpu.memory_space<hbm>>)
        tpu.yield
      }) : () -> ()
      %mul3A_113 = arith.constant 640 : i32
      %mul3A_114 = arith.muli %arg1, %mul3A_113 : i32
      %add3A_115 = arith.constant 256 : i32
      %add3A_116 = arith.addi %mul3A_114, %add3A_115 : i32
      %run_scoped3A_117 = arith.constant 0 : i32
      "tpu.region"() ({
        %run_scoped3A_131 = tpu.sem_alloc : memref<!tpu.dma_semaphore, #tpu.memory_space<semaphore_mem>>
        %dma_start3A_132 = arith.constant 0 : i32
        %dma_start3A_133 = arith.constant 0 : i32
        %dma_start3A_134 = tpu.memref_slice %arg9[%run_scoped3A_117, %dma_start3A_132, %dma_start3A_133] : memref<2x128x128xf32, #tpu.memory_space<vmem>> -> memref<1x128x128xf32, #tpu.memory_space<vmem>>
        %dma_start3A_135 = tpu.memref_squeeze %dma_start3A_134 : memref<1x128x128xf32, #tpu.memory_space<vmem>> -> memref<128x128xf32, #tpu.memory_space<vmem>>
        %dma_start3A_136 = arith.constant 0 : i32
        %dma_start3A_137 = tpu.memref_slice %arg10[%add3A_116, %dma_start3A_136] : memref<10240x128xf32, #tpu.memory_space<vmem_shared>> -> memref<128x128xf32, #tpu.memory_space<vmem_shared>>
        %dma_start3A_138 = arith.constant 0 : i32
        %dma_start3A_139 = arith.constant 0 : i32
        %dma_start3A_140 = tpu.memref_slice %arg9[%run_scoped3A_117, %dma_start3A_138, %dma_start3A_139] : memref<2x128x128xf32, #tpu.memory_space<vmem>> -> memref<1x128x128xf32, #tpu.memory_space<vmem>>
        %dma_start3A_141 = tpu.memref_squeeze %dma_start3A_140 : memref<1x128x128xf32, #tpu.memory_space<vmem>> -> memref<128x128xf32, #tpu.memory_space<vmem>>
        %dma_start3A_142 = arith.constant 0 : i32
        %dma_start3A_143 = tpu.memref_slice %arg10[%add3A_116, %dma_start3A_142] : memref<10240x128xf32, #tpu.memory_space<vmem_shared>> -> memref<128x128xf32, #tpu.memory_space<vmem_shared>>
        tpu.enqueue_dma source(%dma_start3A_143 : memref<128x128xf32, #tpu.memory_space<vmem_shared>>) target(%dma_start3A_141 : memref<128x128xf32, #tpu.memory_space<vmem>>) target_semaphore(%run_scoped3A_131 : memref<!tpu.dma_semaphore, #tpu.memory_space<semaphore_mem>>)
        %dma_wait3A = arith.constant 0 : i32
        %dma_wait3A_144 = arith.constant 0 : i32
        %dma_wait3A_145 = tpu.memref_slice %arg9[%run_scoped3A_117, %dma_wait3A, %dma_wait3A_144] : memref<2x128x128xf32, #tpu.memory_space<vmem>> -> memref<1x128x128xf32, #tpu.memory_space<vmem>>
        %dma_wait3A_146 = tpu.memref_squeeze %dma_wait3A_145 : memref<1x128x128xf32, #tpu.memory_space<vmem>> -> memref<128x128xf32, #tpu.memory_space<vmem>>
        %dma_wait3A_147 = arith.constant 0 : i32
        %dma_wait3A_148 = tpu.memref_slice %arg10[%add3A_116, %dma_wait3A_147] : memref<10240x128xf32, #tpu.memory_space<vmem_shared>> -> memref<128x128xf32, #tpu.memory_space<vmem_shared>>
        %dma_wait3A_149 = arith.constant 0 : i32
        %dma_wait3A_150 = arith.constant 0 : i32
        %dma_wait3A_151 = tpu.memref_slice %arg9[%run_scoped3A_117, %dma_wait3A_149, %dma_wait3A_150] : memref<2x128x128xf32, #tpu.memory_space<vmem>> -> memref<1x128x128xf32, #tpu.memory_space<vmem>>
        %dma_wait3A_152 = tpu.memref_squeeze %dma_wait3A_151 : memref<1x128x128xf32, #tpu.memory_space<vmem>> -> memref<128x128xf32, #tpu.memory_space<vmem>>
        %dma_wait3A_153 = arith.constant 0 : i32
        %dma_wait3A_154 = tpu.memref_slice %arg10[%add3A_116, %dma_wait3A_153] : memref<10240x128xf32, #tpu.memory_space<vmem_shared>> -> memref<128x128xf32, #tpu.memory_space<vmem_shared>>
        tpu.wait_dma2 semaphore(%run_scoped3A_131 : memref<!tpu.dma_semaphore, #tpu.memory_space<semaphore_mem>>) src(%dma_wait3A_154 : memref<128x128xf32, #tpu.memory_space<vmem_shared>>) dst(%dma_wait3A_152 : memref<128x128xf32, #tpu.memory_space<vmem>>)
        tpu.yield
      }) : () -> ()
      %run_scoped3A_118 = arith.constant 0 : i32
      "tpu.region"() ({
        %run_scoped3A_131 = tpu.sem_alloc : memref<!tpu.dma_semaphore, #tpu.memory_space<semaphore_mem>>
        %dma_start3A_132 = arith.constant 0 : i32
        %dma_start3A_133 = arith.constant 0 : i32
        %dma_start3A_134 = tpu.memref_slice %arg9[%run_scoped3A_118, %dma_start3A_132, %dma_start3A_133] : memref<2x128x128xf32, #tpu.memory_space<vmem>> -> memref<1x128x128xf32, #tpu.memory_space<vmem>>
        %dma_start3A_135 = tpu.memref_squeeze %dma_start3A_134 : memref<1x128x128xf32, #tpu.memory_space<vmem>> -> memref<128x128xf32, #tpu.memory_space<vmem>>
        %dma_start3A_136 = arith.constant 0 : i32
        %dma_start3A_137 = tpu.memref_slice %arg6[%add3A_116, %dma_start3A_136] : memref<10240x128xf32, #tpu.memory_space<hbm>> -> memref<128x128xf32, #tpu.memory_space<hbm>>
        %dma_start3A_138 = arith.constant 0 : i32
        %dma_start3A_139 = tpu.memref_slice %arg6[%add3A_116, %dma_start3A_138] : memref<10240x128xf32, #tpu.memory_space<hbm>> -> memref<128x128xf32, #tpu.memory_space<hbm>>
        %dma_start3A_140 = arith.constant 0 : i32
        %dma_start3A_141 = arith.constant 0 : i32
        %dma_start3A_142 = tpu.memref_slice %arg9[%run_scoped3A_118, %dma_start3A_140, %dma_start3A_141] : memref<2x128x128xf32, #tpu.memory_space<vmem>> -> memref<1x128x128xf32, #tpu.memory_space<vmem>>
        %dma_start3A_143 = tpu.memref_squeeze %dma_start3A_142 : memref<1x128x128xf32, #tpu.memory_space<vmem>> -> memref<128x128xf32, #tpu.memory_space<vmem>>
        tpu.enqueue_dma source(%dma_start3A_143 : memref<128x128xf32, #tpu.memory_space<vmem>>) target(%dma_start3A_139 : memref<128x128xf32, #tpu.memory_space<hbm>>) target_semaphore(%run_scoped3A_131 : memref<!tpu.dma_semaphore, #tpu.memory_space<semaphore_mem>>)
        %dma_wait3A = arith.constant 0 : i32
        %dma_wait3A_144 = arith.constant 0 : i32
        %dma_wait3A_145 = tpu.memref_slice %arg9[%run_scoped3A_118, %dma_wait3A, %dma_wait3A_144] : memref<2x128x128xf32, #tpu.memory_space<vmem>> -> memref<1x128x128xf32, #tpu.memory_space<vmem>>
        %dma_wait3A_146 = tpu.memref_squeeze %dma_wait3A_145 : memref<1x128x128xf32, #tpu.memory_space<vmem>> -> memref<128x128xf32, #tpu.memory_space<vmem>>
        %dma_wait3A_147 = arith.constant 0 : i32
        %dma_wait3A_148 = tpu.memref_slice %arg6[%add3A_116, %dma_wait3A_147] : memref<10240x128xf32, #tpu.memory_space<hbm>> -> memref<128x128xf32, #tpu.memory_space<hbm>>
        %dma_wait3A_149 = arith.constant 0 : i32
        %dma_wait3A_150 = tpu.memref_slice %arg6[%add3A_116, %dma_wait3A_149] : memref<10240x128xf32, #tpu.memory_space<hbm>> -> memref<128x128xf32, #tpu.memory_space<hbm>>
        %dma_wait3A_151 = arith.constant 0 : i32
        %dma_wait3A_152 = arith.constant 0 : i32
        %dma_wait3A_153 = tpu.memref_slice %arg9[%run_scoped3A_118, %dma_wait3A_151, %dma_wait3A_152] : memref<2x128x128xf32, #tpu.memory_space<vmem>> -> memref<1x128x128xf32, #tpu.memory_space<vmem>>
        %dma_wait3A_154 = tpu.memref_squeeze %dma_wait3A_153 : memref<1x128x128xf32, #tpu.memory_space<vmem>> -> memref<128x128xf32, #tpu.memory_space<vmem>>
        tpu.wait_dma2 semaphore(%run_scoped3A_131 : memref<!tpu.dma_semaphore, #tpu.memory_space<semaphore_mem>>) src(%dma_wait3A_154 : memref<128x128xf32, #tpu.memory_space<vmem>>) dst(%dma_wait3A_150 : memref<128x128xf32, #tpu.memory_space<hbm>>)
        tpu.yield
      }) : () -> ()
      %mul3A_119 = arith.constant 640 : i32
      %mul3A_120 = arith.muli %arg1, %mul3A_119 : i32
      %add3A_121 = arith.constant 384 : i32
      %add3A_122 = arith.addi %mul3A_120, %add3A_121 : i32
      %run_scoped3A_123 = arith.constant 0 : i32
      "tpu.region"() ({
        %run_scoped3A_131 = tpu.sem_alloc : memref<!tpu.dma_semaphore, #tpu.memory_space<semaphore_mem>>
        %dma_start3A_132 = arith.constant 0 : i32
        %dma_start3A_133 = arith.constant 0 : i32
        %dma_start3A_134 = tpu.memref_slice %arg9[%run_scoped3A_123, %dma_start3A_132, %dma_start3A_133] : memref<2x128x128xf32, #tpu.memory_space<vmem>> -> memref<1x128x128xf32, #tpu.memory_space<vmem>>
        %dma_start3A_135 = tpu.memref_squeeze %dma_start3A_134 : memref<1x128x128xf32, #tpu.memory_space<vmem>> -> memref<128x128xf32, #tpu.memory_space<vmem>>
        %dma_start3A_136 = arith.constant 0 : i32
        %dma_start3A_137 = tpu.memref_slice %arg10[%add3A_122, %dma_start3A_136] : memref<10240x128xf32, #tpu.memory_space<vmem_shared>> -> memref<128x128xf32, #tpu.memory_space<vmem_shared>>
        %dma_start3A_138 = arith.constant 0 : i32
        %dma_start3A_139 = arith.constant 0 : i32
        %dma_start3A_140 = tpu.memref_slice %arg9[%run_scoped3A_123, %dma_start3A_138, %dma_start3A_139] : memref<2x128x128xf32, #tpu.memory_space<vmem>> -> memref<1x128x128xf32, #tpu.memory_space<vmem>>
        %dma_start3A_141 = tpu.memref_squeeze %dma_start3A_140 : memref<1x128x128xf32, #tpu.memory_space<vmem>> -> memref<128x128xf32, #tpu.memory_space<vmem>>
        %dma_start3A_142 = arith.constant 0 : i32
        %dma_start3A_143 = tpu.memref_slice %arg10[%add3A_122, %dma_start3A_142] : memref<10240x128xf32, #tpu.memory_space<vmem_shared>> -> memref<128x128xf32, #tpu.memory_space<vmem_shared>>
        tpu.enqueue_dma source(%dma_start3A_143 : memref<128x128xf32, #tpu.memory_space<vmem_shared>>) target(%dma_start3A_141 : memref<128x128xf32, #tpu.memory_space<vmem>>) target_semaphore(%run_scoped3A_131 : memref<!tpu.dma_semaphore, #tpu.memory_space<semaphore_mem>>)
        %dma_wait3A = arith.constant 0 : i32
        %dma_wait3A_144 = arith.constant 0 : i32
        %dma_wait3A_145 = tpu.memref_slice %arg9[%run_scoped3A_123, %dma_wait3A, %dma_wait3A_144] : memref<2x128x128xf32, #tpu.memory_space<vmem>> -> memref<1x128x128xf32, #tpu.memory_space<vmem>>
        %dma_wait3A_146 = tpu.memref_squeeze %dma_wait3A_145 : memref<1x128x128xf32, #tpu.memory_space<vmem>> -> memref<128x128xf32, #tpu.memory_space<vmem>>
        %dma_wait3A_147 = arith.constant 0 : i32
        %dma_wait3A_148 = tpu.memref_slice %arg10[%add3A_122, %dma_wait3A_147] : memref<10240x128xf32, #tpu.memory_space<vmem_shared>> -> memref<128x128xf32, #tpu.memory_space<vmem_shared>>
        %dma_wait3A_149 = arith.constant 0 : i32
        %dma_wait3A_150 = arith.constant 0 : i32
        %dma_wait3A_151 = tpu.memref_slice %arg9[%run_scoped3A_123, %dma_wait3A_149, %dma_wait3A_150] : memref<2x128x128xf32, #tpu.memory_space<vmem>> -> memref<1x128x128xf32, #tpu.memory_space<vmem>>
        %dma_wait3A_152 = tpu.memref_squeeze %dma_wait3A_151 : memref<1x128x128xf32, #tpu.memory_space<vmem>> -> memref<128x128xf32, #tpu.memory_space<vmem>>
        %dma_wait3A_153 = arith.constant 0 : i32
        %dma_wait3A_154 = tpu.memref_slice %arg10[%add3A_122, %dma_wait3A_153] : memref<10240x128xf32, #tpu.memory_space<vmem_shared>> -> memref<128x128xf32, #tpu.memory_space<vmem_shared>>
        tpu.wait_dma2 semaphore(%run_scoped3A_131 : memref<!tpu.dma_semaphore, #tpu.memory_space<semaphore_mem>>) src(%dma_wait3A_154 : memref<128x128xf32, #tpu.memory_space<vmem_shared>>) dst(%dma_wait3A_152 : memref<128x128xf32, #tpu.memory_space<vmem>>)
        tpu.yield
      }) : () -> ()
      %run_scoped3A_124 = arith.constant 0 : i32
      "tpu.region"() ({
        %run_scoped3A_131 = tpu.sem_alloc : memref<!tpu.dma_semaphore, #tpu.memory_space<semaphore_mem>>
        %dma_start3A_132 = arith.constant 0 : i32
        %dma_start3A_133 = arith.constant 0 : i32
        %dma_start3A_134 = tpu.memref_slice %arg9[%run_scoped3A_124, %dma_start3A_132, %dma_start3A_133] : memref<2x128x128xf32, #tpu.memory_space<vmem>> -> memref<1x128x128xf32, #tpu.memory_space<vmem>>
        %dma_start3A_135 = tpu.memref_squeeze %dma_start3A_134 : memref<1x128x128xf32, #tpu.memory_space<vmem>> -> memref<128x128xf32, #tpu.memory_space<vmem>>
        %dma_start3A_136 = arith.constant 0 : i32
        %dma_start3A_137 = tpu.memref_slice %arg6[%add3A_122, %dma_start3A_136] : memref<10240x128xf32, #tpu.memory_space<hbm>> -> memref<128x128xf32, #tpu.memory_space<hbm>>
        %dma_start3A_138 = arith.constant 0 : i32
        %dma_start3A_139 = tpu.memref_slice %arg6[%add3A_122, %dma_start3A_138] : memref<10240x128xf32, #tpu.memory_space<hbm>> -> memref<128x128xf32, #tpu.memory_space<hbm>>
        %dma_start3A_140 = arith.constant 0 : i32
        %dma_start3A_141 = arith.constant 0 : i32
        %dma_start3A_142 = tpu.memref_slice %arg9[%run_scoped3A_124, %dma_start3A_140, %dma_start3A_141] : memref<2x128x128xf32, #tpu.memory_space<vmem>> -> memref<1x128x128xf32, #tpu.memory_space<vmem>>
        %dma_start3A_143 = tpu.memref_squeeze %dma_start3A_142 : memref<1x128x128xf32, #tpu.memory_space<vmem>> -> memref<128x128xf32, #tpu.memory_space<vmem>>
        tpu.enqueue_dma source(%dma_start3A_143 : memref<128x128xf32, #tpu.memory_space<vmem>>) target(%dma_start3A_139 : memref<128x128xf32, #tpu.memory_space<hbm>>) target_semaphore(%run_scoped3A_131 : memref<!tpu.dma_semaphore, #tpu.memory_space<semaphore_mem>>)
        %dma_wait3A = arith.constant 0 : i32
        %dma_wait3A_144 = arith.constant 0 : i32
        %dma_wait3A_145 = tpu.memref_slice %arg9[%run_scoped3A_124, %dma_wait3A, %dma_wait3A_144] : memref<2x128x128xf32, #tpu.memory_space<vmem>> -> memref<1x128x128xf32, #tpu.memory_space<vmem>>
        %dma_wait3A_146 = tpu.memref_squeeze %dma_wait3A_145 : memref<1x128x128xf32, #tpu.memory_space<vmem>> -> memref<128x128xf32, #tpu.memory_space<vmem>>
        %dma_wait3A_147 = arith.constant 0 : i32
        %dma_wait3A_148 = tpu.memref_slice %arg6[%add3A_122, %dma_wait3A_147] : memref<10240x128xf32, #tpu.memory_space<hbm>> -> memref<128x128xf32, #tpu.memory_space<hbm>>
        %dma_wait3A_149 = arith.constant 0 : i32
        %dma_wait3A_150 = tpu.memref_slice %arg6[%add3A_122, %dma_wait3A_149] : memref<10240x128xf32, #tpu.memory_space<hbm>> -> memref<128x128xf32, #tpu.memory_space<hbm>>
        %dma_wait3A_151 = arith.constant 0 : i32
        %dma_wait3A_152 = arith.constant 0 : i32
        %dma_wait3A_153 = tpu.memref_slice %arg9[%run_scoped3A_124, %dma_wait3A_151, %dma_wait3A_152] : memref<2x128x128xf32, #tpu.memory_space<vmem>> -> memref<1x128x128xf32, #tpu.memory_space<vmem>>
        %dma_wait3A_154 = tpu.memref_squeeze %dma_wait3A_153 : memref<1x128x128xf32, #tpu.memory_space<vmem>> -> memref<128x128xf32, #tpu.memory_space<vmem>>
        tpu.wait_dma2 semaphore(%run_scoped3A_131 : memref<!tpu.dma_semaphore, #tpu.memory_space<semaphore_mem>>) src(%dma_wait3A_154 : memref<128x128xf32, #tpu.memory_space<vmem>>) dst(%dma_wait3A_150 : memref<128x128xf32, #tpu.memory_space<hbm>>)
        tpu.yield
      }) : () -> ()
      %mul3A_125 = arith.constant 640 : i32
      %mul3A_126 = arith.muli %arg1, %mul3A_125 : i32
      %add3A_127 = arith.constant 512 : i32
      %add3A_128 = arith.addi %mul3A_126, %add3A_127 : i32
      %run_scoped3A_129 = arith.constant 0 : i32
      "tpu.region"() ({
        %run_scoped3A_131 = tpu.sem_alloc : memref<!tpu.dma_semaphore, #tpu.memory_space<semaphore_mem>>
        %dma_start3A_132 = arith.constant 0 : i32
        %dma_start3A_133 = arith.constant 0 : i32
        %dma_start3A_134 = tpu.memref_slice %arg9[%run_scoped3A_129, %dma_start3A_132, %dma_start3A_133] : memref<2x128x128xf32, #tpu.memory_space<vmem>> -> memref<1x128x128xf32, #tpu.memory_space<vmem>>
        %dma_start3A_135 = tpu.memref_squeeze %dma_start3A_134 : memref<1x128x128xf32, #tpu.memory_space<vmem>> -> memref<128x128xf32, #tpu.memory_space<vmem>>
        %dma_start3A_136 = arith.constant 0 : i32
        %dma_start3A_137 = tpu.memref_slice %arg10[%add3A_128, %dma_start3A_136] : memref<10240x128xf32, #tpu.memory_space<vmem_shared>> -> memref<128x128xf32, #tpu.memory_space<vmem_shared>>
        %dma_start3A_138 = arith.constant 0 : i32
        %dma_start3A_139 = arith.constant 0 : i32
        %dma_start3A_140 = tpu.memref_slice %arg9[%run_scoped3A_129, %dma_start3A_138, %dma_start3A_139] : memref<2x128x128xf32, #tpu.memory_space<vmem>> -> memref<1x128x128xf32, #tpu.memory_space<vmem>>
        %dma_start3A_141 = tpu.memref_squeeze %dma_start3A_140 : memref<1x128x128xf32, #tpu.memory_space<vmem>> -> memref<128x128xf32, #tpu.memory_space<vmem>>
        %dma_start3A_142 = arith.constant 0 : i32
        %dma_start3A_143 = tpu.memref_slice %arg10[%add3A_128, %dma_start3A_142] : memref<10240x128xf32, #tpu.memory_space<vmem_shared>> -> memref<128x128xf32, #tpu.memory_space<vmem_shared>>
        tpu.enqueue_dma source(%dma_start3A_143 : memref<128x128xf32, #tpu.memory_space<vmem_shared>>) target(%dma_start3A_141 : memref<128x128xf32, #tpu.memory_space<vmem>>) target_semaphore(%run_scoped3A_131 : memref<!tpu.dma_semaphore, #tpu.memory_space<semaphore_mem>>)
        %dma_wait3A = arith.constant 0 : i32
        %dma_wait3A_144 = arith.constant 0 : i32
        %dma_wait3A_145 = tpu.memref_slice %arg9[%run_scoped3A_129, %dma_wait3A, %dma_wait3A_144] : memref<2x128x128xf32, #tpu.memory_space<vmem>> -> memref<1x128x128xf32, #tpu.memory_space<vmem>>
        %dma_wait3A_146 = tpu.memref_squeeze %dma_wait3A_145 : memref<1x128x128xf32, #tpu.memory_space<vmem>> -> memref<128x128xf32, #tpu.memory_space<vmem>>
        %dma_wait3A_147 = arith.constant 0 : i32
        %dma_wait3A_148 = tpu.memref_slice %arg10[%add3A_128, %dma_wait3A_147] : memref<10240x128xf32, #tpu.memory_space<vmem_shared>> -> memref<128x128xf32, #tpu.memory_space<vmem_shared>>
        %dma_wait3A_149 = arith.constant 0 : i32
        %dma_wait3A_150 = arith.constant 0 : i32
        %dma_wait3A_151 = tpu.memref_slice %arg9[%run_scoped3A_129, %dma_wait3A_149, %dma_wait3A_150] : memref<2x128x128xf32, #tpu.memory_space<vmem>> -> memref<1x128x128xf32, #tpu.memory_space<vmem>>
        %dma_wait3A_152 = tpu.memref_squeeze %dma_wait3A_151 : memref<1x128x128xf32, #tpu.memory_space<vmem>> -> memref<128x128xf32, #tpu.memory_space<vmem>>
        %dma_wait3A_153 = arith.constant 0 : i32
        %dma_wait3A_154 = tpu.memref_slice %arg10[%add3A_128, %dma_wait3A_153] : memref<10240x128xf32, #tpu.memory_space<vmem_shared>> -> memref<128x128xf32, #tpu.memory_space<vmem_shared>>
        tpu.wait_dma2 semaphore(%run_scoped3A_131 : memref<!tpu.dma_semaphore, #tpu.memory_space<semaphore_mem>>) src(%dma_wait3A_154 : memref<128x128xf32, #tpu.memory_space<vmem_shared>>) dst(%dma_wait3A_152 : memref<128x128xf32, #tpu.memory_space<vmem>>)
        tpu.yield
      }) : () -> ()
      %run_scoped3A_130 = arith.constant 0 : i32
      "tpu.region"() ({
        %run_scoped3A_131 = tpu.sem_alloc : memref<!tpu.dma_semaphore, #tpu.memory_space<semaphore_mem>>
        %dma_start3A_132 = arith.constant 0 : i32
        %dma_start3A_133 = arith.constant 0 : i32
        %dma_start3A_134 = tpu.memref_slice %arg9[%run_scoped3A_130, %dma_start3A_132, %dma_start3A_133] : memref<2x128x128xf32, #tpu.memory_space<vmem>> -> memref<1x128x128xf32, #tpu.memory_space<vmem>>
        %dma_start3A_135 = tpu.memref_squeeze %dma_start3A_134 : memref<1x128x128xf32, #tpu.memory_space<vmem>> -> memref<128x128xf32, #tpu.memory_space<vmem>>
        %dma_start3A_136 = arith.constant 0 : i32
        %dma_start3A_137 = tpu.memref_slice %arg6[%add3A_128, %dma_start3A_136] : memref<10240x128xf32, #tpu.memory_space<hbm>> -> memref<128x128xf32, #tpu.memory_space<hbm>>
        %dma_start3A_138 = arith.constant 0 : i32
        %dma_start3A_139 = tpu.memref_slice %arg6[%add3A_128, %dma_start3A_138] : memref<10240x128xf32, #tpu.memory_space<hbm>> -> memref<128x128xf32, #tpu.memory_space<hbm>>
        %dma_start3A_140 = arith.constant 0 : i32
        %dma_start3A_141 = arith.constant 0 : i32
        %dma_start3A_142 = tpu.memref_slice %arg9[%run_scoped3A_130, %dma_start3A_140, %dma_start3A_141] : memref<2x128x128xf32, #tpu.memory_space<vmem>> -> memref<1x128x128xf32, #tpu.memory_space<vmem>>
        %dma_start3A_143 = tpu.memref_squeeze %dma_start3A_142 : memref<1x128x128xf32, #tpu.memory_space<vmem>> -> memref<128x128xf32, #tpu.memory_space<vmem>>
        tpu.enqueue_dma source(%dma_start3A_143 : memref<128x128xf32, #tpu.memory_space<vmem>>) target(%dma_start3A_139 : memref<128x128xf32, #tpu.memory_space<hbm>>) target_semaphore(%run_scoped3A_131 : memref<!tpu.dma_semaphore, #tpu.memory_space<semaphore_mem>>)
        %dma_wait3A = arith.constant 0 : i32
        %dma_wait3A_144 = arith.constant 0 : i32
        %dma_wait3A_145 = tpu.memref_slice %arg9[%run_scoped3A_130, %dma_wait3A, %dma_wait3A_144] : memref<2x128x128xf32, #tpu.memory_space<vmem>> -> memref<1x128x128xf32, #tpu.memory_space<vmem>>
        %dma_wait3A_146 = tpu.memref_squeeze %dma_wait3A_145 : memref<1x128x128xf32, #tpu.memory_space<vmem>> -> memref<128x128xf32, #tpu.memory_space<vmem>>
        %dma_wait3A_147 = arith.constant 0 : i32
        %dma_wait3A_148 = tpu.memref_slice %arg6[%add3A_128, %dma_wait3A_147] : memref<10240x128xf32, #tpu.memory_space<hbm>> -> memref<128x128xf32, #tpu.memory_space<hbm>>
        %dma_wait3A_149 = arith.constant 0 : i32
        %dma_wait3A_150 = tpu.memref_slice %arg6[%add3A_128, %dma_wait3A_149] : memref<10240x128xf32, #tpu.memory_space<hbm>> -> memref<128x128xf32, #tpu.memory_space<hbm>>
        %dma_wait3A_151 = arith.constant 0 : i32
        %dma_wait3A_152 = arith.constant 0 : i32
        %dma_wait3A_153 = tpu.memref_slice %arg9[%run_scoped3A_130, %dma_wait3A_151, %dma_wait3A_152] : memref<2x128x128xf32, #tpu.memory_space<vmem>> -> memref<1x128x128xf32, #tpu.memory_space<vmem>>
        %dma_wait3A_154 = tpu.memref_squeeze %dma_wait3A_153 : memref<1x128x128xf32, #tpu.memory_space<vmem>> -> memref<128x128xf32, #tpu.memory_space<vmem>>
        tpu.wait_dma2 semaphore(%run_scoped3A_131 : memref<!tpu.dma_semaphore, #tpu.memory_space<semaphore_mem>>) src(%dma_wait3A_154 : memref<128x128xf32, #tpu.memory_space<vmem>>) dst(%dma_wait3A_150 : memref<128x128xf32, #tpu.memory_space<hbm>>)
        tpu.yield
      }) : () -> ()
    } else {
    }
    %eq3A_3 = arith.constant 1 : i32
    %eq3A_4 = arith.cmpi eq, %arg0, %eq3A_3 : i32
    %convert_element_type3A_5 = arith.extui %eq3A_4 : i1 to i32
    %cond3A_6 = arith.constant 0 : i32
    %cond3A_7 = arith.cmpi ne, %convert_element_type3A_5, %cond3A_6 : i32
    scf.if %cond3A_7 {
      "tpu.region"() ({
        %run_scoped3A_131 = tpu.sem_alloc : memref<!tpu.dma_semaphore, #tpu.memory_space<semaphore_mem>>
        %dma_start3A_132 = arith.constant 0 : i32
        %dma_start3A_133 = arith.constant 0 : i32
        %dma_start3A_134 = tpu.memref_slice %arg4[%arg1, %dma_start3A_132, %dma_start3A_133] : memref<16x80x128xi32, #tpu.memory_space<hbm>> -> memref<1x40x128xi32, #tpu.memory_space<hbm>>
        %dma_start3A_135 = tpu.memref_squeeze %dma_start3A_134 : memref<1x40x128xi32, #tpu.memory_space<hbm>> -> memref<40x128xi32, #tpu.memory_space<hbm>>
        %dma_start3A_136 = arith.constant 0 : i32
        %dma_start3A_137 = arith.constant 0 : i32
        %dma_start3A_138 = tpu.memref_slice %arg4[%arg1, %dma_start3A_136, %dma_start3A_137] : memref<16x80x128xi32, #tpu.memory_space<hbm>> -> memref<1x40x128xi32, #tpu.memory_space<hbm>>
        %dma_start3A_139 = tpu.memref_squeeze %dma_start3A_138 : memref<1x40x128xi32, #tpu.memory_space<hbm>> -> memref<40x128xi32, #tpu.memory_space<hbm>>
        tpu.enqueue_dma source(%dma_start3A_139 : memref<40x128xi32, #tpu.memory_space<hbm>>) target(%arg8 : memref<40x128xi32, #tpu.memory_space<vmem>>) target_semaphore(%run_scoped3A_131 : memref<!tpu.dma_semaphore, #tpu.memory_space<semaphore_mem>>)
        %dma_wait3A = arith.constant 0 : i32
        %dma_wait3A_140 = arith.constant 0 : i32
        %dma_wait3A_141 = tpu.memref_slice %arg4[%arg1, %dma_wait3A, %dma_wait3A_140] : memref<16x80x128xi32, #tpu.memory_space<hbm>> -> memref<1x40x128xi32, #tpu.memory_space<hbm>>
        %dma_wait3A_142 = tpu.memref_squeeze %dma_wait3A_141 : memref<1x40x128xi32, #tpu.memory_space<hbm>> -> memref<40x128xi32, #tpu.memory_space<hbm>>
        %dma_wait3A_143 = arith.constant 0 : i32
        %dma_wait3A_144 = arith.constant 0 : i32
        %dma_wait3A_145 = tpu.memref_slice %arg4[%arg1, %dma_wait3A_143, %dma_wait3A_144] : memref<16x80x128xi32, #tpu.memory_space<hbm>> -> memref<1x40x128xi32, #tpu.memory_space<hbm>>
        %dma_wait3A_146 = tpu.memref_squeeze %dma_wait3A_145 : memref<1x40x128xi32, #tpu.memory_space<hbm>> -> memref<40x128xi32, #tpu.memory_space<hbm>>
        tpu.wait_dma2 semaphore(%run_scoped3A_131 : memref<!tpu.dma_semaphore, #tpu.memory_space<semaphore_mem>>) src(%dma_wait3A_146 : memref<40x128xi32, #tpu.memory_space<hbm>>) dst(%arg8 : memref<40x128xi32, #tpu.memory_space<vmem>>)
        tpu.yield
      }) : () -> ()
      %mul3A_8 = arith.constant 80 : i32
      %mul3A_9 = arith.muli %arg1, %mul3A_8 : i32
      %add3A = arith.constant 0 : i32
      %add3A_10 = arith.addi %mul3A_9, %add3A : i32
      %add3A_11 = arith.constant 0 : i32
      %add3A_12 = arith.addi %add3A_10, %add3A_11 : i32
      %mul3A_13 = arith.constant 128 : i32
      %mul3A_14 = arith.muli %add3A_12, %mul3A_13 : i32
      %dma_start3A = arith.constant 0 : i32
      %dma_start3A_15 = arith.constant 0 : i32
      %dma_start3A_16 = arith.constant 0 : i32
      %dma_start3A_17 = tpu.memref_slice %arg9[%dma_start3A, %dma_start3A_15, %dma_start3A_16] : memref<2x128x128xf32, #tpu.memory_space<vmem>> -> memref<1x128x128xf32, #tpu.memory_space<vmem>>
      %dma_start3A_18 = tpu.memref_squeeze %dma_start3A_17 : memref<1x128x128xf32, #tpu.memory_space<vmem>> -> memref<128x128xf32, #tpu.memory_space<vmem>>
      %dma_start3A_19 = arith.constant 0 : i32
      %dma_start3A_20 = tpu.memref_slice %arg3[%mul3A_14, %dma_start3A_19] : memref<163840x128xf32, #tpu.memory_space<hbm>> -> memref<128x128xf32, #tpu.memory_space<hbm>>
      %dma_start3A_21 = arith.constant 0 : i32
      %dma_start3A_22 = arith.constant 0 : i32
      %dma_start3A_23 = tpu.memref_slice %arg9[%dma_start3A, %dma_start3A_21, %dma_start3A_22] : memref<2x128x128xf32, #tpu.memory_space<vmem>> -> memref<1x128x128xf32, #tpu.memory_space<vmem>>
      %dma_start3A_24 = tpu.memref_squeeze %dma_start3A_23 : memref<1x128x128xf32, #tpu.memory_space<vmem>> -> memref<128x128xf32, #tpu.memory_space<vmem>>
      %dma_start3A_25 = arith.constant 0 : i32
      %dma_start3A_26 = tpu.memref_slice %arg3[%mul3A_14, %dma_start3A_25] : memref<163840x128xf32, #tpu.memory_space<hbm>> -> memref<128x128xf32, #tpu.memory_space<hbm>>
      tpu.enqueue_dma source(%dma_start3A_26 : memref<128x128xf32, #tpu.memory_space<hbm>>) target(%dma_start3A_24 : memref<128x128xf32, #tpu.memory_space<vmem>>) target_semaphore(%arg11 : memref<!tpu.dma_semaphore, #tpu.memory_space<semaphore_mem>>)
      %mul3A_27 = arith.constant 80 : i32
      %mul3A_28 = arith.muli %arg1, %mul3A_27 : i32
      %add3A_29 = arith.constant 0 : i32
      %add3A_30 = arith.addi %mul3A_28, %add3A_29 : i32
      %add3A_31 = arith.constant 1 : i32
      %add3A_32 = arith.addi %add3A_30, %add3A_31 : i32
      %mul3A_33 = arith.constant 128 : i32
      %mul3A_34 = arith.muli %add3A_32, %mul3A_33 : i32
      %dma_start3A_35 = arith.constant 1 : i32
      %dma_start3A_36 = arith.constant 0 : i32
      %dma_start3A_37 = arith.constant 0 : i32
      %dma_start3A_38 = tpu.memref_slice %arg9[%dma_start3A_35, %dma_start3A_36, %dma_start3A_37] : memref<2x128x128xf32, #tpu.memory_space<vmem>> -> memref<1x128x128xf32, #tpu.memory_space<vmem>>
      %dma_start3A_39 = tpu.memref_squeeze %dma_start3A_38 : memref<1x128x128xf32, #tpu.memory_space<vmem>> -> memref<128x128xf32, #tpu.memory_space<vmem>>
      %dma_start3A_40 = arith.constant 0 : i32
      %dma_start3A_41 = tpu.memref_slice %arg3[%mul3A_34, %dma_start3A_40] : memref<163840x128xf32, #tpu.memory_space<hbm>> -> memref<128x128xf32, #tpu.memory_space<hbm>>
      %dma_start3A_42 = arith.constant 0 : i32
      %dma_start3A_43 = arith.constant 0 : i32
      %dma_start3A_44 = tpu.memref_slice %arg9[%dma_start3A_35, %dma_start3A_42, %dma_start3A_43] : memref<2x128x128xf32, #tpu.memory_space<vmem>> -> memref<1x128x128xf32, #tpu.memory_space<vmem>>
      %dma_start3A_45 = tpu.memref_squeeze %dma_start3A_44 : memref<1x128x128xf32, #tpu.memory_space<vmem>> -> memref<128x128xf32, #tpu.memory_space<vmem>>
      %dma_start3A_46 = arith.constant 0 : i32
      %dma_start3A_47 = tpu.memref_slice %arg3[%mul3A_34, %dma_start3A_46] : memref<163840x128xf32, #tpu.memory_space<hbm>> -> memref<128x128xf32, #tpu.memory_space<hbm>>
      tpu.enqueue_dma source(%dma_start3A_47 : memref<128x128xf32, #tpu.memory_space<hbm>>) target(%dma_start3A_45 : memref<128x128xf32, #tpu.memory_space<vmem>>) target_semaphore(%arg12 : memref<!tpu.dma_semaphore, #tpu.memory_space<semaphore_mem>>)
      %scan3A = arith.constant 0 : i32
      %scan3A_48 = arith.constant 0 : i32
      %scan3A_49 = arith.constant 20 : i32
      %scan3A_50 = arith.addi %scan3A_48, %scan3A_49 : i32
      %scan3A_51 = arith.constant 1 : i32
      scf.for %scan3A_131 = %scan3A_48 to %scan3A_50 step %scan3A_51  : i32 {
        %mul3A_132 = arith.constant 2 : i32
        %mul3A_133 = arith.muli %mul3A_132, %scan3A_131 : i32
        %add3A_134 = arith.constant 0 : i32
        %add3A_135 = arith.addi %mul3A_133, %add3A_134 : i32
        %dma_wait3A = arith.constant 0 : i32
        %dma_wait3A_136 = arith.constant 0 : i32
        %dma_wait3A_137 = arith.constant 0 : i32
        %dma_wait3A_138 = tpu.memref_slice %arg9[%dma_wait3A, %dma_wait3A_136, %dma_wait3A_137] : memref<2x128x128xf32, #tpu.memory_space<vmem>> -> memref<1x128x128xf32, #tpu.memory_space<vmem>>
        %dma_wait3A_139 = tpu.memref_squeeze %dma_wait3A_138 : memref<1x128x128xf32, #tpu.memory_space<vmem>> -> memref<128x128xf32, #tpu.memory_space<vmem>>
        %dma_wait3A_140 = arith.constant 0 : i32
        %dma_wait3A_141 = arith.constant 0 : i32
        %dma_wait3A_142 = tpu.memref_slice %arg3[%dma_wait3A_140, %dma_wait3A_141] : memref<163840x128xf32, #tpu.memory_space<hbm>> -> memref<128x128xf32, #tpu.memory_space<hbm>>
        %dma_wait3A_143 = arith.constant 0 : i32
        %dma_wait3A_144 = arith.constant 0 : i32
        %dma_wait3A_145 = tpu.memref_slice %arg9[%dma_wait3A, %dma_wait3A_143, %dma_wait3A_144] : memref<2x128x128xf32, #tpu.memory_space<vmem>> -> memref<1x128x128xf32, #tpu.memory_space<vmem>>
        %dma_wait3A_146 = tpu.memref_squeeze %dma_wait3A_145 : memref<1x128x128xf32, #tpu.memory_space<vmem>> -> memref<128x128xf32, #tpu.memory_space<vmem>>
        %dma_wait3A_147 = arith.constant 0 : i32
        %dma_wait3A_148 = arith.constant 0 : i32
        %dma_wait3A_149 = tpu.memref_slice %arg3[%dma_wait3A_147, %dma_wait3A_148] : memref<163840x128xf32, #tpu.memory_space<hbm>> -> memref<128x128xf32, #tpu.memory_space<hbm>>
        tpu.wait_dma2 semaphore(%arg11 : memref<!tpu.dma_semaphore, #tpu.memory_space<semaphore_mem>>) src(%dma_wait3A_149 : memref<128x128xf32, #tpu.memory_space<hbm>>) dst(%dma_wait3A_146 : memref<128x128xf32, #tpu.memory_space<vmem>>)
        %run_scoped3A_150 = arith.constant 0 : i32
        "tpu.region"() ({
          %run_scoped3A_184 = tpu.sem_alloc : memref<!tpu.dma_semaphore, #tpu.memory_space<semaphore_mem>>
          %dma_start3A_185 = arith.constant 0 : i32
          %dma_start3A_186 = arith.constant 0 : i32
          %dma_start3A_187 = tpu.memref_slice %arg9[%run_scoped3A_150, %dma_start3A_185, %dma_start3A_186] : memref<2x128x128xf32, #tpu.memory_space<vmem>> -> memref<1x128x128xf32, #tpu.memory_space<vmem>>
          %dma_start3A_188 = tpu.memref_squeeze %dma_start3A_187 : memref<1x128x128xf32, #tpu.memory_space<vmem>> -> memref<128x128xf32, #tpu.memory_space<vmem>>
          %dma_start3A_189 = arith.constant 0 : i32
          %dma_start3A_190 = tpu.memref_slice %arg8[%add3A_135, %dma_start3A_189] : memref<40x128xi32, #tpu.memory_space<vmem>> -> memref<1x128xi32, #tpu.memory_space<vmem>>
          %dma_start3A_191 = tpu.memref_squeeze %dma_start3A_190 : memref<1x128xi32, #tpu.memory_space<vmem>> -> memref<128xi32, #tpu.memory_space<vmem>>
          %dma_start3A_192 = arith.constant 0 : i32
          %dma_start3A_193 = arith.constant 0 : i32
          %dma_start3A_194 = tpu.memref_slice %arg10[%dma_start3A_192, %dma_start3A_193] : memref<10240x128xf32, #tpu.memory_space<vmem_shared>> -> memref<10240x128xf32, #tpu.memory_space<vmem_shared>>
          tpu.enqueue_indirect_dma source(%dma_start3A_188 : memref<128x128xf32, #tpu.memory_space<vmem>>) target(%dma_start3A_194 : memref<10240x128xf32, #tpu.memory_space<vmem_shared>>) offsets(%dma_start3A_191 : memref<128xi32, #tpu.memory_space<vmem>>) semaphore(%run_scoped3A_184 : memref<!tpu.dma_semaphore, #tpu.memory_space<semaphore_mem>>) {add = true}
          %dma_wait3A_195 = arith.constant 0 : i32
          %dma_wait3A_196 = arith.constant 0 : i32
          %dma_wait3A_197 = tpu.memref_slice %arg9[%run_scoped3A_150, %dma_wait3A_195, %dma_wait3A_196] : memref<2x128x128xf32, #tpu.memory_space<vmem>> -> memref<1x128x128xf32, #tpu.memory_space<vmem>>
          %dma_wait3A_198 = tpu.memref_squeeze %dma_wait3A_197 : memref<1x128x128xf32, #tpu.memory_space<vmem>> -> memref<128x128xf32, #tpu.memory_space<vmem>>
          %dma_wait3A_199 = arith.constant 0 : i32
          %dma_wait3A_200 = tpu.memref_slice %arg8[%add3A_135, %dma_wait3A_199] : memref<40x128xi32, #tpu.memory_space<vmem>> -> memref<1x128xi32, #tpu.memory_space<vmem>>
          %dma_wait3A_201 = tpu.memref_squeeze %dma_wait3A_200 : memref<1x128xi32, #tpu.memory_space<vmem>> -> memref<128xi32, #tpu.memory_space<vmem>>
          %dma_wait3A_202 = arith.constant 0 : i32
          %dma_wait3A_203 = arith.constant 0 : i32
          %dma_wait3A_204 = tpu.memref_slice %arg10[%dma_wait3A_202, %dma_wait3A_203] : memref<10240x128xf32, #tpu.memory_space<vmem_shared>> -> memref<10240x128xf32, #tpu.memory_space<vmem_shared>>
          tpu.wait_indirect_dma semaphore(%run_scoped3A_184 : memref<!tpu.dma_semaphore, #tpu.memory_space<semaphore_mem>>) src(%dma_wait3A_198 : memref<128x128xf32, #tpu.memory_space<vmem>>) dst(%dma_wait3A_204 : memref<10240x128xf32, #tpu.memory_space<vmem_shared>>)
          tpu.yield
        }) : () -> ()
        %add3A_151 = arith.constant 2 : i32
        %add3A_152 = arith.addi %add3A_135, %add3A_151 : i32
        %lt3A = arith.constant 40 : i32
        %lt3A_153 = arith.cmpi slt, %add3A_152, %lt3A : i32
        %convert_element_type3A_154 = arith.extui %lt3A_153 : i1 to i32
        %cond3A_155 = arith.constant 0 : i32
        %cond3A_156 = arith.cmpi ne, %convert_element_type3A_154, %cond3A_155 : i32
        scf.if %cond3A_156 {
          %add3A_184 = arith.constant 2 : i32
          %add3A_185 = arith.addi %add3A_135, %add3A_184 : i32
          %mul3A_186 = arith.constant 80 : i32
          %mul3A_187 = arith.muli %arg1, %mul3A_186 : i32
          %add3A_188 = arith.constant 0 : i32
          %add3A_189 = arith.addi %mul3A_187, %add3A_188 : i32
          %add3A_190 = arith.addi %add3A_189, %add3A_185 : i32
          %mul3A_191 = arith.constant 128 : i32
          %mul3A_192 = arith.muli %add3A_190, %mul3A_191 : i32
          %dma_start3A_193 = arith.constant 0 : i32
          %dma_start3A_194 = arith.constant 0 : i32
          %dma_start3A_195 = arith.constant 0 : i32
          %dma_start3A_196 = tpu.memref_slice %arg9[%dma_start3A_193, %dma_start3A_194, %dma_start3A_195] : memref<2x128x128xf32, #tpu.memory_space<vmem>> -> memref<1x128x128xf32, #tpu.memory_space<vmem>>
          %dma_start3A_197 = tpu.memref_squeeze %dma_start3A_196 : memref<1x128x128xf32, #tpu.memory_space<vmem>> -> memref<128x128xf32, #tpu.memory_space<vmem>>
          %dma_start3A_198 = arith.constant 0 : i32
          %dma_start3A_199 = tpu.memref_slice %arg3[%mul3A_192, %dma_start3A_198] : memref<163840x128xf32, #tpu.memory_space<hbm>> -> memref<128x128xf32, #tpu.memory_space<hbm>>
          %dma_start3A_200 = arith.constant 0 : i32
          %dma_start3A_201 = arith.constant 0 : i32
          %dma_start3A_202 = tpu.memref_slice %arg9[%dma_start3A_193, %dma_start3A_200, %dma_start3A_201] : memref<2x128x128xf32, #tpu.memory_space<vmem>> -> memref<1x128x128xf32, #tpu.memory_space<vmem>>
          %dma_start3A_203 = tpu.memref_squeeze %dma_start3A_202 : memref<1x128x128xf32, #tpu.memory_space<vmem>> -> memref<128x128xf32, #tpu.memory_space<vmem>>
          %dma_start3A_204 = arith.constant 0 : i32
          %dma_start3A_205 = tpu.memref_slice %arg3[%mul3A_192, %dma_start3A_204] : memref<163840x128xf32, #tpu.memory_space<hbm>> -> memref<128x128xf32, #tpu.memory_space<hbm>>
          tpu.enqueue_dma source(%dma_start3A_205 : memref<128x128xf32, #tpu.memory_space<hbm>>) target(%dma_start3A_203 : memref<128x128xf32, #tpu.memory_space<vmem>>) target_semaphore(%arg11 : memref<!tpu.dma_semaphore, #tpu.memory_space<semaphore_mem>>)
        } else {
        }
        %mul3A_157 = arith.constant 2 : i32
        %mul3A_158 = arith.muli %mul3A_157, %scan3A_131 : i32
        %add3A_159 = arith.constant 1 : i32
        %add3A_160 = arith.addi %mul3A_158, %add3A_159 : i32
        %dma_wait3A_161 = arith.constant 1 : i32
        %dma_wait3A_162 = arith.constant 0 : i32
        %dma_wait3A_163 = arith.constant 0 : i32
        %dma_wait3A_164 = tpu.memref_slice %arg9[%dma_wait3A_161, %dma_wait3A_162, %dma_wait3A_163] : memref<2x128x128xf32, #tpu.memory_space<vmem>> -> memref<1x128x128xf32, #tpu.memory_space<vmem>>
        %dma_wait3A_165 = tpu.memref_squeeze %dma_wait3A_164 : memref<1x128x128xf32, #tpu.memory_space<vmem>> -> memref<128x128xf32, #tpu.memory_space<vmem>>
        %dma_wait3A_166 = arith.constant 0 : i32
        %dma_wait3A_167 = arith.constant 0 : i32
        %dma_wait3A_168 = tpu.memref_slice %arg3[%dma_wait3A_166, %dma_wait3A_167] : memref<163840x128xf32, #tpu.memory_space<hbm>> -> memref<128x128xf32, #tpu.memory_space<hbm>>
        %dma_wait3A_169 = arith.constant 0 : i32
        %dma_wait3A_170 = arith.constant 0 : i32
        %dma_wait3A_171 = tpu.memref_slice %arg9[%dma_wait3A_161, %dma_wait3A_169, %dma_wait3A_170] : memref<2x128x128xf32, #tpu.memory_space<vmem>> -> memref<1x128x128xf32, #tpu.memory_space<vmem>>
        %dma_wait3A_172 = tpu.memref_squeeze %dma_wait3A_171 : memref<1x128x128xf32, #tpu.memory_space<vmem>> -> memref<128x128xf32, #tpu.memory_space<vmem>>
        %dma_wait3A_173 = arith.constant 0 : i32
        %dma_wait3A_174 = arith.constant 0 : i32
        %dma_wait3A_175 = tpu.memref_slice %arg3[%dma_wait3A_173, %dma_wait3A_174] : memref<163840x128xf32, #tpu.memory_space<hbm>> -> memref<128x128xf32, #tpu.memory_space<hbm>>
        tpu.wait_dma2 semaphore(%arg12 : memref<!tpu.dma_semaphore, #tpu.memory_space<semaphore_mem>>) src(%dma_wait3A_175 : memref<128x128xf32, #tpu.memory_space<hbm>>) dst(%dma_wait3A_172 : memref<128x128xf32, #tpu.memory_space<vmem>>)
        %run_scoped3A_176 = arith.constant 1 : i32
        "tpu.region"() ({
          %run_scoped3A_184 = tpu.sem_alloc : memref<!tpu.dma_semaphore, #tpu.memory_space<semaphore_mem>>
          %dma_start3A_185 = arith.constant 0 : i32
          %dma_start3A_186 = arith.constant 0 : i32
          %dma_start3A_187 = tpu.memref_slice %arg9[%run_scoped3A_176, %dma_start3A_185, %dma_start3A_186] : memref<2x128x128xf32, #tpu.memory_space<vmem>> -> memref<1x128x128xf32, #tpu.memory_space<vmem>>
          %dma_start3A_188 = tpu.memref_squeeze %dma_start3A_187 : memref<1x128x128xf32, #tpu.memory_space<vmem>> -> memref<128x128xf32, #tpu.memory_space<vmem>>
          %dma_start3A_189 = arith.constant 0 : i32
          %dma_start3A_190 = tpu.memref_slice %arg8[%add3A_160, %dma_start3A_189] : memref<40x128xi32, #tpu.memory_space<vmem>> -> memref<1x128xi32, #tpu.memory_space<vmem>>
          %dma_start3A_191 = tpu.memref_squeeze %dma_start3A_190 : memref<1x128xi32, #tpu.memory_space<vmem>> -> memref<128xi32, #tpu.memory_space<vmem>>
          %dma_start3A_192 = arith.constant 0 : i32
          %dma_start3A_193 = arith.constant 0 : i32
          %dma_start3A_194 = tpu.memref_slice %arg10[%dma_start3A_192, %dma_start3A_193] : memref<10240x128xf32, #tpu.memory_space<vmem_shared>> -> memref<10240x128xf32, #tpu.memory_space<vmem_shared>>
          tpu.enqueue_indirect_dma source(%dma_start3A_188 : memref<128x128xf32, #tpu.memory_space<vmem>>) target(%dma_start3A_194 : memref<10240x128xf32, #tpu.memory_space<vmem_shared>>) offsets(%dma_start3A_191 : memref<128xi32, #tpu.memory_space<vmem>>) semaphore(%run_scoped3A_184 : memref<!tpu.dma_semaphore, #tpu.memory_space<semaphore_mem>>) {add = true}
          %dma_wait3A_195 = arith.constant 0 : i32
          %dma_wait3A_196 = arith.constant 0 : i32
          %dma_wait3A_197 = tpu.memref_slice %arg9[%run_scoped3A_176, %dma_wait3A_195, %dma_wait3A_196] : memref<2x128x128xf32, #tpu.memory_space<vmem>> -> memref<1x128x128xf32, #tpu.memory_space<vmem>>
          %dma_wait3A_198 = tpu.memref_squeeze %dma_wait3A_197 : memref<1x128x128xf32, #tpu.memory_space<vmem>> -> memref<128x128xf32, #tpu.memory_space<vmem>>
          %dma_wait3A_199 = arith.constant 0 : i32
          %dma_wait3A_200 = tpu.memref_slice %arg8[%add3A_160, %dma_wait3A_199] : memref<40x128xi32, #tpu.memory_space<vmem>> -> memref<1x128xi32, #tpu.memory_space<vmem>>
          %dma_wait3A_201 = tpu.memref_squeeze %dma_wait3A_200 : memref<1x128xi32, #tpu.memory_space<vmem>> -> memref<128xi32, #tpu.memory_space<vmem>>
          %dma_wait3A_202 = arith.constant 0 : i32
          %dma_wait3A_203 = arith.constant 0 : i32
          %dma_wait3A_204 = tpu.memref_slice %arg10[%dma_wait3A_202, %dma_wait3A_203] : memref<10240x128xf32, #tpu.memory_space<vmem_shared>> -> memref<10240x128xf32, #tpu.memory_space<vmem_shared>>
          tpu.wait_indirect_dma semaphore(%run_scoped3A_184 : memref<!tpu.dma_semaphore, #tpu.memory_space<semaphore_mem>>) src(%dma_wait3A_198 : memref<128x128xf32, #tpu.memory_space<vmem>>) dst(%dma_wait3A_204 : memref<10240x128xf32, #tpu.memory_space<vmem_shared>>)
          tpu.yield
        }) : () -> ()
        %add3A_177 = arith.constant 2 : i32
        %add3A_178 = arith.addi %add3A_160, %add3A_177 : i32
        %lt3A_179 = arith.constant 40 : i32
        %lt3A_180 = arith.cmpi slt, %add3A_178, %lt3A_179 : i32
        %convert_element_type3A_181 = arith.extui %lt3A_180 : i1 to i32
        %cond3A_182 = arith.constant 0 : i32
        %cond3A_183 = arith.cmpi ne, %convert_element_type3A_181, %cond3A_182 : i32
        scf.if %cond3A_183 {
          %add3A_184 = arith.constant 2 : i32
          %add3A_185 = arith.addi %add3A_160, %add3A_184 : i32
          %mul3A_186 = arith.constant 80 : i32
          %mul3A_187 = arith.muli %arg1, %mul3A_186 : i32
          %add3A_188 = arith.constant 0 : i32
          %add3A_189 = arith.addi %mul3A_187, %add3A_188 : i32
          %add3A_190 = arith.addi %add3A_189, %add3A_185 : i32
          %mul3A_191 = arith.constant 128 : i32
          %mul3A_192 = arith.muli %add3A_190, %mul3A_191 : i32
          %dma_start3A_193 = arith.constant 1 : i32
          %dma_start3A_194 = arith.constant 0 : i32
          %dma_start3A_195 = arith.constant 0 : i32
          %dma_start3A_196 = tpu.memref_slice %arg9[%dma_start3A_193, %dma_start3A_194, %dma_start3A_195] : memref<2x128x128xf32, #tpu.memory_space<vmem>> -> memref<1x128x128xf32, #tpu.memory_space<vmem>>
          %dma_start3A_197 = tpu.memref_squeeze %dma_start3A_196 : memref<1x128x128xf32, #tpu.memory_space<vmem>> -> memref<128x128xf32, #tpu.memory_space<vmem>>
          %dma_start3A_198 = arith.constant 0 : i32
          %dma_start3A_199 = tpu.memref_slice %arg3[%mul3A_192, %dma_start3A_198] : memref<163840x128xf32, #tpu.memory_space<hbm>> -> memref<128x128xf32, #tpu.memory_space<hbm>>
          %dma_start3A_200 = arith.constant 0 : i32
          %dma_start3A_201 = arith.constant 0 : i32
          %dma_start3A_202 = tpu.memref_slice %arg9[%dma_start3A_193, %dma_start3A_200, %dma_start3A_201] : memref<2x128x128xf32, #tpu.memory_space<vmem>> -> memref<1x128x128xf32, #tpu.memory_space<vmem>>
          %dma_start3A_203 = tpu.memref_squeeze %dma_start3A_202 : memref<1x128x128xf32, #tpu.memory_space<vmem>> -> memref<128x128xf32, #tpu.memory_space<vmem>>
          %dma_start3A_204 = arith.constant 0 : i32
          %dma_start3A_205 = tpu.memref_slice %arg3[%mul3A_192, %dma_start3A_204] : memref<163840x128xf32, #tpu.memory_space<hbm>> -> memref<128x128xf32, #tpu.memory_space<hbm>>
          tpu.enqueue_dma source(%dma_start3A_205 : memref<128x128xf32, #tpu.memory_space<hbm>>) target(%dma_start3A_203 : memref<128x128xf32, #tpu.memory_space<vmem>>) target_semaphore(%arg12 : memref<!tpu.dma_semaphore, #tpu.memory_space<semaphore_mem>>)
        } else {
        }
      }
      %scan3A_52 = arith.constant 20 : i32
      "tpu.region"() ({
        %run_scoped3A_131 = tpu.sem_alloc : memref<!tpu.dma_semaphore, #tpu.memory_space<semaphore_mem>>
        %dma_start3A_132 = arith.constant 40 : i32
        %dma_start3A_133 = arith.constant 0 : i32
        %dma_start3A_134 = tpu.memref_slice %arg4[%arg1, %dma_start3A_132, %dma_start3A_133] : memref<16x80x128xi32, #tpu.memory_space<hbm>> -> memref<1x40x128xi32, #tpu.memory_space<hbm>>
        %dma_start3A_135 = tpu.memref_squeeze %dma_start3A_134 : memref<1x40x128xi32, #tpu.memory_space<hbm>> -> memref<40x128xi32, #tpu.memory_space<hbm>>
        %dma_start3A_136 = arith.constant 40 : i32
        %dma_start3A_137 = arith.constant 0 : i32
        %dma_start3A_138 = tpu.memref_slice %arg4[%arg1, %dma_start3A_136, %dma_start3A_137] : memref<16x80x128xi32, #tpu.memory_space<hbm>> -> memref<1x40x128xi32, #tpu.memory_space<hbm>>
        %dma_start3A_139 = tpu.memref_squeeze %dma_start3A_138 : memref<1x40x128xi32, #tpu.memory_space<hbm>> -> memref<40x128xi32, #tpu.memory_space<hbm>>
        tpu.enqueue_dma source(%dma_start3A_139 : memref<40x128xi32, #tpu.memory_space<hbm>>) target(%arg8 : memref<40x128xi32, #tpu.memory_space<vmem>>) target_semaphore(%run_scoped3A_131 : memref<!tpu.dma_semaphore, #tpu.memory_space<semaphore_mem>>)
        %dma_wait3A = arith.constant 40 : i32
        %dma_wait3A_140 = arith.constant 0 : i32
        %dma_wait3A_141 = tpu.memref_slice %arg4[%arg1, %dma_wait3A, %dma_wait3A_140] : memref<16x80x128xi32, #tpu.memory_space<hbm>> -> memref<1x40x128xi32, #tpu.memory_space<hbm>>
        %dma_wait3A_142 = tpu.memref_squeeze %dma_wait3A_141 : memref<1x40x128xi32, #tpu.memory_space<hbm>> -> memref<40x128xi32, #tpu.memory_space<hbm>>
        %dma_wait3A_143 = arith.constant 40 : i32
        %dma_wait3A_144 = arith.constant 0 : i32
        %dma_wait3A_145 = tpu.memref_slice %arg4[%arg1, %dma_wait3A_143, %dma_wait3A_144] : memref<16x80x128xi32, #tpu.memory_space<hbm>> -> memref<1x40x128xi32, #tpu.memory_space<hbm>>
        %dma_wait3A_146 = tpu.memref_squeeze %dma_wait3A_145 : memref<1x40x128xi32, #tpu.memory_space<hbm>> -> memref<40x128xi32, #tpu.memory_space<hbm>>
        tpu.wait_dma2 semaphore(%run_scoped3A_131 : memref<!tpu.dma_semaphore, #tpu.memory_space<semaphore_mem>>) src(%dma_wait3A_146 : memref<40x128xi32, #tpu.memory_space<hbm>>) dst(%arg8 : memref<40x128xi32, #tpu.memory_space<vmem>>)
        tpu.yield
      }) : () -> ()
      %mul3A_53 = arith.constant 80 : i32
      %mul3A_54 = arith.muli %arg1, %mul3A_53 : i32
      %add3A_55 = arith.constant 40 : i32
      %add3A_56 = arith.addi %mul3A_54, %add3A_55 : i32
      %add3A_57 = arith.constant 0 : i32
      %add3A_58 = arith.addi %add3A_56, %add3A_57 : i32
      %mul3A_59 = arith.constant 128 : i32
      %mul3A_60 = arith.muli %add3A_58, %mul3A_59 : i32
      %dma_start3A_61 = arith.constant 0 : i32
      %dma_start3A_62 = arith.constant 0 : i32
      %dma_start3A_63 = arith.constant 0 : i32
      %dma_start3A_64 = tpu.memref_slice %arg9[%dma_start3A_61, %dma_start3A_62, %dma_start3A_63] : memref<2x128x128xf32, #tpu.memory_space<vmem>> -> memref<1x128x128xf32, #tpu.memory_space<vmem>>
      %dma_start3A_65 = tpu.memref_squeeze %dma_start3A_64 : memref<1x128x128xf32, #tpu.memory_space<vmem>> -> memref<128x128xf32, #tpu.memory_space<vmem>>
      %dma_start3A_66 = arith.constant 0 : i32
      %dma_start3A_67 = tpu.memref_slice %arg3[%mul3A_60, %dma_start3A_66] : memref<163840x128xf32, #tpu.memory_space<hbm>> -> memref<128x128xf32, #tpu.memory_space<hbm>>
      %dma_start3A_68 = arith.constant 0 : i32
      %dma_start3A_69 = arith.constant 0 : i32
      %dma_start3A_70 = tpu.memref_slice %arg9[%dma_start3A_61, %dma_start3A_68, %dma_start3A_69] : memref<2x128x128xf32, #tpu.memory_space<vmem>> -> memref<1x128x128xf32, #tpu.memory_space<vmem>>
      %dma_start3A_71 = tpu.memref_squeeze %dma_start3A_70 : memref<1x128x128xf32, #tpu.memory_space<vmem>> -> memref<128x128xf32, #tpu.memory_space<vmem>>
      %dma_start3A_72 = arith.constant 0 : i32
      %dma_start3A_73 = tpu.memref_slice %arg3[%mul3A_60, %dma_start3A_72] : memref<163840x128xf32, #tpu.memory_space<hbm>> -> memref<128x128xf32, #tpu.memory_space<hbm>>
      tpu.enqueue_dma source(%dma_start3A_73 : memref<128x128xf32, #tpu.memory_space<hbm>>) target(%dma_start3A_71 : memref<128x128xf32, #tpu.memory_space<vmem>>) target_semaphore(%arg11 : memref<!tpu.dma_semaphore, #tpu.memory_space<semaphore_mem>>)
      %mul3A_74 = arith.constant 80 : i32
      %mul3A_75 = arith.muli %arg1, %mul3A_74 : i32
      %add3A_76 = arith.constant 40 : i32
      %add3A_77 = arith.addi %mul3A_75, %add3A_76 : i32
      %add3A_78 = arith.constant 1 : i32
      %add3A_79 = arith.addi %add3A_77, %add3A_78 : i32
      %mul3A_80 = arith.constant 128 : i32
      %mul3A_81 = arith.muli %add3A_79, %mul3A_80 : i32
      %dma_start3A_82 = arith.constant 1 : i32
      %dma_start3A_83 = arith.constant 0 : i32
      %dma_start3A_84 = arith.constant 0 : i32
      %dma_start3A_85 = tpu.memref_slice %arg9[%dma_start3A_82, %dma_start3A_83, %dma_start3A_84] : memref<2x128x128xf32, #tpu.memory_space<vmem>> -> memref<1x128x128xf32, #tpu.memory_space<vmem>>
      %dma_start3A_86 = tpu.memref_squeeze %dma_start3A_85 : memref<1x128x128xf32, #tpu.memory_space<vmem>> -> memref<128x128xf32, #tpu.memory_space<vmem>>
      %dma_start3A_87 = arith.constant 0 : i32
      %dma_start3A_88 = tpu.memref_slice %arg3[%mul3A_81, %dma_start3A_87] : memref<163840x128xf32, #tpu.memory_space<hbm>> -> memref<128x128xf32, #tpu.memory_space<hbm>>
      %dma_start3A_89 = arith.constant 0 : i32
      %dma_start3A_90 = arith.constant 0 : i32
      %dma_start3A_91 = tpu.memref_slice %arg9[%dma_start3A_82, %dma_start3A_89, %dma_start3A_90] : memref<2x128x128xf32, #tpu.memory_space<vmem>> -> memref<1x128x128xf32, #tpu.memory_space<vmem>>
      %dma_start3A_92 = tpu.memref_squeeze %dma_start3A_91 : memref<1x128x128xf32, #tpu.memory_space<vmem>> -> memref<128x128xf32, #tpu.memory_space<vmem>>
      %dma_start3A_93 = arith.constant 0 : i32
      %dma_start3A_94 = tpu.memref_slice %arg3[%mul3A_81, %dma_start3A_93] : memref<163840x128xf32, #tpu.memory_space<hbm>> -> memref<128x128xf32, #tpu.memory_space<hbm>>
      tpu.enqueue_dma source(%dma_start3A_94 : memref<128x128xf32, #tpu.memory_space<hbm>>) target(%dma_start3A_92 : memref<128x128xf32, #tpu.memory_space<vmem>>) target_semaphore(%arg12 : memref<!tpu.dma_semaphore, #tpu.memory_space<semaphore_mem>>)
      %scan3A_95 = arith.constant 0 : i32
      %scan3A_96 = arith.constant 0 : i32
      %scan3A_97 = arith.constant 20 : i32
      %scan3A_98 = arith.addi %scan3A_96, %scan3A_97 : i32
      %scan3A_99 = arith.constant 1 : i32
      scf.for %scan3A_131 = %scan3A_96 to %scan3A_98 step %scan3A_99  : i32 {
        %mul3A_132 = arith.constant 2 : i32
        %mul3A_133 = arith.muli %mul3A_132, %scan3A_131 : i32
        %add3A_134 = arith.constant 0 : i32
        %add3A_135 = arith.addi %mul3A_133, %add3A_134 : i32
        %dma_wait3A = arith.constant 0 : i32
        %dma_wait3A_136 = arith.constant 0 : i32
        %dma_wait3A_137 = arith.constant 0 : i32
        %dma_wait3A_138 = tpu.memref_slice %arg9[%dma_wait3A, %dma_wait3A_136, %dma_wait3A_137] : memref<2x128x128xf32, #tpu.memory_space<vmem>> -> memref<1x128x128xf32, #tpu.memory_space<vmem>>
        %dma_wait3A_139 = tpu.memref_squeeze %dma_wait3A_138 : memref<1x128x128xf32, #tpu.memory_space<vmem>> -> memref<128x128xf32, #tpu.memory_space<vmem>>
        %dma_wait3A_140 = arith.constant 0 : i32
        %dma_wait3A_141 = arith.constant 0 : i32
        %dma_wait3A_142 = tpu.memref_slice %arg3[%dma_wait3A_140, %dma_wait3A_141] : memref<163840x128xf32, #tpu.memory_space<hbm>> -> memref<128x128xf32, #tpu.memory_space<hbm>>
        %dma_wait3A_143 = arith.constant 0 : i32
        %dma_wait3A_144 = arith.constant 0 : i32
        %dma_wait3A_145 = tpu.memref_slice %arg9[%dma_wait3A, %dma_wait3A_143, %dma_wait3A_144] : memref<2x128x128xf32, #tpu.memory_space<vmem>> -> memref<1x128x128xf32, #tpu.memory_space<vmem>>
        %dma_wait3A_146 = tpu.memref_squeeze %dma_wait3A_145 : memref<1x128x128xf32, #tpu.memory_space<vmem>> -> memref<128x128xf32, #tpu.memory_space<vmem>>
        %dma_wait3A_147 = arith.constant 0 : i32
        %dma_wait3A_148 = arith.constant 0 : i32
        %dma_wait3A_149 = tpu.memref_slice %arg3[%dma_wait3A_147, %dma_wait3A_148] : memref<163840x128xf32, #tpu.memory_space<hbm>> -> memref<128x128xf32, #tpu.memory_space<hbm>>
        tpu.wait_dma2 semaphore(%arg11 : memref<!tpu.dma_semaphore, #tpu.memory_space<semaphore_mem>>) src(%dma_wait3A_149 : memref<128x128xf32, #tpu.memory_space<hbm>>) dst(%dma_wait3A_146 : memref<128x128xf32, #tpu.memory_space<vmem>>)
        %run_scoped3A_150 = arith.constant 0 : i32
        "tpu.region"() ({
          %run_scoped3A_184 = tpu.sem_alloc : memref<!tpu.dma_semaphore, #tpu.memory_space<semaphore_mem>>
          %dma_start3A_185 = arith.constant 0 : i32
          %dma_start3A_186 = arith.constant 0 : i32
          %dma_start3A_187 = tpu.memref_slice %arg9[%run_scoped3A_150, %dma_start3A_185, %dma_start3A_186] : memref<2x128x128xf32, #tpu.memory_space<vmem>> -> memref<1x128x128xf32, #tpu.memory_space<vmem>>
          %dma_start3A_188 = tpu.memref_squeeze %dma_start3A_187 : memref<1x128x128xf32, #tpu.memory_space<vmem>> -> memref<128x128xf32, #tpu.memory_space<vmem>>
          %dma_start3A_189 = arith.constant 0 : i32
          %dma_start3A_190 = tpu.memref_slice %arg8[%add3A_135, %dma_start3A_189] : memref<40x128xi32, #tpu.memory_space<vmem>> -> memref<1x128xi32, #tpu.memory_space<vmem>>
          %dma_start3A_191 = tpu.memref_squeeze %dma_start3A_190 : memref<1x128xi32, #tpu.memory_space<vmem>> -> memref<128xi32, #tpu.memory_space<vmem>>
          %dma_start3A_192 = arith.constant 0 : i32
          %dma_start3A_193 = arith.constant 0 : i32
          %dma_start3A_194 = tpu.memref_slice %arg10[%dma_start3A_192, %dma_start3A_193] : memref<10240x128xf32, #tpu.memory_space<vmem_shared>> -> memref<10240x128xf32, #tpu.memory_space<vmem_shared>>
          tpu.enqueue_indirect_dma source(%dma_start3A_188 : memref<128x128xf32, #tpu.memory_space<vmem>>) target(%dma_start3A_194 : memref<10240x128xf32, #tpu.memory_space<vmem_shared>>) offsets(%dma_start3A_191 : memref<128xi32, #tpu.memory_space<vmem>>) semaphore(%run_scoped3A_184 : memref<!tpu.dma_semaphore, #tpu.memory_space<semaphore_mem>>) {add = true}
          %dma_wait3A_195 = arith.constant 0 : i32
          %dma_wait3A_196 = arith.constant 0 : i32
          %dma_wait3A_197 = tpu.memref_slice %arg9[%run_scoped3A_150, %dma_wait3A_195, %dma_wait3A_196] : memref<2x128x128xf32, #tpu.memory_space<vmem>> -> memref<1x128x128xf32, #tpu.memory_space<vmem>>
          %dma_wait3A_198 = tpu.memref_squeeze %dma_wait3A_197 : memref<1x128x128xf32, #tpu.memory_space<vmem>> -> memref<128x128xf32, #tpu.memory_space<vmem>>
          %dma_wait3A_199 = arith.constant 0 : i32
          %dma_wait3A_200 = tpu.memref_slice %arg8[%add3A_135, %dma_wait3A_199] : memref<40x128xi32, #tpu.memory_space<vmem>> -> memref<1x128xi32, #tpu.memory_space<vmem>>
          %dma_wait3A_201 = tpu.memref_squeeze %dma_wait3A_200 : memref<1x128xi32, #tpu.memory_space<vmem>> -> memref<128xi32, #tpu.memory_space<vmem>>
          %dma_wait3A_202 = arith.constant 0 : i32
          %dma_wait3A_203 = arith.constant 0 : i32
          %dma_wait3A_204 = tpu.memref_slice %arg10[%dma_wait3A_202, %dma_wait3A_203] : memref<10240x128xf32, #tpu.memory_space<vmem_shared>> -> memref<10240x128xf32, #tpu.memory_space<vmem_shared>>
          tpu.wait_indirect_dma semaphore(%run_scoped3A_184 : memref<!tpu.dma_semaphore, #tpu.memory_space<semaphore_mem>>) src(%dma_wait3A_198 : memref<128x128xf32, #tpu.memory_space<vmem>>) dst(%dma_wait3A_204 : memref<10240x128xf32, #tpu.memory_space<vmem_shared>>)
          tpu.yield
        }) : () -> ()
        %add3A_151 = arith.constant 2 : i32
        %add3A_152 = arith.addi %add3A_135, %add3A_151 : i32
        %lt3A = arith.constant 40 : i32
        %lt3A_153 = arith.cmpi slt, %add3A_152, %lt3A : i32
        %convert_element_type3A_154 = arith.extui %lt3A_153 : i1 to i32
        %cond3A_155 = arith.constant 0 : i32
        %cond3A_156 = arith.cmpi ne, %convert_element_type3A_154, %cond3A_155 : i32
        scf.if %cond3A_156 {
          %add3A_184 = arith.constant 2 : i32
          %add3A_185 = arith.addi %add3A_135, %add3A_184 : i32
          %mul3A_186 = arith.constant 80 : i32
          %mul3A_187 = arith.muli %arg1, %mul3A_186 : i32
          %add3A_188 = arith.constant 40 : i32
          %add3A_189 = arith.addi %mul3A_187, %add3A_188 : i32
          %add3A_190 = arith.addi %add3A_189, %add3A_185 : i32
          %mul3A_191 = arith.constant 128 : i32
          %mul3A_192 = arith.muli %add3A_190, %mul3A_191 : i32
          %dma_start3A_193 = arith.constant 0 : i32
          %dma_start3A_194 = arith.constant 0 : i32
          %dma_start3A_195 = arith.constant 0 : i32
          %dma_start3A_196 = tpu.memref_slice %arg9[%dma_start3A_193, %dma_start3A_194, %dma_start3A_195] : memref<2x128x128xf32, #tpu.memory_space<vmem>> -> memref<1x128x128xf32, #tpu.memory_space<vmem>>
          %dma_start3A_197 = tpu.memref_squeeze %dma_start3A_196 : memref<1x128x128xf32, #tpu.memory_space<vmem>> -> memref<128x128xf32, #tpu.memory_space<vmem>>
          %dma_start3A_198 = arith.constant 0 : i32
          %dma_start3A_199 = tpu.memref_slice %arg3[%mul3A_192, %dma_start3A_198] : memref<163840x128xf32, #tpu.memory_space<hbm>> -> memref<128x128xf32, #tpu.memory_space<hbm>>
          %dma_start3A_200 = arith.constant 0 : i32
          %dma_start3A_201 = arith.constant 0 : i32
          %dma_start3A_202 = tpu.memref_slice %arg9[%dma_start3A_193, %dma_start3A_200, %dma_start3A_201] : memref<2x128x128xf32, #tpu.memory_space<vmem>> -> memref<1x128x128xf32, #tpu.memory_space<vmem>>
          %dma_start3A_203 = tpu.memref_squeeze %dma_start3A_202 : memref<1x128x128xf32, #tpu.memory_space<vmem>> -> memref<128x128xf32, #tpu.memory_space<vmem>>
          %dma_start3A_204 = arith.constant 0 : i32
          %dma_start3A_205 = tpu.memref_slice %arg3[%mul3A_192, %dma_start3A_204] : memref<163840x128xf32, #tpu.memory_space<hbm>> -> memref<128x128xf32, #tpu.memory_space<hbm>>
          tpu.enqueue_dma source(%dma_start3A_205 : memref<128x128xf32, #tpu.memory_space<hbm>>) target(%dma_start3A_203 : memref<128x128xf32, #tpu.memory_space<vmem>>) target_semaphore(%arg11 : memref<!tpu.dma_semaphore, #tpu.memory_space<semaphore_mem>>)
        } else {
        }
        %mul3A_157 = arith.constant 2 : i32
        %mul3A_158 = arith.muli %mul3A_157, %scan3A_131 : i32
        %add3A_159 = arith.constant 1 : i32
        %add3A_160 = arith.addi %mul3A_158, %add3A_159 : i32
        %dma_wait3A_161 = arith.constant 1 : i32
        %dma_wait3A_162 = arith.constant 0 : i32
        %dma_wait3A_163 = arith.constant 0 : i32
        %dma_wait3A_164 = tpu.memref_slice %arg9[%dma_wait3A_161, %dma_wait3A_162, %dma_wait3A_163] : memref<2x128x128xf32, #tpu.memory_space<vmem>> -> memref<1x128x128xf32, #tpu.memory_space<vmem>>
        %dma_wait3A_165 = tpu.memref_squeeze %dma_wait3A_164 : memref<1x128x128xf32, #tpu.memory_space<vmem>> -> memref<128x128xf32, #tpu.memory_space<vmem>>
        %dma_wait3A_166 = arith.constant 0 : i32
        %dma_wait3A_167 = arith.constant 0 : i32
        %dma_wait3A_168 = tpu.memref_slice %arg3[%dma_wait3A_166, %dma_wait3A_167] : memref<163840x128xf32, #tpu.memory_space<hbm>> -> memref<128x128xf32, #tpu.memory_space<hbm>>
        %dma_wait3A_169 = arith.constant 0 : i32
        %dma_wait3A_170 = arith.constant 0 : i32
        %dma_wait3A_171 = tpu.memref_slice %arg9[%dma_wait3A_161, %dma_wait3A_169, %dma_wait3A_170] : memref<2x128x128xf32, #tpu.memory_space<vmem>> -> memref<1x128x128xf32, #tpu.memory_space<vmem>>
        %dma_wait3A_172 = tpu.memref_squeeze %dma_wait3A_171 : memref<1x128x128xf32, #tpu.memory_space<vmem>> -> memref<128x128xf32, #tpu.memory_space<vmem>>
        %dma_wait3A_173 = arith.constant 0 : i32
        %dma_wait3A_174 = arith.constant 0 : i32
        %dma_wait3A_175 = tpu.memref_slice %arg3[%dma_wait3A_173, %dma_wait3A_174] : memref<163840x128xf32, #tpu.memory_space<hbm>> -> memref<128x128xf32, #tpu.memory_space<hbm>>
        tpu.wait_dma2 semaphore(%arg12 : memref<!tpu.dma_semaphore, #tpu.memory_space<semaphore_mem>>) src(%dma_wait3A_175 : memref<128x128xf32, #tpu.memory_space<hbm>>) dst(%dma_wait3A_172 : memref<128x128xf32, #tpu.memory_space<vmem>>)
        %run_scoped3A_176 = arith.constant 1 : i32
        "tpu.region"() ({
          %run_scoped3A_184 = tpu.sem_alloc : memref<!tpu.dma_semaphore, #tpu.memory_space<semaphore_mem>>
          %dma_start3A_185 = arith.constant 0 : i32
          %dma_start3A_186 = arith.constant 0 : i32
          %dma_start3A_187 = tpu.memref_slice %arg9[%run_scoped3A_176, %dma_start3A_185, %dma_start3A_186] : memref<2x128x128xf32, #tpu.memory_space<vmem>> -> memref<1x128x128xf32, #tpu.memory_space<vmem>>
          %dma_start3A_188 = tpu.memref_squeeze %dma_start3A_187 : memref<1x128x128xf32, #tpu.memory_space<vmem>> -> memref<128x128xf32, #tpu.memory_space<vmem>>
          %dma_start3A_189 = arith.constant 0 : i32
          %dma_start3A_190 = tpu.memref_slice %arg8[%add3A_160, %dma_start3A_189] : memref<40x128xi32, #tpu.memory_space<vmem>> -> memref<1x128xi32, #tpu.memory_space<vmem>>
          %dma_start3A_191 = tpu.memref_squeeze %dma_start3A_190 : memref<1x128xi32, #tpu.memory_space<vmem>> -> memref<128xi32, #tpu.memory_space<vmem>>
          %dma_start3A_192 = arith.constant 0 : i32
          %dma_start3A_193 = arith.constant 0 : i32
          %dma_start3A_194 = tpu.memref_slice %arg10[%dma_start3A_192, %dma_start3A_193] : memref<10240x128xf32, #tpu.memory_space<vmem_shared>> -> memref<10240x128xf32, #tpu.memory_space<vmem_shared>>
          tpu.enqueue_indirect_dma source(%dma_start3A_188 : memref<128x128xf32, #tpu.memory_space<vmem>>) target(%dma_start3A_194 : memref<10240x128xf32, #tpu.memory_space<vmem_shared>>) offsets(%dma_start3A_191 : memref<128xi32, #tpu.memory_space<vmem>>) semaphore(%run_scoped3A_184 : memref<!tpu.dma_semaphore, #tpu.memory_space<semaphore_mem>>) {add = true}
          %dma_wait3A_195 = arith.constant 0 : i32
          %dma_wait3A_196 = arith.constant 0 : i32
          %dma_wait3A_197 = tpu.memref_slice %arg9[%run_scoped3A_176, %dma_wait3A_195, %dma_wait3A_196] : memref<2x128x128xf32, #tpu.memory_space<vmem>> -> memref<1x128x128xf32, #tpu.memory_space<vmem>>
          %dma_wait3A_198 = tpu.memref_squeeze %dma_wait3A_197 : memref<1x128x128xf32, #tpu.memory_space<vmem>> -> memref<128x128xf32, #tpu.memory_space<vmem>>
          %dma_wait3A_199 = arith.constant 0 : i32
          %dma_wait3A_200 = tpu.memref_slice %arg8[%add3A_160, %dma_wait3A_199] : memref<40x128xi32, #tpu.memory_space<vmem>> -> memref<1x128xi32, #tpu.memory_space<vmem>>
          %dma_wait3A_201 = tpu.memref_squeeze %dma_wait3A_200 : memref<1x128xi32, #tpu.memory_space<vmem>> -> memref<128xi32, #tpu.memory_space<vmem>>
          %dma_wait3A_202 = arith.constant 0 : i32
          %dma_wait3A_203 = arith.constant 0 : i32
          %dma_wait3A_204 = tpu.memref_slice %arg10[%dma_wait3A_202, %dma_wait3A_203] : memref<10240x128xf32, #tpu.memory_space<vmem_shared>> -> memref<10240x128xf32, #tpu.memory_space<vmem_shared>>
          tpu.wait_indirect_dma semaphore(%run_scoped3A_184 : memref<!tpu.dma_semaphore, #tpu.memory_space<semaphore_mem>>) src(%dma_wait3A_198 : memref<128x128xf32, #tpu.memory_space<vmem>>) dst(%dma_wait3A_204 : memref<10240x128xf32, #tpu.memory_space<vmem_shared>>)
          tpu.yield
        }) : () -> ()
        %add3A_177 = arith.constant 2 : i32
        %add3A_178 = arith.addi %add3A_160, %add3A_177 : i32
        %lt3A_179 = arith.constant 40 : i32
        %lt3A_180 = arith.cmpi slt, %add3A_178, %lt3A_179 : i32
        %convert_element_type3A_181 = arith.extui %lt3A_180 : i1 to i32
        %cond3A_182 = arith.constant 0 : i32
        %cond3A_183 = arith.cmpi ne, %convert_element_type3A_181, %cond3A_182 : i32
        scf.if %cond3A_183 {
          %add3A_184 = arith.constant 2 : i32
          %add3A_185 = arith.addi %add3A_160, %add3A_184 : i32
          %mul3A_186 = arith.constant 80 : i32
          %mul3A_187 = arith.muli %arg1, %mul3A_186 : i32
          %add3A_188 = arith.constant 40 : i32
          %add3A_189 = arith.addi %mul3A_187, %add3A_188 : i32
          %add3A_190 = arith.addi %add3A_189, %add3A_185 : i32
          %mul3A_191 = arith.constant 128 : i32
          %mul3A_192 = arith.muli %add3A_190, %mul3A_191 : i32
          %dma_start3A_193 = arith.constant 1 : i32
          %dma_start3A_194 = arith.constant 0 : i32
          %dma_start3A_195 = arith.constant 0 : i32
          %dma_start3A_196 = tpu.memref_slice %arg9[%dma_start3A_193, %dma_start3A_194, %dma_start3A_195] : memref<2x128x128xf32, #tpu.memory_space<vmem>> -> memref<1x128x128xf32, #tpu.memory_space<vmem>>
          %dma_start3A_197 = tpu.memref_squeeze %dma_start3A_196 : memref<1x128x128xf32, #tpu.memory_space<vmem>> -> memref<128x128xf32, #tpu.memory_space<vmem>>
          %dma_start3A_198 = arith.constant 0 : i32
          %dma_start3A_199 = tpu.memref_slice %arg3[%mul3A_192, %dma_start3A_198] : memref<163840x128xf32, #tpu.memory_space<hbm>> -> memref<128x128xf32, #tpu.memory_space<hbm>>
          %dma_start3A_200 = arith.constant 0 : i32
          %dma_start3A_201 = arith.constant 0 : i32
          %dma_start3A_202 = tpu.memref_slice %arg9[%dma_start3A_193, %dma_start3A_200, %dma_start3A_201] : memref<2x128x128xf32, #tpu.memory_space<vmem>> -> memref<1x128x128xf32, #tpu.memory_space<vmem>>
          %dma_start3A_203 = tpu.memref_squeeze %dma_start3A_202 : memref<1x128x128xf32, #tpu.memory_space<vmem>> -> memref<128x128xf32, #tpu.memory_space<vmem>>
          %dma_start3A_204 = arith.constant 0 : i32
          %dma_start3A_205 = tpu.memref_slice %arg3[%mul3A_192, %dma_start3A_204] : memref<163840x128xf32, #tpu.memory_space<hbm>> -> memref<128x128xf32, #tpu.memory_space<hbm>>
          tpu.enqueue_dma source(%dma_start3A_205 : memref<128x128xf32, #tpu.memory_space<hbm>>) target(%dma_start3A_203 : memref<128x128xf32, #tpu.memory_space<vmem>>) target_semaphore(%arg12 : memref<!tpu.dma_semaphore, #tpu.memory_space<semaphore_mem>>)
        } else {
        }
      }
      %scan3A_100 = arith.constant 20 : i32
      %barrier3A_101 = arith.constant 0 : index
      tpu.barrier barrier_id(%barrier3A_101)
      %mul3A_102 = arith.constant 640 : i32
      %mul3A_103 = arith.muli %arg1, %mul3A_102 : i32
      %add3A_104 = arith.constant 0 : i32
      %add3A_105 = arith.addi %mul3A_103, %add3A_104 : i32
      %run_scoped3A = arith.constant 0 : i32
      "tpu.region"() ({
        %run_scoped3A_131 = tpu.sem_alloc : memref<!tpu.dma_semaphore, #tpu.memory_space<semaphore_mem>>
        %dma_start3A_132 = arith.constant 0 : i32
        %dma_start3A_133 = arith.constant 0 : i32
        %dma_start3A_134 = tpu.memref_slice %arg9[%run_scoped3A, %dma_start3A_132, %dma_start3A_133] : memref<2x128x128xf32, #tpu.memory_space<vmem>> -> memref<1x128x128xf32, #tpu.memory_space<vmem>>
        %dma_start3A_135 = tpu.memref_squeeze %dma_start3A_134 : memref<1x128x128xf32, #tpu.memory_space<vmem>> -> memref<128x128xf32, #tpu.memory_space<vmem>>
        %dma_start3A_136 = arith.constant 0 : i32
        %dma_start3A_137 = tpu.memref_slice %arg10[%add3A_105, %dma_start3A_136] : memref<10240x128xf32, #tpu.memory_space<vmem_shared>> -> memref<128x128xf32, #tpu.memory_space<vmem_shared>>
        %dma_start3A_138 = arith.constant 0 : i32
        %dma_start3A_139 = arith.constant 0 : i32
        %dma_start3A_140 = tpu.memref_slice %arg9[%run_scoped3A, %dma_start3A_138, %dma_start3A_139] : memref<2x128x128xf32, #tpu.memory_space<vmem>> -> memref<1x128x128xf32, #tpu.memory_space<vmem>>
        %dma_start3A_141 = tpu.memref_squeeze %dma_start3A_140 : memref<1x128x128xf32, #tpu.memory_space<vmem>> -> memref<128x128xf32, #tpu.memory_space<vmem>>
        %dma_start3A_142 = arith.constant 0 : i32
        %dma_start3A_143 = tpu.memref_slice %arg10[%add3A_105, %dma_start3A_142] : memref<10240x128xf32, #tpu.memory_space<vmem_shared>> -> memref<128x128xf32, #tpu.memory_space<vmem_shared>>
        tpu.enqueue_dma source(%dma_start3A_143 : memref<128x128xf32, #tpu.memory_space<vmem_shared>>) target(%dma_start3A_141 : memref<128x128xf32, #tpu.memory_space<vmem>>) target_semaphore(%run_scoped3A_131 : memref<!tpu.dma_semaphore, #tpu.memory_space<semaphore_mem>>)
        %dma_wait3A = arith.constant 0 : i32
        %dma_wait3A_144 = arith.constant 0 : i32
        %dma_wait3A_145 = tpu.memref_slice %arg9[%run_scoped3A, %dma_wait3A, %dma_wait3A_144] : memref<2x128x128xf32, #tpu.memory_space<vmem>> -> memref<1x128x128xf32, #tpu.memory_space<vmem>>
        %dma_wait3A_146 = tpu.memref_squeeze %dma_wait3A_145 : memref<1x128x128xf32, #tpu.memory_space<vmem>> -> memref<128x128xf32, #tpu.memory_space<vmem>>
        %dma_wait3A_147 = arith.constant 0 : i32
        %dma_wait3A_148 = tpu.memref_slice %arg10[%add3A_105, %dma_wait3A_147] : memref<10240x128xf32, #tpu.memory_space<vmem_shared>> -> memref<128x128xf32, #tpu.memory_space<vmem_shared>>
        %dma_wait3A_149 = arith.constant 0 : i32
        %dma_wait3A_150 = arith.constant 0 : i32
        %dma_wait3A_151 = tpu.memref_slice %arg9[%run_scoped3A, %dma_wait3A_149, %dma_wait3A_150] : memref<2x128x128xf32, #tpu.memory_space<vmem>> -> memref<1x128x128xf32, #tpu.memory_space<vmem>>
        %dma_wait3A_152 = tpu.memref_squeeze %dma_wait3A_151 : memref<1x128x128xf32, #tpu.memory_space<vmem>> -> memref<128x128xf32, #tpu.memory_space<vmem>>
        %dma_wait3A_153 = arith.constant 0 : i32
        %dma_wait3A_154 = tpu.memref_slice %arg10[%add3A_105, %dma_wait3A_153] : memref<10240x128xf32, #tpu.memory_space<vmem_shared>> -> memref<128x128xf32, #tpu.memory_space<vmem_shared>>
        tpu.wait_dma2 semaphore(%run_scoped3A_131 : memref<!tpu.dma_semaphore, #tpu.memory_space<semaphore_mem>>) src(%dma_wait3A_154 : memref<128x128xf32, #tpu.memory_space<vmem_shared>>) dst(%dma_wait3A_152 : memref<128x128xf32, #tpu.memory_space<vmem>>)
        tpu.yield
      }) : () -> ()
      %run_scoped3A_106 = arith.constant 0 : i32
      "tpu.region"() ({
        %run_scoped3A_131 = tpu.sem_alloc : memref<!tpu.dma_semaphore, #tpu.memory_space<semaphore_mem>>
        %dma_start3A_132 = arith.constant 0 : i32
        %dma_start3A_133 = arith.constant 0 : i32
        %dma_start3A_134 = tpu.memref_slice %arg9[%run_scoped3A_106, %dma_start3A_132, %dma_start3A_133] : memref<2x128x128xf32, #tpu.memory_space<vmem>> -> memref<1x128x128xf32, #tpu.memory_space<vmem>>
        %dma_start3A_135 = tpu.memref_squeeze %dma_start3A_134 : memref<1x128x128xf32, #tpu.memory_space<vmem>> -> memref<128x128xf32, #tpu.memory_space<vmem>>
        %dma_start3A_136 = arith.constant 0 : i32
        %dma_start3A_137 = tpu.memref_slice %arg7[%add3A_105, %dma_start3A_136] : memref<10240x128xf32, #tpu.memory_space<hbm>> -> memref<128x128xf32, #tpu.memory_space<hbm>>
        %dma_start3A_138 = arith.constant 0 : i32
        %dma_start3A_139 = tpu.memref_slice %arg7[%add3A_105, %dma_start3A_138] : memref<10240x128xf32, #tpu.memory_space<hbm>> -> memref<128x128xf32, #tpu.memory_space<hbm>>
        %dma_start3A_140 = arith.constant 0 : i32
        %dma_start3A_141 = arith.constant 0 : i32
        %dma_start3A_142 = tpu.memref_slice %arg9[%run_scoped3A_106, %dma_start3A_140, %dma_start3A_141] : memref<2x128x128xf32, #tpu.memory_space<vmem>> -> memref<1x128x128xf32, #tpu.memory_space<vmem>>
        %dma_start3A_143 = tpu.memref_squeeze %dma_start3A_142 : memref<1x128x128xf32, #tpu.memory_space<vmem>> -> memref<128x128xf32, #tpu.memory_space<vmem>>
        tpu.enqueue_dma source(%dma_start3A_143 : memref<128x128xf32, #tpu.memory_space<vmem>>) target(%dma_start3A_139 : memref<128x128xf32, #tpu.memory_space<hbm>>) target_semaphore(%run_scoped3A_131 : memref<!tpu.dma_semaphore, #tpu.memory_space<semaphore_mem>>)
        %dma_wait3A = arith.constant 0 : i32
        %dma_wait3A_144 = arith.constant 0 : i32
        %dma_wait3A_145 = tpu.memref_slice %arg9[%run_scoped3A_106, %dma_wait3A, %dma_wait3A_144] : memref<2x128x128xf32, #tpu.memory_space<vmem>> -> memref<1x128x128xf32, #tpu.memory_space<vmem>>
        %dma_wait3A_146 = tpu.memref_squeeze %dma_wait3A_145 : memref<1x128x128xf32, #tpu.memory_space<vmem>> -> memref<128x128xf32, #tpu.memory_space<vmem>>
        %dma_wait3A_147 = arith.constant 0 : i32
        %dma_wait3A_148 = tpu.memref_slice %arg7[%add3A_105, %dma_wait3A_147] : memref<10240x128xf32, #tpu.memory_space<hbm>> -> memref<128x128xf32, #tpu.memory_space<hbm>>
        %dma_wait3A_149 = arith.constant 0 : i32
        %dma_wait3A_150 = tpu.memref_slice %arg7[%add3A_105, %dma_wait3A_149] : memref<10240x128xf32, #tpu.memory_space<hbm>> -> memref<128x128xf32, #tpu.memory_space<hbm>>
        %dma_wait3A_151 = arith.constant 0 : i32
        %dma_wait3A_152 = arith.constant 0 : i32
        %dma_wait3A_153 = tpu.memref_slice %arg9[%run_scoped3A_106, %dma_wait3A_151, %dma_wait3A_152] : memref<2x128x128xf32, #tpu.memory_space<vmem>> -> memref<1x128x128xf32, #tpu.memory_space<vmem>>
        %dma_wait3A_154 = tpu.memref_squeeze %dma_wait3A_153 : memref<1x128x128xf32, #tpu.memory_space<vmem>> -> memref<128x128xf32, #tpu.memory_space<vmem>>
        tpu.wait_dma2 semaphore(%run_scoped3A_131 : memref<!tpu.dma_semaphore, #tpu.memory_space<semaphore_mem>>) src(%dma_wait3A_154 : memref<128x128xf32, #tpu.memory_space<vmem>>) dst(%dma_wait3A_150 : memref<128x128xf32, #tpu.memory_space<hbm>>)
        tpu.yield
      }) : () -> ()
      %mul3A_107 = arith.constant 640 : i32
      %mul3A_108 = arith.muli %arg1, %mul3A_107 : i32
      %add3A_109 = arith.constant 128 : i32
      %add3A_110 = arith.addi %mul3A_108, %add3A_109 : i32
      %run_scoped3A_111 = arith.constant 0 : i32
      "tpu.region"() ({
        %run_scoped3A_131 = tpu.sem_alloc : memref<!tpu.dma_semaphore, #tpu.memory_space<semaphore_mem>>
        %dma_start3A_132 = arith.constant 0 : i32
        %dma_start3A_133 = arith.constant 0 : i32
        %dma_start3A_134 = tpu.memref_slice %arg9[%run_scoped3A_111, %dma_start3A_132, %dma_start3A_133] : memref<2x128x128xf32, #tpu.memory_space<vmem>> -> memref<1x128x128xf32, #tpu.memory_space<vmem>>
        %dma_start3A_135 = tpu.memref_squeeze %dma_start3A_134 : memref<1x128x128xf32, #tpu.memory_space<vmem>> -> memref<128x128xf32, #tpu.memory_space<vmem>>
        %dma_start3A_136 = arith.constant 0 : i32
        %dma_start3A_137 = tpu.memref_slice %arg10[%add3A_110, %dma_start3A_136] : memref<10240x128xf32, #tpu.memory_space<vmem_shared>> -> memref<128x128xf32, #tpu.memory_space<vmem_shared>>
        %dma_start3A_138 = arith.constant 0 : i32
        %dma_start3A_139 = arith.constant 0 : i32
        %dma_start3A_140 = tpu.memref_slice %arg9[%run_scoped3A_111, %dma_start3A_138, %dma_start3A_139] : memref<2x128x128xf32, #tpu.memory_space<vmem>> -> memref<1x128x128xf32, #tpu.memory_space<vmem>>
        %dma_start3A_141 = tpu.memref_squeeze %dma_start3A_140 : memref<1x128x128xf32, #tpu.memory_space<vmem>> -> memref<128x128xf32, #tpu.memory_space<vmem>>
        %dma_start3A_142 = arith.constant 0 : i32
        %dma_start3A_143 = tpu.memref_slice %arg10[%add3A_110, %dma_start3A_142] : memref<10240x128xf32, #tpu.memory_space<vmem_shared>> -> memref<128x128xf32, #tpu.memory_space<vmem_shared>>
        tpu.enqueue_dma source(%dma_start3A_143 : memref<128x128xf32, #tpu.memory_space<vmem_shared>>) target(%dma_start3A_141 : memref<128x128xf32, #tpu.memory_space<vmem>>) target_semaphore(%run_scoped3A_131 : memref<!tpu.dma_semaphore, #tpu.memory_space<semaphore_mem>>)
        %dma_wait3A = arith.constant 0 : i32
        %dma_wait3A_144 = arith.constant 0 : i32
        %dma_wait3A_145 = tpu.memref_slice %arg9[%run_scoped3A_111, %dma_wait3A, %dma_wait3A_144] : memref<2x128x128xf32, #tpu.memory_space<vmem>> -> memref<1x128x128xf32, #tpu.memory_space<vmem>>
        %dma_wait3A_146 = tpu.memref_squeeze %dma_wait3A_145 : memref<1x128x128xf32, #tpu.memory_space<vmem>> -> memref<128x128xf32, #tpu.memory_space<vmem>>
        %dma_wait3A_147 = arith.constant 0 : i32
        %dma_wait3A_148 = tpu.memref_slice %arg10[%add3A_110, %dma_wait3A_147] : memref<10240x128xf32, #tpu.memory_space<vmem_shared>> -> memref<128x128xf32, #tpu.memory_space<vmem_shared>>
        %dma_wait3A_149 = arith.constant 0 : i32
        %dma_wait3A_150 = arith.constant 0 : i32
        %dma_wait3A_151 = tpu.memref_slice %arg9[%run_scoped3A_111, %dma_wait3A_149, %dma_wait3A_150] : memref<2x128x128xf32, #tpu.memory_space<vmem>> -> memref<1x128x128xf32, #tpu.memory_space<vmem>>
        %dma_wait3A_152 = tpu.memref_squeeze %dma_wait3A_151 : memref<1x128x128xf32, #tpu.memory_space<vmem>> -> memref<128x128xf32, #tpu.memory_space<vmem>>
        %dma_wait3A_153 = arith.constant 0 : i32
        %dma_wait3A_154 = tpu.memref_slice %arg10[%add3A_110, %dma_wait3A_153] : memref<10240x128xf32, #tpu.memory_space<vmem_shared>> -> memref<128x128xf32, #tpu.memory_space<vmem_shared>>
        tpu.wait_dma2 semaphore(%run_scoped3A_131 : memref<!tpu.dma_semaphore, #tpu.memory_space<semaphore_mem>>) src(%dma_wait3A_154 : memref<128x128xf32, #tpu.memory_space<vmem_shared>>) dst(%dma_wait3A_152 : memref<128x128xf32, #tpu.memory_space<vmem>>)
        tpu.yield
      }) : () -> ()
      %run_scoped3A_112 = arith.constant 0 : i32
      "tpu.region"() ({
        %run_scoped3A_131 = tpu.sem_alloc : memref<!tpu.dma_semaphore, #tpu.memory_space<semaphore_mem>>
        %dma_start3A_132 = arith.constant 0 : i32
        %dma_start3A_133 = arith.constant 0 : i32
        %dma_start3A_134 = tpu.memref_slice %arg9[%run_scoped3A_112, %dma_start3A_132, %dma_start3A_133] : memref<2x128x128xf32, #tpu.memory_space<vmem>> -> memref<1x128x128xf32, #tpu.memory_space<vmem>>
        %dma_start3A_135 = tpu.memref_squeeze %dma_start3A_134 : memref<1x128x128xf32, #tpu.memory_space<vmem>> -> memref<128x128xf32, #tpu.memory_space<vmem>>
        %dma_start3A_136 = arith.constant 0 : i32
        %dma_start3A_137 = tpu.memref_slice %arg7[%add3A_110, %dma_start3A_136] : memref<10240x128xf32, #tpu.memory_space<hbm>> -> memref<128x128xf32, #tpu.memory_space<hbm>>
        %dma_start3A_138 = arith.constant 0 : i32
        %dma_start3A_139 = tpu.memref_slice %arg7[%add3A_110, %dma_start3A_138] : memref<10240x128xf32, #tpu.memory_space<hbm>> -> memref<128x128xf32, #tpu.memory_space<hbm>>
        %dma_start3A_140 = arith.constant 0 : i32
        %dma_start3A_141 = arith.constant 0 : i32
        %dma_start3A_142 = tpu.memref_slice %arg9[%run_scoped3A_112, %dma_start3A_140, %dma_start3A_141] : memref<2x128x128xf32, #tpu.memory_space<vmem>> -> memref<1x128x128xf32, #tpu.memory_space<vmem>>
        %dma_start3A_143 = tpu.memref_squeeze %dma_start3A_142 : memref<1x128x128xf32, #tpu.memory_space<vmem>> -> memref<128x128xf32, #tpu.memory_space<vmem>>
        tpu.enqueue_dma source(%dma_start3A_143 : memref<128x128xf32, #tpu.memory_space<vmem>>) target(%dma_start3A_139 : memref<128x128xf32, #tpu.memory_space<hbm>>) target_semaphore(%run_scoped3A_131 : memref<!tpu.dma_semaphore, #tpu.memory_space<semaphore_mem>>)
        %dma_wait3A = arith.constant 0 : i32
        %dma_wait3A_144 = arith.constant 0 : i32
        %dma_wait3A_145 = tpu.memref_slice %arg9[%run_scoped3A_112, %dma_wait3A, %dma_wait3A_144] : memref<2x128x128xf32, #tpu.memory_space<vmem>> -> memref<1x128x128xf32, #tpu.memory_space<vmem>>
        %dma_wait3A_146 = tpu.memref_squeeze %dma_wait3A_145 : memref<1x128x128xf32, #tpu.memory_space<vmem>> -> memref<128x128xf32, #tpu.memory_space<vmem>>
        %dma_wait3A_147 = arith.constant 0 : i32
        %dma_wait3A_148 = tpu.memref_slice %arg7[%add3A_110, %dma_wait3A_147] : memref<10240x128xf32, #tpu.memory_space<hbm>> -> memref<128x128xf32, #tpu.memory_space<hbm>>
        %dma_wait3A_149 = arith.constant 0 : i32
        %dma_wait3A_150 = tpu.memref_slice %arg7[%add3A_110, %dma_wait3A_149] : memref<10240x128xf32, #tpu.memory_space<hbm>> -> memref<128x128xf32, #tpu.memory_space<hbm>>
        %dma_wait3A_151 = arith.constant 0 : i32
        %dma_wait3A_152 = arith.constant 0 : i32
        %dma_wait3A_153 = tpu.memref_slice %arg9[%run_scoped3A_112, %dma_wait3A_151, %dma_wait3A_152] : memref<2x128x128xf32, #tpu.memory_space<vmem>> -> memref<1x128x128xf32, #tpu.memory_space<vmem>>
        %dma_wait3A_154 = tpu.memref_squeeze %dma_wait3A_153 : memref<1x128x128xf32, #tpu.memory_space<vmem>> -> memref<128x128xf32, #tpu.memory_space<vmem>>
        tpu.wait_dma2 semaphore(%run_scoped3A_131 : memref<!tpu.dma_semaphore, #tpu.memory_space<semaphore_mem>>) src(%dma_wait3A_154 : memref<128x128xf32, #tpu.memory_space<vmem>>) dst(%dma_wait3A_150 : memref<128x128xf32, #tpu.memory_space<hbm>>)
        tpu.yield
      }) : () -> ()
      %mul3A_113 = arith.constant 640 : i32
      %mul3A_114 = arith.muli %arg1, %mul3A_113 : i32
      %add3A_115 = arith.constant 256 : i32
      %add3A_116 = arith.addi %mul3A_114, %add3A_115 : i32
      %run_scoped3A_117 = arith.constant 0 : i32
      "tpu.region"() ({
        %run_scoped3A_131 = tpu.sem_alloc : memref<!tpu.dma_semaphore, #tpu.memory_space<semaphore_mem>>
        %dma_start3A_132 = arith.constant 0 : i32
        %dma_start3A_133 = arith.constant 0 : i32
        %dma_start3A_134 = tpu.memref_slice %arg9[%run_scoped3A_117, %dma_start3A_132, %dma_start3A_133] : memref<2x128x128xf32, #tpu.memory_space<vmem>> -> memref<1x128x128xf32, #tpu.memory_space<vmem>>
        %dma_start3A_135 = tpu.memref_squeeze %dma_start3A_134 : memref<1x128x128xf32, #tpu.memory_space<vmem>> -> memref<128x128xf32, #tpu.memory_space<vmem>>
        %dma_start3A_136 = arith.constant 0 : i32
        %dma_start3A_137 = tpu.memref_slice %arg10[%add3A_116, %dma_start3A_136] : memref<10240x128xf32, #tpu.memory_space<vmem_shared>> -> memref<128x128xf32, #tpu.memory_space<vmem_shared>>
        %dma_start3A_138 = arith.constant 0 : i32
        %dma_start3A_139 = arith.constant 0 : i32
        %dma_start3A_140 = tpu.memref_slice %arg9[%run_scoped3A_117, %dma_start3A_138, %dma_start3A_139] : memref<2x128x128xf32, #tpu.memory_space<vmem>> -> memref<1x128x128xf32, #tpu.memory_space<vmem>>
        %dma_start3A_141 = tpu.memref_squeeze %dma_start3A_140 : memref<1x128x128xf32, #tpu.memory_space<vmem>> -> memref<128x128xf32, #tpu.memory_space<vmem>>
        %dma_start3A_142 = arith.constant 0 : i32
        %dma_start3A_143 = tpu.memref_slice %arg10[%add3A_116, %dma_start3A_142] : memref<10240x128xf32, #tpu.memory_space<vmem_shared>> -> memref<128x128xf32, #tpu.memory_space<vmem_shared>>
        tpu.enqueue_dma source(%dma_start3A_143 : memref<128x128xf32, #tpu.memory_space<vmem_shared>>) target(%dma_start3A_141 : memref<128x128xf32, #tpu.memory_space<vmem>>) target_semaphore(%run_scoped3A_131 : memref<!tpu.dma_semaphore, #tpu.memory_space<semaphore_mem>>)
        %dma_wait3A = arith.constant 0 : i32
        %dma_wait3A_144 = arith.constant 0 : i32
        %dma_wait3A_145 = tpu.memref_slice %arg9[%run_scoped3A_117, %dma_wait3A, %dma_wait3A_144] : memref<2x128x128xf32, #tpu.memory_space<vmem>> -> memref<1x128x128xf32, #tpu.memory_space<vmem>>
        %dma_wait3A_146 = tpu.memref_squeeze %dma_wait3A_145 : memref<1x128x128xf32, #tpu.memory_space<vmem>> -> memref<128x128xf32, #tpu.memory_space<vmem>>
        %dma_wait3A_147 = arith.constant 0 : i32
        %dma_wait3A_148 = tpu.memref_slice %arg10[%add3A_116, %dma_wait3A_147] : memref<10240x128xf32, #tpu.memory_space<vmem_shared>> -> memref<128x128xf32, #tpu.memory_space<vmem_shared>>
        %dma_wait3A_149 = arith.constant 0 : i32
        %dma_wait3A_150 = arith.constant 0 : i32
        %dma_wait3A_151 = tpu.memref_slice %arg9[%run_scoped3A_117, %dma_wait3A_149, %dma_wait3A_150] : memref<2x128x128xf32, #tpu.memory_space<vmem>> -> memref<1x128x128xf32, #tpu.memory_space<vmem>>
        %dma_wait3A_152 = tpu.memref_squeeze %dma_wait3A_151 : memref<1x128x128xf32, #tpu.memory_space<vmem>> -> memref<128x128xf32, #tpu.memory_space<vmem>>
        %dma_wait3A_153 = arith.constant 0 : i32
        %dma_wait3A_154 = tpu.memref_slice %arg10[%add3A_116, %dma_wait3A_153] : memref<10240x128xf32, #tpu.memory_space<vmem_shared>> -> memref<128x128xf32, #tpu.memory_space<vmem_shared>>
        tpu.wait_dma2 semaphore(%run_scoped3A_131 : memref<!tpu.dma_semaphore, #tpu.memory_space<semaphore_mem>>) src(%dma_wait3A_154 : memref<128x128xf32, #tpu.memory_space<vmem_shared>>) dst(%dma_wait3A_152 : memref<128x128xf32, #tpu.memory_space<vmem>>)
        tpu.yield
      }) : () -> ()
      %run_scoped3A_118 = arith.constant 0 : i32
      "tpu.region"() ({
        %run_scoped3A_131 = tpu.sem_alloc : memref<!tpu.dma_semaphore, #tpu.memory_space<semaphore_mem>>
        %dma_start3A_132 = arith.constant 0 : i32
        %dma_start3A_133 = arith.constant 0 : i32
        %dma_start3A_134 = tpu.memref_slice %arg9[%run_scoped3A_118, %dma_start3A_132, %dma_start3A_133] : memref<2x128x128xf32, #tpu.memory_space<vmem>> -> memref<1x128x128xf32, #tpu.memory_space<vmem>>
        %dma_start3A_135 = tpu.memref_squeeze %dma_start3A_134 : memref<1x128x128xf32, #tpu.memory_space<vmem>> -> memref<128x128xf32, #tpu.memory_space<vmem>>
        %dma_start3A_136 = arith.constant 0 : i32
        %dma_start3A_137 = tpu.memref_slice %arg7[%add3A_116, %dma_start3A_136] : memref<10240x128xf32, #tpu.memory_space<hbm>> -> memref<128x128xf32, #tpu.memory_space<hbm>>
        %dma_start3A_138 = arith.constant 0 : i32
        %dma_start3A_139 = tpu.memref_slice %arg7[%add3A_116, %dma_start3A_138] : memref<10240x128xf32, #tpu.memory_space<hbm>> -> memref<128x128xf32, #tpu.memory_space<hbm>>
        %dma_start3A_140 = arith.constant 0 : i32
        %dma_start3A_141 = arith.constant 0 : i32
        %dma_start3A_142 = tpu.memref_slice %arg9[%run_scoped3A_118, %dma_start3A_140, %dma_start3A_141] : memref<2x128x128xf32, #tpu.memory_space<vmem>> -> memref<1x128x128xf32, #tpu.memory_space<vmem>>
        %dma_start3A_143 = tpu.memref_squeeze %dma_start3A_142 : memref<1x128x128xf32, #tpu.memory_space<vmem>> -> memref<128x128xf32, #tpu.memory_space<vmem>>
        tpu.enqueue_dma source(%dma_start3A_143 : memref<128x128xf32, #tpu.memory_space<vmem>>) target(%dma_start3A_139 : memref<128x128xf32, #tpu.memory_space<hbm>>) target_semaphore(%run_scoped3A_131 : memref<!tpu.dma_semaphore, #tpu.memory_space<semaphore_mem>>)
        %dma_wait3A = arith.constant 0 : i32
        %dma_wait3A_144 = arith.constant 0 : i32
        %dma_wait3A_145 = tpu.memref_slice %arg9[%run_scoped3A_118, %dma_wait3A, %dma_wait3A_144] : memref<2x128x128xf32, #tpu.memory_space<vmem>> -> memref<1x128x128xf32, #tpu.memory_space<vmem>>
        %dma_wait3A_146 = tpu.memref_squeeze %dma_wait3A_145 : memref<1x128x128xf32, #tpu.memory_space<vmem>> -> memref<128x128xf32, #tpu.memory_space<vmem>>
        %dma_wait3A_147 = arith.constant 0 : i32
        %dma_wait3A_148 = tpu.memref_slice %arg7[%add3A_116, %dma_wait3A_147] : memref<10240x128xf32, #tpu.memory_space<hbm>> -> memref<128x128xf32, #tpu.memory_space<hbm>>
        %dma_wait3A_149 = arith.constant 0 : i32
        %dma_wait3A_150 = tpu.memref_slice %arg7[%add3A_116, %dma_wait3A_149] : memref<10240x128xf32, #tpu.memory_space<hbm>> -> memref<128x128xf32, #tpu.memory_space<hbm>>
        %dma_wait3A_151 = arith.constant 0 : i32
        %dma_wait3A_152 = arith.constant 0 : i32
        %dma_wait3A_153 = tpu.memref_slice %arg9[%run_scoped3A_118, %dma_wait3A_151, %dma_wait3A_152] : memref<2x128x128xf32, #tpu.memory_space<vmem>> -> memref<1x128x128xf32, #tpu.memory_space<vmem>>
        %dma_wait3A_154 = tpu.memref_squeeze %dma_wait3A_153 : memref<1x128x128xf32, #tpu.memory_space<vmem>> -> memref<128x128xf32, #tpu.memory_space<vmem>>
        tpu.wait_dma2 semaphore(%run_scoped3A_131 : memref<!tpu.dma_semaphore, #tpu.memory_space<semaphore_mem>>) src(%dma_wait3A_154 : memref<128x128xf32, #tpu.memory_space<vmem>>) dst(%dma_wait3A_150 : memref<128x128xf32, #tpu.memory_space<hbm>>)
        tpu.yield
      }) : () -> ()
      %mul3A_119 = arith.constant 640 : i32
      %mul3A_120 = arith.muli %arg1, %mul3A_119 : i32
      %add3A_121 = arith.constant 384 : i32
      %add3A_122 = arith.addi %mul3A_120, %add3A_121 : i32
      %run_scoped3A_123 = arith.constant 0 : i32
      "tpu.region"() ({
        %run_scoped3A_131 = tpu.sem_alloc : memref<!tpu.dma_semaphore, #tpu.memory_space<semaphore_mem>>
        %dma_start3A_132 = arith.constant 0 : i32
        %dma_start3A_133 = arith.constant 0 : i32
        %dma_start3A_134 = tpu.memref_slice %arg9[%run_scoped3A_123, %dma_start3A_132, %dma_start3A_133] : memref<2x128x128xf32, #tpu.memory_space<vmem>> -> memref<1x128x128xf32, #tpu.memory_space<vmem>>
        %dma_start3A_135 = tpu.memref_squeeze %dma_start3A_134 : memref<1x128x128xf32, #tpu.memory_space<vmem>> -> memref<128x128xf32, #tpu.memory_space<vmem>>
        %dma_start3A_136 = arith.constant 0 : i32
        %dma_start3A_137 = tpu.memref_slice %arg10[%add3A_122, %dma_start3A_136] : memref<10240x128xf32, #tpu.memory_space<vmem_shared>> -> memref<128x128xf32, #tpu.memory_space<vmem_shared>>
        %dma_start3A_138 = arith.constant 0 : i32
        %dma_start3A_139 = arith.constant 0 : i32
        %dma_start3A_140 = tpu.memref_slice %arg9[%run_scoped3A_123, %dma_start3A_138, %dma_start3A_139] : memref<2x128x128xf32, #tpu.memory_space<vmem>> -> memref<1x128x128xf32, #tpu.memory_space<vmem>>
        %dma_start3A_141 = tpu.memref_squeeze %dma_start3A_140 : memref<1x128x128xf32, #tpu.memory_space<vmem>> -> memref<128x128xf32, #tpu.memory_space<vmem>>
        %dma_start3A_142 = arith.constant 0 : i32
        %dma_start3A_143 = tpu.memref_slice %arg10[%add3A_122, %dma_start3A_142] : memref<10240x128xf32, #tpu.memory_space<vmem_shared>> -> memref<128x128xf32, #tpu.memory_space<vmem_shared>>
        tpu.enqueue_dma source(%dma_start3A_143 : memref<128x128xf32, #tpu.memory_space<vmem_shared>>) target(%dma_start3A_141 : memref<128x128xf32, #tpu.memory_space<vmem>>) target_semaphore(%run_scoped3A_131 : memref<!tpu.dma_semaphore, #tpu.memory_space<semaphore_mem>>)
        %dma_wait3A = arith.constant 0 : i32
        %dma_wait3A_144 = arith.constant 0 : i32
        %dma_wait3A_145 = tpu.memref_slice %arg9[%run_scoped3A_123, %dma_wait3A, %dma_wait3A_144] : memref<2x128x128xf32, #tpu.memory_space<vmem>> -> memref<1x128x128xf32, #tpu.memory_space<vmem>>
        %dma_wait3A_146 = tpu.memref_squeeze %dma_wait3A_145 : memref<1x128x128xf32, #tpu.memory_space<vmem>> -> memref<128x128xf32, #tpu.memory_space<vmem>>
        %dma_wait3A_147 = arith.constant 0 : i32
        %dma_wait3A_148 = tpu.memref_slice %arg10[%add3A_122, %dma_wait3A_147] : memref<10240x128xf32, #tpu.memory_space<vmem_shared>> -> memref<128x128xf32, #tpu.memory_space<vmem_shared>>
        %dma_wait3A_149 = arith.constant 0 : i32
        %dma_wait3A_150 = arith.constant 0 : i32
        %dma_wait3A_151 = tpu.memref_slice %arg9[%run_scoped3A_123, %dma_wait3A_149, %dma_wait3A_150] : memref<2x128x128xf32, #tpu.memory_space<vmem>> -> memref<1x128x128xf32, #tpu.memory_space<vmem>>
        %dma_wait3A_152 = tpu.memref_squeeze %dma_wait3A_151 : memref<1x128x128xf32, #tpu.memory_space<vmem>> -> memref<128x128xf32, #tpu.memory_space<vmem>>
        %dma_wait3A_153 = arith.constant 0 : i32
        %dma_wait3A_154 = tpu.memref_slice %arg10[%add3A_122, %dma_wait3A_153] : memref<10240x128xf32, #tpu.memory_space<vmem_shared>> -> memref<128x128xf32, #tpu.memory_space<vmem_shared>>
        tpu.wait_dma2 semaphore(%run_scoped3A_131 : memref<!tpu.dma_semaphore, #tpu.memory_space<semaphore_mem>>) src(%dma_wait3A_154 : memref<128x128xf32, #tpu.memory_space<vmem_shared>>) dst(%dma_wait3A_152 : memref<128x128xf32, #tpu.memory_space<vmem>>)
        tpu.yield
      }) : () -> ()
      %run_scoped3A_124 = arith.constant 0 : i32
      "tpu.region"() ({
        %run_scoped3A_131 = tpu.sem_alloc : memref<!tpu.dma_semaphore, #tpu.memory_space<semaphore_mem>>
        %dma_start3A_132 = arith.constant 0 : i32
        %dma_start3A_133 = arith.constant 0 : i32
        %dma_start3A_134 = tpu.memref_slice %arg9[%run_scoped3A_124, %dma_start3A_132, %dma_start3A_133] : memref<2x128x128xf32, #tpu.memory_space<vmem>> -> memref<1x128x128xf32, #tpu.memory_space<vmem>>
        %dma_start3A_135 = tpu.memref_squeeze %dma_start3A_134 : memref<1x128x128xf32, #tpu.memory_space<vmem>> -> memref<128x128xf32, #tpu.memory_space<vmem>>
        %dma_start3A_136 = arith.constant 0 : i32
        %dma_start3A_137 = tpu.memref_slice %arg7[%add3A_122, %dma_start3A_136] : memref<10240x128xf32, #tpu.memory_space<hbm>> -> memref<128x128xf32, #tpu.memory_space<hbm>>
        %dma_start3A_138 = arith.constant 0 : i32
        %dma_start3A_139 = tpu.memref_slice %arg7[%add3A_122, %dma_start3A_138] : memref<10240x128xf32, #tpu.memory_space<hbm>> -> memref<128x128xf32, #tpu.memory_space<hbm>>
        %dma_start3A_140 = arith.constant 0 : i32
        %dma_start3A_141 = arith.constant 0 : i32
        %dma_start3A_142 = tpu.memref_slice %arg9[%run_scoped3A_124, %dma_start3A_140, %dma_start3A_141] : memref<2x128x128xf32, #tpu.memory_space<vmem>> -> memref<1x128x128xf32, #tpu.memory_space<vmem>>
        %dma_start3A_143 = tpu.memref_squeeze %dma_start3A_142 : memref<1x128x128xf32, #tpu.memory_space<vmem>> -> memref<128x128xf32, #tpu.memory_space<vmem>>
        tpu.enqueue_dma source(%dma_start3A_143 : memref<128x128xf32, #tpu.memory_space<vmem>>) target(%dma_start3A_139 : memref<128x128xf32, #tpu.memory_space<hbm>>) target_semaphore(%run_scoped3A_131 : memref<!tpu.dma_semaphore, #tpu.memory_space<semaphore_mem>>)
        %dma_wait3A = arith.constant 0 : i32
        %dma_wait3A_144 = arith.constant 0 : i32
        %dma_wait3A_145 = tpu.memref_slice %arg9[%run_scoped3A_124, %dma_wait3A, %dma_wait3A_144] : memref<2x128x128xf32, #tpu.memory_space<vmem>> -> memref<1x128x128xf32, #tpu.memory_space<vmem>>
        %dma_wait3A_146 = tpu.memref_squeeze %dma_wait3A_145 : memref<1x128x128xf32, #tpu.memory_space<vmem>> -> memref<128x128xf32, #tpu.memory_space<vmem>>
        %dma_wait3A_147 = arith.constant 0 : i32
        %dma_wait3A_148 = tpu.memref_slice %arg7[%add3A_122, %dma_wait3A_147] : memref<10240x128xf32, #tpu.memory_space<hbm>> -> memref<128x128xf32, #tpu.memory_space<hbm>>
        %dma_wait3A_149 = arith.constant 0 : i32
        %dma_wait3A_150 = tpu.memref_slice %arg7[%add3A_122, %dma_wait3A_149] : memref<10240x128xf32, #tpu.memory_space<hbm>> -> memref<128x128xf32, #tpu.memory_space<hbm>>
        %dma_wait3A_151 = arith.constant 0 : i32
        %dma_wait3A_152 = arith.constant 0 : i32
        %dma_wait3A_153 = tpu.memref_slice %arg9[%run_scoped3A_124, %dma_wait3A_151, %dma_wait3A_152] : memref<2x128x128xf32, #tpu.memory_space<vmem>> -> memref<1x128x128xf32, #tpu.memory_space<vmem>>
        %dma_wait3A_154 = tpu.memref_squeeze %dma_wait3A_153 : memref<1x128x128xf32, #tpu.memory_space<vmem>> -> memref<128x128xf32, #tpu.memory_space<vmem>>
        tpu.wait_dma2 semaphore(%run_scoped3A_131 : memref<!tpu.dma_semaphore, #tpu.memory_space<semaphore_mem>>) src(%dma_wait3A_154 : memref<128x128xf32, #tpu.memory_space<vmem>>) dst(%dma_wait3A_150 : memref<128x128xf32, #tpu.memory_space<hbm>>)
        tpu.yield
      }) : () -> ()
      %mul3A_125 = arith.constant 640 : i32
      %mul3A_126 = arith.muli %arg1, %mul3A_125 : i32
      %add3A_127 = arith.constant 512 : i32
      %add3A_128 = arith.addi %mul3A_126, %add3A_127 : i32
      %run_scoped3A_129 = arith.constant 0 : i32
      "tpu.region"() ({
        %run_scoped3A_131 = tpu.sem_alloc : memref<!tpu.dma_semaphore, #tpu.memory_space<semaphore_mem>>
        %dma_start3A_132 = arith.constant 0 : i32
        %dma_start3A_133 = arith.constant 0 : i32
        %dma_start3A_134 = tpu.memref_slice %arg9[%run_scoped3A_129, %dma_start3A_132, %dma_start3A_133] : memref<2x128x128xf32, #tpu.memory_space<vmem>> -> memref<1x128x128xf32, #tpu.memory_space<vmem>>
        %dma_start3A_135 = tpu.memref_squeeze %dma_start3A_134 : memref<1x128x128xf32, #tpu.memory_space<vmem>> -> memref<128x128xf32, #tpu.memory_space<vmem>>
        %dma_start3A_136 = arith.constant 0 : i32
        %dma_start3A_137 = tpu.memref_slice %arg10[%add3A_128, %dma_start3A_136] : memref<10240x128xf32, #tpu.memory_space<vmem_shared>> -> memref<128x128xf32, #tpu.memory_space<vmem_shared>>
        %dma_start3A_138 = arith.constant 0 : i32
        %dma_start3A_139 = arith.constant 0 : i32
        %dma_start3A_140 = tpu.memref_slice %arg9[%run_scoped3A_129, %dma_start3A_138, %dma_start3A_139] : memref<2x128x128xf32, #tpu.memory_space<vmem>> -> memref<1x128x128xf32, #tpu.memory_space<vmem>>
        %dma_start3A_141 = tpu.memref_squeeze %dma_start3A_140 : memref<1x128x128xf32, #tpu.memory_space<vmem>> -> memref<128x128xf32, #tpu.memory_space<vmem>>
        %dma_start3A_142 = arith.constant 0 : i32
        %dma_start3A_143 = tpu.memref_slice %arg10[%add3A_128, %dma_start3A_142] : memref<10240x128xf32, #tpu.memory_space<vmem_shared>> -> memref<128x128xf32, #tpu.memory_space<vmem_shared>>
        tpu.enqueue_dma source(%dma_start3A_143 : memref<128x128xf32, #tpu.memory_space<vmem_shared>>) target(%dma_start3A_141 : memref<128x128xf32, #tpu.memory_space<vmem>>) target_semaphore(%run_scoped3A_131 : memref<!tpu.dma_semaphore, #tpu.memory_space<semaphore_mem>>)
        %dma_wait3A = arith.constant 0 : i32
        %dma_wait3A_144 = arith.constant 0 : i32
        %dma_wait3A_145 = tpu.memref_slice %arg9[%run_scoped3A_129, %dma_wait3A, %dma_wait3A_144] : memref<2x128x128xf32, #tpu.memory_space<vmem>> -> memref<1x128x128xf32, #tpu.memory_space<vmem>>
        %dma_wait3A_146 = tpu.memref_squeeze %dma_wait3A_145 : memref<1x128x128xf32, #tpu.memory_space<vmem>> -> memref<128x128xf32, #tpu.memory_space<vmem>>
        %dma_wait3A_147 = arith.constant 0 : i32
        %dma_wait3A_148 = tpu.memref_slice %arg10[%add3A_128, %dma_wait3A_147] : memref<10240x128xf32, #tpu.memory_space<vmem_shared>> -> memref<128x128xf32, #tpu.memory_space<vmem_shared>>
        %dma_wait3A_149 = arith.constant 0 : i32
        %dma_wait3A_150 = arith.constant 0 : i32
        %dma_wait3A_151 = tpu.memref_slice %arg9[%run_scoped3A_129, %dma_wait3A_149, %dma_wait3A_150] : memref<2x128x128xf32, #tpu.memory_space<vmem>> -> memref<1x128x128xf32, #tpu.memory_space<vmem>>
        %dma_wait3A_152 = tpu.memref_squeeze %dma_wait3A_151 : memref<1x128x128xf32, #tpu.memory_space<vmem>> -> memref<128x128xf32, #tpu.memory_space<vmem>>
        %dma_wait3A_153 = arith.constant 0 : i32
        %dma_wait3A_154 = tpu.memref_slice %arg10[%add3A_128, %dma_wait3A_153] : memref<10240x128xf32, #tpu.memory_space<vmem_shared>> -> memref<128x128xf32, #tpu.memory_space<vmem_shared>>
        tpu.wait_dma2 semaphore(%run_scoped3A_131 : memref<!tpu.dma_semaphore, #tpu.memory_space<semaphore_mem>>) src(%dma_wait3A_154 : memref<128x128xf32, #tpu.memory_space<vmem_shared>>) dst(%dma_wait3A_152 : memref<128x128xf32, #tpu.memory_space<vmem>>)
        tpu.yield
      }) : () -> ()
      %run_scoped3A_130 = arith.constant 0 : i32
      "tpu.region"() ({
        %run_scoped3A_131 = tpu.sem_alloc : memref<!tpu.dma_semaphore, #tpu.memory_space<semaphore_mem>>
        %dma_start3A_132 = arith.constant 0 : i32
        %dma_start3A_133 = arith.constant 0 : i32
        %dma_start3A_134 = tpu.memref_slice %arg9[%run_scoped3A_130, %dma_start3A_132, %dma_start3A_133] : memref<2x128x128xf32, #tpu.memory_space<vmem>> -> memref<1x128x128xf32, #tpu.memory_space<vmem>>
        %dma_start3A_135 = tpu.memref_squeeze %dma_start3A_134 : memref<1x128x128xf32, #tpu.memory_space<vmem>> -> memref<128x128xf32, #tpu.memory_space<vmem>>
        %dma_start3A_136 = arith.constant 0 : i32
        %dma_start3A_137 = tpu.memref_slice %arg7[%add3A_128, %dma_start3A_136] : memref<10240x128xf32, #tpu.memory_space<hbm>> -> memref<128x128xf32, #tpu.memory_space<hbm>>
        %dma_start3A_138 = arith.constant 0 : i32
        %dma_start3A_139 = tpu.memref_slice %arg7[%add3A_128, %dma_start3A_138] : memref<10240x128xf32, #tpu.memory_space<hbm>> -> memref<128x128xf32, #tpu.memory_space<hbm>>
        %dma_start3A_140 = arith.constant 0 : i32
        %dma_start3A_141 = arith.constant 0 : i32
        %dma_start3A_142 = tpu.memref_slice %arg9[%run_scoped3A_130, %dma_start3A_140, %dma_start3A_141] : memref<2x128x128xf32, #tpu.memory_space<vmem>> -> memref<1x128x128xf32, #tpu.memory_space<vmem>>
        %dma_start3A_143 = tpu.memref_squeeze %dma_start3A_142 : memref<1x128x128xf32, #tpu.memory_space<vmem>> -> memref<128x128xf32, #tpu.memory_space<vmem>>
        tpu.enqueue_dma source(%dma_start3A_143 : memref<128x128xf32, #tpu.memory_space<vmem>>) target(%dma_start3A_139 : memref<128x128xf32, #tpu.memory_space<hbm>>) target_semaphore(%run_scoped3A_131 : memref<!tpu.dma_semaphore, #tpu.memory_space<semaphore_mem>>)
        %dma_wait3A = arith.constant 0 : i32
        %dma_wait3A_144 = arith.constant 0 : i32
        %dma_wait3A_145 = tpu.memref_slice %arg9[%run_scoped3A_130, %dma_wait3A, %dma_wait3A_144] : memref<2x128x128xf32, #tpu.memory_space<vmem>> -> memref<1x128x128xf32, #tpu.memory_space<vmem>>
        %dma_wait3A_146 = tpu.memref_squeeze %dma_wait3A_145 : memref<1x128x128xf32, #tpu.memory_space<vmem>> -> memref<128x128xf32, #tpu.memory_space<vmem>>
        %dma_wait3A_147 = arith.constant 0 : i32
        %dma_wait3A_148 = tpu.memref_slice %arg7[%add3A_128, %dma_wait3A_147] : memref<10240x128xf32, #tpu.memory_space<hbm>> -> memref<128x128xf32, #tpu.memory_space<hbm>>
        %dma_wait3A_149 = arith.constant 0 : i32
        %dma_wait3A_150 = tpu.memref_slice %arg7[%add3A_128, %dma_wait3A_149] : memref<10240x128xf32, #tpu.memory_space<hbm>> -> memref<128x128xf32, #tpu.memory_space<hbm>>
        %dma_wait3A_151 = arith.constant 0 : i32
        %dma_wait3A_152 = arith.constant 0 : i32
        %dma_wait3A_153 = tpu.memref_slice %arg9[%run_scoped3A_130, %dma_wait3A_151, %dma_wait3A_152] : memref<2x128x128xf32, #tpu.memory_space<vmem>> -> memref<1x128x128xf32, #tpu.memory_space<vmem>>
        %dma_wait3A_154 = tpu.memref_squeeze %dma_wait3A_153 : memref<1x128x128xf32, #tpu.memory_space<vmem>> -> memref<128x128xf32, #tpu.memory_space<vmem>>
        tpu.wait_dma2 semaphore(%run_scoped3A_131 : memref<!tpu.dma_semaphore, #tpu.memory_space<semaphore_mem>>) src(%dma_wait3A_154 : memref<128x128xf32, #tpu.memory_space<vmem>>) dst(%dma_wait3A_150 : memref<128x128xf32, #tpu.memory_space<hbm>>)
        tpu.yield
      }) : () -> ()
    } else {
    }
    return
  }
}

module attributes {stable_mosaic.version = 14 : i64} {
  func.func @kern(%arg0: i32, %arg1: memref<8000x128xf32, #tpu.memory_space<vmem>>, %arg2: memref<128x128xf32, #tpu.memory_space<vmem>>, %arg3: memref<1x128xf32, #tpu.memory_space<vmem>>) attributes {dimension_semantics = [#tpu.dimension_semantics<arbitrary>], iteration_bounds = array<i64: 40>, scalar_prefetch = 0 : i64, scratch_operands = 0 : i64, tpu.core_type = #tpu.core_type<tc>, window_params = [{transform_indices = @transform_0, window_bounds = array<i64: 8000, 128>}, {pipeline_mode = #tpu.pipeline_mode<synchronous>, transform_indices = @transform_1, window_bounds = array<i64: 128, 128>}, {pipeline_mode = #tpu.pipeline_mode<synchronous>, transform_indices = @transform_2, window_bounds = array<i64: 1, 128>}]} {
    %get3A = arith.constant 0 : index
    %get3A_0 = arith.constant 0 : index
    %get3A_1 = vector.load %arg1[%get3A, %get3A_0] : memref<8000x128xf32, #tpu.memory_space<vmem>>, vector<8000x128xf32>
    %dot_general3A = arith.constant dense<0.000000e+00> : vector<128x128xf32>
    %dot_general3A_2 = tpu.matmul %get3A_1, %get3A_1, %dot_general3A {dimension_numbers = #tpu.dot_dimension_numbers<[0], [0], [1], [1], [0, 1, 1, 1], [], []>, transpose_lhs_hint = false} : vector<8000x128xf32>, vector<8000x128xf32>, vector<128x128xf32> -> vector<128x128xf32>
    %reduce_sum3A = arith.constant dense<0.000000e+00> : vector<128xf32>
    %reduce_sum3A_3 = vector.multi_reduction <add>, %get3A_1, %reduce_sum3A [0] : vector<8000x128xf32> to vector<128xf32>
    %broadcast_in_dim3A = vector.shape_cast %reduce_sum3A_3 : vector<128xf32> to vector<1x128xf32>
    %eq3A = arith.constant 0 : i32
    %eq3A_4 = arith.cmpi eq, %arg0, %eq3A : i32
    %convert_element_type3A = arith.extui %eq3A_4 : i1 to i32
    %cond3A = arith.constant 0 : i32
    %cond3A_5 = arith.cmpi ne, %convert_element_type3A, %cond3A : i32
    scf.if %cond3A_5 {
      %swap3A = arith.constant 0 : index
      %swap3A_10 = arith.constant 0 : index
      %swap3A_11 = vector.load %arg2[%swap3A, %swap3A_10] : memref<128x128xf32, #tpu.memory_space<vmem>>, vector<128x128xf32>
      tpu.vector_store %arg2[%swap3A, %swap3A_10], %dot_general3A_2 {strides = array<i32>} : memref<128x128xf32, #tpu.memory_space<vmem>>, vector<128x128xf32>,
      %swap3A_12 = arith.constant 0 : index
      %swap3A_13 = arith.constant 0 : index
      %swap3A_14 = vector.load %arg3[%swap3A_12, %swap3A_13] : memref<1x128xf32, #tpu.memory_space<vmem>>, vector<1x128xf32>
      tpu.vector_store %arg3[%swap3A_12, %swap3A_13], %broadcast_in_dim3A {strides = array<i32>} : memref<1x128xf32, #tpu.memory_space<vmem>>, vector<1x128xf32>,
    } else {
    }
    %gt3A = arith.constant 0 : i32
    %gt3A_6 = arith.cmpi sgt, %arg0, %gt3A : i32
    %convert_element_type3A_7 = arith.extui %gt3A_6 : i1 to i32
    %cond3A_8 = arith.constant 0 : i32
    %cond3A_9 = arith.cmpi ne, %convert_element_type3A_7, %cond3A_8 : i32
    scf.if %cond3A_9 {
      %get3A_10 = arith.constant 0 : index
      %get3A_11 = arith.constant 0 : index
      %get3A_12 = vector.load %arg2[%get3A_10, %get3A_11] : memref<128x128xf32, #tpu.memory_space<vmem>>, vector<128x128xf32>
      %add3A = arith.addf %get3A_12, %dot_general3A_2 : vector<128x128xf32>
      %swap3A = arith.constant 0 : index
      %swap3A_13 = arith.constant 0 : index
      %swap3A_14 = vector.load %arg2[%swap3A, %swap3A_13] : memref<128x128xf32, #tpu.memory_space<vmem>>, vector<128x128xf32>
      tpu.vector_store %arg2[%swap3A, %swap3A_13], %add3A {strides = array<i32>} : memref<128x128xf32, #tpu.memory_space<vmem>>, vector<128x128xf32>,
      %get3A_15 = arith.constant 0 : index
      %get3A_16 = arith.constant 0 : index
      %get3A_17 = vector.load %arg3[%get3A_15, %get3A_16] : memref<1x128xf32, #tpu.memory_space<vmem>>, vector<1x128xf32>
      %add3A_18 = arith.addf %get3A_17, %broadcast_in_dim3A : vector<1x128xf32>
      %swap3A_19 = arith.constant 0 : index
      %swap3A_20 = arith.constant 0 : index
      %swap3A_21 = vector.load %arg3[%swap3A_19, %swap3A_20] : memref<1x128xf32, #tpu.memory_space<vmem>>, vector<1x128xf32>
      tpu.vector_store %arg3[%swap3A_19, %swap3A_20], %add3A_18 {strides = array<i32>} : memref<1x128xf32, #tpu.memory_space<vmem>>, vector<1x128xf32>,
    } else {
    }
    return
  }
  func.func @transform_0(%arg0: i32) -> (i32, i32) {
    %c0_i32 = arith.constant 0 : i32
    %c0_i32_0 = arith.constant 0 : i32
    return %arg0, %c0_i32 : i32, i32
  }
  func.func @transform_1(%arg0: i32) -> (i32, i32) {
    %c0_i32 = arith.constant 0 : i32
    %c0_i32_0 = arith.constant 0 : i32
    %c0_i32_1 = arith.constant 0 : i32
    return %c0_i32, %c0_i32_0 : i32, i32
  }
  func.func @transform_2(%arg0: i32) -> (i32, i32) {
    %c0_i32 = arith.constant 0 : i32
    %c0_i32_0 = arith.constant 0 : i32
    %c0_i32_1 = arith.constant 0 : i32
    return %c0_i32, %c0_i32_0 : i32, i32
  }
}

module attributes {stable_mosaic.version = 14 : i64} {
  func.func @kern(%arg0: memref<128x128xf32, #tpu.memory_space<vmem>>, %arg1: memref<1x128xf32, #tpu.memory_space<vmem>>, %arg2: memref<128x128xf32, #tpu.memory_space<vmem>>, %arg3: memref<128x128xf32, #tpu.memory_space<vmem>>, %arg4: memref<128x128xf32, #tpu.memory_space<vmem>>, %arg5: memref<1x128xf32, #tpu.memory_space<vmem>>, %arg6: memref<1x128xf32, #tpu.memory_space<vmem>>, %arg7: memref<1x128xf32, #tpu.memory_space<vmem>>, %arg8: memref<128x128xf32, #tpu.memory_space<vmem>>, %arg9: memref<128x128xf32, #tpu.memory_space<vmem>>, %arg10: memref<1x128xf32, #tpu.memory_space<vmem>>, %arg11: memref<1x128xf32, #tpu.memory_space<vmem>>) attributes {dimension_semantics = [], scalar_prefetch = 0 : i64, scratch_operands = 0 : i64, tpu.core_type = #tpu.core_type<tc>} {
    %get3A = arith.constant 0 : index
    %get3A_0 = arith.constant 0 : index
    %get3A_1 = vector.load %arg1[%get3A, %get3A_0] : memref<1x128xf32, #tpu.memory_space<vmem>>, vector<1x128xf32>
    %mul3A = arith.constant 3.125000e-06 : f32
    %mul3A_2 = vector.broadcast %mul3A : f32 to vector<1x128xf32>
    %mul3A_3 = arith.mulf %get3A_1, %mul3A_2 : vector<1x128xf32>
    %get3A_4 = arith.constant 0 : index
    %get3A_5 = arith.constant 0 : index
    %get3A_6 = vector.load %arg2[%get3A_4, %get3A_5] : memref<128x128xf32, #tpu.memory_space<vmem>>, vector<128x128xf32>
    %get3A_7 = arith.constant 0 : index
    %get3A_8 = arith.constant 0 : index
    %get3A_9 = vector.load %arg3[%get3A_7, %get3A_8] : memref<128x128xf32, #tpu.memory_space<vmem>>, vector<128x128xf32>
    %dot_general3A = arith.constant dense<0.000000e+00> : vector<1x128xf32>
    %dot_general3A_10 = tpu.matmul %mul3A_3, %get3A_6, %dot_general3A {dimension_numbers = #tpu.dot_dimension_numbers<[1], [1], [0], [0], [0, 0, 1, 0], [], []>, transpose_lhs_hint = false} : vector<1x128xf32>, vector<128x128xf32>, vector<1x128xf32> -> vector<1x128xf32>
    %get3A_11 = arith.constant 0 : index
    %get3A_12 = arith.constant 0 : index
    %get3A_13 = vector.load %arg0[%get3A_11, %get3A_12] : memref<128x128xf32, #tpu.memory_space<vmem>>, vector<128x128xf32>
    %dot_general3A_14 = arith.constant dense<0.000000e+00> : vector<128x128xf32>
    %dot_general3A_15 = tpu.matmul %get3A_13, %get3A_6, %dot_general3A_14 {dimension_numbers = #tpu.dot_dimension_numbers<[1], [1], [0], [0], [0, 0, 1, 0], [], []>, transpose_lhs_hint = false} : vector<128x128xf32>, vector<128x128xf32>, vector<128x128xf32> -> vector<128x128xf32>
    %mul3A_16 = arith.mulf %get3A_9, %dot_general3A_15 : vector<128x128xf32>
    %reduce_sum3A = arith.constant dense<0.000000e+00> : vector<128xf32>
    %reduce_sum3A_17 = vector.multi_reduction <add>, %mul3A_16, %reduce_sum3A [0] : vector<128x128xf32> to vector<128xf32>
    %broadcast_in_dim3A = vector.shape_cast %reduce_sum3A_17 : vector<128xf32> to vector<1x128xf32>
    %mul3A_18 = arith.constant 3.125000e-06 : f32
    %mul3A_19 = vector.broadcast %mul3A_18 : f32 to vector<1x128xf32>
    %mul3A_20 = arith.mulf %broadcast_in_dim3A, %mul3A_19 : vector<1x128xf32>
    %mul3A_21 = arith.mulf %dot_general3A_10, %dot_general3A_10 : vector<1x128xf32>
    %sub3A = arith.subf %mul3A_20, %mul3A_21 : vector<1x128xf32>
    %get3A_22 = arith.constant 0 : index
    %get3A_23 = arith.constant 0 : index
    %get3A_24 = vector.load %arg5[%get3A_22, %get3A_23] : memref<1x128xf32, #tpu.memory_space<vmem>>, vector<1x128xf32>
    %add3A = arith.constant 1.000000e-03 : f32
    %add3A_25 = vector.broadcast %add3A : f32 to vector<1x128xf32>
    %add3A_26 = arith.addf %sub3A, %add3A_25 : vector<1x128xf32>
    %sqrt3A = math.sqrt %add3A_26 : vector<1x128xf32>
    %div3A = arith.divf %get3A_24, %sqrt3A : vector<1x128xf32>
    %get3A_27 = arith.constant 0 : index
    %get3A_28 = arith.constant 0 : index
    %get3A_29 = vector.load %arg6[%get3A_27, %get3A_28] : memref<1x128xf32, #tpu.memory_space<vmem>>, vector<1x128xf32>
    %mul3A_30 = arith.mulf %div3A, %dot_general3A_10 : vector<1x128xf32>
    %sub3A_31 = arith.subf %get3A_29, %mul3A_30 : vector<1x128xf32>
    %mul3A_32 = vector.broadcast %div3A : vector<1x128xf32> to vector<128x128xf32>
    %mul3A_33 = arith.mulf %get3A_9, %mul3A_32 : vector<128x128xf32>
    %get3A_34 = arith.constant 0 : index
    %get3A_35 = arith.constant 0 : index
    %get3A_36 = vector.load %arg4[%get3A_34, %get3A_35] : memref<128x128xf32, #tpu.memory_space<vmem>>, vector<128x128xf32>
    %dot_general3A_37 = arith.constant dense<0.000000e+00> : vector<128x128xf32>
    %dot_general3A_38 = tpu.matmul %mul3A_33, %get3A_36, %dot_general3A_37 {dimension_numbers = #tpu.dot_dimension_numbers<[1], [1], [0], [0], [0, 0, 1, 0], [], []>, transpose_lhs_hint = false} : vector<128x128xf32>, vector<128x128xf32>, vector<128x128xf32> -> vector<128x128xf32>
    %get3A_39 = arith.constant 0 : index
    %get3A_40 = arith.constant 0 : index
    %get3A_41 = vector.load %arg4[%get3A_39, %get3A_40] : memref<128x128xf32, #tpu.memory_space<vmem>>, vector<128x128xf32>
    %dot_general3A_42 = arith.constant dense<0.000000e+00> : vector<1x128xf32>
    %dot_general3A_43 = tpu.matmul %sub3A_31, %get3A_41, %dot_general3A_42 {dimension_numbers = #tpu.dot_dimension_numbers<[1], [1], [0], [0], [0, 0, 1, 0], [], []>, transpose_lhs_hint = false} : vector<1x128xf32>, vector<128x128xf32>, vector<1x128xf32> -> vector<1x128xf32>
    %get3A_44 = arith.constant 0 : index
    %get3A_45 = arith.constant 0 : index
    %get3A_46 = vector.load %arg7[%get3A_44, %get3A_45] : memref<1x128xf32, #tpu.memory_space<vmem>>, vector<1x128xf32>
    %add3A_47 = arith.addf %dot_general3A_43, %get3A_46 : vector<1x128xf32>
    %swap3A = arith.constant 0 : index
    %swap3A_48 = arith.constant 0 : index
    %swap3A_49 = vector.load %arg8[%swap3A, %swap3A_48] : memref<128x128xf32, #tpu.memory_space<vmem>>, vector<128x128xf32>
    tpu.vector_store %arg8[%swap3A, %swap3A_48], %mul3A_33 {strides = array<i32>} : memref<128x128xf32, #tpu.memory_space<vmem>>, vector<128x128xf32>,
    %swap3A_50 = arith.constant 0 : index
    %swap3A_51 = arith.constant 0 : index
    %swap3A_52 = vector.load %arg9[%swap3A_50, %swap3A_51] : memref<128x128xf32, #tpu.memory_space<vmem>>, vector<128x128xf32>
    tpu.vector_store %arg9[%swap3A_50, %swap3A_51], %dot_general3A_38 {strides = array<i32>} : memref<128x128xf32, #tpu.memory_space<vmem>>, vector<128x128xf32>,
    %swap3A_53 = arith.constant 0 : index
    %swap3A_54 = arith.constant 0 : index
    %swap3A_55 = vector.load %arg10[%swap3A_53, %swap3A_54] : memref<1x128xf32, #tpu.memory_space<vmem>>, vector<1x128xf32>
    tpu.vector_store %arg10[%swap3A_53, %swap3A_54], %sub3A_31 {strides = array<i32>} : memref<1x128xf32, #tpu.memory_space<vmem>>, vector<1x128xf32>,
    %swap3A_56 = arith.constant 0 : index
    %swap3A_57 = arith.constant 0 : index
    %swap3A_58 = vector.load %arg11[%swap3A_56, %swap3A_57] : memref<1x128xf32, #tpu.memory_space<vmem>>, vector<1x128xf32>
    tpu.vector_store %arg11[%swap3A_56, %swap3A_57], %add3A_47 {strides = array<i32>} : memref<1x128xf32, #tpu.memory_space<vmem>>, vector<1x128xf32>,
    return
  }
}

module attributes {stable_mosaic.version = 14 : i64} {
  func.func @kern(%arg0: i32, %arg1: memref<4000x128xf32, #tpu.memory_space<vmem>>, %arg2: memref<128x128xf32, #tpu.memory_space<vmem>>, %arg3: memref<128x128xf32, #tpu.memory_space<vmem>>, %arg4: memref<1x128xf32, #tpu.memory_space<vmem>>, %arg5: memref<1x128xf32, #tpu.memory_space<vmem>>, %arg6: memref<4000x128xf32, #tpu.memory_space<vmem>>, %arg7: memref<4000x128xf32, #tpu.memory_space<vmem>>) attributes {dimension_semantics = [#tpu.dimension_semantics<arbitrary>], iteration_bounds = array<i64: 40>, scalar_prefetch = 0 : i64, scratch_operands = 0 : i64, tpu.core_type = #tpu.core_type<tc>, window_params = [{transform_indices = @transform_0, window_bounds = array<i64: 4000, 128>}, {pipeline_mode = #tpu.pipeline_mode<synchronous>, transform_indices = @transform_1, window_bounds = array<i64: 128, 128>}, {pipeline_mode = #tpu.pipeline_mode<synchronous>, transform_indices = @transform_2, window_bounds = array<i64: 128, 128>}, {pipeline_mode = #tpu.pipeline_mode<synchronous>, transform_indices = @transform_3, window_bounds = array<i64: 1, 128>}, {pipeline_mode = #tpu.pipeline_mode<synchronous>, transform_indices = @transform_4, window_bounds = array<i64: 1, 128>}, {transform_indices = @transform_5, window_bounds = array<i64: 4000, 128>}, {transform_indices = @transform_6, window_bounds = array<i64: 4000, 128>}]} {
    %get3A = arith.constant 0 : index
    %get3A_0 = arith.constant 0 : index
    %get3A_1 = vector.load %arg1[%get3A, %get3A_0] : memref<4000x128xf32, #tpu.memory_space<vmem>>, vector<4000x128xf32>
    %get3A_2 = arith.constant 0 : index
    %get3A_3 = arith.constant 0 : index
    %get3A_4 = vector.load %arg2[%get3A_2, %get3A_3] : memref<128x128xf32, #tpu.memory_space<vmem>>, vector<128x128xf32>
    %dot_general3A = arith.constant dense<0.000000e+00> : vector<4000x128xf32>
    %dot_general3A_5 = tpu.matmul %get3A_1, %get3A_4, %dot_general3A {dimension_numbers = #tpu.dot_dimension_numbers<[1], [0], [0], [1], [0, 0, 1, 1], [], []>, transpose_lhs_hint = false} : vector<4000x128xf32>, vector<128x128xf32>, vector<4000x128xf32> -> vector<4000x128xf32>
    %get3A_6 = arith.constant 0 : index
    %get3A_7 = arith.constant 0 : index
    %get3A_8 = vector.load %arg4[%get3A_6, %get3A_7] : memref<1x128xf32, #tpu.memory_space<vmem>>, vector<1x128xf32>
    %add3A = vector.broadcast %get3A_8 : vector<1x128xf32> to vector<4000x128xf32>
    %add3A_9 = arith.addf %dot_general3A_5, %add3A : vector<4000x128xf32>
    %get3A_10 = arith.constant 0 : index
    %get3A_11 = arith.constant 0 : index
    %get3A_12 = vector.load %arg3[%get3A_10, %get3A_11] : memref<128x128xf32, #tpu.memory_space<vmem>>, vector<128x128xf32>
    %dot_general3A_13 = arith.constant dense<0.000000e+00> : vector<4000x128xf32>
    %dot_general3A_14 = tpu.matmul %get3A_1, %get3A_12, %dot_general3A_13 {dimension_numbers = #tpu.dot_dimension_numbers<[1], [0], [0], [1], [0, 0, 1, 1], [], []>, transpose_lhs_hint = false} : vector<4000x128xf32>, vector<128x128xf32>, vector<4000x128xf32> -> vector<4000x128xf32>
    %get3A_15 = arith.constant 0 : index
    %get3A_16 = arith.constant 0 : index
    %get3A_17 = vector.load %arg5[%get3A_15, %get3A_16] : memref<1x128xf32, #tpu.memory_space<vmem>>, vector<1x128xf32>
    %add3A_18 = vector.broadcast %get3A_17 : vector<1x128xf32> to vector<4000x128xf32>
    %add3A_19 = arith.addf %dot_general3A_14, %add3A_18 : vector<4000x128xf32>
    %mul3A = arith.constant 0.636619746 : f32
    %mul3A_20 = vector.broadcast %mul3A : f32 to vector<4000x128xf32>
    %mul3A_21 = arith.mulf %add3A_19, %mul3A_20 : vector<4000x128xf32>
    %round3A = math.roundeven %mul3A_21 : vector<4000x128xf32>
    %mul3A_22 = arith.constant 1.5703125 : f32
    %mul3A_23 = vector.broadcast %mul3A_22 : f32 to vector<4000x128xf32>
    %mul3A_24 = arith.mulf %round3A, %mul3A_23 : vector<4000x128xf32>
    %sub3A = arith.subf %add3A_19, %mul3A_24 : vector<4000x128xf32>
    %mul3A_25 = arith.constant 4.83751297E-4 : f32
    %mul3A_26 = vector.broadcast %mul3A_25 : f32 to vector<4000x128xf32>
    %mul3A_27 = arith.mulf %round3A, %mul3A_26 : vector<4000x128xf32>
    %sub3A_28 = arith.subf %sub3A, %mul3A_27 : vector<4000x128xf32>
    %mul3A_29 = arith.constant 7.549790e-08 : f32
    %mul3A_30 = vector.broadcast %mul3A_29 : f32 to vector<4000x128xf32>
    %mul3A_31 = arith.mulf %round3A, %mul3A_30 : vector<4000x128xf32>
    %sub3A_32 = arith.subf %sub3A_28, %mul3A_31 : vector<4000x128xf32>
    %convert_element_type3A = arith.fptosi %round3A : vector<4000x128xf32> to vector<4000x128xi32>
    %mul3A_33 = arith.mulf %sub3A_32, %sub3A_32 : vector<4000x128xf32>
    %mul3A_34 = arith.constant -1.95152956E-4 : f32
    %mul3A_35 = vector.broadcast %mul3A_34 : f32 to vector<4000x128xf32>
    %mul3A_36 = arith.mulf %mul3A_33, %mul3A_35 : vector<4000x128xf32>
    %add3A_37 = arith.constant 0.00833216123 : f32
    %add3A_38 = vector.broadcast %add3A_37 : f32 to vector<4000x128xf32>
    %add3A_39 = arith.addf %add3A_38, %mul3A_36 : vector<4000x128xf32>
    %mul3A_40 = arith.mulf %mul3A_33, %add3A_39 : vector<4000x128xf32>
    %add3A_41 = arith.constant -0.166666552 : f32
    %add3A_42 = vector.broadcast %add3A_41 : f32 to vector<4000x128xf32>
    %add3A_43 = arith.addf %add3A_42, %mul3A_40 : vector<4000x128xf32>
    %mul3A_44 = arith.mulf %mul3A_33, %add3A_43 : vector<4000x128xf32>
    %add3A_45 = arith.constant 1.000000e+00 : f32
    %add3A_46 = vector.broadcast %add3A_45 : f32 to vector<4000x128xf32>
    %add3A_47 = arith.addf %add3A_46, %mul3A_44 : vector<4000x128xf32>
    %mul3A_48 = arith.mulf %sub3A_32, %add3A_47 : vector<4000x128xf32>
    %mul3A_49 = arith.constant 2.44331568E-5 : f32
    %mul3A_50 = vector.broadcast %mul3A_49 : f32 to vector<4000x128xf32>
    %mul3A_51 = arith.mulf %mul3A_33, %mul3A_50 : vector<4000x128xf32>
    %add3A_52 = arith.constant -0.00138873165 : f32
    %add3A_53 = vector.broadcast %add3A_52 : f32 to vector<4000x128xf32>
    %add3A_54 = arith.addf %add3A_53, %mul3A_51 : vector<4000x128xf32>
    %mul3A_55 = arith.mulf %mul3A_33, %add3A_54 : vector<4000x128xf32>
    %add3A_56 = arith.constant 0.0416666456 : f32
    %add3A_57 = vector.broadcast %add3A_56 : f32 to vector<4000x128xf32>
    %add3A_58 = arith.addf %add3A_57, %mul3A_55 : vector<4000x128xf32>
    %mul3A_59 = arith.mulf %mul3A_33, %add3A_58 : vector<4000x128xf32>
    %add3A_60 = arith.constant -5.000000e-01 : f32
    %add3A_61 = vector.broadcast %add3A_60 : f32 to vector<4000x128xf32>
    %add3A_62 = arith.addf %add3A_61, %mul3A_59 : vector<4000x128xf32>
    %mul3A_63 = arith.mulf %mul3A_33, %add3A_62 : vector<4000x128xf32>
    %add3A_64 = arith.constant 1.000000e+00 : f32
    %add3A_65 = vector.broadcast %add3A_64 : f32 to vector<4000x128xf32>
    %add3A_66 = arith.addf %add3A_65, %mul3A_63 : vector<4000x128xf32>
    %and3A = arith.constant 1 : i32
    %and3A_67 = vector.broadcast %and3A : i32 to vector<4000x128xi32>
    %and3A_68 = arith.andi %convert_element_type3A, %and3A_67 : vector<4000x128xi32>
    %eq3A = arith.constant 1 : i32
    %eq3A_69 = vector.broadcast %eq3A : i32 to vector<4000x128xi32>
    %eq3A_70 = arith.cmpi eq, %and3A_68, %eq3A_69 : vector<4000x128xi32>
    %select_n3A = arith.select %eq3A_70, %add3A_66, %mul3A_48 : vector<4000x128xi1>, vector<4000x128xf32>
    %select_n3A_71 = arith.select %eq3A_70, %mul3A_48, %add3A_66 : vector<4000x128xi1>, vector<4000x128xf32>
    %and3A_72 = arith.constant 2 : i32
    %and3A_73 = vector.broadcast %and3A_72 : i32 to vector<4000x128xi32>
    %and3A_74 = arith.andi %convert_element_type3A, %and3A_73 : vector<4000x128xi32>
    %eq3A_75 = arith.constant 2 : i32
    %eq3A_76 = vector.broadcast %eq3A_75 : i32 to vector<4000x128xi32>
    %eq3A_77 = arith.cmpi eq, %and3A_74, %eq3A_76 : vector<4000x128xi32>
    %neg3A = arith.constant 0.000000e+00 : f32
    %neg3A_78 = vector.broadcast %neg3A : f32 to vector<4000x128xf32>
    %neg3A_79 = arith.subf %neg3A_78, %select_n3A : vector<4000x128xf32>
    %select_n3A_80 = arith.select %eq3A_77, %neg3A_79, %select_n3A : vector<4000x128xi1>, vector<4000x128xf32>
    %add3A_81 = arith.constant 1 : i32
    %add3A_82 = vector.broadcast %add3A_81 : i32 to vector<4000x128xi32>
    %add3A_83 = arith.addi %convert_element_type3A, %add3A_82 : vector<4000x128xi32>
    %and3A_84 = arith.constant 2 : i32
    %and3A_85 = vector.broadcast %and3A_84 : i32 to vector<4000x128xi32>
    %and3A_86 = arith.andi %add3A_83, %and3A_85 : vector<4000x128xi32>
    %eq3A_87 = arith.constant 2 : i32
    %eq3A_88 = vector.broadcast %eq3A_87 : i32 to vector<4000x128xi32>
    %eq3A_89 = arith.cmpi eq, %and3A_86, %eq3A_88 : vector<4000x128xi32>
    %neg3A_90 = arith.constant 0.000000e+00 : f32
    %neg3A_91 = vector.broadcast %neg3A_90 : f32 to vector<4000x128xf32>
    %neg3A_92 = arith.subf %neg3A_91, %select_n3A_71 : vector<4000x128xf32>
    %select_n3A_93 = arith.select %eq3A_89, %neg3A_92, %select_n3A_71 : vector<4000x128xi1>, vector<4000x128xf32>
    %mul3A_94 = arith.mulf %add3A_9, %select_n3A_80 : vector<4000x128xf32>
    %swap3A = arith.constant 0 : index
    %swap3A_95 = arith.constant 0 : index
    %swap3A_96 = vector.load %arg6[%swap3A, %swap3A_95] : memref<4000x128xf32, #tpu.memory_space<vmem>>, vector<4000x128xf32>
    tpu.vector_store %arg6[%swap3A, %swap3A_95], %mul3A_94 {strides = array<i32>} : memref<4000x128xf32, #tpu.memory_space<vmem>>, vector<4000x128xf32>,
    %mul3A_97 = arith.mulf %add3A_9, %select_n3A_93 : vector<4000x128xf32>
    %swap3A_98 = arith.constant 0 : index
    %swap3A_99 = arith.constant 0 : index
    %swap3A_100 = vector.load %arg7[%swap3A_98, %swap3A_99] : memref<4000x128xf32, #tpu.memory_space<vmem>>, vector<4000x128xf32>
    tpu.vector_store %arg7[%swap3A_98, %swap3A_99], %mul3A_97 {strides = array<i32>} : memref<4000x128xf32, #tpu.memory_space<vmem>>, vector<4000x128xf32>,
    return
  }
  func.func @transform_0(%arg0: i32) -> (i32, i32) {
    %add3A = arith.constant 40 : i32
    %add3A_0 = arith.addi %add3A, %arg0 : i32
    %c0_i32 = arith.constant 0 : i32
    %c0_i32_1 = arith.constant 0 : i32
    return %add3A_0, %c0_i32 : i32, i32
  }
  func.func @transform_1(%arg0: i32) -> (i32, i32) {
    %c0_i32 = arith.constant 0 : i32
    %c0_i32_0 = arith.constant 0 : i32
    %c0_i32_1 = arith.constant 0 : i32
    return %c0_i32, %c0_i32_0 : i32, i32
  }
  func.func @transform_2(%arg0: i32) -> (i32, i32) {
    %c0_i32 = arith.constant 0 : i32
    %c0_i32_0 = arith.constant 0 : i32
    %c0_i32_1 = arith.constant 0 : i32
    return %c0_i32, %c0_i32_0 : i32, i32
  }
  func.func @transform_3(%arg0: i32) -> (i32, i32) {
    %c0_i32 = arith.constant 0 : i32
    %c0_i32_0 = arith.constant 0 : i32
    %c0_i32_1 = arith.constant 0 : i32
    return %c0_i32, %c0_i32_0 : i32, i32
  }
  func.func @transform_4(%arg0: i32) -> (i32, i32) {
    %c0_i32 = arith.constant 0 : i32
    %c0_i32_0 = arith.constant 0 : i32
    %c0_i32_1 = arith.constant 0 : i32
    return %c0_i32, %c0_i32_0 : i32, i32
  }
  func.func @transform_5(%arg0: i32) -> (i32, i32) {
    %c0_i32 = arith.constant 0 : i32
    %c0_i32_0 = arith.constant 0 : i32
    return %arg0, %c0_i32 : i32, i32
  }
  func.func @transform_6(%arg0: i32) -> (i32, i32) {
    %c0_i32 = arith.constant 0 : i32
    %c0_i32_0 = arith.constant 0 : i32
    return %arg0, %c0_i32 : i32, i32
  }
}

module attributes {stable_mosaic.version = 14 : i64} {
  func.func @kern(%arg0: i32, %arg1: memref<4000x128xf32, #tpu.memory_space<vmem>>, %arg2: memref<128x128xf32, #tpu.memory_space<vmem>>, %arg3: memref<128x128xf32, #tpu.memory_space<vmem>>, %arg4: memref<1x128xf32, #tpu.memory_space<vmem>>, %arg5: memref<1x128xf32, #tpu.memory_space<vmem>>, %arg6: memref<4000x128xf32, #tpu.memory_space<vmem>>, %arg7: memref<4000x128xf32, #tpu.memory_space<vmem>>) attributes {dimension_semantics = [#tpu.dimension_semantics<arbitrary>], iteration_bounds = array<i64: 40>, scalar_prefetch = 0 : i64, scratch_operands = 0 : i64, tpu.core_type = #tpu.core_type<tc>, window_params = [{transform_indices = @transform_0, window_bounds = array<i64: 4000, 128>}, {pipeline_mode = #tpu.pipeline_mode<synchronous>, transform_indices = @transform_1, window_bounds = array<i64: 128, 128>}, {pipeline_mode = #tpu.pipeline_mode<synchronous>, transform_indices = @transform_2, window_bounds = array<i64: 128, 128>}, {pipeline_mode = #tpu.pipeline_mode<synchronous>, transform_indices = @transform_3, window_bounds = array<i64: 1, 128>}, {pipeline_mode = #tpu.pipeline_mode<synchronous>, transform_indices = @transform_4, window_bounds = array<i64: 1, 128>}, {transform_indices = @transform_5, window_bounds = array<i64: 4000, 128>}, {transform_indices = @transform_6, window_bounds = array<i64: 4000, 128>}]} {
    %get3A = arith.constant 0 : index
    %get3A_0 = arith.constant 0 : index
    %get3A_1 = vector.load %arg1[%get3A, %get3A_0] : memref<4000x128xf32, #tpu.memory_space<vmem>>, vector<4000x128xf32>
    %get3A_2 = arith.constant 0 : index
    %get3A_3 = arith.constant 0 : index
    %get3A_4 = vector.load %arg2[%get3A_2, %get3A_3] : memref<128x128xf32, #tpu.memory_space<vmem>>, vector<128x128xf32>
    %dot_general3A = arith.constant dense<0.000000e+00> : vector<4000x128xf32>
    %dot_general3A_5 = tpu.matmul %get3A_1, %get3A_4, %dot_general3A {dimension_numbers = #tpu.dot_dimension_numbers<[1], [0], [0], [1], [0, 0, 1, 1], [], []>, transpose_lhs_hint = false} : vector<4000x128xf32>, vector<128x128xf32>, vector<4000x128xf32> -> vector<4000x128xf32>
    %get3A_6 = arith.constant 0 : index
    %get3A_7 = arith.constant 0 : index
    %get3A_8 = vector.load %arg4[%get3A_6, %get3A_7] : memref<1x128xf32, #tpu.memory_space<vmem>>, vector<1x128xf32>
    %add3A = vector.broadcast %get3A_8 : vector<1x128xf32> to vector<4000x128xf32>
    %add3A_9 = arith.addf %dot_general3A_5, %add3A : vector<4000x128xf32>
    %get3A_10 = arith.constant 0 : index
    %get3A_11 = arith.constant 0 : index
    %get3A_12 = vector.load %arg3[%get3A_10, %get3A_11] : memref<128x128xf32, #tpu.memory_space<vmem>>, vector<128x128xf32>
    %dot_general3A_13 = arith.constant dense<0.000000e+00> : vector<4000x128xf32>
    %dot_general3A_14 = tpu.matmul %get3A_1, %get3A_12, %dot_general3A_13 {dimension_numbers = #tpu.dot_dimension_numbers<[1], [0], [0], [1], [0, 0, 1, 1], [], []>, transpose_lhs_hint = false} : vector<4000x128xf32>, vector<128x128xf32>, vector<4000x128xf32> -> vector<4000x128xf32>
    %get3A_15 = arith.constant 0 : index
    %get3A_16 = arith.constant 0 : index
    %get3A_17 = vector.load %arg5[%get3A_15, %get3A_16] : memref<1x128xf32, #tpu.memory_space<vmem>>, vector<1x128xf32>
    %add3A_18 = vector.broadcast %get3A_17 : vector<1x128xf32> to vector<4000x128xf32>
    %add3A_19 = arith.addf %dot_general3A_14, %add3A_18 : vector<4000x128xf32>
    %mul3A = arith.constant 0.636619746 : f32
    %mul3A_20 = vector.broadcast %mul3A : f32 to vector<4000x128xf32>
    %mul3A_21 = arith.mulf %add3A_19, %mul3A_20 : vector<4000x128xf32>
    %round3A = math.roundeven %mul3A_21 : vector<4000x128xf32>
    %mul3A_22 = arith.constant 1.5703125 : f32
    %mul3A_23 = vector.broadcast %mul3A_22 : f32 to vector<4000x128xf32>
    %mul3A_24 = arith.mulf %round3A, %mul3A_23 : vector<4000x128xf32>
    %sub3A = arith.subf %add3A_19, %mul3A_24 : vector<4000x128xf32>
    %mul3A_25 = arith.constant 4.83751297E-4 : f32
    %mul3A_26 = vector.broadcast %mul3A_25 : f32 to vector<4000x128xf32>
    %mul3A_27 = arith.mulf %round3A, %mul3A_26 : vector<4000x128xf32>
    %sub3A_28 = arith.subf %sub3A, %mul3A_27 : vector<4000x128xf32>
    %mul3A_29 = arith.constant 7.549790e-08 : f32
    %mul3A_30 = vector.broadcast %mul3A_29 : f32 to vector<4000x128xf32>
    %mul3A_31 = arith.mulf %round3A, %mul3A_30 : vector<4000x128xf32>
    %sub3A_32 = arith.subf %sub3A_28, %mul3A_31 : vector<4000x128xf32>
    %convert_element_type3A = arith.fptosi %round3A : vector<4000x128xf32> to vector<4000x128xi32>
    %mul3A_33 = arith.mulf %sub3A_32, %sub3A_32 : vector<4000x128xf32>
    %mul3A_34 = arith.constant -1.95152956E-4 : f32
    %mul3A_35 = vector.broadcast %mul3A_34 : f32 to vector<4000x128xf32>
    %mul3A_36 = arith.mulf %mul3A_33, %mul3A_35 : vector<4000x128xf32>
    %add3A_37 = arith.constant 0.00833216123 : f32
    %add3A_38 = vector.broadcast %add3A_37 : f32 to vector<4000x128xf32>
    %add3A_39 = arith.addf %add3A_38, %mul3A_36 : vector<4000x128xf32>
    %mul3A_40 = arith.mulf %mul3A_33, %add3A_39 : vector<4000x128xf32>
    %add3A_41 = arith.constant -0.166666552 : f32
    %add3A_42 = vector.broadcast %add3A_41 : f32 to vector<4000x128xf32>
    %add3A_43 = arith.addf %add3A_42, %mul3A_40 : vector<4000x128xf32>
    %mul3A_44 = arith.mulf %mul3A_33, %add3A_43 : vector<4000x128xf32>
    %add3A_45 = arith.constant 1.000000e+00 : f32
    %add3A_46 = vector.broadcast %add3A_45 : f32 to vector<4000x128xf32>
    %add3A_47 = arith.addf %add3A_46, %mul3A_44 : vector<4000x128xf32>
    %mul3A_48 = arith.mulf %sub3A_32, %add3A_47 : vector<4000x128xf32>
    %mul3A_49 = arith.constant 2.44331568E-5 : f32
    %mul3A_50 = vector.broadcast %mul3A_49 : f32 to vector<4000x128xf32>
    %mul3A_51 = arith.mulf %mul3A_33, %mul3A_50 : vector<4000x128xf32>
    %add3A_52 = arith.constant -0.00138873165 : f32
    %add3A_53 = vector.broadcast %add3A_52 : f32 to vector<4000x128xf32>
    %add3A_54 = arith.addf %add3A_53, %mul3A_51 : vector<4000x128xf32>
    %mul3A_55 = arith.mulf %mul3A_33, %add3A_54 : vector<4000x128xf32>
    %add3A_56 = arith.constant 0.0416666456 : f32
    %add3A_57 = vector.broadcast %add3A_56 : f32 to vector<4000x128xf32>
    %add3A_58 = arith.addf %add3A_57, %mul3A_55 : vector<4000x128xf32>
    %mul3A_59 = arith.mulf %mul3A_33, %add3A_58 : vector<4000x128xf32>
    %add3A_60 = arith.constant -5.000000e-01 : f32
    %add3A_61 = vector.broadcast %add3A_60 : f32 to vector<4000x128xf32>
    %add3A_62 = arith.addf %add3A_61, %mul3A_59 : vector<4000x128xf32>
    %mul3A_63 = arith.mulf %mul3A_33, %add3A_62 : vector<4000x128xf32>
    %add3A_64 = arith.constant 1.000000e+00 : f32
    %add3A_65 = vector.broadcast %add3A_64 : f32 to vector<4000x128xf32>
    %add3A_66 = arith.addf %add3A_65, %mul3A_63 : vector<4000x128xf32>
    %and3A = arith.constant 1 : i32
    %and3A_67 = vector.broadcast %and3A : i32 to vector<4000x128xi32>
    %and3A_68 = arith.andi %convert_element_type3A, %and3A_67 : vector<4000x128xi32>
    %eq3A = arith.constant 1 : i32
    %eq3A_69 = vector.broadcast %eq3A : i32 to vector<4000x128xi32>
    %eq3A_70 = arith.cmpi eq, %and3A_68, %eq3A_69 : vector<4000x128xi32>
    %select_n3A = arith.select %eq3A_70, %add3A_66, %mul3A_48 : vector<4000x128xi1>, vector<4000x128xf32>
    %select_n3A_71 = arith.select %eq3A_70, %mul3A_48, %add3A_66 : vector<4000x128xi1>, vector<4000x128xf32>
    %and3A_72 = arith.constant 2 : i32
    %and3A_73 = vector.broadcast %and3A_72 : i32 to vector<4000x128xi32>
    %and3A_74 = arith.andi %convert_element_type3A, %and3A_73 : vector<4000x128xi32>
    %eq3A_75 = arith.constant 2 : i32
    %eq3A_76 = vector.broadcast %eq3A_75 : i32 to vector<4000x128xi32>
    %eq3A_77 = arith.cmpi eq, %and3A_74, %eq3A_76 : vector<4000x128xi32>
    %neg3A = arith.constant 0.000000e+00 : f32
    %neg3A_78 = vector.broadcast %neg3A : f32 to vector<4000x128xf32>
    %neg3A_79 = arith.subf %neg3A_78, %select_n3A : vector<4000x128xf32>
    %select_n3A_80 = arith.select %eq3A_77, %neg3A_79, %select_n3A : vector<4000x128xi1>, vector<4000x128xf32>
    %add3A_81 = arith.constant 1 : i32
    %add3A_82 = vector.broadcast %add3A_81 : i32 to vector<4000x128xi32>
    %add3A_83 = arith.addi %convert_element_type3A, %add3A_82 : vector<4000x128xi32>
    %and3A_84 = arith.constant 2 : i32
    %and3A_85 = vector.broadcast %and3A_84 : i32 to vector<4000x128xi32>
    %and3A_86 = arith.andi %add3A_83, %and3A_85 : vector<4000x128xi32>
    %eq3A_87 = arith.constant 2 : i32
    %eq3A_88 = vector.broadcast %eq3A_87 : i32 to vector<4000x128xi32>
    %eq3A_89 = arith.cmpi eq, %and3A_86, %eq3A_88 : vector<4000x128xi32>
    %neg3A_90 = arith.constant 0.000000e+00 : f32
    %neg3A_91 = vector.broadcast %neg3A_90 : f32 to vector<4000x128xf32>
    %neg3A_92 = arith.subf %neg3A_91, %select_n3A_71 : vector<4000x128xf32>
    %select_n3A_93 = arith.select %eq3A_89, %neg3A_92, %select_n3A_71 : vector<4000x128xi1>, vector<4000x128xf32>
    %mul3A_94 = arith.mulf %add3A_9, %select_n3A_80 : vector<4000x128xf32>
    %swap3A = arith.constant 0 : index
    %swap3A_95 = arith.constant 0 : index
    %swap3A_96 = vector.load %arg6[%swap3A, %swap3A_95] : memref<4000x128xf32, #tpu.memory_space<vmem>>, vector<4000x128xf32>
    tpu.vector_store %arg6[%swap3A, %swap3A_95], %mul3A_94 {strides = array<i32>} : memref<4000x128xf32, #tpu.memory_space<vmem>>, vector<4000x128xf32>,
    %mul3A_97 = arith.mulf %add3A_9, %select_n3A_93 : vector<4000x128xf32>
    %swap3A_98 = arith.constant 0 : index
    %swap3A_99 = arith.constant 0 : index
    %swap3A_100 = vector.load %arg7[%swap3A_98, %swap3A_99] : memref<4000x128xf32, #tpu.memory_space<vmem>>, vector<4000x128xf32>
    tpu.vector_store %arg7[%swap3A_98, %swap3A_99], %mul3A_97 {strides = array<i32>} : memref<4000x128xf32, #tpu.memory_space<vmem>>, vector<4000x128xf32>,
    return
  }
  func.func @transform_0(%arg0: i32) -> (i32, i32) {
    %add3A = arith.constant 0 : i32
    %add3A_0 = arith.addi %add3A, %arg0 : i32
    %c0_i32 = arith.constant 0 : i32
    %c0_i32_1 = arith.constant 0 : i32
    return %add3A_0, %c0_i32 : i32, i32
  }
  func.func @transform_1(%arg0: i32) -> (i32, i32) {
    %c0_i32 = arith.constant 0 : i32
    %c0_i32_0 = arith.constant 0 : i32
    %c0_i32_1 = arith.constant 0 : i32
    return %c0_i32, %c0_i32_0 : i32, i32
  }
  func.func @transform_2(%arg0: i32) -> (i32, i32) {
    %c0_i32 = arith.constant 0 : i32
    %c0_i32_0 = arith.constant 0 : i32
    %c0_i32_1 = arith.constant 0 : i32
    return %c0_i32, %c0_i32_0 : i32, i32
  }
  func.func @transform_3(%arg0: i32) -> (i32, i32) {
    %c0_i32 = arith.constant 0 : i32
    %c0_i32_0 = arith.constant 0 : i32
    %c0_i32_1 = arith.constant 0 : i32
    return %c0_i32, %c0_i32_0 : i32, i32
  }
  func.func @transform_4(%arg0: i32) -> (i32, i32) {
    %c0_i32 = arith.constant 0 : i32
    %c0_i32_0 = arith.constant 0 : i32
    %c0_i32_1 = arith.constant 0 : i32
    return %c0_i32, %c0_i32_0 : i32, i32
  }
  func.func @transform_5(%arg0: i32) -> (i32, i32) {
    %c0_i32 = arith.constant 0 : i32
    %c0_i32_0 = arith.constant 0 : i32
    return %arg0, %c0_i32 : i32, i32
  }
  func.func @transform_6(%arg0: i32) -> (i32, i32) {
    %c0_i32 = arith.constant 0 : i32
    %c0_i32_0 = arith.constant 0 : i32
    return %arg0, %c0_i32 : i32, i32
  }
}

module attributes {stable_mosaic.version = 14 : i64} {
  func.func @kern(%arg0: i32, %arg1: memref<5000x128xf32, #tpu.memory_space<vmem>>, %arg2: memref<128x128xf32, #tpu.memory_space<vmem>>, %arg3: memref<1x128xf32, #tpu.memory_space<vmem>>) attributes {dimension_semantics = [#tpu.dimension_semantics<arbitrary>], iteration_bounds = array<i64: 2>, scalar_prefetch = 0 : i64, scratch_operands = 0 : i64, tpu.core_type = #tpu.core_type<tc>, window_params = [{transform_indices = @transform_0, window_bounds = array<i64: 5000, 128>}, {pipeline_mode = #tpu.pipeline_mode<synchronous>, transform_indices = @transform_1, window_bounds = array<i64: 128, 128>}, {pipeline_mode = #tpu.pipeline_mode<synchronous>, transform_indices = @transform_2, window_bounds = array<i64: 1, 128>}]} {
    %get3A = arith.constant 0 : index
    %get3A_0 = arith.constant 0 : index
    %get3A_1 = vector.load %arg1[%get3A, %get3A_0] : memref<5000x128xf32, #tpu.memory_space<vmem>>, vector<5000x128xf32>
    %dot_general3A = arith.constant dense<0.000000e+00> : vector<128x128xf32>
    %dot_general3A_2 = tpu.matmul %get3A_1, %get3A_1, %dot_general3A {dimension_numbers = #tpu.dot_dimension_numbers<[0], [0], [1], [1], [0, 1, 1, 1], [], []>, transpose_lhs_hint = false} : vector<5000x128xf32>, vector<5000x128xf32>, vector<128x128xf32> -> vector<128x128xf32>
    %reduce_sum3A = arith.constant dense<0.000000e+00> : vector<128xf32>
    %reduce_sum3A_3 = vector.multi_reduction <add>, %get3A_1, %reduce_sum3A [0] : vector<5000x128xf32> to vector<128xf32>
    %broadcast_in_dim3A = vector.shape_cast %reduce_sum3A_3 : vector<128xf32> to vector<1x128xf32>
    %eq3A = arith.constant 0 : i32
    %eq3A_4 = arith.cmpi eq, %arg0, %eq3A : i32
    %convert_element_type3A = arith.extui %eq3A_4 : i1 to i32
    %cond3A = arith.constant 0 : i32
    %cond3A_5 = arith.cmpi ne, %convert_element_type3A, %cond3A : i32
    scf.if %cond3A_5 {
      %swap3A = arith.constant 0 : index
      %swap3A_10 = arith.constant 0 : index
      %swap3A_11 = vector.load %arg2[%swap3A, %swap3A_10] : memref<128x128xf32, #tpu.memory_space<vmem>>, vector<128x128xf32>
      tpu.vector_store %arg2[%swap3A, %swap3A_10], %dot_general3A_2 {strides = array<i32>} : memref<128x128xf32, #tpu.memory_space<vmem>>, vector<128x128xf32>,
      %swap3A_12 = arith.constant 0 : index
      %swap3A_13 = arith.constant 0 : index
      %swap3A_14 = vector.load %arg3[%swap3A_12, %swap3A_13] : memref<1x128xf32, #tpu.memory_space<vmem>>, vector<1x128xf32>
      tpu.vector_store %arg3[%swap3A_12, %swap3A_13], %broadcast_in_dim3A {strides = array<i32>} : memref<1x128xf32, #tpu.memory_space<vmem>>, vector<1x128xf32>,
    } else {
    }
    %gt3A = arith.constant 0 : i32
    %gt3A_6 = arith.cmpi sgt, %arg0, %gt3A : i32
    %convert_element_type3A_7 = arith.extui %gt3A_6 : i1 to i32
    %cond3A_8 = arith.constant 0 : i32
    %cond3A_9 = arith.cmpi ne, %convert_element_type3A_7, %cond3A_8 : i32
    scf.if %cond3A_9 {
      %get3A_10 = arith.constant 0 : index
      %get3A_11 = arith.constant 0 : index
      %get3A_12 = vector.load %arg2[%get3A_10, %get3A_11] : memref<128x128xf32, #tpu.memory_space<vmem>>, vector<128x128xf32>
      %add3A = arith.addf %get3A_12, %dot_general3A_2 : vector<128x128xf32>
      %swap3A = arith.constant 0 : index
      %swap3A_13 = arith.constant 0 : index
      %swap3A_14 = vector.load %arg2[%swap3A, %swap3A_13] : memref<128x128xf32, #tpu.memory_space<vmem>>, vector<128x128xf32>
      tpu.vector_store %arg2[%swap3A, %swap3A_13], %add3A {strides = array<i32>} : memref<128x128xf32, #tpu.memory_space<vmem>>, vector<128x128xf32>,
      %get3A_15 = arith.constant 0 : index
      %get3A_16 = arith.constant 0 : index
      %get3A_17 = vector.load %arg3[%get3A_15, %get3A_16] : memref<1x128xf32, #tpu.memory_space<vmem>>, vector<1x128xf32>
      %add3A_18 = arith.addf %get3A_17, %broadcast_in_dim3A : vector<1x128xf32>
      %swap3A_19 = arith.constant 0 : index
      %swap3A_20 = arith.constant 0 : index
      %swap3A_21 = vector.load %arg3[%swap3A_19, %swap3A_20] : memref<1x128xf32, #tpu.memory_space<vmem>>, vector<1x128xf32>
      tpu.vector_store %arg3[%swap3A_19, %swap3A_20], %add3A_18 {strides = array<i32>} : memref<1x128xf32, #tpu.memory_space<vmem>>, vector<1x128xf32>,
    } else {
    }
    return
  }
  func.func @transform_0(%arg0: i32) -> (i32, i32) {
    %c0_i32 = arith.constant 0 : i32
    %c0_i32_0 = arith.constant 0 : i32
    return %arg0, %c0_i32 : i32, i32
  }
  func.func @transform_1(%arg0: i32) -> (i32, i32) {
    %c0_i32 = arith.constant 0 : i32
    %c0_i32_0 = arith.constant 0 : i32
    %c0_i32_1 = arith.constant 0 : i32
    return %c0_i32, %c0_i32_0 : i32, i32
  }
  func.func @transform_2(%arg0: i32) -> (i32, i32) {
    %c0_i32 = arith.constant 0 : i32
    %c0_i32_0 = arith.constant 0 : i32
    %c0_i32_1 = arith.constant 0 : i32
    return %c0_i32, %c0_i32_0 : i32, i32
  }
}

module attributes {stable_mosaic.version = 14 : i64} {
  func.func @kern(%arg0: memref<128x128xf32, #tpu.memory_space<vmem>>, %arg1: memref<1x128xf32, #tpu.memory_space<vmem>>, %arg2: memref<128x128xf32, #tpu.memory_space<vmem>>, %arg3: memref<128x128xf32, #tpu.memory_space<vmem>>, %arg4: memref<128x128xf32, #tpu.memory_space<vmem>>, %arg5: memref<1x128xf32, #tpu.memory_space<vmem>>, %arg6: memref<1x128xf32, #tpu.memory_space<vmem>>, %arg7: memref<1x128xf32, #tpu.memory_space<vmem>>, %arg8: memref<128x128xf32, #tpu.memory_space<vmem>>, %arg9: memref<128x128xf32, #tpu.memory_space<vmem>>, %arg10: memref<1x128xf32, #tpu.memory_space<vmem>>, %arg11: memref<1x128xf32, #tpu.memory_space<vmem>>) attributes {dimension_semantics = [], scalar_prefetch = 0 : i64, scratch_operands = 0 : i64, tpu.core_type = #tpu.core_type<tc>} {
    %get3A = arith.constant 0 : index
    %get3A_0 = arith.constant 0 : index
    %get3A_1 = vector.load %arg1[%get3A, %get3A_0] : memref<1x128xf32, #tpu.memory_space<vmem>>, vector<1x128xf32>
    %mul3A = arith.constant 9.99999974E-5 : f32
    %mul3A_2 = vector.broadcast %mul3A : f32 to vector<1x128xf32>
    %mul3A_3 = arith.mulf %get3A_1, %mul3A_2 : vector<1x128xf32>
    %get3A_4 = arith.constant 0 : index
    %get3A_5 = arith.constant 0 : index
    %get3A_6 = vector.load %arg2[%get3A_4, %get3A_5] : memref<128x128xf32, #tpu.memory_space<vmem>>, vector<128x128xf32>
    %get3A_7 = arith.constant 0 : index
    %get3A_8 = arith.constant 0 : index
    %get3A_9 = vector.load %arg3[%get3A_7, %get3A_8] : memref<128x128xf32, #tpu.memory_space<vmem>>, vector<128x128xf32>
    %dot_general3A = arith.constant dense<0.000000e+00> : vector<1x128xf32>
    %dot_general3A_10 = tpu.matmul %mul3A_3, %get3A_6, %dot_general3A {dimension_numbers = #tpu.dot_dimension_numbers<[1], [1], [0], [0], [0, 0, 1, 0], [], []>, transpose_lhs_hint = false} : vector<1x128xf32>, vector<128x128xf32>, vector<1x128xf32> -> vector<1x128xf32>
    %get3A_11 = arith.constant 0 : index
    %get3A_12 = arith.constant 0 : index
    %get3A_13 = vector.load %arg0[%get3A_11, %get3A_12] : memref<128x128xf32, #tpu.memory_space<vmem>>, vector<128x128xf32>
    %dot_general3A_14 = arith.constant dense<0.000000e+00> : vector<128x128xf32>
    %dot_general3A_15 = tpu.matmul %get3A_13, %get3A_6, %dot_general3A_14 {dimension_numbers = #tpu.dot_dimension_numbers<[1], [1], [0], [0], [0, 0, 1, 0], [], []>, transpose_lhs_hint = false} : vector<128x128xf32>, vector<128x128xf32>, vector<128x128xf32> -> vector<128x128xf32>
    %mul3A_16 = arith.mulf %get3A_9, %dot_general3A_15 : vector<128x128xf32>
    %reduce_sum3A = arith.constant dense<0.000000e+00> : vector<128xf32>
    %reduce_sum3A_17 = vector.multi_reduction <add>, %mul3A_16, %reduce_sum3A [0] : vector<128x128xf32> to vector<128xf32>
    %broadcast_in_dim3A = vector.shape_cast %reduce_sum3A_17 : vector<128xf32> to vector<1x128xf32>
    %mul3A_18 = arith.constant 9.99999974E-5 : f32
    %mul3A_19 = vector.broadcast %mul3A_18 : f32 to vector<1x128xf32>
    %mul3A_20 = arith.mulf %broadcast_in_dim3A, %mul3A_19 : vector<1x128xf32>
    %mul3A_21 = arith.mulf %dot_general3A_10, %dot_general3A_10 : vector<1x128xf32>
    %sub3A = arith.subf %mul3A_20, %mul3A_21 : vector<1x128xf32>
    %get3A_22 = arith.constant 0 : index
    %get3A_23 = arith.constant 0 : index
    %get3A_24 = vector.load %arg5[%get3A_22, %get3A_23] : memref<1x128xf32, #tpu.memory_space<vmem>>, vector<1x128xf32>
    %add3A = arith.constant 1.000000e-03 : f32
    %add3A_25 = vector.broadcast %add3A : f32 to vector<1x128xf32>
    %add3A_26 = arith.addf %sub3A, %add3A_25 : vector<1x128xf32>
    %sqrt3A = math.sqrt %add3A_26 : vector<1x128xf32>
    %div3A = arith.divf %get3A_24, %sqrt3A : vector<1x128xf32>
    %get3A_27 = arith.constant 0 : index
    %get3A_28 = arith.constant 0 : index
    %get3A_29 = vector.load %arg6[%get3A_27, %get3A_28] : memref<1x128xf32, #tpu.memory_space<vmem>>, vector<1x128xf32>
    %mul3A_30 = arith.mulf %div3A, %dot_general3A_10 : vector<1x128xf32>
    %sub3A_31 = arith.subf %get3A_29, %mul3A_30 : vector<1x128xf32>
    %mul3A_32 = vector.broadcast %div3A : vector<1x128xf32> to vector<128x128xf32>
    %mul3A_33 = arith.mulf %get3A_9, %mul3A_32 : vector<128x128xf32>
    %get3A_34 = arith.constant 0 : index
    %get3A_35 = arith.constant 0 : index
    %get3A_36 = vector.load %arg4[%get3A_34, %get3A_35] : memref<128x128xf32, #tpu.memory_space<vmem>>, vector<128x128xf32>
    %dot_general3A_37 = arith.constant dense<0.000000e+00> : vector<128x128xf32>
    %dot_general3A_38 = tpu.matmul %mul3A_33, %get3A_36, %dot_general3A_37 {dimension_numbers = #tpu.dot_dimension_numbers<[1], [1], [0], [0], [0, 0, 1, 0], [], []>, transpose_lhs_hint = false} : vector<128x128xf32>, vector<128x128xf32>, vector<128x128xf32> -> vector<128x128xf32>
    %get3A_39 = arith.constant 0 : index
    %get3A_40 = arith.constant 0 : index
    %get3A_41 = vector.load %arg4[%get3A_39, %get3A_40] : memref<128x128xf32, #tpu.memory_space<vmem>>, vector<128x128xf32>
    %dot_general3A_42 = arith.constant dense<0.000000e+00> : vector<1x128xf32>
    %dot_general3A_43 = tpu.matmul %sub3A_31, %get3A_41, %dot_general3A_42 {dimension_numbers = #tpu.dot_dimension_numbers<[1], [1], [0], [0], [0, 0, 1, 0], [], []>, transpose_lhs_hint = false} : vector<1x128xf32>, vector<128x128xf32>, vector<1x128xf32> -> vector<1x128xf32>
    %get3A_44 = arith.constant 0 : index
    %get3A_45 = arith.constant 0 : index
    %get3A_46 = vector.load %arg7[%get3A_44, %get3A_45] : memref<1x128xf32, #tpu.memory_space<vmem>>, vector<1x128xf32>
    %add3A_47 = arith.addf %dot_general3A_43, %get3A_46 : vector<1x128xf32>
    %swap3A = arith.constant 0 : index
    %swap3A_48 = arith.constant 0 : index
    %swap3A_49 = vector.load %arg8[%swap3A, %swap3A_48] : memref<128x128xf32, #tpu.memory_space<vmem>>, vector<128x128xf32>
    tpu.vector_store %arg8[%swap3A, %swap3A_48], %mul3A_33 {strides = array<i32>} : memref<128x128xf32, #tpu.memory_space<vmem>>, vector<128x128xf32>,
    %swap3A_50 = arith.constant 0 : index
    %swap3A_51 = arith.constant 0 : index
    %swap3A_52 = vector.load %arg9[%swap3A_50, %swap3A_51] : memref<128x128xf32, #tpu.memory_space<vmem>>, vector<128x128xf32>
    tpu.vector_store %arg9[%swap3A_50, %swap3A_51], %dot_general3A_38 {strides = array<i32>} : memref<128x128xf32, #tpu.memory_space<vmem>>, vector<128x128xf32>,
    %swap3A_53 = arith.constant 0 : index
    %swap3A_54 = arith.constant 0 : index
    %swap3A_55 = vector.load %arg10[%swap3A_53, %swap3A_54] : memref<1x128xf32, #tpu.memory_space<vmem>>, vector<1x128xf32>
    tpu.vector_store %arg10[%swap3A_53, %swap3A_54], %sub3A_31 {strides = array<i32>} : memref<1x128xf32, #tpu.memory_space<vmem>>, vector<1x128xf32>,
    %swap3A_56 = arith.constant 0 : index
    %swap3A_57 = arith.constant 0 : index
    %swap3A_58 = vector.load %arg11[%swap3A_56, %swap3A_57] : memref<1x128xf32, #tpu.memory_space<vmem>>, vector<1x128xf32>
    tpu.vector_store %arg11[%swap3A_56, %swap3A_57], %add3A_47 {strides = array<i32>} : memref<1x128xf32, #tpu.memory_space<vmem>>, vector<1x128xf32>,
    return
  }
}

module attributes {stable_mosaic.version = 14 : i64} {
  func.func @kern(%arg0: i32, %arg1: memref<2000x128xf32, #tpu.memory_space<vmem>>, %arg2: memref<128x128xf32, #tpu.memory_space<vmem>>, %arg3: memref<128x128xf32, #tpu.memory_space<vmem>>, %arg4: memref<1x128xf32, #tpu.memory_space<vmem>>, %arg5: memref<1x128xf32, #tpu.memory_space<vmem>>, %arg6: memref<2000x128xf32, #tpu.memory_space<vmem>>, %arg7: memref<2000x128xf32, #tpu.memory_space<vmem>>) attributes {dimension_semantics = [#tpu.dimension_semantics<arbitrary>], iteration_bounds = array<i64: 5>, scalar_prefetch = 0 : i64, scratch_operands = 0 : i64, tpu.core_type = #tpu.core_type<tc>, window_params = [{transform_indices = @transform_0, window_bounds = array<i64: 2000, 128>}, {pipeline_mode = #tpu.pipeline_mode<synchronous>, transform_indices = @transform_1, window_bounds = array<i64: 128, 128>}, {pipeline_mode = #tpu.pipeline_mode<synchronous>, transform_indices = @transform_2, window_bounds = array<i64: 128, 128>}, {pipeline_mode = #tpu.pipeline_mode<synchronous>, transform_indices = @transform_3, window_bounds = array<i64: 1, 128>}, {pipeline_mode = #tpu.pipeline_mode<synchronous>, transform_indices = @transform_4, window_bounds = array<i64: 1, 128>}, {transform_indices = @transform_5, window_bounds = array<i64: 2000, 128>}, {transform_indices = @transform_6, window_bounds = array<i64: 2000, 128>}]} {
    %get3A = arith.constant 0 : index
    %get3A_0 = arith.constant 0 : index
    %get3A_1 = vector.load %arg1[%get3A, %get3A_0] : memref<2000x128xf32, #tpu.memory_space<vmem>>, vector<2000x128xf32>
    %get3A_2 = arith.constant 0 : index
    %get3A_3 = arith.constant 0 : index
    %get3A_4 = vector.load %arg2[%get3A_2, %get3A_3] : memref<128x128xf32, #tpu.memory_space<vmem>>, vector<128x128xf32>
    %dot_general3A = arith.constant dense<0.000000e+00> : vector<2000x128xf32>
    %dot_general3A_5 = tpu.matmul %get3A_1, %get3A_4, %dot_general3A {dimension_numbers = #tpu.dot_dimension_numbers<[1], [0], [0], [1], [0, 0, 1, 1], [], []>, transpose_lhs_hint = false} : vector<2000x128xf32>, vector<128x128xf32>, vector<2000x128xf32> -> vector<2000x128xf32>
    %get3A_6 = arith.constant 0 : index
    %get3A_7 = arith.constant 0 : index
    %get3A_8 = vector.load %arg4[%get3A_6, %get3A_7] : memref<1x128xf32, #tpu.memory_space<vmem>>, vector<1x128xf32>
    %add3A = vector.broadcast %get3A_8 : vector<1x128xf32> to vector<2000x128xf32>
    %add3A_9 = arith.addf %dot_general3A_5, %add3A : vector<2000x128xf32>
    %get3A_10 = arith.constant 0 : index
    %get3A_11 = arith.constant 0 : index
    %get3A_12 = vector.load %arg3[%get3A_10, %get3A_11] : memref<128x128xf32, #tpu.memory_space<vmem>>, vector<128x128xf32>
    %dot_general3A_13 = arith.constant dense<0.000000e+00> : vector<2000x128xf32>
    %dot_general3A_14 = tpu.matmul %get3A_1, %get3A_12, %dot_general3A_13 {dimension_numbers = #tpu.dot_dimension_numbers<[1], [0], [0], [1], [0, 0, 1, 1], [], []>, transpose_lhs_hint = false} : vector<2000x128xf32>, vector<128x128xf32>, vector<2000x128xf32> -> vector<2000x128xf32>
    %get3A_15 = arith.constant 0 : index
    %get3A_16 = arith.constant 0 : index
    %get3A_17 = vector.load %arg5[%get3A_15, %get3A_16] : memref<1x128xf32, #tpu.memory_space<vmem>>, vector<1x128xf32>
    %add3A_18 = vector.broadcast %get3A_17 : vector<1x128xf32> to vector<2000x128xf32>
    %add3A_19 = arith.addf %dot_general3A_14, %add3A_18 : vector<2000x128xf32>
    %mul3A = arith.constant 0.636619746 : f32
    %mul3A_20 = vector.broadcast %mul3A : f32 to vector<2000x128xf32>
    %mul3A_21 = arith.mulf %add3A_19, %mul3A_20 : vector<2000x128xf32>
    %round3A = math.roundeven %mul3A_21 : vector<2000x128xf32>
    %mul3A_22 = arith.constant 1.5703125 : f32
    %mul3A_23 = vector.broadcast %mul3A_22 : f32 to vector<2000x128xf32>
    %mul3A_24 = arith.mulf %round3A, %mul3A_23 : vector<2000x128xf32>
    %sub3A = arith.subf %add3A_19, %mul3A_24 : vector<2000x128xf32>
    %mul3A_25 = arith.constant 4.83751297E-4 : f32
    %mul3A_26 = vector.broadcast %mul3A_25 : f32 to vector<2000x128xf32>
    %mul3A_27 = arith.mulf %round3A, %mul3A_26 : vector<2000x128xf32>
    %sub3A_28 = arith.subf %sub3A, %mul3A_27 : vector<2000x128xf32>
    %mul3A_29 = arith.constant 7.549790e-08 : f32
    %mul3A_30 = vector.broadcast %mul3A_29 : f32 to vector<2000x128xf32>
    %mul3A_31 = arith.mulf %round3A, %mul3A_30 : vector<2000x128xf32>
    %sub3A_32 = arith.subf %sub3A_28, %mul3A_31 : vector<2000x128xf32>
    %convert_element_type3A = arith.fptosi %round3A : vector<2000x128xf32> to vector<2000x128xi32>
    %mul3A_33 = arith.mulf %sub3A_32, %sub3A_32 : vector<2000x128xf32>
    %mul3A_34 = arith.constant -1.95152956E-4 : f32
    %mul3A_35 = vector.broadcast %mul3A_34 : f32 to vector<2000x128xf32>
    %mul3A_36 = arith.mulf %mul3A_33, %mul3A_35 : vector<2000x128xf32>
    %add3A_37 = arith.constant 0.00833216123 : f32
    %add3A_38 = vector.broadcast %add3A_37 : f32 to vector<2000x128xf32>
    %add3A_39 = arith.addf %add3A_38, %mul3A_36 : vector<2000x128xf32>
    %mul3A_40 = arith.mulf %mul3A_33, %add3A_39 : vector<2000x128xf32>
    %add3A_41 = arith.constant -0.166666552 : f32
    %add3A_42 = vector.broadcast %add3A_41 : f32 to vector<2000x128xf32>
    %add3A_43 = arith.addf %add3A_42, %mul3A_40 : vector<2000x128xf32>
    %mul3A_44 = arith.mulf %mul3A_33, %add3A_43 : vector<2000x128xf32>
    %add3A_45 = arith.constant 1.000000e+00 : f32
    %add3A_46 = vector.broadcast %add3A_45 : f32 to vector<2000x128xf32>
    %add3A_47 = arith.addf %add3A_46, %mul3A_44 : vector<2000x128xf32>
    %mul3A_48 = arith.mulf %sub3A_32, %add3A_47 : vector<2000x128xf32>
    %mul3A_49 = arith.constant 2.44331568E-5 : f32
    %mul3A_50 = vector.broadcast %mul3A_49 : f32 to vector<2000x128xf32>
    %mul3A_51 = arith.mulf %mul3A_33, %mul3A_50 : vector<2000x128xf32>
    %add3A_52 = arith.constant -0.00138873165 : f32
    %add3A_53 = vector.broadcast %add3A_52 : f32 to vector<2000x128xf32>
    %add3A_54 = arith.addf %add3A_53, %mul3A_51 : vector<2000x128xf32>
    %mul3A_55 = arith.mulf %mul3A_33, %add3A_54 : vector<2000x128xf32>
    %add3A_56 = arith.constant 0.0416666456 : f32
    %add3A_57 = vector.broadcast %add3A_56 : f32 to vector<2000x128xf32>
    %add3A_58 = arith.addf %add3A_57, %mul3A_55 : vector<2000x128xf32>
    %mul3A_59 = arith.mulf %mul3A_33, %add3A_58 : vector<2000x128xf32>
    %add3A_60 = arith.constant -5.000000e-01 : f32
    %add3A_61 = vector.broadcast %add3A_60 : f32 to vector<2000x128xf32>
    %add3A_62 = arith.addf %add3A_61, %mul3A_59 : vector<2000x128xf32>
    %mul3A_63 = arith.mulf %mul3A_33, %add3A_62 : vector<2000x128xf32>
    %add3A_64 = arith.constant 1.000000e+00 : f32
    %add3A_65 = vector.broadcast %add3A_64 : f32 to vector<2000x128xf32>
    %add3A_66 = arith.addf %add3A_65, %mul3A_63 : vector<2000x128xf32>
    %and3A = arith.constant 1 : i32
    %and3A_67 = vector.broadcast %and3A : i32 to vector<2000x128xi32>
    %and3A_68 = arith.andi %convert_element_type3A, %and3A_67 : vector<2000x128xi32>
    %eq3A = arith.constant 1 : i32
    %eq3A_69 = vector.broadcast %eq3A : i32 to vector<2000x128xi32>
    %eq3A_70 = arith.cmpi eq, %and3A_68, %eq3A_69 : vector<2000x128xi32>
    %select_n3A = arith.select %eq3A_70, %add3A_66, %mul3A_48 : vector<2000x128xi1>, vector<2000x128xf32>
    %select_n3A_71 = arith.select %eq3A_70, %mul3A_48, %add3A_66 : vector<2000x128xi1>, vector<2000x128xf32>
    %and3A_72 = arith.constant 2 : i32
    %and3A_73 = vector.broadcast %and3A_72 : i32 to vector<2000x128xi32>
    %and3A_74 = arith.andi %convert_element_type3A, %and3A_73 : vector<2000x128xi32>
    %eq3A_75 = arith.constant 2 : i32
    %eq3A_76 = vector.broadcast %eq3A_75 : i32 to vector<2000x128xi32>
    %eq3A_77 = arith.cmpi eq, %and3A_74, %eq3A_76 : vector<2000x128xi32>
    %neg3A = arith.constant 0.000000e+00 : f32
    %neg3A_78 = vector.broadcast %neg3A : f32 to vector<2000x128xf32>
    %neg3A_79 = arith.subf %neg3A_78, %select_n3A : vector<2000x128xf32>
    %select_n3A_80 = arith.select %eq3A_77, %neg3A_79, %select_n3A : vector<2000x128xi1>, vector<2000x128xf32>
    %add3A_81 = arith.constant 1 : i32
    %add3A_82 = vector.broadcast %add3A_81 : i32 to vector<2000x128xi32>
    %add3A_83 = arith.addi %convert_element_type3A, %add3A_82 : vector<2000x128xi32>
    %and3A_84 = arith.constant 2 : i32
    %and3A_85 = vector.broadcast %and3A_84 : i32 to vector<2000x128xi32>
    %and3A_86 = arith.andi %add3A_83, %and3A_85 : vector<2000x128xi32>
    %eq3A_87 = arith.constant 2 : i32
    %eq3A_88 = vector.broadcast %eq3A_87 : i32 to vector<2000x128xi32>
    %eq3A_89 = arith.cmpi eq, %and3A_86, %eq3A_88 : vector<2000x128xi32>
    %neg3A_90 = arith.constant 0.000000e+00 : f32
    %neg3A_91 = vector.broadcast %neg3A_90 : f32 to vector<2000x128xf32>
    %neg3A_92 = arith.subf %neg3A_91, %select_n3A_71 : vector<2000x128xf32>
    %select_n3A_93 = arith.select %eq3A_89, %neg3A_92, %select_n3A_71 : vector<2000x128xi1>, vector<2000x128xf32>
    %mul3A_94 = arith.mulf %add3A_9, %select_n3A_80 : vector<2000x128xf32>
    %swap3A = arith.constant 0 : index
    %swap3A_95 = arith.constant 0 : index
    %swap3A_96 = vector.load %arg6[%swap3A, %swap3A_95] : memref<2000x128xf32, #tpu.memory_space<vmem>>, vector<2000x128xf32>
    tpu.vector_store %arg6[%swap3A, %swap3A_95], %mul3A_94 {strides = array<i32>} : memref<2000x128xf32, #tpu.memory_space<vmem>>, vector<2000x128xf32>,
    %mul3A_97 = arith.mulf %add3A_9, %select_n3A_93 : vector<2000x128xf32>
    %swap3A_98 = arith.constant 0 : index
    %swap3A_99 = arith.constant 0 : index
    %swap3A_100 = vector.load %arg7[%swap3A_98, %swap3A_99] : memref<2000x128xf32, #tpu.memory_space<vmem>>, vector<2000x128xf32>
    tpu.vector_store %arg7[%swap3A_98, %swap3A_99], %mul3A_97 {strides = array<i32>} : memref<2000x128xf32, #tpu.memory_space<vmem>>, vector<2000x128xf32>,
    return
  }
  func.func @transform_0(%arg0: i32) -> (i32, i32) {
    %add3A = arith.constant 0 : i32
    %add3A_0 = arith.addi %add3A, %arg0 : i32
    %c0_i32 = arith.constant 0 : i32
    %c0_i32_1 = arith.constant 0 : i32
    return %add3A_0, %c0_i32 : i32, i32
  }
  func.func @transform_1(%arg0: i32) -> (i32, i32) {
    %c0_i32 = arith.constant 0 : i32
    %c0_i32_0 = arith.constant 0 : i32
    %c0_i32_1 = arith.constant 0 : i32
    return %c0_i32, %c0_i32_0 : i32, i32
  }
  func.func @transform_2(%arg0: i32) -> (i32, i32) {
    %c0_i32 = arith.constant 0 : i32
    %c0_i32_0 = arith.constant 0 : i32
    %c0_i32_1 = arith.constant 0 : i32
    return %c0_i32, %c0_i32_0 : i32, i32
  }
  func.func @transform_3(%arg0: i32) -> (i32, i32) {
    %c0_i32 = arith.constant 0 : i32
    %c0_i32_0 = arith.constant 0 : i32
    %c0_i32_1 = arith.constant 0 : i32
    return %c0_i32, %c0_i32_0 : i32, i32
  }
  func.func @transform_4(%arg0: i32) -> (i32, i32) {
    %c0_i32 = arith.constant 0 : i32
    %c0_i32_0 = arith.constant 0 : i32
    %c0_i32_1 = arith.constant 0 : i32
    return %c0_i32, %c0_i32_0 : i32, i32
  }
  func.func @transform_5(%arg0: i32) -> (i32, i32) {
    %c0_i32 = arith.constant 0 : i32
    %c0_i32_0 = arith.constant 0 : i32
    return %arg0, %c0_i32 : i32, i32
  }
  func.func @transform_6(%arg0: i32) -> (i32, i32) {
    %c0_i32 = arith.constant 0 : i32
    %c0_i32_0 = arith.constant 0 : i32
    return %arg0, %c0_i32 : i32, i32
  }
}

module attributes {stable_mosaic.version = 14 : i64} {
  func.func @kern(%arg0: i32, %arg1: memref<2000x128xf32, #tpu.memory_space<vmem>>, %arg2: memref<2000x128xf32, #tpu.memory_space<vmem>>, %arg3: memref<2000x128xf32, #tpu.memory_space<vmem>>, %arg4: memref<2000x128xf32, #tpu.memory_space<vmem>>, %arg5: memref<2000x128xf32, #tpu.memory_space<vmem>>, %arg6: memref<2000x128xf32, #tpu.memory_space<vmem>>, %arg7: memref<2000x128xf32, #tpu.memory_space<vmem>>, %arg8: memref<1x128xf32, #tpu.memory_space<vmem>>, %arg9: memref<1x128xf32, #tpu.memory_space<vmem>>) attributes {dimension_semantics = [#tpu.dimension_semantics<arbitrary>], iteration_bounds = array<i64: 5>, scalar_prefetch = 0 : i64, scratch_operands = 0 : i64, tpu.core_type = #tpu.core_type<tc>, window_params = [{transform_indices = @transform_0, window_bounds = array<i64: 2000, 128>}, {transform_indices = @transform_1, window_bounds = array<i64: 2000, 128>}, {transform_indices = @transform_2, window_bounds = array<i64: 2000, 128>}, {transform_indices = @transform_3, window_bounds = array<i64: 2000, 128>}, {transform_indices = @transform_4, window_bounds = array<i64: 2000, 128>}, {transform_indices = @transform_5, window_bounds = array<i64: 2000, 128>}, {transform_indices = @transform_6, window_bounds = array<i64: 2000, 128>}, {pipeline_mode = #tpu.pipeline_mode<synchronous>, transform_indices = @transform_7, window_bounds = array<i64: 1, 128>}, {pipeline_mode = #tpu.pipeline_mode<synchronous>, transform_indices = @transform_8, window_bounds = array<i64: 1, 128>}]} {
    %get3A = arith.constant 0 : index
    %get3A_0 = arith.constant 0 : index
    %get3A_1 = vector.load %arg5[%get3A, %get3A_0] : memref<2000x128xf32, #tpu.memory_space<vmem>>, vector<2000x128xf32>
    %get3A_2 = arith.constant 0 : index
    %get3A_3 = arith.constant 0 : index
    %get3A_4 = vector.load %arg6[%get3A_2, %get3A_3] : memref<2000x128xf32, #tpu.memory_space<vmem>>, vector<2000x128xf32>
    %get3A_5 = arith.constant 0 : index
    %get3A_6 = arith.constant 0 : index
    %get3A_7 = vector.load %arg1[%get3A_5, %get3A_6] : memref<2000x128xf32, #tpu.memory_space<vmem>>, vector<2000x128xf32>
    %get3A_8 = arith.constant 0 : index
    %get3A_9 = arith.constant 0 : index
    %get3A_10 = vector.load %arg2[%get3A_8, %get3A_9] : memref<2000x128xf32, #tpu.memory_space<vmem>>, vector<2000x128xf32>
    %get3A_11 = arith.constant 0 : index
    %get3A_12 = arith.constant 0 : index
    %get3A_13 = vector.load %arg3[%get3A_11, %get3A_12] : memref<2000x128xf32, #tpu.memory_space<vmem>>, vector<2000x128xf32>
    %add3A = arith.addf %get3A_7, %get3A_13 : vector<2000x128xf32>
    %get3A_14 = arith.constant 0 : index
    %get3A_15 = arith.constant 0 : index
    %get3A_16 = vector.load %arg4[%get3A_14, %get3A_15] : memref<2000x128xf32, #tpu.memory_space<vmem>>, vector<2000x128xf32>
    %add3A_17 = arith.addf %get3A_10, %get3A_16 : vector<2000x128xf32>
    %add3A_18 = arith.addf %add3A, %get3A_1 : vector<2000x128xf32>
    %mul3A = arith.mulf %add3A_18, %get3A_1 : vector<2000x128xf32>
    %add3A_19 = arith.addf %add3A_17, %get3A_4 : vector<2000x128xf32>
    %mul3A_20 = arith.mulf %add3A_19, %get3A_4 : vector<2000x128xf32>
    %add3A_21 = arith.addf %mul3A, %mul3A_20 : vector<2000x128xf32>
    %swap3A = arith.constant 0 : index
    %swap3A_22 = arith.constant 0 : index
    %swap3A_23 = vector.load %arg7[%swap3A, %swap3A_22] : memref<2000x128xf32, #tpu.memory_space<vmem>>, vector<2000x128xf32>
    tpu.vector_store %arg7[%swap3A, %swap3A_22], %add3A_21 {strides = array<i32>} : memref<2000x128xf32, #tpu.memory_space<vmem>>, vector<2000x128xf32>,
    %reduce_sum3A = arith.constant dense<0.000000e+00> : vector<128xf32>
    %reduce_sum3A_24 = vector.multi_reduction <add>, %add3A_21, %reduce_sum3A [0] : vector<2000x128xf32> to vector<128xf32>
    %broadcast_in_dim3A = vector.shape_cast %reduce_sum3A_24 : vector<128xf32> to vector<1x128xf32>
    %mul3A_25 = arith.mulf %add3A_21, %add3A_21 : vector<2000x128xf32>
    %reduce_sum3A_26 = arith.constant dense<0.000000e+00> : vector<128xf32>
    %reduce_sum3A_27 = vector.multi_reduction <add>, %mul3A_25, %reduce_sum3A_26 [0] : vector<2000x128xf32> to vector<128xf32>
    %broadcast_in_dim3A_28 = vector.shape_cast %reduce_sum3A_27 : vector<128xf32> to vector<1x128xf32>
    %eq3A = arith.constant 0 : i32
    %eq3A_29 = arith.cmpi eq, %arg0, %eq3A : i32
    %convert_element_type3A = arith.extui %eq3A_29 : i1 to i32
    %cond3A = arith.constant 0 : i32
    %cond3A_30 = arith.cmpi ne, %convert_element_type3A, %cond3A : i32
    scf.if %cond3A_30 {
      %swap3A_35 = arith.constant 0 : index
      %swap3A_36 = arith.constant 0 : index
      %swap3A_37 = vector.load %arg8[%swap3A_35, %swap3A_36] : memref<1x128xf32, #tpu.memory_space<vmem>>, vector<1x128xf32>
      tpu.vector_store %arg8[%swap3A_35, %swap3A_36], %broadcast_in_dim3A {strides = array<i32>} : memref<1x128xf32, #tpu.memory_space<vmem>>, vector<1x128xf32>,
      %swap3A_38 = arith.constant 0 : index
      %swap3A_39 = arith.constant 0 : index
      %swap3A_40 = vector.load %arg9[%swap3A_38, %swap3A_39] : memref<1x128xf32, #tpu.memory_space<vmem>>, vector<1x128xf32>
      tpu.vector_store %arg9[%swap3A_38, %swap3A_39], %broadcast_in_dim3A_28 {strides = array<i32>} : memref<1x128xf32, #tpu.memory_space<vmem>>, vector<1x128xf32>,
    } else {
    }
    %gt3A = arith.constant 0 : i32
    %gt3A_31 = arith.cmpi sgt, %arg0, %gt3A : i32
    %convert_element_type3A_32 = arith.extui %gt3A_31 : i1 to i32
    %cond3A_33 = arith.constant 0 : i32
    %cond3A_34 = arith.cmpi ne, %convert_element_type3A_32, %cond3A_33 : i32
    scf.if %cond3A_34 {
      %get3A_35 = arith.constant 0 : index
      %get3A_36 = arith.constant 0 : index
      %get3A_37 = vector.load %arg8[%get3A_35, %get3A_36] : memref<1x128xf32, #tpu.memory_space<vmem>>, vector<1x128xf32>
      %add3A_38 = arith.addf %get3A_37, %broadcast_in_dim3A : vector<1x128xf32>
      %swap3A_39 = arith.constant 0 : index
      %swap3A_40 = arith.constant 0 : index
      %swap3A_41 = vector.load %arg8[%swap3A_39, %swap3A_40] : memref<1x128xf32, #tpu.memory_space<vmem>>, vector<1x128xf32>
      tpu.vector_store %arg8[%swap3A_39, %swap3A_40], %add3A_38 {strides = array<i32>} : memref<1x128xf32, #tpu.memory_space<vmem>>, vector<1x128xf32>,
      %get3A_42 = arith.constant 0 : index
      %get3A_43 = arith.constant 0 : index
      %get3A_44 = vector.load %arg9[%get3A_42, %get3A_43] : memref<1x128xf32, #tpu.memory_space<vmem>>, vector<1x128xf32>
      %add3A_45 = arith.addf %get3A_44, %broadcast_in_dim3A_28 : vector<1x128xf32>
      %swap3A_46 = arith.constant 0 : index
      %swap3A_47 = arith.constant 0 : index
      %swap3A_48 = vector.load %arg9[%swap3A_46, %swap3A_47] : memref<1x128xf32, #tpu.memory_space<vmem>>, vector<1x128xf32>
      tpu.vector_store %arg9[%swap3A_46, %swap3A_47], %add3A_45 {strides = array<i32>} : memref<1x128xf32, #tpu.memory_space<vmem>>, vector<1x128xf32>,
    } else {
    }
    return
  }
  func.func @transform_0(%arg0: i32) -> (i32, i32) {
    %c0_i32 = arith.constant 0 : i32
    %c0_i32_0 = arith.constant 0 : i32
    return %arg0, %c0_i32 : i32, i32
  }
  func.func @transform_1(%arg0: i32) -> (i32, i32) {
    %c0_i32 = arith.constant 0 : i32
    %c0_i32_0 = arith.constant 0 : i32
    return %arg0, %c0_i32 : i32, i32
  }
  func.func @transform_2(%arg0: i32) -> (i32, i32) {
    %c0_i32 = arith.constant 0 : i32
    %c0_i32_0 = arith.constant 0 : i32
    return %arg0, %c0_i32 : i32, i32
  }
  func.func @transform_3(%arg0: i32) -> (i32, i32) {
    %c0_i32 = arith.constant 0 : i32
    %c0_i32_0 = arith.constant 0 : i32
    return %arg0, %c0_i32 : i32, i32
  }
  func.func @transform_4(%arg0: i32) -> (i32, i32) {
    %c0_i32 = arith.constant 0 : i32
    %c0_i32_0 = arith.constant 0 : i32
    return %arg0, %c0_i32 : i32, i32
  }
  func.func @transform_5(%arg0: i32) -> (i32, i32) {
    %c0_i32 = arith.constant 0 : i32
    %c0_i32_0 = arith.constant 0 : i32
    return %arg0, %c0_i32 : i32, i32
  }
  func.func @transform_6(%arg0: i32) -> (i32, i32) {
    %c0_i32 = arith.constant 0 : i32
    %c0_i32_0 = arith.constant 0 : i32
    return %arg0, %c0_i32 : i32, i32
  }
  func.func @transform_7(%arg0: i32) -> (i32, i32) {
    %c0_i32 = arith.constant 0 : i32
    %c0_i32_0 = arith.constant 0 : i32
    %c0_i32_1 = arith.constant 0 : i32
    return %c0_i32, %c0_i32_0 : i32, i32
  }
  func.func @transform_8(%arg0: i32) -> (i32, i32) {
    %c0_i32 = arith.constant 0 : i32
    %c0_i32_0 = arith.constant 0 : i32
    %c0_i32_1 = arith.constant 0 : i32
    return %c0_i32, %c0_i32_0 : i32, i32
  }
}

module attributes {stable_mosaic.version = 14 : i64} {
  func.func @kern(%arg0: i32, %arg1: memref<5000x128xf32, #tpu.memory_space<vmem>>, %arg2: memref<1x128xf32, #tpu.memory_space<vmem>>, %arg3: memref<1x128xf32, #tpu.memory_space<vmem>>, %arg4: memref<1x128xf32, #tpu.memory_space<vmem>>, %arg5: memref<1x128xf32, #tpu.memory_space<vmem>>, %arg6: memref<5000x128xf32, #tpu.memory_space<vmem>>) attributes {dimension_semantics = [#tpu.dimension_semantics<arbitrary>], iteration_bounds = array<i64: 2>, scalar_prefetch = 0 : i64, scratch_operands = 0 : i64, tpu.core_type = #tpu.core_type<tc>, window_params = [{transform_indices = @transform_0, window_bounds = array<i64: 5000, 128>}, {pipeline_mode = #tpu.pipeline_mode<synchronous>, transform_indices = @transform_1, window_bounds = array<i64: 1, 128>}, {pipeline_mode = #tpu.pipeline_mode<synchronous>, transform_indices = @transform_2, window_bounds = array<i64: 1, 128>}, {pipeline_mode = #tpu.pipeline_mode<synchronous>, transform_indices = @transform_3, window_bounds = array<i64: 1, 128>}, {pipeline_mode = #tpu.pipeline_mode<synchronous>, transform_indices = @transform_4, window_bounds = array<i64: 1, 128>}, {transform_indices = @transform_5, window_bounds = array<i64: 5000, 128>}]} {
    %get3A = arith.constant 0 : index
    %get3A_0 = arith.constant 0 : index
    %get3A_1 = vector.load %arg2[%get3A, %get3A_0] : memref<1x128xf32, #tpu.memory_space<vmem>>, vector<1x128xf32>
    %mul3A = arith.constant 9.99999974E-5 : f32
    %mul3A_2 = vector.broadcast %mul3A : f32 to vector<1x128xf32>
    %mul3A_3 = arith.mulf %get3A_1, %mul3A_2 : vector<1x128xf32>
    %get3A_4 = arith.constant 0 : index
    %get3A_5 = arith.constant 0 : index
    %get3A_6 = vector.load %arg3[%get3A_4, %get3A_5] : memref<1x128xf32, #tpu.memory_space<vmem>>, vector<1x128xf32>
    %mul3A_7 = arith.constant 9.99999974E-5 : f32
    %mul3A_8 = vector.broadcast %mul3A_7 : f32 to vector<1x128xf32>
    %mul3A_9 = arith.mulf %get3A_6, %mul3A_8 : vector<1x128xf32>
    %mul3A_10 = arith.mulf %mul3A_3, %mul3A_3 : vector<1x128xf32>
    %sub3A = arith.subf %mul3A_9, %mul3A_10 : vector<1x128xf32>
    %get3A_11 = arith.constant 0 : index
    %get3A_12 = arith.constant 0 : index
    %get3A_13 = vector.load %arg4[%get3A_11, %get3A_12] : memref<1x128xf32, #tpu.memory_space<vmem>>, vector<1x128xf32>
    %add3A = arith.constant 1.000000e-03 : f32
    %add3A_14 = vector.broadcast %add3A : f32 to vector<1x128xf32>
    %add3A_15 = arith.addf %sub3A, %add3A_14 : vector<1x128xf32>
    %sqrt3A = math.sqrt %add3A_15 : vector<1x128xf32>
    %div3A = arith.divf %get3A_13, %sqrt3A : vector<1x128xf32>
    %get3A_16 = arith.constant 0 : index
    %get3A_17 = arith.constant 0 : index
    %get3A_18 = vector.load %arg1[%get3A_16, %get3A_17] : memref<5000x128xf32, #tpu.memory_space<vmem>>, vector<5000x128xf32>
    %sub3A_19 = vector.broadcast %mul3A_3 : vector<1x128xf32> to vector<5000x128xf32>
    %sub3A_20 = arith.subf %get3A_18, %sub3A_19 : vector<5000x128xf32>
    %mul3A_21 = vector.broadcast %div3A : vector<1x128xf32> to vector<5000x128xf32>
    %mul3A_22 = arith.mulf %mul3A_21, %sub3A_20 : vector<5000x128xf32>
    %get3A_23 = arith.constant 0 : index
    %get3A_24 = arith.constant 0 : index
    %get3A_25 = vector.load %arg5[%get3A_23, %get3A_24] : memref<1x128xf32, #tpu.memory_space<vmem>>, vector<1x128xf32>
    %add3A_26 = vector.broadcast %get3A_25 : vector<1x128xf32> to vector<5000x128xf32>
    %add3A_27 = arith.addf %mul3A_22, %add3A_26 : vector<5000x128xf32>
    %max3A = arith.constant 0.000000e+00 : f32
    %max3A_28 = vector.broadcast %max3A : f32 to vector<5000x128xf32>
    %max3A_29 = arith.maximumf %add3A_27, %max3A_28 : vector<5000x128xf32>
    %swap3A = arith.constant 0 : index
    %swap3A_30 = arith.constant 0 : index
    %swap3A_31 = vector.load %arg6[%swap3A, %swap3A_30] : memref<5000x128xf32, #tpu.memory_space<vmem>>, vector<5000x128xf32>
    tpu.vector_store %arg6[%swap3A, %swap3A_30], %max3A_29 {strides = array<i32>} : memref<5000x128xf32, #tpu.memory_space<vmem>>, vector<5000x128xf32>,
    return
  }
  func.func @transform_0(%arg0: i32) -> (i32, i32) {
    %c0_i32 = arith.constant 0 : i32
    %c0_i32_0 = arith.constant 0 : i32
    return %arg0, %c0_i32 : i32, i32
  }
  func.func @transform_1(%arg0: i32) -> (i32, i32) {
    %c0_i32 = arith.constant 0 : i32
    %c0_i32_0 = arith.constant 0 : i32
    %c0_i32_1 = arith.constant 0 : i32
    return %c0_i32, %c0_i32_0 : i32, i32
  }
  func.func @transform_2(%arg0: i32) -> (i32, i32) {
    %c0_i32 = arith.constant 0 : i32
    %c0_i32_0 = arith.constant 0 : i32
    %c0_i32_1 = arith.constant 0 : i32
    return %c0_i32, %c0_i32_0 : i32, i32
  }
  func.func @transform_3(%arg0: i32) -> (i32, i32) {
    %c0_i32 = arith.constant 0 : i32
    %c0_i32_0 = arith.constant 0 : i32
    %c0_i32_1 = arith.constant 0 : i32
    return %c0_i32, %c0_i32_0 : i32, i32
  }
  func.func @transform_4(%arg0: i32) -> (i32, i32) {
    %c0_i32 = arith.constant 0 : i32
    %c0_i32_0 = arith.constant 0 : i32
    %c0_i32_1 = arith.constant 0 : i32
    return %c0_i32, %c0_i32_0 : i32, i32
  }
  func.func @transform_5(%arg0: i32) -> (i32, i32) {
    %c0_i32 = arith.constant 0 : i32
    %c0_i32_0 = arith.constant 0 : i32
    return %arg0, %c0_i32 : i32, i32
  }
}

</mosaic_0001>

<sc_bundles>
// kernel: kernel.13.cloned.1.call-start
scs
__scs_entry_jumppad:
0x0: {  	(pc) =	sbr.rel $0x88, $3  }
0x1: {  	(tag) =	ssettag $0x0;
	lr =	simm.s32 $0x1  }
0x2: {  	[smem:$0x3F97] =	sst lr;
	_ =	strace $0xD0000000  }
0x3: {  	_ = 	snop  }
0x4: {  	_ = 	snop  }
0x5: {  	_ = 	snop  }
0x6: {  	_ = 	snop  }
0x7: {  	_ = 	snop  }
__scs_overlays_trampoline_lowered:
0x8: {  	[smem:$0x3FA6] =	sst s0  }
0x9: {  	[smem:$0x3FA7] =	sst s1  }
0xa: {  	[smem:$0x3FA8] =	sst s2  }
0xb: {  	[smem:$0x3FA9] =	sst s3  }
0xc: {  	[smem:$0x3FAA] =	sst s4  }
0xd: {  	[smem:$0x3FAB] =	sst s5  }
0xe: {  	[smem:$0x3FAC] =	sst s6  }
0xf: {  	[smem:$0x3FAD] =	sst s7  }
0x10: {  	[smem:$0x3FAE] =	sst s8  }
0x11: {  	[smem:$0x3FAF] =	sst s9;
	s0 =	simm.s32 @!p0 $0x0  }
0x12: {  	s1 =	sld [smem:$0x3F95];
	s0 =	simm.s32 @p0 $0x1  }
0x13: {  	[smem:$0x3FB0] =	sst s0;
	s0 =	simm.s32 @!p1 $0x0  }
0x14: {  	s2 =	sld [smem:$0x3F94];
	s0 =	simm.s32 @p1 $0x1  }
0x15: {  	[smem:$0x3FB1] =	sst s0;
	s0 =	simm.s32 @!p2 $0x0  }
0x16: {  	s3 =	sld [smem:$0x3FDB];
	s0 =	simm.s32 @p2 $0x1  }
0x17: {  	s4 =	simm.s32 $0x1BF5;
	[smem:$0x3FB3] =	sst s0  }
0x18: {  	s0 =	sld [smem:$0x3F96];
	_ =	swait.ge [sflag:s4], $0x0  }
0x19: {  	s7 =	sld [smem:$0x3F97]  }
0x1a: {  	s8 =	sadd.s32 $0xFFFFE003, lr  }
0x1b: {  	s9 =	sadd.s32 $0xFFFFFEF7, lr;
	s5 =	simm.s32 $0xFFFFFFFF;
	p2 =	slt.u32 s8, $0xFFFFF086  }
0x1c: {  	p1 =	slt.u32 s9, $0xF7A;
	s5 =	simm.s32 @!p2 $0x0  }
0x1d: {  	s5 =	simm.s32 @p1 $0x1;
	p0 =	seq.s32 s7, s2  }
0x1e: {  	s7 =	smul.u32 @!p0 $0xF7A, s2;
	p2 =	seq.s32 @!p0 s5, $0x0  }
0x1f: {  	s9 =	smul.u32 $0xF7A, s1;
	s8 =	simm.s32 @!p0 $0x1BF5;
	p2 =	por !p2, p0  }
0x20: {  	[sflag:s8] =	ssyncset.s32 @!p0 $0xFFFFF086;
	s6 =	sadd.s32 @!p0 s3, s7;
	s7 =	simm.s32 @!p0 $0x108  }
0x21: {  	s3 =	sadd.s32 s3, s9;
	s6 =	sadd.s32 @!p0 $0x88, s6;
	s7 =	simm.s32 @p2 $0x1082  }
0x22: {  	[simem:s7], [sflag:s8] =	dma.local @!p0 [hbm:s6], $0xF7A  }
0x23: {  	s9 =	sor.u32 $0xD0000000, s2;
	s6 =	simm.s32 $0x108;
	_ =	swait.ge @!p0 [sflag:s8], $0x0  }
0x24: {  	s3 =	sadd.s32 $0x88, s3;
	s6 =	simm.s32 @!p1 $0x1082;
	[sflag:s4] =	ssyncset.s32 $0xFFFFF086  }
0x25: {  	[simem:s6], [sflag:s4] =	dma.local [hbm:s3], $0xF7A  }
0x26: {  	[smem:$0x3F97] =	sst s1;
	(tag) =	ssettag s2;
	_ =	strace s9  }
0x27: {  	s1 =	sld [smem:$0x3FA7]  }
0x28: {  	s2 =	sld [smem:$0x3FA8]  }
0x29: {  	s4 =	sld [smem:$0x3FAA]  }
0x2a: {  	p0 =	seq.s32 s5, $0x0;
	s5 =	sld [smem:$0x3FAB]  }
0x2b: {  	s6 =	sld [smem:$0x3FAC]  }
0x2c: {  	s7 =	sld [smem:$0x3FAD]  }
0x2d: {  	s3 =	simm.s32 $0x108;
	s8 =	sld [smem:$0x3FAE]  }
0x2e: {  	s3 =	simm.s32 @!p0 $0x1082;
	s9 =	sld [smem:$0x3FAF]  }
0x2f: {  	lr =	sadd.s32 s0, s3;
	s0 =	sld [smem:$0x3FA6]  }
0x30: {  	s3 =	sld [smem:$0x3FA9]  }
0x31: {  	[smem:$0x3FB2] =	sst s10  }
0x32: {  	s10 =	sld [smem:$0x3FB0];
	_ =	sdelay $0x3  }
0x33: {  	p0 =	seq.s32 s10, $0x1;
	s10 =	sld [smem:$0x3FB2];
	_ =	sdelay $0x3  }
0x34: {  	[smem:$0x3FB2] =	sst s10  }
0x35: {  	s10 =	sld [smem:$0x3FB1];
	_ =	sdelay $0x3  }
0x36: {  	p1 =	seq.s32 s10, $0x1;
	s10 =	sld [smem:$0x3FB2];
	_ =	sdelay $0x3  }
0x37: {  	[smem:$0x3FB2] =	sst s10  }
0x38: {  	s10 =	sld [smem:$0x3FB3]  }
0x39: {  	_ = 	snop;
	(pc) =	sbr.ind lr, $3  }
0x3a: {  	_ = 	snop  }
0x3b: {  	_ = 	snop  }
0x3c: {  	p2 =	seq.s32 s10, $0x1;
	s10 =	sld [smem:$0x3FB2]  }
0x3d: {  	_ =	shalt  }
0x3e: {  	_ =	shalt  }
0x3f: {  	_ =	shalt  }
0x40: {  	_ =	shalt  }
0x41: {  	_ =	shalt  }
0x42: {  	_ =	shalt  }
0x43: {  	_ =	shalt  }
0x44: {  	_ =	shalt  }
0x45: {  	_ =	shalt  }
0x46: {  	_ =	shalt  }
0x47: {  	_ =	shalt  }
0x48: {  	_ =	shalt  }
0x49: {  	_ =	shalt  }
0x4a: {  	_ =	shalt  }
0x4b: {  	_ =	shalt  }
0x4c: {  	_ =	shalt  }
0x4d: {  	_ =	shalt  }
0x4e: {  	_ =	shalt  }
0x4f: {  	_ =	shalt  }
0x50: {  	_ =	shalt  }
0x51: {  	_ =	shalt  }
0x52: {  	_ =	shalt  }
0x53: {  	_ =	shalt  }
0x54: {  	_ =	shalt  }
0x55: {  	_ =	shalt  }
0x56: {  	_ =	shalt  }
0x57: {  	_ =	shalt  }
0x58: {  	_ =	shalt  }
0x59: {  	_ =	shalt  }
0x5a: {  	_ =	shalt  }
0x5b: {  	_ =	shalt  }
0x5c: {  	_ =	shalt  }
0x5d: {  	_ =	shalt  }
0x5e: {  	_ =	shalt  }
0x5f: {  	_ =	shalt  }
0x60: {  	_ =	shalt  }
0x61: {  	_ =	shalt  }
0x62: {  	_ =	shalt  }
0x63: {  	_ =	shalt  }
0x64: {  	_ =	shalt  }
0x65: {  	_ =	shalt  }
0x66: {  	_ =	shalt  }
0x67: {  	_ =	shalt  }
0x68: {  	_ =	shalt  }
0x69: {  	_ =	shalt  }
0x6a: {  	_ =	shalt  }
0x6b: {  	_ =	shalt  }
0x6c: {  	_ =	shalt  }
0x6d: {  	_ =	shalt  }
0x6e: {  	_ =	shalt  }
0x6f: {  	_ =	shalt  }
0x70: {  	_ =	shalt  }
0x71: {  	_ =	shalt  }
0x72: {  	_ =	shalt  }
0x73: {  	_ =	shalt  }
0x74: {  	_ =	shalt  }
0x75: {  	_ =	shalt  }
0x76: {  	_ =	shalt  }
0x77: {  	_ =	shalt  }
0x78: {  	_ =	shalt  }
0x79: {  	_ =	shalt  }
0x7a: {  	_ =	shalt  }
0x7b: {  	_ =	shalt  }
0x7c: {  	_ =	shalt  }
0x7d: {  	_ =	shalt  }
0x7e: {  	_ =	shalt  }
0x7f: {  	_ =	shalt  }
0x80: {  	_ =	shalt  }
0x81: {  	_ =	shalt  }
0x82: {  	_ =	shalt  }
0x83: {  	_ =	shalt  }
0x84: {  	_ =	shalt  }
0x85: {  	_ =	shalt  }
0x86: {  	_ =	shalt  }
0x87: {  	_ =	shalt  }
.Lfunc_end0:
.L_simem_size_0:
called_computation_lowered:
.L_overlay_start_0:
0x88: {  	s2 =	sld [smem:$0x3FD9]  }
0x89: {  	s3 =	sld [smem:$0x3FFE];
	_ =	sdelay $0x1  }
0x8a: {  	s1 =	srdreg.scid  }
0x8b: {  	s0 =	sand.u32 $0x1, s1  }
0x8c: {  	s17 =	sshll.u32 s0, $0xA;
	s2 =	sadd.s32 s3, s2  }
0x8d: {  	s2 =	sadd.s32 s2, s17  }
0x8e: {  	[smem:$0x3FBE] =	sst s2  }
0x8f: {  	_ = 	snop  }
0x90: {  	s18 =	sld [smem:$0x3FD0];
	(tm) =	ssettm $0x1  }
0x91: {  	s19 =	sld [smem:$0x3FFB];
	_ =	sdelay $0x3  }
0x92: {  	_ =	strace s19  }
0x93: {  	s2 =	sld [smem:$0x3FFC];
	_ =	sdelay $0x3  }
0x94: {  	_ =	strace s2  }
0x95: {  	s2 =	sld [smem:$0x3FFD];
	_ =	sdelay $0x3  }
0x96: {  	_ =	strace s2  }
0x97: {  	_ =	strace $0x8FFFFFFF  }
0x98: {  	s20 =	sld [smem:$0x3FDB];
	_ =	sdelay $0x1  }
0x99: {  	s4 =	simm.s32 $_scs_section_size  }
0x9a: {  	s5 =	simm.s32 $_size__tile_overlayer_lowered;
	s6 =	simm.s32 $_tile_overlayer_lowered  }
0x9b: {  	s7 =	simm.s32 $0x1BFF;
	s21 =	sshll.u32 s6, $0x1;
	s4 =	sadd.s32 s4, s20  }
0x9c: {  	s22 =	simm.s32 $0x0;
	s5 =	sshll.u32 s5, $0x1;
	s6 =	sadd.s32 s21, s4  }
0x9d: {  	[timem:s22], [sflag:s7] =	dma.local [hbm:s6], s5  }
0x9e: {  	_ =	swait.ge [sflag:s7], s5  }
0x9f: {  	s5 =	ssub.s32 $0x0, s5;
	[sflag:s7] =	ssyncset.done $0x0  }
0xa0: {  	[sflag:s7] =	ssyncadd.s32 s5;
	_ =	sdelay $0x1  }
0xa1: {  	s23 =	simm.s32 $0x1B8B  }
0xa2: {  	_ =	swait.ge [sflag:s23], $0x1  }
0xa3: {  	[sflag:s23] =	ssyncset.done $0x0  }
0xa4: {  	[sflag:s23] =	ssyncadd.s32 $0xFFFFFFFF  }
0xa5: {  	s5 =	sld [smem:$0x0]  }
0xa6: {  	s6 =	sand.u32 $0xFFFFFFFE, s1  }
0xa7: {  	p0 =	sne.s32 s1, s6  }
0xa8: {  	s6 =	sshll.u32 @p0 s6, $0xE  }
0xa9: {  	s6 =	sadd.s32 @p0 $0x11B8D, s6;
	s7 =	sshll.u32 @p0 s5, $0x11  }
0xaa: {  	s6 =	sor.u32 @p0 s7, s6  }
0xab: {  	[sflag:s6] =	ssyncadd.remote.s32 @p0 $0x1;
	_ =	sdelay $0x1  }
0xac: {  	s6 =	simm.s32 @p0 $0x1B8D  }
0xad: {  	_ =	swait.eq @p0 [sflag:s6], $0x1  }
0xae: {  	[sflag:s6] =	ssyncadd.s32 @p0 $0xFFFFFFFF  }
0xaf: {  	s7 =	sshll.u32 @!p0 s1, $0xE  }
0xb0: {  	s7 =	sor.u32 @!p0 $0x4000, s7;
	s6 =	simm.s32 @!p0 $0x1B8D  }
0xb1: {  	s5 =	sshll.u32 @!p0 s5, $0x11;
	s7 =	sadd.s32 @!p0 $0x11B8D, s7;
	_ =	swait.eq @!p0 [sflag:s6], $0x1  }
0xb2: {  	s5 =	sor.u32 @!p0 s5, s7;
	[sflag:s6] =	ssyncadd.s32 @!p0 $0xFFFFFFFF  }
0xb3: {  	s25 =	simm.s32 $0x1B8E;
	s24 =	sld [smem:$0x3FFE];
	[sflag:s5] =	ssyncadd.remote.s32 @!p0 $0x1  }
0xb4: {  	s26 =	simm.s32 $execute0_lowered;
	[smem:$0x3FD2] =	sst s25  }
0xb5: {  	s6 =	sshll.u32 s26, $0x1;
	_ =	strace $0x80000049;
	[dreg:$0x1] =	wrdreg $0xFFFFFFFF  }
0xb6: {  	s28 =	simm.s32 $_size_execute0_lowered;
	s4 =	sadd.s32 s4, s6;
	[dreg:$0x0] =	wrdreg $0x0  }
0xb7: {  	s6 =	sshll.u32 s28, $0x1;
	[dreg:$0x2] =	wrdreg s4  }
0xb8: {  	[dreg:$0x3] =	wrdreg s6  }
0xb9: {  	[dreg:$0x4] =	wrdreg $0xC0  }
0xba: {  	_ =	task [dreg:s22], $0x5FFFF  }
0xbb: {  	[dreg:$0x1] =	wrdreg $0xFFFFFFFF  }
0xbc: {  	[dreg:$0x0] =	wrdreg $0x60  }
0xbd: {  	[dreg:$0x2] =	wrdreg s24  }
0xbe: {  	[dreg:$0x3] =	wrdreg s18  }
0xbf: {  	[dreg:$0x4] =	wrdreg $0x94000  }
0xc0: {  	[dreg:$0x5] =	wrdreg $0x9  }
0xc1: {  	_ =	task.clear_ibuf [dreg:s22], $0x6FFFF;
	_ =	strace $0x90000049  }
0xc2: {  	s29 =	simm.s32 $0x9;
	_ =	strace $0x8000004B  }
0xc3: {  	_ =	swait.ge [sflag:s29], $0x1  }
0xc4: {  	[sflag:s29] =	ssyncadd.s32 $0xFFFFFFFF  }
0xc5: {  	_ =	strace $0x9000004B  }
0xc6: {  	_ =	sfence  }
0xc7: {  	s30 =	sld [smem:$0x0];
	_ =	sdelay $0x2  }
0xc8: {  	s31 =	sshll.u32 s1, $0xD;
	s1 =	sshrl.u32 s1, $0x2  }
0xc9: {  	s4 =	sand.u32 $0x4000, s31;
	s1 =	sadd.s32 s1, s30  }
0xca: {  	s0 =	sor.u32 s4, s0;
	s1 =	sshll.u32 s1, $0x11  }
0xcb: {  	s0 =	sor.u32 s1, s0  }
0xcc: {  	s0 =	sadd.s32 $0x8F2B, s0  }
0xcd: {  	[sflag:s0] =	ssyncadd.remote.s32 $0x1  }
0xce: {  	_ =	sfence.sel $0xFFFF  }
0xcf: {  	[dreg:$0x0] =	wrdreg $0xFFFFFFFF;
	(pc) =	sbr.abs _section_cstart, $3  }
0xd0: {  	[dreg:$0x1] =	wrdreg $0xFFFFFFFF  }
0xd1: {  	_ =	task.clear_ibuf [dreg:s22], $0x2FFFF;
	_ =	strace $0x9FFFFFFF  }
0xd2: {  	(tm) =	ssettm $0x7FFFFFFF  }
0xd3: {  	_ =	shalt  }
tec
execute0_lowered:
.L_overlay_start_1:
0x0: {  	(tag) =	ssettag $0x1  }
0x1: {  	s0 =	rddreg [dreg:$0x0]  }
0x2: {  	s3 =	rddreg [dreg:$0x1]  }
0x3: {  	s1 =	rddreg [dreg:$0x2];
	s13 =	stileid.u32;
	s4 =	sadd.s32 $0x55C600, s0  }
0x4: {  	s2 =	simm.s32 $0x0;
	s5 =	sadd.s32 $0x7DC600, s0;
	s24 =	smul.u32 $0x50000, s13  }
0x5: {  	s23 =	srdreg.scid;
	s6 =	sadd.s32 $0x509E00, s0;
	s9 =	smul.u32 $0x280, s13  }
0x6: {  	s29 =	simm.s32 $0x1380;
	s7 =	sadd.s32 $0xA5C600, s0;
	s26 =	smul.u32 $0x2800, s13  }
0x7: {  	[smem:$0x7FF] =	sst s2;
	s0 =	sadd.s32 $0xA84600, s0;
	s11 =	smul.u32 $0x28000, s13  }
0x8: {  	s30 =	sshll.u32 s13, $0x6;
	_ =	strace $0x8000004A;
	[dreg:$0x4] =	wrdreg s6  }
0x9: {  	s13 =	smul.u32 $0x140000, s13;
	[dreg:$0x5] =	wrdreg s7;
	s6 =	sand.u32 $0x1, s23  }
0xa: {  	[dreg:$0x6] =	wrdreg s0;
	s25 =	ssub.s32 $0x2, s6;
	s10 =	sshrl.u32 s24, $0x2  }
0xb: {  	[dreg:$0x7] =	wrdreg s26;
	s12 =	sshrl.u32 s26, $0x3;
	p0 =	seq.s32 s6, $0x1  }
0xc: {  	s7 =	sadd.s32 s4, s11;
	s14 =	sadd.s32 $0x14000, s11;
	s16 =	sshrl.u32 s13, $0x3  }
0xd: {  	s18 =	sadd.s32 $0x80, s9;
	s20 =	sadd.s32 $0x100, s9;
	s22 =	sadd.s32 $0x180, s9  }
0xe: {  	s9 =	sadd.s32 $0x200, s9;
	s11 =	sadd.s32 s5, s11;
	s13 =	simm.s32 $0x1  }
0xf: {  	s8 =	sshrl.u32 s25, $0x1;
	s17 =	sadd.s32 s4, s14;
	s6 =	sadd.s32 $0x14800, s16  }
0x10: {  	s19 =	sshll.u32 s18, $0x7;
	s15 =	sshll.u32 s18, $0x4;
	s21 =	sshll.u32 s20, $0x7  }
0x11: {  	s23 =	sshll.u32 s22, $0x7;
	s22 =	sshll.u32 s22, $0x4;
	[dreg:$0x9] =	wrdreg s7  }
0x12: {  	s26 =	sadd.s32 $0x800, s7;
	s31 =	sadd.s32 $0x15800, s7;
	[dreg:$0xd] =	wrdreg s11  }
0x13: {  	s0 =	ssub.s32 s25, s8;
	s8 =	sadd.s32 s10, s1;
	s10 =	sor.u32 $0x1C03, s30  }
0x14: {  	[dreg:$0xa] =	wrdreg s17;
	s4 =	sadd.s32 s4, s6;
	s16 =	sadd.s32 s21, s1  }
0x15: {  	s17 =	sshll.u32 s20, $0x4;
	s24 =	sadd.s32 s5, s6;
	s25 =	sshll.u32 s9, $0x7  }
0x16: {  	s21 =	sadd.s32 s23, s1;
	[dreg:$0x10] =	wrdreg s26;
	s30 =	sadd.s32 $0x800, s11  }
0x17: {  	s6 =	simm.s32 $0x1400;
	s20 =	simm.s32 $0x2;
	[dreg:$0x8] =	wrdreg s10  }
0x18: {  	s26 =	simm.s32 $0x1300;
	s10 =	sadd.s32 s3, s12;
	[dreg:$0xb] =	wrdreg s4  }
0x19: {  	s4 =	sadd.s32 s19, s1;
	s3 =	sadd.s32 s5, s14;
	[dreg:$0xf] =	wrdreg s24  }
.Ltmp0:
0x1a: {  	s23 =	sadd.s32 s25, s1;
	s24 =	sshll.u32 s9, $0x4;
	(pc) =	sbr.rel .LBB2_1-.Ltmp0, $4  }
0x1b: {  	s25 =	smax.u32 s0, $0x1;
	[dreg:$0x11] =	wrdreg s30;
	s9 =	sadd.s32 $0x1800, s7  }
0x1c: {  	s0 =	sadd.s32 $0x1800, s11;
	s5 =	simm.s32 $0x3;
	[dreg:$0xc] =	wrdreg s4  }
0x1d: {  	s12 =	simm.s32 $0x5400;
	s19 =	simm.s32 $0x80;
	[dreg:$0xe] =	wrdreg s3  }
0x1e: {  	s28 =	sadd.s32 $0x280, s10;
	s3 =	sadd.s32 $0x15800, s11;
	s11 =	simm.s32 $0x0  }
.LBB2_11:
0x1f: {  	[tilespmem:s12], [sflag:$0x2] =	stream.linear.gather [hbm4b:s30+s2], $0x4000, $0x38;
	[tilespmem:$0x1D400] =	vst v63  }
0x20: {  	s18 =	rddreg [dreg:$0x6]  }
.LBB2_12:
0x21: {  	_ =	swait.ge [sflag:s13], $0x4000  }
0x22: {  	[sflag:s13] =	ssyncset.done $0x0  }
0x23: {  	[sflag:s13] =	ssyncadd.s32 $0xFFFFC000  }
0x24: {  	[spmem:s1] =	stream.indirect.scatter.add.f32 [tilespmem:s6], [sflag:$0x3], $0x80, s26, s19, $0xb8;
	[tilespmem:$0x1D400] =	vst v63  }
0x25: {  	_ =	swait.ge [sflag:s5], $0x4000  }
0x26: {  	[sflag:s5] =	ssyncset.done $0x0  }
0x27: {  	[sflag:s5] =	ssyncadd.s32 $0xFFFFC000  }
0x28: {  	_ =	swait.ge [sflag:s20], $0x4000  }
0x29: {  	[sflag:s20] =	ssyncset.done $0x0  }
0x2a: {  	[sflag:s20] =	ssyncadd.s32 $0xFFFFC000  }
0x2b: {  	[spmem:s1] =	stream.indirect.scatter.add.f32 [tilespmem:s12], [sflag:$0x3], $0x80, s29, s19, $0xb8;
	[tilespmem:$0x1D400] =	vst v63  }
0x2c: {  	_ =	swait.ge [sflag:s5], $0x4000  }
0x2d: {  	[sflag:s5] =	ssyncset.done $0x0  }
0x2e: {  	[sflag:s5] =	ssyncadd.s32 $0xFFFFC000  }
0x2f: {  	[bflag:$0x0] =	sbarrier.arrive $0xFFFF  }
0x30: {  	[tilespmem:s6], [sflag:$0x3] =	stream.linear.gather [spmem:s8], $0x4000, $0x38;
	[tilespmem:$0x1D400] =	vst v63  }
0x31: {  	_ =	swait.ge [sflag:s5], $0x4000  }
0x32: {  	[sflag:s5] =	ssyncset.done $0x0;
	s4 =	rddreg [dreg:$0x7]  }
0x33: {  	s4 =	sadd.s32 s18, s4;
	[sflag:s5] =	ssyncadd.s32 $0xFFFFC000  }
0x34: {  	[hbm4b:s4+s2] =	stream.linear.scatter [tilespmem:s6], [sflag:$0x3], $0x4000, $0x38;
	[tilespmem:$0x1D400] =	vst v63  }
0x35: {  	_ =	swait.ge [sflag:s5], $0x4000  }
0x36: {  	[sflag:s5] =	ssyncset.done $0x0  }
0x37: {  	s14 =	rddreg [dreg:$0xc];
	[sflag:s5] =	ssyncadd.s32 $0xFFFFC000  }
0x38: {  	[tilespmem:s6], [sflag:$0x3] =	stream.linear.gather [spmem:s14], $0x4000, $0x38;
	[tilespmem:$0x1D400] =	vst v63  }
0x39: {  	_ =	swait.ge [sflag:s5], $0x4000  }
0x3a: {  	[sflag:s5] =	ssyncset.done $0x0  }
0x3b: {  	s30 =	sadd.s32 s18, s15;
	[sflag:s5] =	ssyncadd.s32 $0xFFFFC000  }
0x3c: {  	[hbm4b:s30+s2] =	stream.linear.scatter [tilespmem:s6], [sflag:$0x3], $0x4000, $0x38;
	[tilespmem:$0x1D400] =	vst v63  }
0x3d: {  	_ =	swait.ge [sflag:s5], $0x4000  }
0x3e: {  	[sflag:s5] =	ssyncset.done $0x0  }
0x3f: {  	[sflag:s5] =	ssyncadd.s32 $0xFFFFC000  }
0x40: {  	[tilespmem:s6], [sflag:$0x3] =	stream.linear.gather [spmem:s16], $0x4000, $0x38;
	[tilespmem:$0x1D400] =	vst v63  }
0x41: {  	_ =	swait.ge [sflag:s5], $0x4000  }
0x42: {  	[sflag:s5] =	ssyncset.done $0x0  }
0x43: {  	s7 =	sadd.s32 s18, s17;
	[sflag:s5] =	ssyncadd.s32 $0xFFFFC000  }
0x44: {  	[hbm4b:s7+s2] =	stream.linear.scatter [tilespmem:s6], [sflag:$0x3], $0x4000, $0x38;
	[tilespmem:$0x1D400] =	vst v63  }
0x45: {  	_ =	swait.ge [sflag:s5], $0x4000  }
0x46: {  	[sflag:s5] =	ssyncset.done $0x0  }
0x47: {  	[sflag:s5] =	ssyncadd.s32 $0xFFFFC000  }
0x48: {  	[tilespmem:s6], [sflag:$0x3] =	stream.linear.gather [spmem:s21], $0x4000, $0x38;
	[tilespmem:$0x1D400] =	vst v63  }
0x49: {  	_ =	swait.ge [sflag:s5], $0x4000  }
0x4a: {  	[sflag:s5] =	ssyncset.done $0x0  }
0x4b: {  	s14 =	sadd.s32 s18, s22;
	[sflag:s5] =	ssyncadd.s32 $0xFFFFC000  }
0x4c: {  	[hbm4b:s14+s2] =	stream.linear.scatter [tilespmem:s6], [sflag:$0x3], $0x4000, $0x38;
	[tilespmem:$0x1D400] =	vst v63  }
0x4d: {  	_ =	swait.ge [sflag:s5], $0x4000  }
0x4e: {  	[sflag:s5] =	ssyncset.done $0x0  }
0x4f: {  	[sflag:s5] =	ssyncadd.s32 $0xFFFFC000  }
0x50: {  	[tilespmem:s6], [sflag:$0x3] =	stream.linear.gather [spmem:s23], $0x4000, $0x38;
	[tilespmem:$0x1D400] =	vst v63  }
0x51: {  	s11 =	sadd.s32 $0x1, s11;
	_ =	swait.ge [sflag:s5], $0x4000  }
0x52: {  	p1 =	sne.s32 s11, s25;
	[sflag:s5] =	ssyncset.done $0x0  }
.Ltmp1:
0x53: {  	s30 =	sadd.s32 s18, s24;
	[sflag:s5] =	ssyncadd.s32 $0xFFFFC000;
	(pc) =	sbr.rel @!p1 .LBB2_13-.Ltmp1, $4  }
0x54: {  	[hbm4b:s30+s2] =	stream.linear.scatter [tilespmem:s6], [sflag:$0x3], $0x4000, $0x38;
	[tilespmem:$0x1D400] =	vst v63  }
0x55: {  	_ =	swait.ge [sflag:s5], $0x4000  }
0x56: {  	[sflag:s5] =	ssyncset.done $0x0  }
0x57: {  	[sflag:s5] =	ssyncadd.s32 $0xFFFFC000  }
.LBB2_1:
0x58: {  	s7 =	rddreg [dreg:$0x4]  }
0x59: {  	s4 =	sshrl.u32 s8, $0x3;
	s14 =	rddreg [dreg:$0x8]  }
0x5a: {  	[spmem:s4], [sflag:s14] =	dma.local [hbm:s7], $0x2800  }
0x5b: {  	_ =	swait.ge [sflag:s5], $0x2800  }
0x5c: {  	[sflag:s5] =	ssyncset.done $0x0  }
0x5d: {  	[sflag:s5] =	ssyncadd.s32 $0xFFFFD800  }
.Ltmp2:
0x5e: {  	[bflag:$0x0] =	sbarrier.arrive $0xFFFF;
	(pc) =	sbr.rel @!p0 .LBB2_2-.Ltmp2, $4  }
0x5f: {  	[tilespmem:s2], [sflag:$0x3] =	stream.linear.gather [hbm4b:s10+s2], $0x1400, $0x38;
	[tilespmem:$0x1D400] =	vst v63  }
0x60: {  	_ =	swait.ge [sflag:s5], $0x1400  }
0x61: {  	[sflag:s5] =	ssyncset.done $0x0  }
0x62: {  	s4 =	simm.s32 $0x0;
	[sflag:s5] =	ssyncadd.s32 $0xFFFFEC00  }
0x63: {  	s7 =	rddreg [dreg:$0xd]  }
0x64: {  	[tilespmem:s6], [sflag:$0x1] =	stream.linear.gather [hbm4b:s7+s4], $0x4000, $0x38;
	[tilespmem:$0x1D400] =	vst v63  }
0x65: {  	s18 =	rddreg [dreg:$0x11]  }
0x66: {  	[tilespmem:s12], [sflag:$0x2] =	stream.linear.gather [hbm4b:s18+s4], $0x4000, $0x38;
	[tilespmem:$0x1D400] =	vst v63  }
0x67: {  	_ =	swait.ge [sflag:s13], $0x4000  }
0x68: {  	[sflag:s13] =	ssyncset.done $0x0  }
0x69: {  	s7 =	simm.s32 $0x0;
	[sflag:s13] =	ssyncadd.s32 $0xFFFFC000  }
0x6a: {  	[spmem:s1] =	stream.indirect.scatter.add.f32 [tilespmem:s6], [sflag:$0x3], $0x80, s7, s19, $0xb8;
	[tilespmem:$0x1D400] =	vst v63  }
0x6b: {  	_ =	swait.ge [sflag:s5], $0x4000  }
0x6c: {  	[sflag:s5] =	ssyncset.done $0x0  }
0x6d: {  	s14 =	sadd.s32 $0xFFFFF800, s0;
	[sflag:s5] =	ssyncadd.s32 $0xFFFFC000  }
0x6e: {  	[tilespmem:s6], [sflag:$0x1] =	stream.linear.gather [hbm4b:s14+s2], $0x4000, $0x38;
	[tilespmem:$0x1D400] =	vst v63  }
0x6f: {  	_ =	swait.ge [sflag:s20], $0x4000  }
0x70: {  	[sflag:s20] =	ssyncset.done $0x0  }
0x71: {  	s18 =	simm.s32 $0x80;
	[sflag:s20] =	ssyncadd.s32 $0xFFFFC000  }
0x72: {  	[spmem:s1] =	stream.indirect.scatter.add.f32 [tilespmem:s12], [sflag:$0x3], $0x80, s18, s19, $0xb8;
	[tilespmem:$0x1D400] =	vst v63  }
0x73: {  	_ =	swait.ge [sflag:s5], $0x4000  }
0x74: {  	s30 =	smov.u32 s0;
	[sflag:s5] =	ssyncset.done $0x0  }
0x75: {  	s4 =	sadd.s32 $0x1000, s0;
	s18 =	simm.s32 $0x400;
	[sflag:s5] =	ssyncadd.s32 $0xFFFFC000  }
.LBB2_8:
0x76: {  	[tilespmem:s12], [sflag:$0x2] =	stream.linear.gather [hbm4b:s30+s2], $0x4000, $0x38;
	[tilespmem:$0x1D400] =	vst v63  }
0x77: {  	s7 =	smov.u32 s18;
	s30 =	smov.u32 s4  }
0x78: {  	p1 =	sne.s32 s18, $0x4800;
	s18 =	sadd.s32 $0x400, s18;
	_ =	swait.ge [sflag:s13], $0x4000  }
0x79: {  	[sflag:s13] =	ssyncset.done $0x0  }
0x7a: {  	s7 =	sshra.s32 s7, $0x2;
	[sflag:s13] =	ssyncadd.s32 $0xFFFFC000  }
0x7b: {  	[spmem:s1] =	stream.indirect.scatter.add.f32 [tilespmem:s6], [sflag:$0x3], $0x80, s7, s19, $0xb8;
	[tilespmem:$0x1D400] =	vst v63  }
0x7c: {  	_ =	swait.ge [sflag:s5], $0x4000  }
0x7d: {  	[sflag:s5] =	ssyncset.done $0x0  }
0x7e: {  	s14 =	sadd.s32 $0xFFFFF800, s4;
	[sflag:s5] =	ssyncadd.s32 $0xFFFFC000  }
0x7f: {  	[tilespmem:s6], [sflag:$0x1] =	stream.linear.gather [hbm4b:s14+s2], $0x4000, $0x38;
	[tilespmem:$0x1D400] =	vst v63  }
0x80: {  	_ =	swait.ge [sflag:s20], $0x4000  }
0x81: {  	[sflag:s20] =	ssyncset.done $0x0  }
.Ltmp3:
0x82: {  	s7 =	sadd.s32 $0x80, s7;
	[sflag:s20] =	ssyncadd.s32 $0xFFFFC000;
	(pc) =	sbr.rel @p1 .LBB2_8-.Ltmp3, $4  }
0x83: {  	[spmem:s1] =	stream.indirect.scatter.add.f32 [tilespmem:s12], [sflag:$0x3], $0x80, s7, s19, $0xb8;
	[tilespmem:$0x1D400] =	vst v63  }
0x84: {  	_ =	swait.ge [sflag:s5], $0x4000  }
0x85: {  	[sflag:s5] =	ssyncset.done $0x0  }
0x86: {  	s4 =	sadd.s32 $0x1000, s4;
	[sflag:s5] =	ssyncadd.s32 $0xFFFFC000  }
0x87: {  	[tilespmem:s12], [sflag:$0x2] =	stream.linear.gather [hbm4b:s30+s2], $0x4000, $0x38;
	[tilespmem:$0x1D400] =	vst v63  }
0x88: {  	_ =	swait.ge [sflag:s13], $0x4000  }
0x89: {  	[sflag:s13] =	ssyncset.done $0x0  }
0x8a: {  	[sflag:s13] =	ssyncadd.s32 $0xFFFFC000  }
0x8b: {  	[spmem:s1] =	stream.indirect.scatter.add.f32 [tilespmem:s6], [sflag:$0x3], $0x80, s26, s19, $0xb8;
	[tilespmem:$0x1D400] =	vst v63  }
0x8c: {  	_ =	swait.ge [sflag:s5], $0x4000  }
0x8d: {  	[sflag:s5] =	ssyncset.done $0x0  }
0x8e: {  	[sflag:s5] =	ssyncadd.s32 $0xFFFFC000  }
0x8f: {  	_ =	swait.ge [sflag:s20], $0x4000  }
0x90: {  	[sflag:s20] =	ssyncset.done $0x0  }
0x91: {  	[sflag:s20] =	ssyncadd.s32 $0xFFFFC000  }
0x92: {  	[spmem:s1] =	stream.indirect.scatter.add.f32 [tilespmem:s12], [sflag:$0x3], $0x80, s29, s19, $0xb8;
	[tilespmem:$0x1D400] =	vst v63  }
0x93: {  	_ =	swait.ge [sflag:s5], $0x4000  }
0x94: {  	[sflag:s5] =	ssyncset.done $0x0  }
0x95: {  	s4 =	simm.s32 $0x0;
	[sflag:s5] =	ssyncadd.s32 $0xFFFFC000  }
0x96: {  	[tilespmem:s4], [sflag:$0x3] =	stream.linear.gather [hbm4b:s28+s4], $0x1400, $0x38;
	[tilespmem:$0x1D400] =	vst v63  }
0x97: {  	_ =	swait.ge [sflag:s5], $0x1400  }
0x98: {  	[sflag:s5] =	ssyncset.done $0x0  }
0x99: {  	s7 =	rddreg [dreg:$0xe];
	[sflag:s5] =	ssyncadd.s32 $0xFFFFEC00  }
0x9a: {  	[tilespmem:s6], [sflag:$0x1] =	stream.linear.gather [hbm4b:s7+s4], $0x4000, $0x38;
	[tilespmem:$0x1D400] =	vst v63  }
0x9b: {  	s18 =	rddreg [dreg:$0xf]  }
0x9c: {  	[tilespmem:s12], [sflag:$0x2] =	stream.linear.gather [hbm4b:s18+s4], $0x4000, $0x38;
	[tilespmem:$0x1D400] =	vst v63  }
0x9d: {  	_ =	swait.ge [sflag:s13], $0x4000  }
0x9e: {  	[sflag:s13] =	ssyncset.done $0x0  }
0x9f: {  	s7 =	simm.s32 $0x0;
	[sflag:s13] =	ssyncadd.s32 $0xFFFFC000  }
0xa0: {  	[spmem:s1] =	stream.indirect.scatter.add.f32 [tilespmem:s6], [sflag:$0x3], $0x80, s7, s19, $0xb8;
	[tilespmem:$0x1D400] =	vst v63  }
0xa1: {  	_ =	swait.ge [sflag:s5], $0x4000  }
0xa2: {  	[sflag:s5] =	ssyncset.done $0x0  }
0xa3: {  	s14 =	sadd.s32 $0xFFFFF800, s3;
	[sflag:s5] =	ssyncadd.s32 $0xFFFFC000  }
0xa4: {  	[tilespmem:s6], [sflag:$0x1] =	stream.linear.gather [hbm4b:s14+s2], $0x4000, $0x38;
	[tilespmem:$0x1D400] =	vst v63  }
0xa5: {  	_ =	swait.ge [sflag:s20], $0x4000  }
0xa6: {  	[sflag:s20] =	ssyncset.done $0x0  }
0xa7: {  	s18 =	simm.s32 $0x80;
	[sflag:s20] =	ssyncadd.s32 $0xFFFFC000  }
0xa8: {  	[spmem:s1] =	stream.indirect.scatter.add.f32 [tilespmem:s12], [sflag:$0x3], $0x80, s18, s19, $0xb8;
	[tilespmem:$0x1D400] =	vst v63  }
0xa9: {  	_ =	swait.ge [sflag:s5], $0x4000  }
0xaa: {  	s30 =	smov.u32 s3;
	[sflag:s5] =	ssyncset.done $0x0  }
0xab: {  	s4 =	sadd.s32 $0x1000, s3;
	s18 =	simm.s32 $0x400;
	[sflag:s5] =	ssyncadd.s32 $0xFFFFC000  }
.LBB2_10:
0xac: {  	[tilespmem:s12], [sflag:$0x2] =	stream.linear.gather [hbm4b:s30+s2], $0x4000, $0x38;
	[tilespmem:$0x1D400] =	vst v63  }
0xad: {  	s7 =	smov.u32 s18;
	s30 =	smov.u32 s4  }
0xae: {  	p1 =	sne.s32 s18, $0x4800;
	s18 =	sadd.s32 $0x400, s18;
	_ =	swait.ge [sflag:s13], $0x4000  }
0xaf: {  	[sflag:s13] =	ssyncset.done $0x0  }
0xb0: {  	s7 =	sshra.s32 s7, $0x2;
	[sflag:s13] =	ssyncadd.s32 $0xFFFFC000  }
0xb1: {  	[spmem:s1] =	stream.indirect.scatter.add.f32 [tilespmem:s6], [sflag:$0x3], $0x80, s7, s19, $0xb8;
	[tilespmem:$0x1D400] =	vst v63  }
0xb2: {  	_ =	swait.ge [sflag:s5], $0x4000  }
0xb3: {  	[sflag:s5] =	ssyncset.done $0x0  }
0xb4: {  	s14 =	sadd.s32 $0xFFFFF800, s4;
	[sflag:s5] =	ssyncadd.s32 $0xFFFFC000  }
0xb5: {  	[tilespmem:s6], [sflag:$0x1] =	stream.linear.gather [hbm4b:s14+s2], $0x4000, $0x38;
	[tilespmem:$0x1D400] =	vst v63  }
0xb6: {  	_ =	swait.ge [sflag:s20], $0x4000  }
0xb7: {  	[sflag:s20] =	ssyncset.done $0x0  }
.Ltmp4:
0xb8: {  	s7 =	sadd.s32 $0x80, s7;
	[sflag:s20] =	ssyncadd.s32 $0xFFFFC000;
	(pc) =	sbr.rel @p1 .LBB2_10-.Ltmp4, $4  }
0xb9: {  	[spmem:s1] =	stream.indirect.scatter.add.f32 [tilespmem:s12], [sflag:$0x3], $0x80, s7, s19, $0xb8;
	[tilespmem:$0x1D400] =	vst v63  }
0xba: {  	_ =	swait.ge [sflag:s5], $0x4000  }
0xbb: {  	[sflag:s5] =	ssyncset.done $0x0  }
0xbc: {  	s4 =	sadd.s32 $0x1000, s4;
	[sflag:s5] =	ssyncadd.s32 $0xFFFFC000  }
.Ltmp5:
0xbd: {  	_ = 	snop;
	(pc) =	sbr.rel .LBB2_11-.Ltmp5, $1  }
0xbe: {  	_ =	sdelay $0x3  }
.LBB2_2:
0xbf: {  	s7 =	rddreg [dreg:$0x9]  }
0xc0: {  	[tilespmem:s6], [sflag:$0x1] =	stream.linear.gather [hbm4b:s7+s4], $0x4000, $0x38;
	[tilespmem:$0x1D400] =	vst v63  }
0xc1: {  	s18 =	rddreg [dreg:$0x10]  }
0xc2: {  	[tilespmem:s12], [sflag:$0x2] =	stream.linear.gather [hbm4b:s18+s4], $0x4000, $0x38;
	[tilespmem:$0x1D400] =	vst v63  }
0xc3: {  	_ =	swait.ge [sflag:s13], $0x4000  }
0xc4: {  	[sflag:s13] =	ssyncset.done $0x0  }
0xc5: {  	s7 =	simm.s32 $0x0;
	[sflag:s13] =	ssyncadd.s32 $0xFFFFC000  }
0xc6: {  	[spmem:s1] =	stream.indirect.scatter.add.f32 [tilespmem:s6], [sflag:$0x3], $0x80, s7, s19, $0xb8;
	[tilespmem:$0x1D400] =	vst v63  }
0xc7: {  	_ =	swait.ge [sflag:s5], $0x4000  }
0xc8: {  	[sflag:s5] =	ssyncset.done $0x0  }
0xc9: {  	s14 =	sadd.s32 $0xFFFFF800, s9;
	[sflag:s5] =	ssyncadd.s32 $0xFFFFC000  }
0xca: {  	[tilespmem:s6], [sflag:$0x1] =	stream.linear.gather [hbm4b:s14+s2], $0x4000, $0x38;
	[tilespmem:$0x1D400] =	vst v63  }
0xcb: {  	_ =	swait.ge [sflag:s20], $0x4000  }
0xcc: {  	[sflag:s20] =	ssyncset.done $0x0  }
0xcd: {  	s18 =	simm.s32 $0x80;
	[sflag:s20] =	ssyncadd.s32 $0xFFFFC000  }
0xce: {  	[spmem:s1] =	stream.indirect.scatter.add.f32 [tilespmem:s12], [sflag:$0x3], $0x80, s18, s19, $0xb8;
	[tilespmem:$0x1D400] =	vst v63  }
0xcf: {  	_ =	swait.ge [sflag:s5], $0x4000  }
0xd0: {  	s30 =	smov.u32 s9;
	[sflag:s5] =	ssyncset.done $0x0  }
0xd1: {  	s4 =	sadd.s32 $0x1000, s9;
	s18 =	simm.s32 $0x400;
	[sflag:s5] =	ssyncadd.s32 $0xFFFFC000  }
.LBB2_3:
0xd2: {  	[tilespmem:s12], [sflag:$0x2] =	stream.linear.gather [hbm4b:s30+s2], $0x4000, $0x38;
	[tilespmem:$0x1D400] =	vst v63  }
0xd3: {  	s7 =	smov.u32 s18;
	s30 =	smov.u32 s4  }
0xd4: {  	p1 =	sne.s32 s18, $0x4800;
	s18 =	sadd.s32 $0x400, s18;
	_ =	swait.ge [sflag:s13], $0x4000  }
0xd5: {  	[sflag:s13] =	ssyncset.done $0x0  }
0xd6: {  	s7 =	sshra.s32 s7, $0x2;
	[sflag:s13] =	ssyncadd.s32 $0xFFFFC000  }
0xd7: {  	[spmem:s1] =	stream.indirect.scatter.add.f32 [tilespmem:s6], [sflag:$0x3], $0x80, s7, s19, $0xb8;
	[tilespmem:$0x1D400] =	vst v63  }
0xd8: {  	_ =	swait.ge [sflag:s5], $0x4000  }
0xd9: {  	[sflag:s5] =	ssyncset.done $0x0  }
0xda: {  	s14 =	sadd.s32 $0xFFFFF800, s4;
	[sflag:s5] =	ssyncadd.s32 $0xFFFFC000  }
0xdb: {  	[tilespmem:s6], [sflag:$0x1] =	stream.linear.gather [hbm4b:s14+s2], $0x4000, $0x38;
	[tilespmem:$0x1D400] =	vst v63  }
0xdc: {  	_ =	swait.ge [sflag:s20], $0x4000  }
0xdd: {  	[sflag:s20] =	ssyncset.done $0x0  }
.Ltmp6:
0xde: {  	s7 =	sadd.s32 $0x80, s7;
	[sflag:s20] =	ssyncadd.s32 $0xFFFFC000;
	(pc) =	sbr.rel @p1 .LBB2_3-.Ltmp6, $4  }
0xdf: {  	[spmem:s1] =	stream.indirect.scatter.add.f32 [tilespmem:s12], [sflag:$0x3], $0x80, s7, s19, $0xb8;
	[tilespmem:$0x1D400] =	vst v63  }
0xe0: {  	_ =	swait.ge [sflag:s5], $0x4000  }
0xe1: {  	[sflag:s5] =	ssyncset.done $0x0  }
0xe2: {  	s4 =	sadd.s32 $0x1000, s4;
	[sflag:s5] =	ssyncadd.s32 $0xFFFFC000  }
0xe3: {  	[tilespmem:s12], [sflag:$0x2] =	stream.linear.gather [hbm4b:s30+s2], $0x4000, $0x38;
	[tilespmem:$0x1D400] =	vst v63  }
0xe4: {  	_ =	swait.ge [sflag:s13], $0x4000  }
0xe5: {  	[sflag:s13] =	ssyncset.done $0x0  }
0xe6: {  	[sflag:s13] =	ssyncadd.s32 $0xFFFFC000  }
0xe7: {  	[spmem:s1] =	stream.indirect.scatter.add.f32 [tilespmem:s6], [sflag:$0x3], $0x80, s26, s19, $0xb8;
	[tilespmem:$0x1D400] =	vst v63  }
0xe8: {  	_ =	swait.ge [sflag:s5], $0x4000  }
0xe9: {  	[sflag:s5] =	ssyncset.done $0x0  }
0xea: {  	[sflag:s5] =	ssyncadd.s32 $0xFFFFC000  }
0xeb: {  	_ =	swait.ge [sflag:s20], $0x4000  }
0xec: {  	[sflag:s20] =	ssyncset.done $0x0  }
0xed: {  	[sflag:s20] =	ssyncadd.s32 $0xFFFFC000  }
0xee: {  	[spmem:s1] =	stream.indirect.scatter.add.f32 [tilespmem:s12], [sflag:$0x3], $0x80, s29, s19, $0xb8;
	[tilespmem:$0x1D400] =	vst v63  }
0xef: {  	_ =	swait.ge [sflag:s5], $0x4000  }
0xf0: {  	[sflag:s5] =	ssyncset.done $0x0  }
0xf1: {  	s4 =	simm.s32 $0x0;
	[sflag:s5] =	ssyncadd.s32 $0xFFFFC000  }
0xf2: {  	[tilespmem:s4], [sflag:$0x3] =	stream.linear.gather [hbm4b:s28+s4], $0x1400, $0x38;
	[tilespmem:$0x1D400] =	vst v63  }
0xf3: {  	_ =	swait.ge [sflag:s5], $0x1400  }
0xf4: {  	[sflag:s5] =	ssyncset.done $0x0  }
0xf5: {  	s7 =	rddreg [dreg:$0xa];
	[sflag:s5] =	ssyncadd.s32 $0xFFFFEC00  }
0xf6: {  	[tilespmem:s6], [sflag:$0x1] =	stream.linear.gather [hbm4b:s7+s4], $0x4000, $0x38;
	[tilespmem:$0x1D400] =	vst v63  }
0xf7: {  	s18 =	rddreg [dreg:$0xb]  }
0xf8: {  	[tilespmem:s12], [sflag:$0x2] =	stream.linear.gather [hbm4b:s18+s4], $0x4000, $0x38;
	[tilespmem:$0x1D400] =	vst v63  }
0xf9: {  	_ =	swait.ge [sflag:s13], $0x4000  }
0xfa: {  	[sflag:s13] =	ssyncset.done $0x0  }
0xfb: {  	s7 =	simm.s32 $0x0;
	[sflag:s13] =	ssyncadd.s32 $0xFFFFC000  }
0xfc: {  	[spmem:s1] =	stream.indirect.scatter.add.f32 [tilespmem:s6], [sflag:$0x3], $0x80, s7, s19, $0xb8;
	[tilespmem:$0x1D400] =	vst v63  }
0xfd: {  	_ =	swait.ge [sflag:s5], $0x4000  }
0xfe: {  	[sflag:s5] =	ssyncset.done $0x0  }
0xff: {  	s14 =	sadd.s32 $0xFFFFF800, s31;
	[sflag:s5] =	ssyncadd.s32 $0xFFFFC000  }
0x100: {  	[tilespmem:s6], [sflag:$0x1] =	stream.linear.gather [hbm4b:s14+s2], $0x4000, $0x38;
	[tilespmem:$0x1D400] =	vst v63  }
0x101: {  	_ =	swait.ge [sflag:s20], $0x4000  }
0x102: {  	[sflag:s20] =	ssyncset.done $0x0  }
0x103: {  	s18 =	simm.s32 $0x80;
	[sflag:s20] =	ssyncadd.s32 $0xFFFFC000  }
0x104: {  	[spmem:s1] =	stream.indirect.scatter.add.f32 [tilespmem:s12], [sflag:$0x3], $0x80, s18, s19, $0xb8;
	[tilespmem:$0x1D400] =	vst v63  }
0x105: {  	_ =	swait.ge [sflag:s5], $0x4000  }
0x106: {  	s30 =	smov.u32 s31;
	[sflag:s5] =	ssyncset.done $0x0  }
0x107: {  	s4 =	sadd.s32 $0x1000, s31;
	s18 =	simm.s32 $0x400;
	[sflag:s5] =	ssyncadd.s32 $0xFFFFC000  }
.LBB2_5:
0x108: {  	[tilespmem:s12], [sflag:$0x2] =	stream.linear.gather [hbm4b:s30+s2], $0x4000, $0x38;
	[tilespmem:$0x1D400] =	vst v63  }
0x109: {  	s7 =	smov.u32 s18;
	s30 =	smov.u32 s4  }
0x10a: {  	p1 =	seq.s32 s18, $0x4800;
	s18 =	sadd.s32 $0x400, s18;
	_ =	swait.ge [sflag:s13], $0x4000  }
0x10b: {  	[sflag:s13] =	ssyncset.done $0x0  }
0x10c: {  	s7 =	sshra.s32 s7, $0x2;
	[sflag:s13] =	ssyncadd.s32 $0xFFFFC000  }
0x10d: {  	[spmem:s1] =	stream.indirect.scatter.add.f32 [tilespmem:s6], [sflag:$0x3], $0x80, s7, s19, $0xb8;
	[tilespmem:$0x1D400] =	vst v63  }
0x10e: {  	_ =	swait.ge [sflag:s5], $0x4000  }
0x10f: {  	[sflag:s5] =	ssyncset.done $0x0  }
0x110: {  	s14 =	sadd.s32 $0xFFFFF800, s4;
	[sflag:s5] =	ssyncadd.s32 $0xFFFFC000  }
0x111: {  	[tilespmem:s6], [sflag:$0x1] =	stream.linear.gather [hbm4b:s14+s2], $0x4000, $0x38;
	[tilespmem:$0x1D400] =	vst v63  }
0x112: {  	_ =	swait.ge [sflag:s20], $0x4000  }
0x113: {  	[sflag:s20] =	ssyncset.done $0x0  }
.Ltmp7:
0x114: {  	s7 =	sadd.s32 $0x80, s7;
	[sflag:s20] =	ssyncadd.s32 $0xFFFFC000;
	(pc) =	sbr.rel @!p1 .LBB2_5-.Ltmp7, $4  }
0x115: {  	[spmem:s1] =	stream.indirect.scatter.add.f32 [tilespmem:s12], [sflag:$0x3], $0x80, s7, s19, $0xb8;
	[tilespmem:$0x1D400] =	vst v63  }
0x116: {  	_ =	swait.ge [sflag:s5], $0x4000  }
0x117: {  	[sflag:s5] =	ssyncset.done $0x0  }
0x118: {  	s4 =	sadd.s32 $0x1000, s4;
	[sflag:s5] =	ssyncadd.s32 $0xFFFFC000  }
.Ltmp8:
0x119: {  	(pc) =	sbr.rel .LBB2_12-.Ltmp8, $3  }
0x11a: {  	_ =	sdelay $0x1  }
0x11b: {  	[tilespmem:s12], [sflag:$0x2] =	stream.linear.gather [hbm4b:s30+s2], $0x4000, $0x38;
	[tilespmem:$0x1D400] =	vst v63  }
0x11c: {  	s18 =	rddreg [dreg:$0x5]  }
.LBB2_13:
0x11d: {  	_ =	sfence.sel $0x180000  }
0x11e: {  	[bflag:$0x0] =	sbarrier.arrive $0xFFFF  }
0x11f: {  	_ =	strace $0x9000004A  }
0x120: {  	s0 =	stileid.u32;
	[bflag:$0x2] =	sbarrier.arrive $0xFFFF  }
0x121: {  	p0 =	sne.s32 s0, $0x0;
	s0 =	rddreg [dreg:$0x3]  }
0x122: {  	s0 =	sadd.s32 @!p0 $0x100000, s0  }
0x123: {  	[sflag:s0] =	ssyncadd.tile.s32 @!p0 $0x1;
	_ =	shalt  }
.Lfunc_end2:
_tile_overlayer_lowered:
.L_overlay_start_2:
0x124: {  	(tag) =	ssettag $0x2  }
0x125: {  	s0 =	rddreg [dreg:$0x0];
	s2 =	stileid.u32  }
0x126: {  	s1 =	rddreg [dreg:$0x1];
	p0 =	sne.s32 s2, $0x0  }
0x127: {  	s3 =	rddreg [dreg:$0x2];
	[bflag:$0x3] =	sbarrier.arrive $0xFFFF;
	s2 =	simm.s32 @!p0 $0x1C03  }
0x128: {  	[timem:s3], [sflag:s2] =	dma.local @!p0 [hbm:s0], s1  }
0x129: {  	s0 =	simm.s32 @!p0 $0x3  }
0x12a: {  	_ =	swait.ge @!p0 [sflag:s0], s1  }
0x12b: {  	s1 =	ssub.s32 @!p0 $0x0, s1;
	[sflag:s0] =	ssyncset.done @!p0 $0x0  }
0x12c: {  	[sflag:s0] =	ssyncadd.s32 @!p0 s1  }
0x12d: {  	[bflag:$0x3] =	sbarrier.arrive $0xFFFF  }
0x12e: {  	_ =	shalt  }

// kernel: kernel.16.cloned.1.call-start
scs
__scs_entry_jumppad:
0x0: {  	(pc) =	sbr.rel $0x88, $3  }
0x1: {  	(tag) =	ssettag $0x0;
	lr =	simm.s32 $0x1  }
0x2: {  	[smem:$0x3F97] =	sst lr;
	_ =	strace $0xD0000000  }
0x3: {  	_ = 	snop  }
0x4: {  	_ = 	snop  }
0x5: {  	_ = 	snop  }
0x6: {  	_ = 	snop  }
0x7: {  	_ = 	snop  }
__scs_overlays_trampoline_lowered:
0x8: {  	[smem:$0x3FA6] =	sst s0  }
0x9: {  	[smem:$0x3FA7] =	sst s1  }
0xa: {  	[smem:$0x3FA8] =	sst s2  }
0xb: {  	[smem:$0x3FA9] =	sst s3  }
0xc: {  	[smem:$0x3FAA] =	sst s4  }
0xd: {  	[smem:$0x3FAB] =	sst s5  }
0xe: {  	[smem:$0x3FAC] =	sst s6  }
0xf: {  	[smem:$0x3FAD] =	sst s7  }
0x10: {  	[smem:$0x3FAE] =	sst s8  }
0x11: {  	[smem:$0x3FAF] =	sst s9;
	s0 =	simm.s32 @!p0 $0x0  }
0x12: {  	s1 =	sld [smem:$0x3F95];
	s0 =	simm.s32 @p0 $0x1  }
0x13: {  	[smem:$0x3FB0] =	sst s0;
	s0 =	simm.s32 @!p1 $0x0  }
0x14: {  	s2 =	sld [smem:$0x3F94];
	s0 =	simm.s32 @p1 $0x1  }
0x15: {  	[smem:$0x3FB1] =	sst s0;
	s0 =	simm.s32 @!p2 $0x0  }
0x16: {  	s3 =	sld [smem:$0x3FDB];
	s0 =	simm.s32 @p2 $0x1  }
0x17: {  	s4 =	simm.s32 $0x1BF5;
	[smem:$0x3FB3] =	sst s0  }
0x18: {  	s0 =	sld [smem:$0x3F96];
	_ =	swait.ge [sflag:s4], $0x0  }
0x19: {  	s7 =	sld [smem:$0x3F97]  }
0x1a: {  	s8 =	sadd.s32 $0xFFFFE003, lr  }
0x1b: {  	s9 =	sadd.s32 $0xFFFFFEF7, lr;
	s5 =	simm.s32 $0xFFFFFFFF;
	p2 =	slt.u32 s8, $0xFFFFF086  }
0x1c: {  	p1 =	slt.u32 s9, $0xF7A;
	s5 =	simm.s32 @!p2 $0x0  }
0x1d: {  	s5 =	simm.s32 @p1 $0x1;
	p0 =	seq.s32 s7, s2  }
0x1e: {  	s7 =	smul.u32 @!p0 $0xF7A, s2;
	p2 =	seq.s32 @!p0 s5, $0x0  }
0x1f: {  	s9 =	smul.u32 $0xF7A, s1;
	s8 =	simm.s32 @!p0 $0x1BF5;
	p2 =	por !p2, p0  }
0x20: {  	[sflag:s8] =	ssyncset.s32 @!p0 $0xFFFFF086;
	s6 =	sadd.s32 @!p0 s3, s7;
	s7 =	simm.s32 @!p0 $0x108  }
0x21: {  	s3 =	sadd.s32 s3, s9;
	s6 =	sadd.s32 @!p0 $0x88, s6;
	s7 =	simm.s32 @p2 $0x1082  }
0x22: {  	[simem:s7], [sflag:s8] =	dma.local @!p0 [hbm:s6], $0xF7A  }
0x23: {  	s9 =	sor.u32 $0xD0000000, s2;
	s6 =	simm.s32 $0x108;
	_ =	swait.ge @!p0 [sflag:s8], $0x0  }
0x24: {  	s3 =	sadd.s32 $0x88, s3;
	s6 =	simm.s32 @!p1 $0x1082;
	[sflag:s4] =	ssyncset.s32 $0xFFFFF086  }
0x25: {  	[simem:s6], [sflag:s4] =	dma.local [hbm:s3], $0xF7A  }
0x26: {  	[smem:$0x3F97] =	sst s1;
	(tag) =	ssettag s2;
	_ =	strace s9  }
0x27: {  	s1 =	sld [smem:$0x3FA7]  }
0x28: {  	s2 =	sld [smem:$0x3FA8]  }
0x29: {  	s4 =	sld [smem:$0x3FAA]  }
0x2a: {  	p0 =	seq.s32 s5, $0x0;
	s5 =	sld [smem:$0x3FAB]  }
0x2b: {  	s6 =	sld [smem:$0x3FAC]  }
0x2c: {  	s7 =	sld [smem:$0x3FAD]  }
0x2d: {  	s3 =	simm.s32 $0x108;
	s8 =	sld [smem:$0x3FAE]  }
0x2e: {  	s3 =	simm.s32 @!p0 $0x1082;
	s9 =	sld [smem:$0x3FAF]  }
0x2f: {  	lr =	sadd.s32 s0, s3;
	s0 =	sld [smem:$0x3FA6]  }
0x30: {  	s3 =	sld [smem:$0x3FA9]  }
0x31: {  	[smem:$0x3FB2] =	sst s10  }
0x32: {  	s10 =	sld [smem:$0x3FB0];
	_ =	sdelay $0x3  }
0x33: {  	p0 =	seq.s32 s10, $0x1;
	s10 =	sld [smem:$0x3FB2];
	_ =	sdelay $0x3  }
0x34: {  	[smem:$0x3FB2] =	sst s10  }
0x35: {  	s10 =	sld [smem:$0x3FB1];
	_ =	sdelay $0x3  }
0x36: {  	p1 =	seq.s32 s10, $0x1;
	s10 =	sld [smem:$0x3FB2];
	_ =	sdelay $0x3  }
0x37: {  	[smem:$0x3FB2] =	sst s10  }
0x38: {  	s10 =	sld [smem:$0x3FB3]  }
0x39: {  	_ = 	snop;
	(pc) =	sbr.ind lr, $3  }
0x3a: {  	_ = 	snop  }
0x3b: {  	_ = 	snop  }
0x3c: {  	p2 =	seq.s32 s10, $0x1;
	s10 =	sld [smem:$0x3FB2]  }
0x3d: {  	_ =	shalt  }
0x3e: {  	_ =	shalt  }
0x3f: {  	_ =	shalt  }
0x40: {  	_ =	shalt  }
0x41: {  	_ =	shalt  }
0x42: {  	_ =	shalt  }
0x43: {  	_ =	shalt  }
0x44: {  	_ =	shalt  }
0x45: {  	_ =	shalt  }
0x46: {  	_ =	shalt  }
0x47: {  	_ =	shalt  }
0x48: {  	_ =	shalt  }
0x49: {  	_ =	shalt  }
0x4a: {  	_ =	shalt  }
0x4b: {  	_ =	shalt  }
0x4c: {  	_ =	shalt  }
0x4d: {  	_ =	shalt  }
0x4e: {  	_ =	shalt  }
0x4f: {  	_ =	shalt  }
0x50: {  	_ =	shalt  }
0x51: {  	_ =	shalt  }
0x52: {  	_ =	shalt  }
0x53: {  	_ =	shalt  }
0x54: {  	_ =	shalt  }
0x55: {  	_ =	shalt  }
0x56: {  	_ =	shalt  }
0x57: {  	_ =	shalt  }
0x58: {  	_ =	shalt  }
0x59: {  	_ =	shalt  }
0x5a: {  	_ =	shalt  }
0x5b: {  	_ =	shalt  }
0x5c: {  	_ =	shalt  }
0x5d: {  	_ =	shalt  }
0x5e: {  	_ =	shalt  }
0x5f: {  	_ =	shalt  }
0x60: {  	_ =	shalt  }
0x61: {  	_ =	shalt  }
0x62: {  	_ =	shalt  }
0x63: {  	_ =	shalt  }
0x64: {  	_ =	shalt  }
0x65: {  	_ =	shalt  }
0x66: {  	_ =	shalt  }
0x67: {  	_ =	shalt  }
0x68: {  	_ =	shalt  }
0x69: {  	_ =	shalt  }
0x6a: {  	_ =	shalt  }
0x6b: {  	_ =	shalt  }
0x6c: {  	_ =	shalt  }
0x6d: {  	_ =	shalt  }
0x6e: {  	_ =	shalt  }
0x6f: {  	_ =	shalt  }
0x70: {  	_ =	shalt  }
0x71: {  	_ =	shalt  }
0x72: {  	_ =	shalt  }
0x73: {  	_ =	shalt  }
0x74: {  	_ =	shalt  }
0x75: {  	_ =	shalt  }
0x76: {  	_ =	shalt  }
0x77: {  	_ =	shalt  }
0x78: {  	_ =	shalt  }
0x79: {  	_ =	shalt  }
0x7a: {  	_ =	shalt  }
0x7b: {  	_ =	shalt  }
0x7c: {  	_ =	shalt  }
0x7d: {  	_ =	shalt  }
0x7e: {  	_ =	shalt  }
0x7f: {  	_ =	shalt  }
0x80: {  	_ =	shalt  }
0x81: {  	_ =	shalt  }
0x82: {  	_ =	shalt  }
0x83: {  	_ =	shalt  }
0x84: {  	_ =	shalt  }
0x85: {  	_ =	shalt  }
0x86: {  	_ =	shalt  }
0x87: {  	_ =	shalt  }
.Lfunc_end0:
.L_simem_size_0:
called_computation.1_lowered:
.L_overlay_start_0:
0x88: {  	s2 =	sld [smem:$0x3FD9]  }
0x89: {  	s3 =	sld [smem:$0x3FFE];
	_ =	sdelay $0x1  }
0x8a: {  	s1 =	srdreg.scid  }
0x8b: {  	s0 =	sand.u32 $0x1, s1  }
0x8c: {  	s16 =	sshll.u32 s0, $0xA;
	s2 =	sadd.s32 s3, s2  }
0x8d: {  	s2 =	sadd.s32 s2, s16  }
0x8e: {  	[smem:$0x3FBE] =	sst s2  }
0x8f: {  	_ = 	snop  }
0x90: {  	(tm) =	ssettm $0x1  }
0x91: {  	s17 =	sld [smem:$0x3FFB];
	_ =	sdelay $0x3  }
0x92: {  	_ =	strace s17  }
0x93: {  	s2 =	sld [smem:$0x3FFC];
	_ =	sdelay $0x3  }
0x94: {  	_ =	strace s2  }
0x95: {  	s2 =	sld [smem:$0x3FFD];
	_ =	sdelay $0x3  }
0x96: {  	_ =	strace s2  }
0x97: {  	_ =	strace $0x8FFFFFFF  }
0x98: {  	s18 =	sld [smem:$0x3FDB];
	_ =	sdelay $0x1  }
0x99: {  	s19 =	simm.s32 $_scs_section_size  }
0x9a: {  	s4 =	simm.s32 $_size__tile_overlayer_lowered;
	s5 =	simm.s32 $_tile_overlayer_lowered  }
0x9b: {  	s22 =	simm.s32 $0x1BFF;
	s21 =	sshll.u32 s5, $0x1;
	s2 =	sadd.s32 s19, s18  }
0x9c: {  	s6 =	simm.s32 $0x0;
	s20 =	sshll.u32 s4, $0x1;
	s4 =	sadd.s32 s21, s2  }
0x9d: {  	[timem:s6], [sflag:s22] =	dma.local [hbm:s4], s20  }
0x9e: {  	_ =	swait.ge [sflag:s22], s20  }
0x9f: {  	s3 =	ssub.s32 $0x0, s20;
	[sflag:s22] =	ssyncset.done $0x0  }
0xa0: {  	[sflag:s22] =	ssyncadd.s32 s3;
	_ =	sdelay $0x1  }
0xa1: {  	s23 =	simm.s32 $0x1B8B  }
0xa2: {  	_ =	swait.ge [sflag:s23], $0x1  }
0xa3: {  	[sflag:s23] =	ssyncset.done $0x0  }
0xa4: {  	s25 =	simm.s32 $0x1B8E;
	s24 =	sld [smem:$0x3FFE];
	[sflag:s23] =	ssyncadd.s32 $0xFFFFFFFF  }
0xa5: {  	s26 =	simm.s32 $execute0_lowered;
	[smem:$0x3FD2] =	sst s25  }
0xa6: {  	s4 =	sshll.u32 s26, $0x1;
	_ =	strace $0x80000046;
	[dreg:$0x1] =	wrdreg $0xFFFFFFFF  }
0xa7: {  	s28 =	simm.s32 $_size_execute0_lowered;
	s2 =	sadd.s32 s2, s4;
	[dreg:$0x0] =	wrdreg $0x0  }
0xa8: {  	s4 =	sshll.u32 s28, $0x1;
	[dreg:$0x2] =	wrdreg s2  }
0xa9: {  	[dreg:$0x3] =	wrdreg s4  }
0xaa: {  	[dreg:$0x4] =	wrdreg $0xC0  }
0xab: {  	_ =	task [dreg:s6], $0x5FFFF  }
0xac: {  	[dreg:$0x1] =	wrdreg $0xFFFFFFFF  }
0xad: {  	[dreg:$0x0] =	wrdreg $0x60  }
0xae: {  	[dreg:$0x2] =	wrdreg s24  }
0xaf: {  	[dreg:$0x3] =	wrdreg $0x94000  }
0xb0: {  	[dreg:$0x4] =	wrdreg $0xA  }
0xb1: {  	_ =	task.clear_ibuf [dreg:s6], $0x5FFFF;
	_ =	strace $0x90000046  }
0xb2: {  	s29 =	simm.s32 $0xA;
	_ =	strace $0x80000048  }
0xb3: {  	_ =	swait.ge [sflag:s29], $0x1  }
0xb4: {  	[sflag:s29] =	ssyncadd.s32 $0xFFFFFFFF  }
0xb5: {  	_ =	strace $0x90000048  }
0xb6: {  	_ =	sfence  }
0xb7: {  	s30 =	sld [smem:$0x0];
	_ =	sdelay $0x2  }
0xb8: {  	s31 =	sshll.u32 s1, $0xD;
	s1 =	sshrl.u32 s1, $0x2  }
0xb9: {  	s3 =	sand.u32 $0x4000, s31;
	s1 =	sadd.s32 s1, s30  }
0xba: {  	s0 =	sor.u32 s3, s0;
	s1 =	sshll.u32 s1, $0x11  }
0xbb: {  	s0 =	sor.u32 s1, s0  }
0xbc: {  	s0 =	sadd.s32 $0x8F2B, s0  }
0xbd: {  	[sflag:s0] =	ssyncadd.remote.s32 $0x1  }
0xbe: {  	_ =	sfence.sel $0xFFFF  }
0xbf: {  	[dreg:$0x0] =	wrdreg $0xFFFFFFFF;
	(pc) =	sbr.abs _section_cstart, $3  }
0xc0: {  	[dreg:$0x1] =	wrdreg $0xFFFFFFFF  }
0xc1: {  	_ =	task.clear_ibuf [dreg:s6], $0x2FFFF;
	_ =	strace $0x9FFFFFFF  }
0xc2: {  	(tm) =	ssettm $0x7FFFFFFF  }
0xc3: {  	_ =	shalt  }
tec
execute0_lowered:
.L_overlay_start_1:
0x0: {  	(tag) =	ssettag $0x1  }
0x1: {  	s0 =	rddreg [dreg:$0x0]  }
0x2: {  	s2 =	rddreg [dreg:$0x1]  }
0x3: {  	s3 =	simm.s32 $0x0;
	s10 =	stileid.u32;
	s1 =	srdreg.scid  }
0x4: {  	s28 =	simm.s32 $0x1300;
	s29 =	simm.s32 $0x1380;
	[smem:$0x7FF] =	sst s3  }
0x5: {  	s5 =	smul.u32 $0x2800, s10;
	s4 =	sadd.s32 $0x9E00, s0;
	s6 =	sadd.s32 $0x289E00, s0  }
0x6: {  	s1 =	sand.u32 $0x1, s1;
	s8 =	sadd.s32 $0x509E00, s0;
	s9 =	smul.u32 $0x50000, s10  }
0x7: {  	s11 =	sadd.s32 $0x50C600, s0;
	s19 =	smul.u32 $0x280, s10;
	s21 =	sshll.u32 s10, $0x6  }
0x8: {  	s22 =	smul.u32 $0x28000, s10;
	_ =	strace $0x80000047;
	[dreg:$0x4] =	wrdreg s8  }
0x9: {  	s24 =	smul.u32 $0x140000, s10;
	s7 =	ssub.s32 $0x2, s1;
	[dreg:$0x5] =	wrdreg s11  }
0xa: {  	p0 =	seq.s32 s1, $0x1;
	s11 =	simm.s32 $0x0;
	[dreg:$0x3] =	wrdreg s5  }
0xb: {  	s5 =	sshrl.u32 s5, $0x3;
	s18 =	sshrl.u32 s7, $0x1;
	s20 =	sshrl.u32 s9, $0x2  }
0xc: {  	s9 =	sor.u32 $0x1C03, s21;
	s25 =	sadd.s32 $0x14000, s22;
	s1 =	sshrl.u32 s24, $0x3  }
0xd: {  	s13 =	sadd.s32 $0x80, s19;
	s10 =	sadd.s32 $0x180, s19;
	s5 =	sadd.s32 s5, s0  }
0xe: {  	s0 =	sadd.s32 $0x534600, s0;
	s8 =	sadd.s32 s20, s2;
	[dreg:$0x7] =	wrdreg s9  }
0xf: {  	s9 =	sadd.s32 s4, s22;
	s26 =	sadd.s32 s4, s25;
	s1 =	sadd.s32 $0x14800, s1  }
0x10: {  	s14 =	sshll.u32 s13, $0x7;
	s16 =	sshll.u32 s13, $0x4;
	s13 =	sadd.s32 s6, s22  }
0x11: {  	[dreg:$0x6] =	wrdreg s0;
	s0 =	ssub.s32 s7, s18;
	s23 =	sadd.s32 $0x4E00, s5  }
0x12: {  	s12 =	sadd.s32 $0x5080, s5;
	[dreg:$0xa] =	wrdreg s26;
	s18 =	sadd.s32 $0x100, s19  }
0x13: {  	s4 =	sadd.s32 s4, s1;
	s15 =	sadd.s32 s14, s2;
	[dreg:$0x9] =	wrdreg s9  }
0x14: {  	s5 =	sadd.s32 s6, s25;
	s1 =	sadd.s32 s6, s1;
	[dreg:$0xc] =	wrdreg s13  }
0x15: {  	s14 =	sshll.u32 s10, $0x7;
	s19 =	sadd.s32 $0x200, s19;
	[dreg:$0x8] =	wrdreg s23  }
0x16: {  	s21 =	sadd.s32 $0x800, s9;
	s31 =	sadd.s32 $0x15800, s9;
	[dreg:$0xb] =	wrdreg s4  }
0x17: {  	s6 =	simm.s32 $0x3;
	s7 =	simm.s32 $0x1400;
	[dreg:$0xd] =	wrdreg s5  }
0x18: {  	s30 =	sshll.u32 s18, $0x7;
	s18 =	sshll.u32 s18, $0x4;
	[dreg:$0xe] =	wrdreg s1  }
0x19: {  	s22 =	sadd.s32 s14, s2;
	s23 =	sshll.u32 s10, $0x4;
	s20 =	sshll.u32 s19, $0x7  }
.Ltmp0:
0x1a: {  	s25 =	sshll.u32 s19, $0x4;
	s26 =	smax.u32 s0, $0x1;
	(pc) =	sbr.rel .LBB2_1-.Ltmp0, $4  }
0x1b: {  	[dreg:$0xf] =	wrdreg s21;
	s4 =	sadd.s32 $0x1800, s9;
	s0 =	sadd.s32 $0x1800, s13  }
0x1c: {  	s1 =	sadd.s32 $0x15800, s13;
	s14 =	simm.s32 $0x1;
	s21 =	simm.s32 $0x2  }
0x1d: {  	s17 =	sadd.s32 s30, s2;
	s24 =	sadd.s32 s20, s2;
	s30 =	sadd.s32 $0x800, s13  }
0x1e: {  	s13 =	simm.s32 $0x5400;
	s20 =	simm.s32 $0x80;
	[dreg:$0x10] =	wrdreg s30  }
.LBB2_11:
0x1f: {  	[tilespmem:s13], [sflag:$0x2] =	stream.linear.gather [hbm4b:s30+s3], $0x4000, $0x38;
	[tilespmem:$0x1D400] =	vst v63  }
0x20: {  	s19 =	rddreg [dreg:$0x6]  }
.LBB2_12:
0x21: {  	_ =	swait.ge [sflag:s14], $0x4000  }
0x22: {  	[sflag:s14] =	ssyncset.done $0x0  }
0x23: {  	[sflag:s14] =	ssyncadd.s32 $0xFFFFC000  }
0x24: {  	[spmem:s2] =	stream.indirect.scatter.add.f32 [tilespmem:s7], [sflag:$0x3], $0x80, s28, s20, $0xb8;
	[tilespmem:$0x1D400] =	vst v63  }
0x25: {  	_ =	swait.ge [sflag:s6], $0x4000  }
0x26: {  	[sflag:s6] =	ssyncset.done $0x0  }
0x27: {  	[sflag:s6] =	ssyncadd.s32 $0xFFFFC000  }
0x28: {  	_ =	swait.ge [sflag:s21], $0x4000  }
0x29: {  	[sflag:s21] =	ssyncset.done $0x0  }
0x2a: {  	[sflag:s21] =	ssyncadd.s32 $0xFFFFC000  }
0x2b: {  	[spmem:s2] =	stream.indirect.scatter.add.f32 [tilespmem:s13], [sflag:$0x3], $0x80, s29, s20, $0xb8;
	[tilespmem:$0x1D400] =	vst v63  }
0x2c: {  	_ =	swait.ge [sflag:s6], $0x4000  }
0x2d: {  	[sflag:s6] =	ssyncset.done $0x0  }
0x2e: {  	[sflag:s6] =	ssyncadd.s32 $0xFFFFC000  }
0x2f: {  	[bflag:$0x0] =	sbarrier.arrive $0xFFFF  }
0x30: {  	[tilespmem:s7], [sflag:$0x3] =	stream.linear.gather [spmem:s8], $0x4000, $0x38;
	[tilespmem:$0x1D400] =	vst v63  }
0x31: {  	_ =	swait.ge [sflag:s6], $0x4000  }
0x32: {  	[sflag:s6] =	ssyncset.done $0x0;
	s5 =	rddreg [dreg:$0x3]  }
0x33: {  	s5 =	sadd.s32 s19, s5;
	[sflag:s6] =	ssyncadd.s32 $0xFFFFC000  }
0x34: {  	[hbm4b:s5+s3] =	stream.linear.scatter [tilespmem:s7], [sflag:$0x3], $0x4000, $0x38;
	[tilespmem:$0x1D400] =	vst v63  }
0x35: {  	_ =	swait.ge [sflag:s6], $0x4000  }
0x36: {  	[sflag:s6] =	ssyncset.done $0x0  }
0x37: {  	[sflag:s6] =	ssyncadd.s32 $0xFFFFC000  }
0x38: {  	[tilespmem:s7], [sflag:$0x3] =	stream.linear.gather [spmem:s15], $0x4000, $0x38;
	[tilespmem:$0x1D400] =	vst v63  }
0x39: {  	_ =	swait.ge [sflag:s6], $0x4000  }
0x3a: {  	[sflag:s6] =	ssyncset.done $0x0  }
0x3b: {  	s30 =	sadd.s32 s19, s16;
	[sflag:s6] =	ssyncadd.s32 $0xFFFFC000  }
0x3c: {  	[hbm4b:s30+s3] =	stream.linear.scatter [tilespmem:s7], [sflag:$0x3], $0x4000, $0x38;
	[tilespmem:$0x1D400] =	vst v63  }
0x3d: {  	_ =	swait.ge [sflag:s6], $0x4000  }
0x3e: {  	[sflag:s6] =	ssyncset.done $0x0  }
0x3f: {  	[sflag:s6] =	ssyncadd.s32 $0xFFFFC000  }
0x40: {  	[tilespmem:s7], [sflag:$0x3] =	stream.linear.gather [spmem:s17], $0x4000, $0x38;
	[tilespmem:$0x1D400] =	vst v63  }
0x41: {  	_ =	swait.ge [sflag:s6], $0x4000  }
0x42: {  	[sflag:s6] =	ssyncset.done $0x0  }
0x43: {  	s9 =	sadd.s32 s19, s18;
	[sflag:s6] =	ssyncadd.s32 $0xFFFFC000  }
0x44: {  	[hbm4b:s9+s3] =	stream.linear.scatter [tilespmem:s7], [sflag:$0x3], $0x4000, $0x38;
	[tilespmem:$0x1D400] =	vst v63  }
0x45: {  	_ =	swait.ge [sflag:s6], $0x4000  }
0x46: {  	[sflag:s6] =	ssyncset.done $0x0  }
0x47: {  	[sflag:s6] =	ssyncadd.s32 $0xFFFFC000  }
0x48: {  	[tilespmem:s7], [sflag:$0x3] =	stream.linear.gather [spmem:s22], $0x4000, $0x38;
	[tilespmem:$0x1D400] =	vst v63  }
0x49: {  	_ =	swait.ge [sflag:s6], $0x4000  }
0x4a: {  	[sflag:s6] =	ssyncset.done $0x0  }
0x4b: {  	s10 =	sadd.s32 s19, s23;
	[sflag:s6] =	ssyncadd.s32 $0xFFFFC000  }
0x4c: {  	[hbm4b:s10+s3] =	stream.linear.scatter [tilespmem:s7], [sflag:$0x3], $0x4000, $0x38;
	[tilespmem:$0x1D400] =	vst v63  }
0x4d: {  	_ =	swait.ge [sflag:s6], $0x4000  }
0x4e: {  	[sflag:s6] =	ssyncset.done $0x0  }
0x4f: {  	[sflag:s6] =	ssyncadd.s32 $0xFFFFC000  }
0x50: {  	[tilespmem:s7], [sflag:$0x3] =	stream.linear.gather [spmem:s24], $0x4000, $0x38;
	[tilespmem:$0x1D400] =	vst v63  }
0x51: {  	s11 =	sadd.s32 $0x1, s11;
	_ =	swait.ge [sflag:s6], $0x4000  }
0x52: {  	p1 =	sne.s32 s11, s26;
	[sflag:s6] =	ssyncset.done $0x0  }
.Ltmp1:
0x53: {  	s30 =	sadd.s32 s19, s25;
	[sflag:s6] =	ssyncadd.s32 $0xFFFFC000;
	(pc) =	sbr.rel @!p1 .LBB2_13-.Ltmp1, $4  }
0x54: {  	[hbm4b:s30+s3] =	stream.linear.scatter [tilespmem:s7], [sflag:$0x3], $0x4000, $0x38;
	[tilespmem:$0x1D400] =	vst v63  }
0x55: {  	_ =	swait.ge [sflag:s6], $0x4000  }
0x56: {  	[sflag:s6] =	ssyncset.done $0x0  }
0x57: {  	[sflag:s6] =	ssyncadd.s32 $0xFFFFC000  }
.LBB2_1:
0x58: {  	s9 =	rddreg [dreg:$0x4]  }
0x59: {  	s5 =	sshrl.u32 s8, $0x3;
	s10 =	rddreg [dreg:$0x7]  }
0x5a: {  	[spmem:s5], [sflag:s10] =	dma.local [hbm:s9], $0x2800  }
0x5b: {  	_ =	swait.ge [sflag:s6], $0x2800  }
0x5c: {  	[sflag:s6] =	ssyncset.done $0x0  }
0x5d: {  	[sflag:s6] =	ssyncadd.s32 $0xFFFFD800  }
0x5e: {  	[bflag:$0x0] =	sbarrier.arrive $0xFFFF  }
.Ltmp2:
0x5f: {  	s30 =	rddreg [dreg:$0x8];
	(pc) =	sbr.rel @!p0 .LBB2_2-.Ltmp2, $4  }
0x60: {  	[tilespmem:s3], [sflag:$0x3] =	stream.linear.gather [hbm4b:s30+s3], $0x1400, $0x38;
	[tilespmem:$0x1D400] =	vst v63  }
0x61: {  	_ =	swait.ge [sflag:s6], $0x1400  }
0x62: {  	[sflag:s6] =	ssyncset.done $0x0  }
0x63: {  	s5 =	simm.s32 $0x0;
	[sflag:s6] =	ssyncadd.s32 $0xFFFFEC00  }
0x64: {  	s9 =	rddreg [dreg:$0xc]  }
0x65: {  	[tilespmem:s7], [sflag:$0x1] =	stream.linear.gather [hbm4b:s9+s5], $0x4000, $0x38;
	[tilespmem:$0x1D400] =	vst v63  }
0x66: {  	s19 =	rddreg [dreg:$0x10]  }
0x67: {  	[tilespmem:s13], [sflag:$0x2] =	stream.linear.gather [hbm4b:s19+s5], $0x4000, $0x38;
	[tilespmem:$0x1D400] =	vst v63  }
0x68: {  	_ =	swait.ge [sflag:s14], $0x4000  }
0x69: {  	[sflag:s14] =	ssyncset.done $0x0  }
0x6a: {  	s9 =	simm.s32 $0x0;
	[sflag:s14] =	ssyncadd.s32 $0xFFFFC000  }
0x6b: {  	[spmem:s2] =	stream.indirect.scatter.add.f32 [tilespmem:s7], [sflag:$0x3], $0x80, s9, s20, $0xb8;
	[tilespmem:$0x1D400] =	vst v63  }
0x6c: {  	_ =	swait.ge [sflag:s6], $0x4000  }
0x6d: {  	[sflag:s6] =	ssyncset.done $0x0  }
0x6e: {  	s10 =	sadd.s32 $0xFFFFF800, s0;
	[sflag:s6] =	ssyncadd.s32 $0xFFFFC000  }
0x6f: {  	[tilespmem:s7], [sflag:$0x1] =	stream.linear.gather [hbm4b:s10+s3], $0x4000, $0x38;
	[tilespmem:$0x1D400] =	vst v63  }
0x70: {  	_ =	swait.ge [sflag:s21], $0x4000  }
0x71: {  	[sflag:s21] =	ssyncset.done $0x0  }
0x72: {  	s19 =	simm.s32 $0x80;
	[sflag:s21] =	ssyncadd.s32 $0xFFFFC000  }
0x73: {  	[spmem:s2] =	stream.indirect.scatter.add.f32 [tilespmem:s13], [sflag:$0x3], $0x80, s19, s20, $0xb8;
	[tilespmem:$0x1D400] =	vst v63  }
0x74: {  	_ =	swait.ge [sflag:s6], $0x4000  }
0x75: {  	s30 =	smov.u32 s0;
	[sflag:s6] =	ssyncset.done $0x0  }
0x76: {  	s5 =	sadd.s32 $0x1000, s0;
	s19 =	simm.s32 $0x400;
	[sflag:s6] =	ssyncadd.s32 $0xFFFFC000  }
.LBB2_8:
0x77: {  	[tilespmem:s13], [sflag:$0x2] =	stream.linear.gather [hbm4b:s30+s3], $0x4000, $0x38;
	[tilespmem:$0x1D400] =	vst v63  }
0x78: {  	s9 =	smov.u32 s19;
	s30 =	smov.u32 s5  }
0x79: {  	p1 =	sne.s32 s19, $0x4800;
	s19 =	sadd.s32 $0x400, s19;
	_ =	swait.ge [sflag:s14], $0x4000  }
0x7a: {  	[sflag:s14] =	ssyncset.done $0x0  }
0x7b: {  	s9 =	sshra.s32 s9, $0x2;
	[sflag:s14] =	ssyncadd.s32 $0xFFFFC000  }
0x7c: {  	[spmem:s2] =	stream.indirect.scatter.add.f32 [tilespmem:s7], [sflag:$0x3], $0x80, s9, s20, $0xb8;
	[tilespmem:$0x1D400] =	vst v63  }
0x7d: {  	_ =	swait.ge [sflag:s6], $0x4000  }
0x7e: {  	[sflag:s6] =	ssyncset.done $0x0  }
0x7f: {  	s10 =	sadd.s32 $0xFFFFF800, s5;
	[sflag:s6] =	ssyncadd.s32 $0xFFFFC000  }
0x80: {  	[tilespmem:s7], [sflag:$0x1] =	stream.linear.gather [hbm4b:s10+s3], $0x4000, $0x38;
	[tilespmem:$0x1D400] =	vst v63  }
0x81: {  	_ =	swait.ge [sflag:s21], $0x4000  }
0x82: {  	[sflag:s21] =	ssyncset.done $0x0  }
.Ltmp3:
0x83: {  	s9 =	sadd.s32 $0x80, s9;
	[sflag:s21] =	ssyncadd.s32 $0xFFFFC000;
	(pc) =	sbr.rel @p1 .LBB2_8-.Ltmp3, $4  }
0x84: {  	[spmem:s2] =	stream.indirect.scatter.add.f32 [tilespmem:s13], [sflag:$0x3], $0x80, s9, s20, $0xb8;
	[tilespmem:$0x1D400] =	vst v63  }
0x85: {  	_ =	swait.ge [sflag:s6], $0x4000  }
0x86: {  	[sflag:s6] =	ssyncset.done $0x0  }
0x87: {  	s5 =	sadd.s32 $0x1000, s5;
	[sflag:s6] =	ssyncadd.s32 $0xFFFFC000  }
0x88: {  	[tilespmem:s13], [sflag:$0x2] =	stream.linear.gather [hbm4b:s30+s3], $0x4000, $0x38;
	[tilespmem:$0x1D400] =	vst v63  }
0x89: {  	_ =	swait.ge [sflag:s14], $0x4000  }
0x8a: {  	[sflag:s14] =	ssyncset.done $0x0  }
0x8b: {  	[sflag:s14] =	ssyncadd.s32 $0xFFFFC000  }
0x8c: {  	[spmem:s2] =	stream.indirect.scatter.add.f32 [tilespmem:s7], [sflag:$0x3], $0x80, s28, s20, $0xb8;
	[tilespmem:$0x1D400] =	vst v63  }
0x8d: {  	_ =	swait.ge [sflag:s6], $0x4000  }
0x8e: {  	[sflag:s6] =	ssyncset.done $0x0  }
0x8f: {  	[sflag:s6] =	ssyncadd.s32 $0xFFFFC000  }
0x90: {  	_ =	swait.ge [sflag:s21], $0x4000  }
0x91: {  	[sflag:s21] =	ssyncset.done $0x0  }
0x92: {  	[sflag:s21] =	ssyncadd.s32 $0xFFFFC000  }
0x93: {  	[spmem:s2] =	stream.indirect.scatter.add.f32 [tilespmem:s13], [sflag:$0x3], $0x80, s29, s20, $0xb8;
	[tilespmem:$0x1D400] =	vst v63  }
0x94: {  	_ =	swait.ge [sflag:s6], $0x4000  }
0x95: {  	[sflag:s6] =	ssyncset.done $0x0  }
0x96: {  	s5 =	simm.s32 $0x0;
	[sflag:s6] =	ssyncadd.s32 $0xFFFFC000  }
0x97: {  	[tilespmem:s5], [sflag:$0x3] =	stream.linear.gather [hbm4b:s12+s5], $0x1400, $0x38;
	[tilespmem:$0x1D400] =	vst v63  }
0x98: {  	_ =	swait.ge [sflag:s6], $0x1400  }
0x99: {  	[sflag:s6] =	ssyncset.done $0x0  }
0x9a: {  	s9 =	rddreg [dreg:$0xd];
	[sflag:s6] =	ssyncadd.s32 $0xFFFFEC00  }
0x9b: {  	[tilespmem:s7], [sflag:$0x1] =	stream.linear.gather [hbm4b:s9+s5], $0x4000, $0x38;
	[tilespmem:$0x1D400] =	vst v63  }
0x9c: {  	s19 =	rddreg [dreg:$0xe]  }
0x9d: {  	[tilespmem:s13], [sflag:$0x2] =	stream.linear.gather [hbm4b:s19+s5], $0x4000, $0x38;
	[tilespmem:$0x1D400] =	vst v63  }
0x9e: {  	_ =	swait.ge [sflag:s14], $0x4000  }
0x9f: {  	[sflag:s14] =	ssyncset.done $0x0  }
0xa0: {  	s9 =	simm.s32 $0x0;
	[sflag:s14] =	ssyncadd.s32 $0xFFFFC000  }
0xa1: {  	[spmem:s2] =	stream.indirect.scatter.add.f32 [tilespmem:s7], [sflag:$0x3], $0x80, s9, s20, $0xb8;
	[tilespmem:$0x1D400] =	vst v63  }
0xa2: {  	_ =	swait.ge [sflag:s6], $0x4000  }
0xa3: {  	[sflag:s6] =	ssyncset.done $0x0  }
0xa4: {  	s10 =	sadd.s32 $0xFFFFF800, s1;
	[sflag:s6] =	ssyncadd.s32 $0xFFFFC000  }
0xa5: {  	[tilespmem:s7], [sflag:$0x1] =	stream.linear.gather [hbm4b:s10+s3], $0x4000, $0x38;
	[tilespmem:$0x1D400] =	vst v63  }
0xa6: {  	_ =	swait.ge [sflag:s21], $0x4000  }
0xa7: {  	[sflag:s21] =	ssyncset.done $0x0  }
0xa8: {  	s19 =	simm.s32 $0x80;
	[sflag:s21] =	ssyncadd.s32 $0xFFFFC000  }
0xa9: {  	[spmem:s2] =	stream.indirect.scatter.add.f32 [tilespmem:s13], [sflag:$0x3], $0x80, s19, s20, $0xb8;
	[tilespmem:$0x1D400] =	vst v63  }
0xaa: {  	_ =	swait.ge [sflag:s6], $0x4000  }
0xab: {  	s30 =	smov.u32 s1;
	[sflag:s6] =	ssyncset.done $0x0  }
0xac: {  	s5 =	sadd.s32 $0x1000, s1;
	s19 =	simm.s32 $0x400;
	[sflag:s6] =	ssyncadd.s32 $0xFFFFC000  }
.LBB2_10:
0xad: {  	[tilespmem:s13], [sflag:$0x2] =	stream.linear.gather [hbm4b:s30+s3], $0x4000, $0x38;
	[tilespmem:$0x1D400] =	vst v63  }
0xae: {  	s9 =	smov.u32 s19;
	s30 =	smov.u32 s5  }
0xaf: {  	p1 =	sne.s32 s19, $0x4800;
	s19 =	sadd.s32 $0x400, s19;
	_ =	swait.ge [sflag:s14], $0x4000  }
0xb0: {  	[sflag:s14] =	ssyncset.done $0x0  }
0xb1: {  	s9 =	sshra.s32 s9, $0x2;
	[sflag:s14] =	ssyncadd.s32 $0xFFFFC000  }
0xb2: {  	[spmem:s2] =	stream.indirect.scatter.add.f32 [tilespmem:s7], [sflag:$0x3], $0x80, s9, s20, $0xb8;
	[tilespmem:$0x1D400] =	vst v63  }
0xb3: {  	_ =	swait.ge [sflag:s6], $0x4000  }
0xb4: {  	[sflag:s6] =	ssyncset.done $0x0  }
0xb5: {  	s10 =	sadd.s32 $0xFFFFF800, s5;
	[sflag:s6] =	ssyncadd.s32 $0xFFFFC000  }
0xb6: {  	[tilespmem:s7], [sflag:$0x1] =	stream.linear.gather [hbm4b:s10+s3], $0x4000, $0x38;
	[tilespmem:$0x1D400] =	vst v63  }
0xb7: {  	_ =	swait.ge [sflag:s21], $0x4000  }
0xb8: {  	[sflag:s21] =	ssyncset.done $0x0  }
.Ltmp4:
0xb9: {  	s9 =	sadd.s32 $0x80, s9;
	[sflag:s21] =	ssyncadd.s32 $0xFFFFC000;
	(pc) =	sbr.rel @p1 .LBB2_10-.Ltmp4, $4  }
0xba: {  	[spmem:s2] =	stream.indirect.scatter.add.f32 [tilespmem:s13], [sflag:$0x3], $0x80, s9, s20, $0xb8;
	[tilespmem:$0x1D400] =	vst v63  }
0xbb: {  	_ =	swait.ge [sflag:s6], $0x4000  }
0xbc: {  	[sflag:s6] =	ssyncset.done $0x0  }
0xbd: {  	s5 =	sadd.s32 $0x1000, s5;
	[sflag:s6] =	ssyncadd.s32 $0xFFFFC000  }
.Ltmp5:
0xbe: {  	_ = 	snop;
	(pc) =	sbr.rel .LBB2_11-.Ltmp5, $1  }
0xbf: {  	_ =	sdelay $0x3  }
.LBB2_2:
0xc0: {  	s9 =	rddreg [dreg:$0x9]  }
0xc1: {  	[tilespmem:s7], [sflag:$0x1] =	stream.linear.gather [hbm4b:s9+s5], $0x4000, $0x38;
	[tilespmem:$0x1D400] =	vst v63  }
0xc2: {  	s19 =	rddreg [dreg:$0xf]  }
0xc3: {  	[tilespmem:s13], [sflag:$0x2] =	stream.linear.gather [hbm4b:s19+s5], $0x4000, $0x38;
	[tilespmem:$0x1D400] =	vst v63  }
0xc4: {  	_ =	swait.ge [sflag:s14], $0x4000  }
0xc5: {  	[sflag:s14] =	ssyncset.done $0x0  }
0xc6: {  	s9 =	simm.s32 $0x0;
	[sflag:s14] =	ssyncadd.s32 $0xFFFFC000  }
0xc7: {  	[spmem:s2] =	stream.indirect.scatter.add.f32 [tilespmem:s7], [sflag:$0x3], $0x80, s9, s20, $0xb8;
	[tilespmem:$0x1D400] =	vst v63  }
0xc8: {  	_ =	swait.ge [sflag:s6], $0x4000  }
0xc9: {  	[sflag:s6] =	ssyncset.done $0x0  }
0xca: {  	s10 =	sadd.s32 $0xFFFFF800, s4;
	[sflag:s6] =	ssyncadd.s32 $0xFFFFC000  }
0xcb: {  	[tilespmem:s7], [sflag:$0x1] =	stream.linear.gather [hbm4b:s10+s3], $0x4000, $0x38;
	[tilespmem:$0x1D400] =	vst v63  }
0xcc: {  	_ =	swait.ge [sflag:s21], $0x4000  }
0xcd: {  	[sflag:s21] =	ssyncset.done $0x0  }
0xce: {  	s19 =	simm.s32 $0x80;
	[sflag:s21] =	ssyncadd.s32 $0xFFFFC000  }
0xcf: {  	[spmem:s2] =	stream.indirect.scatter.add.f32 [tilespmem:s13], [sflag:$0x3], $0x80, s19, s20, $0xb8;
	[tilespmem:$0x1D400] =	vst v63  }
0xd0: {  	_ =	swait.ge [sflag:s6], $0x4000  }
0xd1: {  	s30 =	smov.u32 s4;
	[sflag:s6] =	ssyncset.done $0x0  }
0xd2: {  	s5 =	sadd.s32 $0x1000, s4;
	s19 =	simm.s32 $0x400;
	[sflag:s6] =	ssyncadd.s32 $0xFFFFC000  }
.LBB2_3:
0xd3: {  	[tilespmem:s13], [sflag:$0x2] =	stream.linear.gather [hbm4b:s30+s3], $0x4000, $0x38;
	[tilespmem:$0x1D400] =	vst v63  }
0xd4: {  	s9 =	smov.u32 s19;
	s30 =	smov.u32 s5  }
0xd5: {  	p1 =	sne.s32 s19, $0x4800;
	s19 =	sadd.s32 $0x400, s19;
	_ =	swait.ge [sflag:s14], $0x4000  }
0xd6: {  	[sflag:s14] =	ssyncset.done $0x0  }
0xd7: {  	s9 =	sshra.s32 s9, $0x2;
	[sflag:s14] =	ssyncadd.s32 $0xFFFFC000  }
0xd8: {  	[spmem:s2] =	stream.indirect.scatter.add.f32 [tilespmem:s7], [sflag:$0x3], $0x80, s9, s20, $0xb8;
	[tilespmem:$0x1D400] =	vst v63  }
0xd9: {  	_ =	swait.ge [sflag:s6], $0x4000  }
0xda: {  	[sflag:s6] =	ssyncset.done $0x0  }
0xdb: {  	s10 =	sadd.s32 $0xFFFFF800, s5;
	[sflag:s6] =	ssyncadd.s32 $0xFFFFC000  }
0xdc: {  	[tilespmem:s7], [sflag:$0x1] =	stream.linear.gather [hbm4b:s10+s3], $0x4000, $0x38;
	[tilespmem:$0x1D400] =	vst v63  }
0xdd: {  	_ =	swait.ge [sflag:s21], $0x4000  }
0xde: {  	[sflag:s21] =	ssyncset.done $0x0  }
.Ltmp6:
0xdf: {  	s9 =	sadd.s32 $0x80, s9;
	[sflag:s21] =	ssyncadd.s32 $0xFFFFC000;
	(pc) =	sbr.rel @p1 .LBB2_3-.Ltmp6, $4  }
0xe0: {  	[spmem:s2] =	stream.indirect.scatter.add.f32 [tilespmem:s13], [sflag:$0x3], $0x80, s9, s20, $0xb8;
	[tilespmem:$0x1D400] =	vst v63  }
0xe1: {  	_ =	swait.ge [sflag:s6], $0x4000  }
0xe2: {  	[sflag:s6] =	ssyncset.done $0x0  }
0xe3: {  	s5 =	sadd.s32 $0x1000, s5;
	[sflag:s6] =	ssyncadd.s32 $0xFFFFC000  }
0xe4: {  	[tilespmem:s13], [sflag:$0x2] =	stream.linear.gather [hbm4b:s30+s3], $0x4000, $0x38;
	[tilespmem:$0x1D400] =	vst v63  }
0xe5: {  	_ =	swait.ge [sflag:s14], $0x4000  }
0xe6: {  	[sflag:s14] =	ssyncset.done $0x0  }
0xe7: {  	[sflag:s14] =	ssyncadd.s32 $0xFFFFC000  }
0xe8: {  	[spmem:s2] =	stream.indirect.scatter.add.f32 [tilespmem:s7], [sflag:$0x3], $0x80, s28, s20, $0xb8;
	[tilespmem:$0x1D400] =	vst v63  }
0xe9: {  	_ =	swait.ge [sflag:s6], $0x4000  }
0xea: {  	[sflag:s6] =	ssyncset.done $0x0  }
0xeb: {  	[sflag:s6] =	ssyncadd.s32 $0xFFFFC000  }
0xec: {  	_ =	swait.ge [sflag:s21], $0x4000  }
0xed: {  	[sflag:s21] =	ssyncset.done $0x0  }
0xee: {  	[sflag:s21] =	ssyncadd.s32 $0xFFFFC000  }
0xef: {  	[spmem:s2] =	stream.indirect.scatter.add.f32 [tilespmem:s13], [sflag:$0x3], $0x80, s29, s20, $0xb8;
	[tilespmem:$0x1D400] =	vst v63  }
0xf0: {  	_ =	swait.ge [sflag:s6], $0x4000  }
0xf1: {  	[sflag:s6] =	ssyncset.done $0x0  }
0xf2: {  	s5 =	simm.s32 $0x0;
	[sflag:s6] =	ssyncadd.s32 $0xFFFFC000  }
0xf3: {  	[tilespmem:s5], [sflag:$0x3] =	stream.linear.gather [hbm4b:s12+s5], $0x1400, $0x38;
	[tilespmem:$0x1D400] =	vst v63  }
0xf4: {  	_ =	swait.ge [sflag:s6], $0x1400  }
0xf5: {  	[sflag:s6] =	ssyncset.done $0x0  }
0xf6: {  	s9 =	rddreg [dreg:$0xa];
	[sflag:s6] =	ssyncadd.s32 $0xFFFFEC00  }
0xf7: {  	[tilespmem:s7], [sflag:$0x1] =	stream.linear.gather [hbm4b:s9+s5], $0x4000, $0x38;
	[tilespmem:$0x1D400] =	vst v63  }
0xf8: {  	s19 =	rddreg [dreg:$0xb]  }
0xf9: {  	[tilespmem:s13], [sflag:$0x2] =	stream.linear.gather [hbm4b:s19+s5], $0x4000, $0x38;
	[tilespmem:$0x1D400] =	vst v63  }
0xfa: {  	_ =	swait.ge [sflag:s14], $0x4000  }
0xfb: {  	[sflag:s14] =	ssyncset.done $0x0  }
0xfc: {  	s9 =	simm.s32 $0x0;
	[sflag:s14] =	ssyncadd.s32 $0xFFFFC000  }
0xfd: {  	[spmem:s2] =	stream.indirect.scatter.add.f32 [tilespmem:s7], [sflag:$0x3], $0x80, s9, s20, $0xb8;
	[tilespmem:$0x1D400] =	vst v63  }
0xfe: {  	_ =	swait.ge [sflag:s6], $0x4000  }
0xff: {  	[sflag:s6] =	ssyncset.done $0x0  }
0x100: {  	s10 =	sadd.s32 $0xFFFFF800, s31;
	[sflag:s6] =	ssyncadd.s32 $0xFFFFC000  }
0x101: {  	[tilespmem:s7], [sflag:$0x1] =	stream.linear.gather [hbm4b:s10+s3], $0x4000, $0x38;
	[tilespmem:$0x1D400] =	vst v63  }
0x102: {  	_ =	swait.ge [sflag:s21], $0x4000  }
0x103: {  	[sflag:s21] =	ssyncset.done $0x0  }
0x104: {  	s19 =	simm.s32 $0x80;
	[sflag:s21] =	ssyncadd.s32 $0xFFFFC000  }
0x105: {  	[spmem:s2] =	stream.indirect.scatter.add.f32 [tilespmem:s13], [sflag:$0x3], $0x80, s19, s20, $0xb8;
	[tilespmem:$0x1D400] =	vst v63  }
0x106: {  	_ =	swait.ge [sflag:s6], $0x4000  }
0x107: {  	s30 =	smov.u32 s31;
	[sflag:s6] =	ssyncset.done $0x0  }
0x108: {  	s5 =	sadd.s32 $0x1000, s31;
	s19 =	simm.s32 $0x400;
	[sflag:s6] =	ssyncadd.s32 $0xFFFFC000  }
.LBB2_5:
0x109: {  	[tilespmem:s13], [sflag:$0x2] =	stream.linear.gather [hbm4b:s30+s3], $0x4000, $0x38;
	[tilespmem:$0x1D400] =	vst v63  }
0x10a: {  	s9 =	smov.u32 s19;
	s30 =	smov.u32 s5  }
0x10b: {  	p1 =	seq.s32 s19, $0x4800;
	s19 =	sadd.s32 $0x400, s19;
	_ =	swait.ge [sflag:s14], $0x4000  }
0x10c: {  	[sflag:s14] =	ssyncset.done $0x0  }
0x10d: {  	s9 =	sshra.s32 s9, $0x2;
	[sflag:s14] =	ssyncadd.s32 $0xFFFFC000  }
0x10e: {  	[spmem:s2] =	stream.indirect.scatter.add.f32 [tilespmem:s7], [sflag:$0x3], $0x80, s9, s20, $0xb8;
	[tilespmem:$0x1D400] =	vst v63  }
0x10f: {  	_ =	swait.ge [sflag:s6], $0x4000  }
0x110: {  	[sflag:s6] =	ssyncset.done $0x0  }
0x111: {  	s10 =	sadd.s32 $0xFFFFF800, s5;
	[sflag:s6] =	ssyncadd.s32 $0xFFFFC000  }
0x112: {  	[tilespmem:s7], [sflag:$0x1] =	stream.linear.gather [hbm4b:s10+s3], $0x4000, $0x38;
	[tilespmem:$0x1D400] =	vst v63  }
0x113: {  	_ =	swait.ge [sflag:s21], $0x4000  }
0x114: {  	[sflag:s21] =	ssyncset.done $0x0  }
.Ltmp7:
0x115: {  	s9 =	sadd.s32 $0x80, s9;
	[sflag:s21] =	ssyncadd.s32 $0xFFFFC000;
	(pc) =	sbr.rel @!p1 .LBB2_5-.Ltmp7, $4  }
0x116: {  	[spmem:s2] =	stream.indirect.scatter.add.f32 [tilespmem:s13], [sflag:$0x3], $0x80, s9, s20, $0xb8;
	[tilespmem:$0x1D400] =	vst v63  }
0x117: {  	_ =	swait.ge [sflag:s6], $0x4000  }
0x118: {  	[sflag:s6] =	ssyncset.done $0x0  }
0x119: {  	s5 =	sadd.s32 $0x1000, s5;
	[sflag:s6] =	ssyncadd.s32 $0xFFFFC000  }
.Ltmp8:
0x11a: {  	(pc) =	sbr.rel .LBB2_12-.Ltmp8, $3  }
0x11b: {  	_ =	sdelay $0x1  }
0x11c: {  	[tilespmem:s13], [sflag:$0x2] =	stream.linear.gather [hbm4b:s30+s3], $0x4000, $0x38;
	[tilespmem:$0x1D400] =	vst v63  }
0x11d: {  	s19 =	rddreg [dreg:$0x5]  }
.LBB2_13:
0x11e: {  	_ =	sfence.sel $0x180000  }
0x11f: {  	[bflag:$0x0] =	sbarrier.arrive $0xFFFF  }
0x120: {  	_ =	strace $0x90000047  }
0x121: {  	s0 =	stileid.u32;
	[bflag:$0x2] =	sbarrier.arrive $0xFFFF  }
0x122: {  	p0 =	sne.s32 s0, $0x0;
	s0 =	rddreg [dreg:$0x2]  }
0x123: {  	s0 =	sadd.s32 @!p0 $0x100000, s0  }
0x124: {  	[sflag:s0] =	ssyncadd.tile.s32 @!p0 $0x1;
	_ =	shalt  }
.Lfunc_end2:
_tile_overlayer_lowered:
.L_overlay_start_2:
0x125: {  	(tag) =	ssettag $0x2  }
0x126: {  	s0 =	rddreg [dreg:$0x0];
	s2 =	stileid.u32  }
0x127: {  	s1 =	rddreg [dreg:$0x1];
	p0 =	sne.s32 s2, $0x0  }
0x128: {  	s3 =	rddreg [dreg:$0x2];
	[bflag:$0x3] =	sbarrier.arrive $0xFFFF;
	s2 =	simm.s32 @!p0 $0x1C03  }
0x129: {  	[timem:s3], [sflag:s2] =	dma.local @!p0 [hbm:s0], s1  }
0x12a: {  	s0 =	simm.s32 @!p0 $0x3  }
0x12b: {  	_ =	swait.ge @!p0 [sflag:s0], s1  }
0x12c: {  	s1 =	ssub.s32 @!p0 $0x0, s1;
	[sflag:s0] =	ssyncset.done @!p0 $0x0  }
0x12d: {  	[sflag:s0] =	ssyncadd.s32 @!p0 s1  }
0x12e: {  	[bflag:$0x3] =	sbarrier.arrive $0xFFFF  }
0x12f: {  	_ =	shalt  }

</sc_bundles>
